<compile_context>
chip_gen: v7x
topology: tpu7x:2x2x1
jax: 0.10.2.dev20260603
libtpu: 0.0.44.dev20260713+nightly
codegen_flags: <defaults>
</compile_context>

<pallas_src>
import functools

import jax
import jax.numpy as jnp
from jax import lax
from jax.experimental import pallas as pl
from jax.experimental.pallas import tpu as pltpu
from jax.experimental.pallas import tpu_sc as plsc

_VOCAB = 1000
_DIM = 64
_B = 4096
_WIN = 200
_VP = 1024
_WP = 256
_NC, _NS = 2, 16
_NW = _NC * _NS
_RPW = _B // _NW
_CH = 32
_NCHUNK = _RPW // _CH
_NJ = 14
_OW = 32
_TR = _VOCAB // 8


def _g_body(et_ref, w_ref, bias_ref, g_ref):
    et = et_ref[...]
    a2 = lax.dot_general(w_ref[...], et, (((1,), (0,)), ((), ())),
                         preferred_element_type=jnp.float32,
                         precision=lax.Precision.HIGHEST)
    g = lax.dot_general(a2, et, (((0,), (0,)), ((), ())),
                        preferred_element_type=jnp.float32,
                        precision=lax.Precision.HIGHEST)
    b = bias_ref[...].reshape(1, _VOCAB).T
    gp = jnp.concatenate(
        [g + b, jnp.broadcast_to(b, (_VOCAB, _VP - _VOCAB))], axis=1)
    g_ref[...] = gp.reshape(_TR, 8, 8, 128).transpose(0, 2, 1, 3)


_g_call = pl.pallas_call(
    _g_body,
    in_specs=[
        pl.BlockSpec((_DIM, _VOCAB), lambda: (0, 0)),
        pl.BlockSpec((_DIM, _DIM), lambda: (0, 0)),
        pl.BlockSpec((1, _VOCAB), lambda: (0, 0)),
    ],
    out_specs=pl.BlockSpec((_TR, 8, 8, 128), lambda: (0, 0, 0, 0)),
    out_shape=jax.ShapeDtypeStruct((_TR, 8, 8, 128), jnp.float32),
)


_sc_mesh = plsc.VectorSubcoreMesh(
    core_axis_name="c", subcore_axis_name="s", num_cores=_NC, num_subcores=_NS
)


@functools.partial(
    pl.kernel,
    out_type=jax.ShapeDtypeStruct((_B * _OW,), jnp.float32),
    mesh=_sc_mesh,
    scratch_types=[
        pltpu.VMEM((_RPW,), jnp.int32),
        [pltpu.VMEM((8 * _CH,), jnp.int32) for _ in range(2)],
        [pltpu.VMEM((8 * _CH, 128), jnp.float32) for _ in range(2)],
        pltpu.VMEM((2 * _RPW, 128), jnp.int32),
        pltpu.VMEM((_RPW * _OW,), jnp.float32),
        [pltpu.SemaphoreType.DMA for _ in range(2)],
        pltpu.SemaphoreType.DMA,
        pltpu.SemaphoreType.DMA,
    ],
    compiler_params=pltpu.CompilerParams(
        use_tc_tiling_on_sc=False, needs_layout_passes=False
    ),
)
def _sc_gather(g_hbm, seen_hbm, dec_hbm, out_hbm,
               dec_v, idx_v, rows_v, seen_v, out_v, sem_g, sem_s, sem_o):
    wid = lax.axis_index("s") * _NC + lax.axis_index("c")
    base0 = wid * _RPW
    lane = lax.iota(jnp.int32, 16)
    lane_hi = lane >> 3
    lane_j3 = (lane & 7) << 3

    pltpu.sync_copy(dec_hbm.at[pl.ds(base0, _RPW)], dec_v)
    h_s = pltpu.async_copy(seen_hbm.at[pl.ds(2 * base0, 2 * _RPW)],
                           seen_v, sem_s)

    def fetch(ci, buf):
        idx = idx_v[buf]
        for m in range(_CH // 2):
            d = plsc.load_gather(dec_v, [lane_hi + (ci * _CH + 2 * m)])
            idx[pl.ds(16 * m, 16)] = ((d >> 3) << 6) + lane_j3 + (d & 7)
        h0 = pltpu.async_copy(g_hbm.at[idx.at[pl.ds(0, 128)]],
                              rows_v[buf].at[pl.ds(0, 128)], sem_g[buf])
        h1 = pltpu.async_copy(g_hbm.at[idx.at[pl.ds(128, 128)]],
                              rows_v[buf].at[pl.ds(128, 128)], sem_g[buf])
        return (h0, h1)

    h_g = [None, None]
    h_g[0] = fetch(0, 0)
    h_s.wait()
    for ci in range(_NCHUNK):
        cur = ci % 2
        nxt = (ci + 1) % 2
        if ci + 1 < _NCHUNK:
            h_g[nxt] = fetch(ci + 1, nxt)
        h_g[cur][0].wait()
        h_g[cur][1].wait()
        rows = rows_v[cur]
        rbase = ci * _CH

        @plsc.parallel_loop(0, _CH, unroll=4)
        def row_body(r):
            r8 = jnp.full((16,), 8 * r, dtype=jnp.int32)
            acc = None
            for j in range(_NJ):
                cols = seen_v[2 * (rbase + r) + (j >> 3), pl.ds((j & 7) * 16, 16)]
                t = plsc.load_gather(rows, [r8 + (cols >> 7), cols & 127])
                if j < _NJ - 1:
                    acc = t if acc is None else acc * t
                else:
                    out_v[pl.ds((rbase + r) * _OW, 16)] = acc
                    out_v[pl.ds((rbase + r) * _OW + 16, 16)] = t

    pltpu.async_copy(out_v, out_hbm.at[pl.ds(base0 * _OW, _RPW * _OW)],
                     sem_o).wait()


def _reduce_body(t_ref, o_ref):
    t = t_ref[...]
    logs = jnp.log(t)
    l_iota = lax.broadcasted_iota(jnp.int32, (128, 8), 0)
    q_iota = lax.broadcasted_iota(jnp.int32, (128, 8), 1)
    seg = l_iota // 32
    off = l_iota % 32
    m_sum = jnp.where((q_iota == seg) & (off < 16), 1.0, 0.0)
    m_bias = jnp.where((q_iota - 4 == seg) & (off == 16), 1.0, 0.0)
    s = jnp.dot(logs, m_sum + m_bias,
                preferred_element_type=jnp.float32,
                precision=lax.Precision.HIGHEST)
    o_ref[...] = jnp.exp(s[:, 0:4] - 207.0 * s[:, 4:8])


_reduce_call = pl.pallas_call(
    _reduce_body,
    in_specs=[pl.BlockSpec((_B * _OW // 128, 128), lambda: (0, 0))],
    out_specs=pl.BlockSpec((_B * _OW // 128, 4), lambda: (0, 0)),
    out_shape=jax.ShapeDtypeStruct((_B * _OW // 128, 4), jnp.float32),
)


@jax.jit
def kernel(user, seen, seen_users, decision, emb_table, emb_bias_table, blinear_w):
    del user, seen_users
    g = _g_call(emb_table.T, blinear_w, emb_bias_table.T)
    seen_pad = jnp.pad(seen.astype(jnp.int32), ((0, 0), (0, _WP - _WIN)),
                       constant_values=_VOCAB).reshape(2 * _B, 128)
    pb = _sc_gather(g.reshape(8 * _VOCAB, 128), seen_pad,
                    decision.astype(jnp.int32))
    o2 = _reduce_call(pb.reshape(_B * _OW // 128, 128))
    return o2.reshape(_B)

# --- scband reference (transcript-rebuilt; emitter-appended) ---
"""Pipeline reference for scband-clash-56109452755241 (READ-ONLY COPY).

The authoritative reference and input builder live on the scoring server;
editing this copy changes nothing except your own understanding.
"""

import jax, jax.numpy as jnp
import numpy as np

VOCAB = 1000
DIM = 64
B = 4096
WIN = 200


def setup_inputs(seed: int = 0):
    key = jax.random.key(seed)
    k1, k2, k3, k4, k5, k6, k7 = jax.random.split(key, 7)
    return {
        "user": jax.random.randint(k1, (B,), 0, VOCAB),
        "seen": jax.random.randint(k2, (B, WIN), 0, VOCAB),
        "seen_users": jax.random.randint(k3, (B, WIN), 0, VOCAB),
        "decision": jax.random.randint(k4, (B,), 0, VOCAB),
        "emb_table": 0.1 * jax.random.normal(k5, (VOCAB, DIM), dtype=jnp.float32),
        "emb_bias_table": jax.random.uniform(k6, (VOCAB, 1), dtype=jnp.float32, minval=0.5, maxval=1.5),
        "blinear_w": 0.01 * jax.random.normal(k7, (DIM, DIM), dtype=jnp.float32),
    }


def reference(user, seen, seen_users, decision, emb_table, emb_bias_table, blinear_w):
    # forward of Clash: per-(seen, decision) bilinear score + decision bias,
    # log-prob aggregation over the window, exponentiate.
    seen_flat = seen.reshape(-1)                      # [B*WIN]
    # torch: decision.repeat(WIN, 1).t().flatten() == each decision id repeated WIN times
    decision_flat = jnp.repeat(decision, WIN)         # [B*WIN]
    emb1 = jnp.take(emb_table, seen_flat, axis=0)     # gather [B*WIN, DIM]
    emb2 = jnp.take(emb_table, decision_flat, axis=0) # gather [B*WIN, DIM]
    # nn.Bilinear(DIM, DIM, 1, bias=False): t_i = emb1_i @ W @ emb2_i
    t = jnp.einsum('bi,ij,bj->b', emb1, blinear_w, emb2)[:, None]   # [B*WIN, 1]
    bias = jnp.take(emb_bias_table, decision_flat, axis=0)          # [B*WIN, 1]
    probs = (t + bias).reshape(-1, WIN)               # [B, WIN]
    log_bias = jnp.log(jnp.take(emb_bias_table, decision, axis=0)).reshape(-1)  # [B]
    log_probs = jnp.log(probs).sum(axis=1) - (WIN - 1) * log_bias   # [B]
    return jnp.exp(log_probs)


if False:  # reference __main__ guard neutralized (emitter)
    out = reference(**setup_inputs())
    print(out.shape, out.dtype)

if __name__ == "__main__":
    import jax
    _d = setup_inputs()
    print(jax.jit(kernel)(*tuple(_d.values())))

</pallas_src>

<mosaic_0001>
#map = affine_map<(d0, d1) -> (0, 0)>
#map1 = affine_map<(d0, d1) -> (0)>
module attributes {stable_mosaic.version = 14 : i64} {
  func.func @_sc_gather(%arg0: i32, %arg1: i32, %arg2: memref<8000x128xf32, #tpu.memory_space<hbm>>, %arg3: memref<8192x128xi32, #tpu.memory_space<hbm>>, %arg4: memref<4096xi32, #tpu.memory_space<hbm>>, %arg5: memref<131072xf32, #tpu.memory_space<hbm>>, %arg6: memref<128xi32, #tpu.memory_space<vmem>>, %arg7: memref<256xi32, #tpu.memory_space<vmem>>, %arg8: memref<256xi32, #tpu.memory_space<vmem>>, %arg9: memref<256x128xf32, #tpu.memory_space<vmem>>, %arg10: memref<256x128xf32, #tpu.memory_space<vmem>>, %arg11: memref<256x128xi32, #tpu.memory_space<vmem>>, %arg12: memref<4096xf32, #tpu.memory_space<vmem>>, %arg13: memref<!tpu.dma_semaphore, #tpu.memory_space<semaphore_mem>>, %arg14: memref<!tpu.dma_semaphore, #tpu.memory_space<semaphore_mem>>, %arg15: memref<!tpu.dma_semaphore, #tpu.memory_space<semaphore_mem>>, %arg16: memref<!tpu.dma_semaphore, #tpu.memory_space<semaphore_mem>>) attributes {dimension_semantics = [#tpu.dimension_semantics<core_parallel>, #tpu.dimension_semantics<subcore_parallel>], iteration_bounds = array<i64: 2, 16>, scalar_prefetch = 0 : i64, scratch_operands = 11 : i64, tpu.core_type = #tpu.core_type<sc_vector_subcore>, window_params = [{transform_indices = #map}, {transform_indices = #map}, {transform_indices = #map1}, {transform_indices = #map1}]} {
    %mul3A = arith.constant 2 : i32
    %mul3A_0 = arith.muli %arg1, %mul3A : i32
    %add3A = arith.addi %mul3A_0, %arg0 : i32
    %mul3A_1 = arith.constant 128 : i32
    %mul3A_2 = arith.muli %add3A, %mul3A_1 : i32
    %iota3A = tpu.iota {dimensions = array<i32: 0>} : vector<16xi32>
    %shift_right_arithmetic3A = arith.constant 3 : i32
    %shift_right_arithmetic3A_3 = vector.broadcast %shift_right_arithmetic3A : i32 to vector<16xi32>
    %shift_right_arithmetic3A_4 = arith.shrsi %iota3A, %shift_right_arithmetic3A_3 : vector<16xi32>
    %and3A = arith.constant 7 : i32
    %and3A_5 = vector.broadcast %and3A : i32 to vector<16xi32>
    %and3A_6 = arith.andi %iota3A, %and3A_5 : vector<16xi32>
    %shift_left3A = arith.constant 3 : i32
    %shift_left3A_7 = vector.broadcast %shift_left3A : i32 to vector<16xi32>
    %shift_left3A_8 = arith.shli %and3A_6, %shift_left3A_7 : vector<16xi32>
    "tpu.region"() ({
      %run_scoped3A = tpu.sem_alloc : memref<!tpu.dma_semaphore, #tpu.memory_space<semaphore_mem>>
      %dma_start3A_1248 = tpu.memref_slice %arg4[%mul3A_2] : memref<4096xi32, #tpu.memory_space<hbm>> -> memref<128xi32, #tpu.memory_space<hbm>>
      %dma_start3A_1249 = tpu.memref_slice %arg4[%mul3A_2] : memref<4096xi32, #tpu.memory_space<hbm>> -> memref<128xi32, #tpu.memory_space<hbm>>
      tpu.enqueue_dma source(%dma_start3A_1249 : memref<128xi32, #tpu.memory_space<hbm>>) target(%arg6 : memref<128xi32, #tpu.memory_space<vmem>>) target_semaphore(%run_scoped3A : memref<!tpu.dma_semaphore, #tpu.memory_space<semaphore_mem>>)
      %dma_wait3A_1250 = tpu.memref_slice %arg4[%mul3A_2] : memref<4096xi32, #tpu.memory_space<hbm>> -> memref<128xi32, #tpu.memory_space<hbm>>
      %dma_wait3A_1251 = tpu.memref_slice %arg4[%mul3A_2] : memref<4096xi32, #tpu.memory_space<hbm>> -> memref<128xi32, #tpu.memory_space<hbm>>
      tpu.wait_dma2 semaphore(%run_scoped3A : memref<!tpu.dma_semaphore, #tpu.memory_space<semaphore_mem>>) src(%dma_wait3A_1251 : memref<128xi32, #tpu.memory_space<hbm>>) dst(%arg6 : memref<128xi32, #tpu.memory_space<vmem>>)
      tpu.yield
    }) : () -> ()
    %mul3A_9 = arith.constant 2 : i32
    %mul3A_10 = arith.muli %mul3A_9, %mul3A_2 : i32
    %dma_start3A = arith.constant 0 : i32
    %dma_start3A_11 = tpu.memref_slice %arg3[%mul3A_10, %dma_start3A] : memref<8192x128xi32, #tpu.memory_space<hbm>> -> memref<256x128xi32, #tpu.memory_space<hbm>>
    %dma_start3A_12 = arith.constant 0 : i32
    %dma_start3A_13 = tpu.memref_slice %arg3[%mul3A_10, %dma_start3A_12] : memref<8192x128xi32, #tpu.memory_space<hbm>> -> memref<256x128xi32, #tpu.memory_space<hbm>>
    tpu.enqueue_dma source(%dma_start3A_13 : memref<256x128xi32, #tpu.memory_space<hbm>>) target(%arg11 : memref<256x128xi32, #tpu.memory_space<vmem>>) target_semaphore(%arg15 : memref<!tpu.dma_semaphore, #tpu.memory_space<semaphore_mem>>)
    %add3A_14 = arith.constant 0 : i32
    %add3A_15 = vector.broadcast %add3A_14 : i32 to vector<16xi32>
    %add3A_16 = arith.addi %shift_right_arithmetic3A_4, %add3A_15 : vector<16xi32>
    %gather3A = tpu.vector_load_idx %arg6[%add3A_16] : memref<128xi32, #tpu.memory_space<vmem>>[vector<16xi32>], vector<16xi32>,
    %shift_right_arithmetic3A_17 = arith.constant 3 : i32
    %shift_right_arithmetic3A_18 = vector.broadcast %shift_right_arithmetic3A_17 : i32 to vector<16xi32>
    %shift_right_arithmetic3A_19 = arith.shrsi %gather3A, %shift_right_arithmetic3A_18 : vector<16xi32>
    %shift_left3A_20 = arith.constant 6 : i32
    %shift_left3A_21 = vector.broadcast %shift_left3A_20 : i32 to vector<16xi32>
    %shift_left3A_22 = arith.shli %shift_right_arithmetic3A_19, %shift_left3A_21 : vector<16xi32>
    %add3A_23 = arith.addi %shift_left3A_22, %shift_left3A_8 : vector<16xi32>
    %and3A_24 = arith.constant 7 : i32
    %and3A_25 = vector.broadcast %and3A_24 : i32 to vector<16xi32>
    %and3A_26 = arith.andi %gather3A, %and3A_25 : vector<16xi32>
    %add3A_27 = arith.addi %add3A_23, %and3A_26 : vector<16xi32>
    %swap3A = arith.constant 0 : index
    %swap3A_28 = tpu.vector_load %arg7[%swap3A] {strides = array<i32>} : memref<256xi32, #tpu.memory_space<vmem>>, vector<16xi32>,
    tpu.vector_store %arg7[%swap3A], %add3A_27 {strides = array<i32>} : memref<256xi32, #tpu.memory_space<vmem>>, vector<16xi32>,
    %add3A_29 = arith.constant 2 : i32
    %add3A_30 = vector.broadcast %add3A_29 : i32 to vector<16xi32>
    %add3A_31 = arith.addi %shift_right_arithmetic3A_4, %add3A_30 : vector<16xi32>
    %gather3A_32 = tpu.vector_load_idx %arg6[%add3A_31] : memref<128xi32, #tpu.memory_space<vmem>>[vector<16xi32>], vector<16xi32>,
    %shift_right_arithmetic3A_33 = arith.constant 3 : i32
    %shift_right_arithmetic3A_34 = vector.broadcast %shift_right_arithmetic3A_33 : i32 to vector<16xi32>
    %shift_right_arithmetic3A_35 = arith.shrsi %gather3A_32, %shift_right_arithmetic3A_34 : vector<16xi32>
    %shift_left3A_36 = arith.constant 6 : i32
    %shift_left3A_37 = vector.broadcast %shift_left3A_36 : i32 to vector<16xi32>
    %shift_left3A_38 = arith.shli %shift_right_arithmetic3A_35, %shift_left3A_37 : vector<16xi32>
    %add3A_39 = arith.addi %shift_left3A_38, %shift_left3A_8 : vector<16xi32>
    %and3A_40 = arith.constant 7 : i32
    %and3A_41 = vector.broadcast %and3A_40 : i32 to vector<16xi32>
    %and3A_42 = arith.andi %gather3A_32, %and3A_41 : vector<16xi32>
    %add3A_43 = arith.addi %add3A_39, %and3A_42 : vector<16xi32>
    %swap3A_44 = arith.constant 16 : index
    %swap3A_45 = tpu.vector_load %arg7[%swap3A_44] {strides = array<i32>} : memref<256xi32, #tpu.memory_space<vmem>>, vector<16xi32>,
    tpu.vector_store %arg7[%swap3A_44], %add3A_43 {strides = array<i32>} : memref<256xi32, #tpu.memory_space<vmem>>, vector<16xi32>,
    %add3A_46 = arith.constant 4 : i32
    %add3A_47 = vector.broadcast %add3A_46 : i32 to vector<16xi32>
    %add3A_48 = arith.addi %shift_right_arithmetic3A_4, %add3A_47 : vector<16xi32>
    %gather3A_49 = tpu.vector_load_idx %arg6[%add3A_48] : memref<128xi32, #tpu.memory_space<vmem>>[vector<16xi32>], vector<16xi32>,
    %shift_right_arithmetic3A_50 = arith.constant 3 : i32
    %shift_right_arithmetic3A_51 = vector.broadcast %shift_right_arithmetic3A_50 : i32 to vector<16xi32>
    %shift_right_arithmetic3A_52 = arith.shrsi %gather3A_49, %shift_right_arithmetic3A_51 : vector<16xi32>
    %shift_left3A_53 = arith.constant 6 : i32
    %shift_left3A_54 = vector.broadcast %shift_left3A_53 : i32 to vector<16xi32>
    %shift_left3A_55 = arith.shli %shift_right_arithmetic3A_52, %shift_left3A_54 : vector<16xi32>
    %add3A_56 = arith.addi %shift_left3A_55, %shift_left3A_8 : vector<16xi32>
    %and3A_57 = arith.constant 7 : i32
    %and3A_58 = vector.broadcast %and3A_57 : i32 to vector<16xi32>
    %and3A_59 = arith.andi %gather3A_49, %and3A_58 : vector<16xi32>
    %add3A_60 = arith.addi %add3A_56, %and3A_59 : vector<16xi32>
    %swap3A_61 = arith.constant 32 : index
    %swap3A_62 = tpu.vector_load %arg7[%swap3A_61] {strides = array<i32>} : memref<256xi32, #tpu.memory_space<vmem>>, vector<16xi32>,
    tpu.vector_store %arg7[%swap3A_61], %add3A_60 {strides = array<i32>} : memref<256xi32, #tpu.memory_space<vmem>>, vector<16xi32>,
    %add3A_63 = arith.constant 6 : i32
    %add3A_64 = vector.broadcast %add3A_63 : i32 to vector<16xi32>
    %add3A_65 = arith.addi %shift_right_arithmetic3A_4, %add3A_64 : vector<16xi32>
    %gather3A_66 = tpu.vector_load_idx %arg6[%add3A_65] : memref<128xi32, #tpu.memory_space<vmem>>[vector<16xi32>], vector<16xi32>,
    %shift_right_arithmetic3A_67 = arith.constant 3 : i32
    %shift_right_arithmetic3A_68 = vector.broadcast %shift_right_arithmetic3A_67 : i32 to vector<16xi32>
    %shift_right_arithmetic3A_69 = arith.shrsi %gather3A_66, %shift_right_arithmetic3A_68 : vector<16xi32>
    %shift_left3A_70 = arith.constant 6 : i32
    %shift_left3A_71 = vector.broadcast %shift_left3A_70 : i32 to vector<16xi32>
    %shift_left3A_72 = arith.shli %shift_right_arithmetic3A_69, %shift_left3A_71 : vector<16xi32>
    %add3A_73 = arith.addi %shift_left3A_72, %shift_left3A_8 : vector<16xi32>
    %and3A_74 = arith.constant 7 : i32
    %and3A_75 = vector.broadcast %and3A_74 : i32 to vector<16xi32>
    %and3A_76 = arith.andi %gather3A_66, %and3A_75 : vector<16xi32>
    %add3A_77 = arith.addi %add3A_73, %and3A_76 : vector<16xi32>
    %swap3A_78 = arith.constant 48 : index
    %swap3A_79 = tpu.vector_load %arg7[%swap3A_78] {strides = array<i32>} : memref<256xi32, #tpu.memory_space<vmem>>, vector<16xi32>,
    tpu.vector_store %arg7[%swap3A_78], %add3A_77 {strides = array<i32>} : memref<256xi32, #tpu.memory_space<vmem>>, vector<16xi32>,
    %add3A_80 = arith.constant 8 : i32
    %add3A_81 = vector.broadcast %add3A_80 : i32 to vector<16xi32>
    %add3A_82 = arith.addi %shift_right_arithmetic3A_4, %add3A_81 : vector<16xi32>
    %gather3A_83 = tpu.vector_load_idx %arg6[%add3A_82] : memref<128xi32, #tpu.memory_space<vmem>>[vector<16xi32>], vector<16xi32>,
    %shift_right_arithmetic3A_84 = arith.constant 3 : i32
    %shift_right_arithmetic3A_85 = vector.broadcast %shift_right_arithmetic3A_84 : i32 to vector<16xi32>
    %shift_right_arithmetic3A_86 = arith.shrsi %gather3A_83, %shift_right_arithmetic3A_85 : vector<16xi32>
    %shift_left3A_87 = arith.constant 6 : i32
    %shift_left3A_88 = vector.broadcast %shift_left3A_87 : i32 to vector<16xi32>
    %shift_left3A_89 = arith.shli %shift_right_arithmetic3A_86, %shift_left3A_88 : vector<16xi32>
    %add3A_90 = arith.addi %shift_left3A_89, %shift_left3A_8 : vector<16xi32>
    %and3A_91 = arith.constant 7 : i32
    %and3A_92 = vector.broadcast %and3A_91 : i32 to vector<16xi32>
    %and3A_93 = arith.andi %gather3A_83, %and3A_92 : vector<16xi32>
    %add3A_94 = arith.addi %add3A_90, %and3A_93 : vector<16xi32>
    %swap3A_95 = arith.constant 64 : index
    %swap3A_96 = tpu.vector_load %arg7[%swap3A_95] {strides = array<i32>} : memref<256xi32, #tpu.memory_space<vmem>>, vector<16xi32>,
    tpu.vector_store %arg7[%swap3A_95], %add3A_94 {strides = array<i32>} : memref<256xi32, #tpu.memory_space<vmem>>, vector<16xi32>,
    %add3A_97 = arith.constant 10 : i32
    %add3A_98 = vector.broadcast %add3A_97 : i32 to vector<16xi32>
    %add3A_99 = arith.addi %shift_right_arithmetic3A_4, %add3A_98 : vector<16xi32>
    %gather3A_100 = tpu.vector_load_idx %arg6[%add3A_99] : memref<128xi32, #tpu.memory_space<vmem>>[vector<16xi32>], vector<16xi32>,
    %shift_right_arithmetic3A_101 = arith.constant 3 : i32
    %shift_right_arithmetic3A_102 = vector.broadcast %shift_right_arithmetic3A_101 : i32 to vector<16xi32>
    %shift_right_arithmetic3A_103 = arith.shrsi %gather3A_100, %shift_right_arithmetic3A_102 : vector<16xi32>
    %shift_left3A_104 = arith.constant 6 : i32
    %shift_left3A_105 = vector.broadcast %shift_left3A_104 : i32 to vector<16xi32>
    %shift_left3A_106 = arith.shli %shift_right_arithmetic3A_103, %shift_left3A_105 : vector<16xi32>
    %add3A_107 = arith.addi %shift_left3A_106, %shift_left3A_8 : vector<16xi32>
    %and3A_108 = arith.constant 7 : i32
    %and3A_109 = vector.broadcast %and3A_108 : i32 to vector<16xi32>
    %and3A_110 = arith.andi %gather3A_100, %and3A_109 : vector<16xi32>
    %add3A_111 = arith.addi %add3A_107, %and3A_110 : vector<16xi32>
    %swap3A_112 = arith.constant 80 : index
    %swap3A_113 = tpu.vector_load %arg7[%swap3A_112] {strides = array<i32>} : memref<256xi32, #tpu.memory_space<vmem>>, vector<16xi32>,
    tpu.vector_store %arg7[%swap3A_112], %add3A_111 {strides = array<i32>} : memref<256xi32, #tpu.memory_space<vmem>>, vector<16xi32>,
    %add3A_114 = arith.constant 12 : i32
    %add3A_115 = vector.broadcast %add3A_114 : i32 to vector<16xi32>
    %add3A_116 = arith.addi %shift_right_arithmetic3A_4, %add3A_115 : vector<16xi32>
    %gather3A_117 = tpu.vector_load_idx %arg6[%add3A_116] : memref<128xi32, #tpu.memory_space<vmem>>[vector<16xi32>], vector<16xi32>,
    %shift_right_arithmetic3A_118 = arith.constant 3 : i32
    %shift_right_arithmetic3A_119 = vector.broadcast %shift_right_arithmetic3A_118 : i32 to vector<16xi32>
    %shift_right_arithmetic3A_120 = arith.shrsi %gather3A_117, %shift_right_arithmetic3A_119 : vector<16xi32>
    %shift_left3A_121 = arith.constant 6 : i32
    %shift_left3A_122 = vector.broadcast %shift_left3A_121 : i32 to vector<16xi32>
    %shift_left3A_123 = arith.shli %shift_right_arithmetic3A_120, %shift_left3A_122 : vector<16xi32>
    %add3A_124 = arith.addi %shift_left3A_123, %shift_left3A_8 : vector<16xi32>
    %and3A_125 = arith.constant 7 : i32
    %and3A_126 = vector.broadcast %and3A_125 : i32 to vector<16xi32>
    %and3A_127 = arith.andi %gather3A_117, %and3A_126 : vector<16xi32>
    %add3A_128 = arith.addi %add3A_124, %and3A_127 : vector<16xi32>
    %swap3A_129 = arith.constant 96 : index
    %swap3A_130 = tpu.vector_load %arg7[%swap3A_129] {strides = array<i32>} : memref<256xi32, #tpu.memory_space<vmem>>, vector<16xi32>,
    tpu.vector_store %arg7[%swap3A_129], %add3A_128 {strides = array<i32>} : memref<256xi32, #tpu.memory_space<vmem>>, vector<16xi32>,
    %add3A_131 = arith.constant 14 : i32
    %add3A_132 = vector.broadcast %add3A_131 : i32 to vector<16xi32>
    %add3A_133 = arith.addi %shift_right_arithmetic3A_4, %add3A_132 : vector<16xi32>
    %gather3A_134 = tpu.vector_load_idx %arg6[%add3A_133] : memref<128xi32, #tpu.memory_space<vmem>>[vector<16xi32>], vector<16xi32>,
    %shift_right_arithmetic3A_135 = arith.constant 3 : i32
    %shift_right_arithmetic3A_136 = vector.broadcast %shift_right_arithmetic3A_135 : i32 to vector<16xi32>
    %shift_right_arithmetic3A_137 = arith.shrsi %gather3A_134, %shift_right_arithmetic3A_136 : vector<16xi32>
    %shift_left3A_138 = arith.constant 6 : i32
    %shift_left3A_139 = vector.broadcast %shift_left3A_138 : i32 to vector<16xi32>
    %shift_left3A_140 = arith.shli %shift_right_arithmetic3A_137, %shift_left3A_139 : vector<16xi32>
    %add3A_141 = arith.addi %shift_left3A_140, %shift_left3A_8 : vector<16xi32>
    %and3A_142 = arith.constant 7 : i32
    %and3A_143 = vector.broadcast %and3A_142 : i32 to vector<16xi32>
    %and3A_144 = arith.andi %gather3A_134, %and3A_143 : vector<16xi32>
    %add3A_145 = arith.addi %add3A_141, %and3A_144 : vector<16xi32>
    %swap3A_146 = arith.constant 112 : index
    %swap3A_147 = tpu.vector_load %arg7[%swap3A_146] {strides = array<i32>} : memref<256xi32, #tpu.memory_space<vmem>>, vector<16xi32>,
    tpu.vector_store %arg7[%swap3A_146], %add3A_145 {strides = array<i32>} : memref<256xi32, #tpu.memory_space<vmem>>, vector<16xi32>,
    %add3A_148 = arith.constant 16 : i32
    %add3A_149 = vector.broadcast %add3A_148 : i32 to vector<16xi32>
    %add3A_150 = arith.addi %shift_right_arithmetic3A_4, %add3A_149 : vector<16xi32>
    %gather3A_151 = tpu.vector_load_idx %arg6[%add3A_150] : memref<128xi32, #tpu.memory_space<vmem>>[vector<16xi32>], vector<16xi32>,
    %shift_right_arithmetic3A_152 = arith.constant 3 : i32
    %shift_right_arithmetic3A_153 = vector.broadcast %shift_right_arithmetic3A_152 : i32 to vector<16xi32>
    %shift_right_arithmetic3A_154 = arith.shrsi %gather3A_151, %shift_right_arithmetic3A_153 : vector<16xi32>
    %shift_left3A_155 = arith.constant 6 : i32
    %shift_left3A_156 = vector.broadcast %shift_left3A_155 : i32 to vector<16xi32>
    %shift_left3A_157 = arith.shli %shift_right_arithmetic3A_154, %shift_left3A_156 : vector<16xi32>
    %add3A_158 = arith.addi %shift_left3A_157, %shift_left3A_8 : vector<16xi32>
    %and3A_159 = arith.constant 7 : i32
    %and3A_160 = vector.broadcast %and3A_159 : i32 to vector<16xi32>
    %and3A_161 = arith.andi %gather3A_151, %and3A_160 : vector<16xi32>
    %add3A_162 = arith.addi %add3A_158, %and3A_161 : vector<16xi32>
    %swap3A_163 = arith.constant 128 : index
    %swap3A_164 = tpu.vector_load %arg7[%swap3A_163] {strides = array<i32>} : memref<256xi32, #tpu.memory_space<vmem>>, vector<16xi32>,
    tpu.vector_store %arg7[%swap3A_163], %add3A_162 {strides = array<i32>} : memref<256xi32, #tpu.memory_space<vmem>>, vector<16xi32>,
    %add3A_165 = arith.constant 18 : i32
    %add3A_166 = vector.broadcast %add3A_165 : i32 to vector<16xi32>
    %add3A_167 = arith.addi %shift_right_arithmetic3A_4, %add3A_166 : vector<16xi32>
    %gather3A_168 = tpu.vector_load_idx %arg6[%add3A_167] : memref<128xi32, #tpu.memory_space<vmem>>[vector<16xi32>], vector<16xi32>,
    %shift_right_arithmetic3A_169 = arith.constant 3 : i32
    %shift_right_arithmetic3A_170 = vector.broadcast %shift_right_arithmetic3A_169 : i32 to vector<16xi32>
    %shift_right_arithmetic3A_171 = arith.shrsi %gather3A_168, %shift_right_arithmetic3A_170 : vector<16xi32>
    %shift_left3A_172 = arith.constant 6 : i32
    %shift_left3A_173 = vector.broadcast %shift_left3A_172 : i32 to vector<16xi32>
    %shift_left3A_174 = arith.shli %shift_right_arithmetic3A_171, %shift_left3A_173 : vector<16xi32>
    %add3A_175 = arith.addi %shift_left3A_174, %shift_left3A_8 : vector<16xi32>
    %and3A_176 = arith.constant 7 : i32
    %and3A_177 = vector.broadcast %and3A_176 : i32 to vector<16xi32>
    %and3A_178 = arith.andi %gather3A_168, %and3A_177 : vector<16xi32>
    %add3A_179 = arith.addi %add3A_175, %and3A_178 : vector<16xi32>
    %swap3A_180 = arith.constant 144 : index
    %swap3A_181 = tpu.vector_load %arg7[%swap3A_180] {strides = array<i32>} : memref<256xi32, #tpu.memory_space<vmem>>, vector<16xi32>,
    tpu.vector_store %arg7[%swap3A_180], %add3A_179 {strides = array<i32>} : memref<256xi32, #tpu.memory_space<vmem>>, vector<16xi32>,
    %add3A_182 = arith.constant 20 : i32
    %add3A_183 = vector.broadcast %add3A_182 : i32 to vector<16xi32>
    %add3A_184 = arith.addi %shift_right_arithmetic3A_4, %add3A_183 : vector<16xi32>
    %gather3A_185 = tpu.vector_load_idx %arg6[%add3A_184] : memref<128xi32, #tpu.memory_space<vmem>>[vector<16xi32>], vector<16xi32>,
    %shift_right_arithmetic3A_186 = arith.constant 3 : i32
    %shift_right_arithmetic3A_187 = vector.broadcast %shift_right_arithmetic3A_186 : i32 to vector<16xi32>
    %shift_right_arithmetic3A_188 = arith.shrsi %gather3A_185, %shift_right_arithmetic3A_187 : vector<16xi32>
    %shift_left3A_189 = arith.constant 6 : i32
    %shift_left3A_190 = vector.broadcast %shift_left3A_189 : i32 to vector<16xi32>
    %shift_left3A_191 = arith.shli %shift_right_arithmetic3A_188, %shift_left3A_190 : vector<16xi32>
    %add3A_192 = arith.addi %shift_left3A_191, %shift_left3A_8 : vector<16xi32>
    %and3A_193 = arith.constant 7 : i32
    %and3A_194 = vector.broadcast %and3A_193 : i32 to vector<16xi32>
    %and3A_195 = arith.andi %gather3A_185, %and3A_194 : vector<16xi32>
    %add3A_196 = arith.addi %add3A_192, %and3A_195 : vector<16xi32>
    %swap3A_197 = arith.constant 160 : index
    %swap3A_198 = tpu.vector_load %arg7[%swap3A_197] {strides = array<i32>} : memref<256xi32, #tpu.memory_space<vmem>>, vector<16xi32>,
    tpu.vector_store %arg7[%swap3A_197], %add3A_196 {strides = array<i32>} : memref<256xi32, #tpu.memory_space<vmem>>, vector<16xi32>,
    %add3A_199 = arith.constant 22 : i32
    %add3A_200 = vector.broadcast %add3A_199 : i32 to vector<16xi32>
    %add3A_201 = arith.addi %shift_right_arithmetic3A_4, %add3A_200 : vector<16xi32>
    %gather3A_202 = tpu.vector_load_idx %arg6[%add3A_201] : memref<128xi32, #tpu.memory_space<vmem>>[vector<16xi32>], vector<16xi32>,
    %shift_right_arithmetic3A_203 = arith.constant 3 : i32
    %shift_right_arithmetic3A_204 = vector.broadcast %shift_right_arithmetic3A_203 : i32 to vector<16xi32>
    %shift_right_arithmetic3A_205 = arith.shrsi %gather3A_202, %shift_right_arithmetic3A_204 : vector<16xi32>
    %shift_left3A_206 = arith.constant 6 : i32
    %shift_left3A_207 = vector.broadcast %shift_left3A_206 : i32 to vector<16xi32>
    %shift_left3A_208 = arith.shli %shift_right_arithmetic3A_205, %shift_left3A_207 : vector<16xi32>
    %add3A_209 = arith.addi %shift_left3A_208, %shift_left3A_8 : vector<16xi32>
    %and3A_210 = arith.constant 7 : i32
    %and3A_211 = vector.broadcast %and3A_210 : i32 to vector<16xi32>
    %and3A_212 = arith.andi %gather3A_202, %and3A_211 : vector<16xi32>
    %add3A_213 = arith.addi %add3A_209, %and3A_212 : vector<16xi32>
    %swap3A_214 = arith.constant 176 : index
    %swap3A_215 = tpu.vector_load %arg7[%swap3A_214] {strides = array<i32>} : memref<256xi32, #tpu.memory_space<vmem>>, vector<16xi32>,
    tpu.vector_store %arg7[%swap3A_214], %add3A_213 {strides = array<i32>} : memref<256xi32, #tpu.memory_space<vmem>>, vector<16xi32>,
    %add3A_216 = arith.constant 24 : i32
    %add3A_217 = vector.broadcast %add3A_216 : i32 to vector<16xi32>
    %add3A_218 = arith.addi %shift_right_arithmetic3A_4, %add3A_217 : vector<16xi32>
    %gather3A_219 = tpu.vector_load_idx %arg6[%add3A_218] : memref<128xi32, #tpu.memory_space<vmem>>[vector<16xi32>], vector<16xi32>,
    %shift_right_arithmetic3A_220 = arith.constant 3 : i32
    %shift_right_arithmetic3A_221 = vector.broadcast %shift_right_arithmetic3A_220 : i32 to vector<16xi32>
    %shift_right_arithmetic3A_222 = arith.shrsi %gather3A_219, %shift_right_arithmetic3A_221 : vector<16xi32>
    %shift_left3A_223 = arith.constant 6 : i32
    %shift_left3A_224 = vector.broadcast %shift_left3A_223 : i32 to vector<16xi32>
    %shift_left3A_225 = arith.shli %shift_right_arithmetic3A_222, %shift_left3A_224 : vector<16xi32>
    %add3A_226 = arith.addi %shift_left3A_225, %shift_left3A_8 : vector<16xi32>
    %and3A_227 = arith.constant 7 : i32
    %and3A_228 = vector.broadcast %and3A_227 : i32 to vector<16xi32>
    %and3A_229 = arith.andi %gather3A_219, %and3A_228 : vector<16xi32>
    %add3A_230 = arith.addi %add3A_226, %and3A_229 : vector<16xi32>
    %swap3A_231 = arith.constant 192 : index
    %swap3A_232 = tpu.vector_load %arg7[%swap3A_231] {strides = array<i32>} : memref<256xi32, #tpu.memory_space<vmem>>, vector<16xi32>,
    tpu.vector_store %arg7[%swap3A_231], %add3A_230 {strides = array<i32>} : memref<256xi32, #tpu.memory_space<vmem>>, vector<16xi32>,
    %add3A_233 = arith.constant 26 : i32
    %add3A_234 = vector.broadcast %add3A_233 : i32 to vector<16xi32>
    %add3A_235 = arith.addi %shift_right_arithmetic3A_4, %add3A_234 : vector<16xi32>
    %gather3A_236 = tpu.vector_load_idx %arg6[%add3A_235] : memref<128xi32, #tpu.memory_space<vmem>>[vector<16xi32>], vector<16xi32>,
    %shift_right_arithmetic3A_237 = arith.constant 3 : i32
    %shift_right_arithmetic3A_238 = vector.broadcast %shift_right_arithmetic3A_237 : i32 to vector<16xi32>
    %shift_right_arithmetic3A_239 = arith.shrsi %gather3A_236, %shift_right_arithmetic3A_238 : vector<16xi32>
    %shift_left3A_240 = arith.constant 6 : i32
    %shift_left3A_241 = vector.broadcast %shift_left3A_240 : i32 to vector<16xi32>
    %shift_left3A_242 = arith.shli %shift_right_arithmetic3A_239, %shift_left3A_241 : vector<16xi32>
    %add3A_243 = arith.addi %shift_left3A_242, %shift_left3A_8 : vector<16xi32>
    %and3A_244 = arith.constant 7 : i32
    %and3A_245 = vector.broadcast %and3A_244 : i32 to vector<16xi32>
    %and3A_246 = arith.andi %gather3A_236, %and3A_245 : vector<16xi32>
    %add3A_247 = arith.addi %add3A_243, %and3A_246 : vector<16xi32>
    %swap3A_248 = arith.constant 208 : index
    %swap3A_249 = tpu.vector_load %arg7[%swap3A_248] {strides = array<i32>} : memref<256xi32, #tpu.memory_space<vmem>>, vector<16xi32>,
    tpu.vector_store %arg7[%swap3A_248], %add3A_247 {strides = array<i32>} : memref<256xi32, #tpu.memory_space<vmem>>, vector<16xi32>,
    %add3A_250 = arith.constant 28 : i32
    %add3A_251 = vector.broadcast %add3A_250 : i32 to vector<16xi32>
    %add3A_252 = arith.addi %shift_right_arithmetic3A_4, %add3A_251 : vector<16xi32>
    %gather3A_253 = tpu.vector_load_idx %arg6[%add3A_252] : memref<128xi32, #tpu.memory_space<vmem>>[vector<16xi32>], vector<16xi32>,
    %shift_right_arithmetic3A_254 = arith.constant 3 : i32
    %shift_right_arithmetic3A_255 = vector.broadcast %shift_right_arithmetic3A_254 : i32 to vector<16xi32>
    %shift_right_arithmetic3A_256 = arith.shrsi %gather3A_253, %shift_right_arithmetic3A_255 : vector<16xi32>
    %shift_left3A_257 = arith.constant 6 : i32
    %shift_left3A_258 = vector.broadcast %shift_left3A_257 : i32 to vector<16xi32>
    %shift_left3A_259 = arith.shli %shift_right_arithmetic3A_256, %shift_left3A_258 : vector<16xi32>
    %add3A_260 = arith.addi %shift_left3A_259, %shift_left3A_8 : vector<16xi32>
    %and3A_261 = arith.constant 7 : i32
    %and3A_262 = vector.broadcast %and3A_261 : i32 to vector<16xi32>
    %and3A_263 = arith.andi %gather3A_253, %and3A_262 : vector<16xi32>
    %add3A_264 = arith.addi %add3A_260, %and3A_263 : vector<16xi32>
    %swap3A_265 = arith.constant 224 : index
    %swap3A_266 = tpu.vector_load %arg7[%swap3A_265] {strides = array<i32>} : memref<256xi32, #tpu.memory_space<vmem>>, vector<16xi32>,
    tpu.vector_store %arg7[%swap3A_265], %add3A_264 {strides = array<i32>} : memref<256xi32, #tpu.memory_space<vmem>>, vector<16xi32>,
    %add3A_267 = arith.constant 30 : i32
    %add3A_268 = vector.broadcast %add3A_267 : i32 to vector<16xi32>
    %add3A_269 = arith.addi %shift_right_arithmetic3A_4, %add3A_268 : vector<16xi32>
    %gather3A_270 = tpu.vector_load_idx %arg6[%add3A_269] : memref<128xi32, #tpu.memory_space<vmem>>[vector<16xi32>], vector<16xi32>,
    %shift_right_arithmetic3A_271 = arith.constant 3 : i32
    %shift_right_arithmetic3A_272 = vector.broadcast %shift_right_arithmetic3A_271 : i32 to vector<16xi32>
    %shift_right_arithmetic3A_273 = arith.shrsi %gather3A_270, %shift_right_arithmetic3A_272 : vector<16xi32>
    %shift_left3A_274 = arith.constant 6 : i32
    %shift_left3A_275 = vector.broadcast %shift_left3A_274 : i32 to vector<16xi32>
    %shift_left3A_276 = arith.shli %shift_right_arithmetic3A_273, %shift_left3A_275 : vector<16xi32>
    %add3A_277 = arith.addi %shift_left3A_276, %shift_left3A_8 : vector<16xi32>
    %and3A_278 = arith.constant 7 : i32
    %and3A_279 = vector.broadcast %and3A_278 : i32 to vector<16xi32>
    %and3A_280 = arith.andi %gather3A_270, %and3A_279 : vector<16xi32>
    %add3A_281 = arith.addi %add3A_277, %and3A_280 : vector<16xi32>
    %swap3A_282 = arith.constant 240 : index
    %swap3A_283 = tpu.vector_load %arg7[%swap3A_282] {strides = array<i32>} : memref<256xi32, #tpu.memory_space<vmem>>, vector<16xi32>,
    tpu.vector_store %arg7[%swap3A_282], %add3A_281 {strides = array<i32>} : memref<256xi32, #tpu.memory_space<vmem>>, vector<16xi32>,
    %dma_start3A_284 = arith.constant 0 : i32
    %dma_start3A_285 = arith.constant 0 : i32
    %dma_start3A_286 = tpu.memref_slice %arg9[%dma_start3A_284, %dma_start3A_285] : memref<256x128xf32, #tpu.memory_space<vmem>> -> memref<128x128xf32, #tpu.memory_space<vmem>>
    %dma_start3A_287 = arith.constant 0 : i32
    %dma_start3A_288 = tpu.memref_slice %arg7[%dma_start3A_287] : memref<256xi32, #tpu.memory_space<vmem>> -> memref<128xi32, #tpu.memory_space<vmem>>
    %dma_start3A_289 = arith.constant 0 : i32
    %dma_start3A_290 = arith.constant 0 : i32
    %dma_start3A_291 = tpu.memref_slice %arg2[%dma_start3A_289, %dma_start3A_290] : memref<8000x128xf32, #tpu.memory_space<hbm>> -> memref<8000x128xf32, #tpu.memory_space<hbm>>
    tpu.enqueue_indirect_dma source(%dma_start3A_291 : memref<8000x128xf32, #tpu.memory_space<hbm>>) target(%dma_start3A_286 : memref<128x128xf32, #tpu.memory_space<vmem>>) offsets(%dma_start3A_288 : memref<128xi32, #tpu.memory_space<vmem>>) semaphore(%arg13 : memref<!tpu.dma_semaphore, #tpu.memory_space<semaphore_mem>>)
    %dma_start3A_292 = arith.constant 128 : i32
    %dma_start3A_293 = arith.constant 0 : i32
    %dma_start3A_294 = tpu.memref_slice %arg9[%dma_start3A_292, %dma_start3A_293] : memref<256x128xf32, #tpu.memory_space<vmem>> -> memref<128x128xf32, #tpu.memory_space<vmem>>
    %dma_start3A_295 = arith.constant 128 : i32
    %dma_start3A_296 = tpu.memref_slice %arg7[%dma_start3A_295] : memref<256xi32, #tpu.memory_space<vmem>> -> memref<128xi32, #tpu.memory_space<vmem>>
    %dma_start3A_297 = arith.constant 0 : i32
    %dma_start3A_298 = arith.constant 0 : i32
    %dma_start3A_299 = tpu.memref_slice %arg2[%dma_start3A_297, %dma_start3A_298] : memref<8000x128xf32, #tpu.memory_space<hbm>> -> memref<8000x128xf32, #tpu.memory_space<hbm>>
    tpu.enqueue_indirect_dma source(%dma_start3A_299 : memref<8000x128xf32, #tpu.memory_space<hbm>>) target(%dma_start3A_294 : memref<128x128xf32, #tpu.memory_space<vmem>>) offsets(%dma_start3A_296 : memref<128xi32, #tpu.memory_space<vmem>>) semaphore(%arg13 : memref<!tpu.dma_semaphore, #tpu.memory_space<semaphore_mem>>)
    %dma_wait3A = arith.constant 0 : i32
    %dma_wait3A_300 = tpu.memref_slice %arg3[%mul3A_10, %dma_wait3A] : memref<8192x128xi32, #tpu.memory_space<hbm>> -> memref<256x128xi32, #tpu.memory_space<hbm>>
    %dma_wait3A_301 = arith.constant 0 : i32
    %dma_wait3A_302 = tpu.memref_slice %arg3[%mul3A_10, %dma_wait3A_301] : memref<8192x128xi32, #tpu.memory_space<hbm>> -> memref<256x128xi32, #tpu.memory_space<hbm>>
    tpu.wait_dma2 semaphore(%arg15 : memref<!tpu.dma_semaphore, #tpu.memory_space<semaphore_mem>>) src(%dma_wait3A_302 : memref<256x128xi32, #tpu.memory_space<hbm>>) dst(%arg11 : memref<256x128xi32, #tpu.memory_space<vmem>>)
    %add3A_303 = arith.constant 32 : i32
    %add3A_304 = vector.broadcast %add3A_303 : i32 to vector<16xi32>
    %add3A_305 = arith.addi %shift_right_arithmetic3A_4, %add3A_304 : vector<16xi32>
    %gather3A_306 = tpu.vector_load_idx %arg6[%add3A_305] : memref<128xi32, #tpu.memory_space<vmem>>[vector<16xi32>], vector<16xi32>,
    %shift_right_arithmetic3A_307 = arith.constant 3 : i32
    %shift_right_arithmetic3A_308 = vector.broadcast %shift_right_arithmetic3A_307 : i32 to vector<16xi32>
    %shift_right_arithmetic3A_309 = arith.shrsi %gather3A_306, %shift_right_arithmetic3A_308 : vector<16xi32>
    %shift_left3A_310 = arith.constant 6 : i32
    %shift_left3A_311 = vector.broadcast %shift_left3A_310 : i32 to vector<16xi32>
    %shift_left3A_312 = arith.shli %shift_right_arithmetic3A_309, %shift_left3A_311 : vector<16xi32>
    %add3A_313 = arith.addi %shift_left3A_312, %shift_left3A_8 : vector<16xi32>
    %and3A_314 = arith.constant 7 : i32
    %and3A_315 = vector.broadcast %and3A_314 : i32 to vector<16xi32>
    %and3A_316 = arith.andi %gather3A_306, %and3A_315 : vector<16xi32>
    %add3A_317 = arith.addi %add3A_313, %and3A_316 : vector<16xi32>
    %swap3A_318 = arith.constant 0 : index
    %swap3A_319 = tpu.vector_load %arg8[%swap3A_318] {strides = array<i32>} : memref<256xi32, #tpu.memory_space<vmem>>, vector<16xi32>,
    tpu.vector_store %arg8[%swap3A_318], %add3A_317 {strides = array<i32>} : memref<256xi32, #tpu.memory_space<vmem>>, vector<16xi32>,
    %add3A_320 = arith.constant 34 : i32
    %add3A_321 = vector.broadcast %add3A_320 : i32 to vector<16xi32>
    %add3A_322 = arith.addi %shift_right_arithmetic3A_4, %add3A_321 : vector<16xi32>
    %gather3A_323 = tpu.vector_load_idx %arg6[%add3A_322] : memref<128xi32, #tpu.memory_space<vmem>>[vector<16xi32>], vector<16xi32>,
    %shift_right_arithmetic3A_324 = arith.constant 3 : i32
    %shift_right_arithmetic3A_325 = vector.broadcast %shift_right_arithmetic3A_324 : i32 to vector<16xi32>
    %shift_right_arithmetic3A_326 = arith.shrsi %gather3A_323, %shift_right_arithmetic3A_325 : vector<16xi32>
    %shift_left3A_327 = arith.constant 6 : i32
    %shift_left3A_328 = vector.broadcast %shift_left3A_327 : i32 to vector<16xi32>
    %shift_left3A_329 = arith.shli %shift_right_arithmetic3A_326, %shift_left3A_328 : vector<16xi32>
    %add3A_330 = arith.addi %shift_left3A_329, %shift_left3A_8 : vector<16xi32>
    %and3A_331 = arith.constant 7 : i32
    %and3A_332 = vector.broadcast %and3A_331 : i32 to vector<16xi32>
    %and3A_333 = arith.andi %gather3A_323, %and3A_332 : vector<16xi32>
    %add3A_334 = arith.addi %add3A_330, %and3A_333 : vector<16xi32>
    %swap3A_335 = arith.constant 16 : index
    %swap3A_336 = tpu.vector_load %arg8[%swap3A_335] {strides = array<i32>} : memref<256xi32, #tpu.memory_space<vmem>>, vector<16xi32>,
    tpu.vector_store %arg8[%swap3A_335], %add3A_334 {strides = array<i32>} : memref<256xi32, #tpu.memory_space<vmem>>, vector<16xi32>,
    %add3A_337 = arith.constant 36 : i32
    %add3A_338 = vector.broadcast %add3A_337 : i32 to vector<16xi32>
    %add3A_339 = arith.addi %shift_right_arithmetic3A_4, %add3A_338 : vector<16xi32>
    %gather3A_340 = tpu.vector_load_idx %arg6[%add3A_339] : memref<128xi32, #tpu.memory_space<vmem>>[vector<16xi32>], vector<16xi32>,
    %shift_right_arithmetic3A_341 = arith.constant 3 : i32
    %shift_right_arithmetic3A_342 = vector.broadcast %shift_right_arithmetic3A_341 : i32 to vector<16xi32>
    %shift_right_arithmetic3A_343 = arith.shrsi %gather3A_340, %shift_right_arithmetic3A_342 : vector<16xi32>
    %shift_left3A_344 = arith.constant 6 : i32
    %shift_left3A_345 = vector.broadcast %shift_left3A_344 : i32 to vector<16xi32>
    %shift_left3A_346 = arith.shli %shift_right_arithmetic3A_343, %shift_left3A_345 : vector<16xi32>
    %add3A_347 = arith.addi %shift_left3A_346, %shift_left3A_8 : vector<16xi32>
    %and3A_348 = arith.constant 7 : i32
    %and3A_349 = vector.broadcast %and3A_348 : i32 to vector<16xi32>
    %and3A_350 = arith.andi %gather3A_340, %and3A_349 : vector<16xi32>
    %add3A_351 = arith.addi %add3A_347, %and3A_350 : vector<16xi32>
    %swap3A_352 = arith.constant 32 : index
    %swap3A_353 = tpu.vector_load %arg8[%swap3A_352] {strides = array<i32>} : memref<256xi32, #tpu.memory_space<vmem>>, vector<16xi32>,
    tpu.vector_store %arg8[%swap3A_352], %add3A_351 {strides = array<i32>} : memref<256xi32, #tpu.memory_space<vmem>>, vector<16xi32>,
    %add3A_354 = arith.constant 38 : i32
    %add3A_355 = vector.broadcast %add3A_354 : i32 to vector<16xi32>
    %add3A_356 = arith.addi %shift_right_arithmetic3A_4, %add3A_355 : vector<16xi32>
    %gather3A_357 = tpu.vector_load_idx %arg6[%add3A_356] : memref<128xi32, #tpu.memory_space<vmem>>[vector<16xi32>], vector<16xi32>,
    %shift_right_arithmetic3A_358 = arith.constant 3 : i32
    %shift_right_arithmetic3A_359 = vector.broadcast %shift_right_arithmetic3A_358 : i32 to vector<16xi32>
    %shift_right_arithmetic3A_360 = arith.shrsi %gather3A_357, %shift_right_arithmetic3A_359 : vector<16xi32>
    %shift_left3A_361 = arith.constant 6 : i32
    %shift_left3A_362 = vector.broadcast %shift_left3A_361 : i32 to vector<16xi32>
    %shift_left3A_363 = arith.shli %shift_right_arithmetic3A_360, %shift_left3A_362 : vector<16xi32>
    %add3A_364 = arith.addi %shift_left3A_363, %shift_left3A_8 : vector<16xi32>
    %and3A_365 = arith.constant 7 : i32
    %and3A_366 = vector.broadcast %and3A_365 : i32 to vector<16xi32>
    %and3A_367 = arith.andi %gather3A_357, %and3A_366 : vector<16xi32>
    %add3A_368 = arith.addi %add3A_364, %and3A_367 : vector<16xi32>
    %swap3A_369 = arith.constant 48 : index
    %swap3A_370 = tpu.vector_load %arg8[%swap3A_369] {strides = array<i32>} : memref<256xi32, #tpu.memory_space<vmem>>, vector<16xi32>,
    tpu.vector_store %arg8[%swap3A_369], %add3A_368 {strides = array<i32>} : memref<256xi32, #tpu.memory_space<vmem>>, vector<16xi32>,
    %add3A_371 = arith.constant 40 : i32
    %add3A_372 = vector.broadcast %add3A_371 : i32 to vector<16xi32>
    %add3A_373 = arith.addi %shift_right_arithmetic3A_4, %add3A_372 : vector<16xi32>
    %gather3A_374 = tpu.vector_load_idx %arg6[%add3A_373] : memref<128xi32, #tpu.memory_space<vmem>>[vector<16xi32>], vector<16xi32>,
    %shift_right_arithmetic3A_375 = arith.constant 3 : i32
    %shift_right_arithmetic3A_376 = vector.broadcast %shift_right_arithmetic3A_375 : i32 to vector<16xi32>
    %shift_right_arithmetic3A_377 = arith.shrsi %gather3A_374, %shift_right_arithmetic3A_376 : vector<16xi32>
    %shift_left3A_378 = arith.constant 6 : i32
    %shift_left3A_379 = vector.broadcast %shift_left3A_378 : i32 to vector<16xi32>
    %shift_left3A_380 = arith.shli %shift_right_arithmetic3A_377, %shift_left3A_379 : vector<16xi32>
    %add3A_381 = arith.addi %shift_left3A_380, %shift_left3A_8 : vector<16xi32>
    %and3A_382 = arith.constant 7 : i32
    %and3A_383 = vector.broadcast %and3A_382 : i32 to vector<16xi32>
    %and3A_384 = arith.andi %gather3A_374, %and3A_383 : vector<16xi32>
    %add3A_385 = arith.addi %add3A_381, %and3A_384 : vector<16xi32>
    %swap3A_386 = arith.constant 64 : index
    %swap3A_387 = tpu.vector_load %arg8[%swap3A_386] {strides = array<i32>} : memref<256xi32, #tpu.memory_space<vmem>>, vector<16xi32>,
    tpu.vector_store %arg8[%swap3A_386], %add3A_385 {strides = array<i32>} : memref<256xi32, #tpu.memory_space<vmem>>, vector<16xi32>,
    %add3A_388 = arith.constant 42 : i32
    %add3A_389 = vector.broadcast %add3A_388 : i32 to vector<16xi32>
    %add3A_390 = arith.addi %shift_right_arithmetic3A_4, %add3A_389 : vector<16xi32>
    %gather3A_391 = tpu.vector_load_idx %arg6[%add3A_390] : memref<128xi32, #tpu.memory_space<vmem>>[vector<16xi32>], vector<16xi32>,
    %shift_right_arithmetic3A_392 = arith.constant 3 : i32
    %shift_right_arithmetic3A_393 = vector.broadcast %shift_right_arithmetic3A_392 : i32 to vector<16xi32>
    %shift_right_arithmetic3A_394 = arith.shrsi %gather3A_391, %shift_right_arithmetic3A_393 : vector<16xi32>
    %shift_left3A_395 = arith.constant 6 : i32
    %shift_left3A_396 = vector.broadcast %shift_left3A_395 : i32 to vector<16xi32>
    %shift_left3A_397 = arith.shli %shift_right_arithmetic3A_394, %shift_left3A_396 : vector<16xi32>
    %add3A_398 = arith.addi %shift_left3A_397, %shift_left3A_8 : vector<16xi32>
    %and3A_399 = arith.constant 7 : i32
    %and3A_400 = vector.broadcast %and3A_399 : i32 to vector<16xi32>
    %and3A_401 = arith.andi %gather3A_391, %and3A_400 : vector<16xi32>
    %add3A_402 = arith.addi %add3A_398, %and3A_401 : vector<16xi32>
    %swap3A_403 = arith.constant 80 : index
    %swap3A_404 = tpu.vector_load %arg8[%swap3A_403] {strides = array<i32>} : memref<256xi32, #tpu.memory_space<vmem>>, vector<16xi32>,
    tpu.vector_store %arg8[%swap3A_403], %add3A_402 {strides = array<i32>} : memref<256xi32, #tpu.memory_space<vmem>>, vector<16xi32>,
    %add3A_405 = arith.constant 44 : i32
    %add3A_406 = vector.broadcast %add3A_405 : i32 to vector<16xi32>
    %add3A_407 = arith.addi %shift_right_arithmetic3A_4, %add3A_406 : vector<16xi32>
    %gather3A_408 = tpu.vector_load_idx %arg6[%add3A_407] : memref<128xi32, #tpu.memory_space<vmem>>[vector<16xi32>], vector<16xi32>,
    %shift_right_arithmetic3A_409 = arith.constant 3 : i32
    %shift_right_arithmetic3A_410 = vector.broadcast %shift_right_arithmetic3A_409 : i32 to vector<16xi32>
    %shift_right_arithmetic3A_411 = arith.shrsi %gather3A_408, %shift_right_arithmetic3A_410 : vector<16xi32>
    %shift_left3A_412 = arith.constant 6 : i32
    %shift_left3A_413 = vector.broadcast %shift_left3A_412 : i32 to vector<16xi32>
    %shift_left3A_414 = arith.shli %shift_right_arithmetic3A_411, %shift_left3A_413 : vector<16xi32>
    %add3A_415 = arith.addi %shift_left3A_414, %shift_left3A_8 : vector<16xi32>
    %and3A_416 = arith.constant 7 : i32
    %and3A_417 = vector.broadcast %and3A_416 : i32 to vector<16xi32>
    %and3A_418 = arith.andi %gather3A_408, %and3A_417 : vector<16xi32>
    %add3A_419 = arith.addi %add3A_415, %and3A_418 : vector<16xi32>
    %swap3A_420 = arith.constant 96 : index
    %swap3A_421 = tpu.vector_load %arg8[%swap3A_420] {strides = array<i32>} : memref<256xi32, #tpu.memory_space<vmem>>, vector<16xi32>,
    tpu.vector_store %arg8[%swap3A_420], %add3A_419 {strides = array<i32>} : memref<256xi32, #tpu.memory_space<vmem>>, vector<16xi32>,
    %add3A_422 = arith.constant 46 : i32
    %add3A_423 = vector.broadcast %add3A_422 : i32 to vector<16xi32>
    %add3A_424 = arith.addi %shift_right_arithmetic3A_4, %add3A_423 : vector<16xi32>
    %gather3A_425 = tpu.vector_load_idx %arg6[%add3A_424] : memref<128xi32, #tpu.memory_space<vmem>>[vector<16xi32>], vector<16xi32>,
    %shift_right_arithmetic3A_426 = arith.constant 3 : i32
    %shift_right_arithmetic3A_427 = vector.broadcast %shift_right_arithmetic3A_426 : i32 to vector<16xi32>
    %shift_right_arithmetic3A_428 = arith.shrsi %gather3A_425, %shift_right_arithmetic3A_427 : vector<16xi32>
    %shift_left3A_429 = arith.constant 6 : i32
    %shift_left3A_430 = vector.broadcast %shift_left3A_429 : i32 to vector<16xi32>
    %shift_left3A_431 = arith.shli %shift_right_arithmetic3A_428, %shift_left3A_430 : vector<16xi32>
    %add3A_432 = arith.addi %shift_left3A_431, %shift_left3A_8 : vector<16xi32>
    %and3A_433 = arith.constant 7 : i32
    %and3A_434 = vector.broadcast %and3A_433 : i32 to vector<16xi32>
    %and3A_435 = arith.andi %gather3A_425, %and3A_434 : vector<16xi32>
    %add3A_436 = arith.addi %add3A_432, %and3A_435 : vector<16xi32>
    %swap3A_437 = arith.constant 112 : index
    %swap3A_438 = tpu.vector_load %arg8[%swap3A_437] {strides = array<i32>} : memref<256xi32, #tpu.memory_space<vmem>>, vector<16xi32>,
    tpu.vector_store %arg8[%swap3A_437], %add3A_436 {strides = array<i32>} : memref<256xi32, #tpu.memory_space<vmem>>, vector<16xi32>,
    %add3A_439 = arith.constant 48 : i32
    %add3A_440 = vector.broadcast %add3A_439 : i32 to vector<16xi32>
    %add3A_441 = arith.addi %shift_right_arithmetic3A_4, %add3A_440 : vector<16xi32>
    %gather3A_442 = tpu.vector_load_idx %arg6[%add3A_441] : memref<128xi32, #tpu.memory_space<vmem>>[vector<16xi32>], vector<16xi32>,
    %shift_right_arithmetic3A_443 = arith.constant 3 : i32
    %shift_right_arithmetic3A_444 = vector.broadcast %shift_right_arithmetic3A_443 : i32 to vector<16xi32>
    %shift_right_arithmetic3A_445 = arith.shrsi %gather3A_442, %shift_right_arithmetic3A_444 : vector<16xi32>
    %shift_left3A_446 = arith.constant 6 : i32
    %shift_left3A_447 = vector.broadcast %shift_left3A_446 : i32 to vector<16xi32>
    %shift_left3A_448 = arith.shli %shift_right_arithmetic3A_445, %shift_left3A_447 : vector<16xi32>
    %add3A_449 = arith.addi %shift_left3A_448, %shift_left3A_8 : vector<16xi32>
    %and3A_450 = arith.constant 7 : i32
    %and3A_451 = vector.broadcast %and3A_450 : i32 to vector<16xi32>
    %and3A_452 = arith.andi %gather3A_442, %and3A_451 : vector<16xi32>
    %add3A_453 = arith.addi %add3A_449, %and3A_452 : vector<16xi32>
    %swap3A_454 = arith.constant 128 : index
    %swap3A_455 = tpu.vector_load %arg8[%swap3A_454] {strides = array<i32>} : memref<256xi32, #tpu.memory_space<vmem>>, vector<16xi32>,
    tpu.vector_store %arg8[%swap3A_454], %add3A_453 {strides = array<i32>} : memref<256xi32, #tpu.memory_space<vmem>>, vector<16xi32>,
    %add3A_456 = arith.constant 50 : i32
    %add3A_457 = vector.broadcast %add3A_456 : i32 to vector<16xi32>
    %add3A_458 = arith.addi %shift_right_arithmetic3A_4, %add3A_457 : vector<16xi32>
    %gather3A_459 = tpu.vector_load_idx %arg6[%add3A_458] : memref<128xi32, #tpu.memory_space<vmem>>[vector<16xi32>], vector<16xi32>,
    %shift_right_arithmetic3A_460 = arith.constant 3 : i32
    %shift_right_arithmetic3A_461 = vector.broadcast %shift_right_arithmetic3A_460 : i32 to vector<16xi32>
    %shift_right_arithmetic3A_462 = arith.shrsi %gather3A_459, %shift_right_arithmetic3A_461 : vector<16xi32>
    %shift_left3A_463 = arith.constant 6 : i32
    %shift_left3A_464 = vector.broadcast %shift_left3A_463 : i32 to vector<16xi32>
    %shift_left3A_465 = arith.shli %shift_right_arithmetic3A_462, %shift_left3A_464 : vector<16xi32>
    %add3A_466 = arith.addi %shift_left3A_465, %shift_left3A_8 : vector<16xi32>
    %and3A_467 = arith.constant 7 : i32
    %and3A_468 = vector.broadcast %and3A_467 : i32 to vector<16xi32>
    %and3A_469 = arith.andi %gather3A_459, %and3A_468 : vector<16xi32>
    %add3A_470 = arith.addi %add3A_466, %and3A_469 : vector<16xi32>
    %swap3A_471 = arith.constant 144 : index
    %swap3A_472 = tpu.vector_load %arg8[%swap3A_471] {strides = array<i32>} : memref<256xi32, #tpu.memory_space<vmem>>, vector<16xi32>,
    tpu.vector_store %arg8[%swap3A_471], %add3A_470 {strides = array<i32>} : memref<256xi32, #tpu.memory_space<vmem>>, vector<16xi32>,
    %add3A_473 = arith.constant 52 : i32
    %add3A_474 = vector.broadcast %add3A_473 : i32 to vector<16xi32>
    %add3A_475 = arith.addi %shift_right_arithmetic3A_4, %add3A_474 : vector<16xi32>
    %gather3A_476 = tpu.vector_load_idx %arg6[%add3A_475] : memref<128xi32, #tpu.memory_space<vmem>>[vector<16xi32>], vector<16xi32>,
    %shift_right_arithmetic3A_477 = arith.constant 3 : i32
    %shift_right_arithmetic3A_478 = vector.broadcast %shift_right_arithmetic3A_477 : i32 to vector<16xi32>
    %shift_right_arithmetic3A_479 = arith.shrsi %gather3A_476, %shift_right_arithmetic3A_478 : vector<16xi32>
    %shift_left3A_480 = arith.constant 6 : i32
    %shift_left3A_481 = vector.broadcast %shift_left3A_480 : i32 to vector<16xi32>
    %shift_left3A_482 = arith.shli %shift_right_arithmetic3A_479, %shift_left3A_481 : vector<16xi32>
    %add3A_483 = arith.addi %shift_left3A_482, %shift_left3A_8 : vector<16xi32>
    %and3A_484 = arith.constant 7 : i32
    %and3A_485 = vector.broadcast %and3A_484 : i32 to vector<16xi32>
    %and3A_486 = arith.andi %gather3A_476, %and3A_485 : vector<16xi32>
    %add3A_487 = arith.addi %add3A_483, %and3A_486 : vector<16xi32>
    %swap3A_488 = arith.constant 160 : index
    %swap3A_489 = tpu.vector_load %arg8[%swap3A_488] {strides = array<i32>} : memref<256xi32, #tpu.memory_space<vmem>>, vector<16xi32>,
    tpu.vector_store %arg8[%swap3A_488], %add3A_487 {strides = array<i32>} : memref<256xi32, #tpu.memory_space<vmem>>, vector<16xi32>,
    %add3A_490 = arith.constant 54 : i32
    %add3A_491 = vector.broadcast %add3A_490 : i32 to vector<16xi32>
    %add3A_492 = arith.addi %shift_right_arithmetic3A_4, %add3A_491 : vector<16xi32>
    %gather3A_493 = tpu.vector_load_idx %arg6[%add3A_492] : memref<128xi32, #tpu.memory_space<vmem>>[vector<16xi32>], vector<16xi32>,
    %shift_right_arithmetic3A_494 = arith.constant 3 : i32
    %shift_right_arithmetic3A_495 = vector.broadcast %shift_right_arithmetic3A_494 : i32 to vector<16xi32>
    %shift_right_arithmetic3A_496 = arith.shrsi %gather3A_493, %shift_right_arithmetic3A_495 : vector<16xi32>
    %shift_left3A_497 = arith.constant 6 : i32
    %shift_left3A_498 = vector.broadcast %shift_left3A_497 : i32 to vector<16xi32>
    %shift_left3A_499 = arith.shli %shift_right_arithmetic3A_496, %shift_left3A_498 : vector<16xi32>
    %add3A_500 = arith.addi %shift_left3A_499, %shift_left3A_8 : vector<16xi32>
    %and3A_501 = arith.constant 7 : i32
    %and3A_502 = vector.broadcast %and3A_501 : i32 to vector<16xi32>
    %and3A_503 = arith.andi %gather3A_493, %and3A_502 : vector<16xi32>
    %add3A_504 = arith.addi %add3A_500, %and3A_503 : vector<16xi32>
    %swap3A_505 = arith.constant 176 : index
    %swap3A_506 = tpu.vector_load %arg8[%swap3A_505] {strides = array<i32>} : memref<256xi32, #tpu.memory_space<vmem>>, vector<16xi32>,
    tpu.vector_store %arg8[%swap3A_505], %add3A_504 {strides = array<i32>} : memref<256xi32, #tpu.memory_space<vmem>>, vector<16xi32>,
    %add3A_507 = arith.constant 56 : i32
    %add3A_508 = vector.broadcast %add3A_507 : i32 to vector<16xi32>
    %add3A_509 = arith.addi %shift_right_arithmetic3A_4, %add3A_508 : vector<16xi32>
    %gather3A_510 = tpu.vector_load_idx %arg6[%add3A_509] : memref<128xi32, #tpu.memory_space<vmem>>[vector<16xi32>], vector<16xi32>,
    %shift_right_arithmetic3A_511 = arith.constant 3 : i32
    %shift_right_arithmetic3A_512 = vector.broadcast %shift_right_arithmetic3A_511 : i32 to vector<16xi32>
    %shift_right_arithmetic3A_513 = arith.shrsi %gather3A_510, %shift_right_arithmetic3A_512 : vector<16xi32>
    %shift_left3A_514 = arith.constant 6 : i32
    %shift_left3A_515 = vector.broadcast %shift_left3A_514 : i32 to vector<16xi32>
    %shift_left3A_516 = arith.shli %shift_right_arithmetic3A_513, %shift_left3A_515 : vector<16xi32>
    %add3A_517 = arith.addi %shift_left3A_516, %shift_left3A_8 : vector<16xi32>
    %and3A_518 = arith.constant 7 : i32
    %and3A_519 = vector.broadcast %and3A_518 : i32 to vector<16xi32>
    %and3A_520 = arith.andi %gather3A_510, %and3A_519 : vector<16xi32>
    %add3A_521 = arith.addi %add3A_517, %and3A_520 : vector<16xi32>
    %swap3A_522 = arith.constant 192 : index
    %swap3A_523 = tpu.vector_load %arg8[%swap3A_522] {strides = array<i32>} : memref<256xi32, #tpu.memory_space<vmem>>, vector<16xi32>,
    tpu.vector_store %arg8[%swap3A_522], %add3A_521 {strides = array<i32>} : memref<256xi32, #tpu.memory_space<vmem>>, vector<16xi32>,
    %add3A_524 = arith.constant 58 : i32
    %add3A_525 = vector.broadcast %add3A_524 : i32 to vector<16xi32>
    %add3A_526 = arith.addi %shift_right_arithmetic3A_4, %add3A_525 : vector<16xi32>
    %gather3A_527 = tpu.vector_load_idx %arg6[%add3A_526] : memref<128xi32, #tpu.memory_space<vmem>>[vector<16xi32>], vector<16xi32>,
    %shift_right_arithmetic3A_528 = arith.constant 3 : i32
    %shift_right_arithmetic3A_529 = vector.broadcast %shift_right_arithmetic3A_528 : i32 to vector<16xi32>
    %shift_right_arithmetic3A_530 = arith.shrsi %gather3A_527, %shift_right_arithmetic3A_529 : vector<16xi32>
    %shift_left3A_531 = arith.constant 6 : i32
    %shift_left3A_532 = vector.broadcast %shift_left3A_531 : i32 to vector<16xi32>
    %shift_left3A_533 = arith.shli %shift_right_arithmetic3A_530, %shift_left3A_532 : vector<16xi32>
    %add3A_534 = arith.addi %shift_left3A_533, %shift_left3A_8 : vector<16xi32>
    %and3A_535 = arith.constant 7 : i32
    %and3A_536 = vector.broadcast %and3A_535 : i32 to vector<16xi32>
    %and3A_537 = arith.andi %gather3A_527, %and3A_536 : vector<16xi32>
    %add3A_538 = arith.addi %add3A_534, %and3A_537 : vector<16xi32>
    %swap3A_539 = arith.constant 208 : index
    %swap3A_540 = tpu.vector_load %arg8[%swap3A_539] {strides = array<i32>} : memref<256xi32, #tpu.memory_space<vmem>>, vector<16xi32>,
    tpu.vector_store %arg8[%swap3A_539], %add3A_538 {strides = array<i32>} : memref<256xi32, #tpu.memory_space<vmem>>, vector<16xi32>,
    %add3A_541 = arith.constant 60 : i32
    %add3A_542 = vector.broadcast %add3A_541 : i32 to vector<16xi32>
    %add3A_543 = arith.addi %shift_right_arithmetic3A_4, %add3A_542 : vector<16xi32>
    %gather3A_544 = tpu.vector_load_idx %arg6[%add3A_543] : memref<128xi32, #tpu.memory_space<vmem>>[vector<16xi32>], vector<16xi32>,
    %shift_right_arithmetic3A_545 = arith.constant 3 : i32
    %shift_right_arithmetic3A_546 = vector.broadcast %shift_right_arithmetic3A_545 : i32 to vector<16xi32>
    %shift_right_arithmetic3A_547 = arith.shrsi %gather3A_544, %shift_right_arithmetic3A_546 : vector<16xi32>
    %shift_left3A_548 = arith.constant 6 : i32
    %shift_left3A_549 = vector.broadcast %shift_left3A_548 : i32 to vector<16xi32>
    %shift_left3A_550 = arith.shli %shift_right_arithmetic3A_547, %shift_left3A_549 : vector<16xi32>
    %add3A_551 = arith.addi %shift_left3A_550, %shift_left3A_8 : vector<16xi32>
    %and3A_552 = arith.constant 7 : i32
    %and3A_553 = vector.broadcast %and3A_552 : i32 to vector<16xi32>
    %and3A_554 = arith.andi %gather3A_544, %and3A_553 : vector<16xi32>
    %add3A_555 = arith.addi %add3A_551, %and3A_554 : vector<16xi32>
    %swap3A_556 = arith.constant 224 : index
    %swap3A_557 = tpu.vector_load %arg8[%swap3A_556] {strides = array<i32>} : memref<256xi32, #tpu.memory_space<vmem>>, vector<16xi32>,
    tpu.vector_store %arg8[%swap3A_556], %add3A_555 {strides = array<i32>} : memref<256xi32, #tpu.memory_space<vmem>>, vector<16xi32>,
    %add3A_558 = arith.constant 62 : i32
    %add3A_559 = vector.broadcast %add3A_558 : i32 to vector<16xi32>
    %add3A_560 = arith.addi %shift_right_arithmetic3A_4, %add3A_559 : vector<16xi32>
    %gather3A_561 = tpu.vector_load_idx %arg6[%add3A_560] : memref<128xi32, #tpu.memory_space<vmem>>[vector<16xi32>], vector<16xi32>,
    %shift_right_arithmetic3A_562 = arith.constant 3 : i32
    %shift_right_arithmetic3A_563 = vector.broadcast %shift_right_arithmetic3A_562 : i32 to vector<16xi32>
    %shift_right_arithmetic3A_564 = arith.shrsi %gather3A_561, %shift_right_arithmetic3A_563 : vector<16xi32>
    %shift_left3A_565 = arith.constant 6 : i32
    %shift_left3A_566 = vector.broadcast %shift_left3A_565 : i32 to vector<16xi32>
    %shift_left3A_567 = arith.shli %shift_right_arithmetic3A_564, %shift_left3A_566 : vector<16xi32>
    %add3A_568 = arith.addi %shift_left3A_567, %shift_left3A_8 : vector<16xi32>
    %and3A_569 = arith.constant 7 : i32
    %and3A_570 = vector.broadcast %and3A_569 : i32 to vector<16xi32>
    %and3A_571 = arith.andi %gather3A_561, %and3A_570 : vector<16xi32>
    %add3A_572 = arith.addi %add3A_568, %and3A_571 : vector<16xi32>
    %swap3A_573 = arith.constant 240 : index
    %swap3A_574 = tpu.vector_load %arg8[%swap3A_573] {strides = array<i32>} : memref<256xi32, #tpu.memory_space<vmem>>, vector<16xi32>,
    tpu.vector_store %arg8[%swap3A_573], %add3A_572 {strides = array<i32>} : memref<256xi32, #tpu.memory_space<vmem>>, vector<16xi32>,
    %dma_start3A_575 = arith.constant 0 : i32
    %dma_start3A_576 = arith.constant 0 : i32
    %dma_start3A_577 = tpu.memref_slice %arg10[%dma_start3A_575, %dma_start3A_576] : memref<256x128xf32, #tpu.memory_space<vmem>> -> memref<128x128xf32, #tpu.memory_space<vmem>>
    %dma_start3A_578 = arith.constant 0 : i32
    %dma_start3A_579 = tpu.memref_slice %arg8[%dma_start3A_578] : memref<256xi32, #tpu.memory_space<vmem>> -> memref<128xi32, #tpu.memory_space<vmem>>
    %dma_start3A_580 = arith.constant 0 : i32
    %dma_start3A_581 = arith.constant 0 : i32
    %dma_start3A_582 = tpu.memref_slice %arg2[%dma_start3A_580, %dma_start3A_581] : memref<8000x128xf32, #tpu.memory_space<hbm>> -> memref<8000x128xf32, #tpu.memory_space<hbm>>
    tpu.enqueue_indirect_dma source(%dma_start3A_582 : memref<8000x128xf32, #tpu.memory_space<hbm>>) target(%dma_start3A_577 : memref<128x128xf32, #tpu.memory_space<vmem>>) offsets(%dma_start3A_579 : memref<128xi32, #tpu.memory_space<vmem>>) semaphore(%arg14 : memref<!tpu.dma_semaphore, #tpu.memory_space<semaphore_mem>>)
    %dma_start3A_583 = arith.constant 128 : i32
    %dma_start3A_584 = arith.constant 0 : i32
    %dma_start3A_585 = tpu.memref_slice %arg10[%dma_start3A_583, %dma_start3A_584] : memref<256x128xf32, #tpu.memory_space<vmem>> -> memref<128x128xf32, #tpu.memory_space<vmem>>
    %dma_start3A_586 = arith.constant 128 : i32
    %dma_start3A_587 = tpu.memref_slice %arg8[%dma_start3A_586] : memref<256xi32, #tpu.memory_space<vmem>> -> memref<128xi32, #tpu.memory_space<vmem>>
    %dma_start3A_588 = arith.constant 0 : i32
    %dma_start3A_589 = arith.constant 0 : i32
    %dma_start3A_590 = tpu.memref_slice %arg2[%dma_start3A_588, %dma_start3A_589] : memref<8000x128xf32, #tpu.memory_space<hbm>> -> memref<8000x128xf32, #tpu.memory_space<hbm>>
    tpu.enqueue_indirect_dma source(%dma_start3A_590 : memref<8000x128xf32, #tpu.memory_space<hbm>>) target(%dma_start3A_585 : memref<128x128xf32, #tpu.memory_space<vmem>>) offsets(%dma_start3A_587 : memref<128xi32, #tpu.memory_space<vmem>>) semaphore(%arg14 : memref<!tpu.dma_semaphore, #tpu.memory_space<semaphore_mem>>)
    %dma_wait3A_591 = arith.constant 0 : i32
    %dma_wait3A_592 = arith.constant 0 : i32
    %dma_wait3A_593 = tpu.memref_slice %arg9[%dma_wait3A_591, %dma_wait3A_592] : memref<256x128xf32, #tpu.memory_space<vmem>> -> memref<128x128xf32, #tpu.memory_space<vmem>>
    %dma_wait3A_594 = arith.constant 0 : i32
    %dma_wait3A_595 = tpu.memref_slice %arg7[%dma_wait3A_594] : memref<256xi32, #tpu.memory_space<vmem>> -> memref<128xi32, #tpu.memory_space<vmem>>
    %dma_wait3A_596 = arith.constant 0 : i32
    %dma_wait3A_597 = arith.constant 0 : i32
    %dma_wait3A_598 = tpu.memref_slice %arg2[%dma_wait3A_596, %dma_wait3A_597] : memref<8000x128xf32, #tpu.memory_space<hbm>> -> memref<8000x128xf32, #tpu.memory_space<hbm>>
    tpu.wait_indirect_dma semaphore(%arg13 : memref<!tpu.dma_semaphore, #tpu.memory_space<semaphore_mem>>) src(%dma_wait3A_598 : memref<8000x128xf32, #tpu.memory_space<hbm>>) dst(%dma_wait3A_593 : memref<128x128xf32, #tpu.memory_space<vmem>>)
    %dma_wait3A_599 = arith.constant 128 : i32
    %dma_wait3A_600 = arith.constant 0 : i32
    %dma_wait3A_601 = tpu.memref_slice %arg9[%dma_wait3A_599, %dma_wait3A_600] : memref<256x128xf32, #tpu.memory_space<vmem>> -> memref<128x128xf32, #tpu.memory_space<vmem>>
    %dma_wait3A_602 = arith.constant 128 : i32
    %dma_wait3A_603 = tpu.memref_slice %arg7[%dma_wait3A_602] : memref<256xi32, #tpu.memory_space<vmem>> -> memref<128xi32, #tpu.memory_space<vmem>>
    %dma_wait3A_604 = arith.constant 0 : i32
    %dma_wait3A_605 = arith.constant 0 : i32
    %dma_wait3A_606 = tpu.memref_slice %arg2[%dma_wait3A_604, %dma_wait3A_605] : memref<8000x128xf32, #tpu.memory_space<hbm>> -> memref<8000x128xf32, #tpu.memory_space<hbm>>
    tpu.wait_indirect_dma semaphore(%arg13 : memref<!tpu.dma_semaphore, #tpu.memory_space<semaphore_mem>>) src(%dma_wait3A_606 : memref<8000x128xf32, #tpu.memory_space<hbm>>) dst(%dma_wait3A_601 : memref<128x128xf32, #tpu.memory_space<vmem>>)
    %parallel_loop3A = arith.constant 0 : i32
    %parallel_loop3A_607 = arith.constant 32 : i32
    %parallel_loop3A_608 = arith.constant 1 : i32
    scf.for %parallel_loop3A_1248 = %parallel_loop3A to %parallel_loop3A_607 step %parallel_loop3A_608  : i32 {
      %parallel_loop3A_1249 = arith.constant 8 : i32
      %parallel_loop3A_1250 = arith.muli %parallel_loop3A_1249, %parallel_loop3A_1248 : i32
      %parallel_loop3A_1251 = vector.broadcast %parallel_loop3A_1250 : i32 to vector<16xi32>
      %parallel_loop3A_1252 = arith.constant 0 : i32
      %parallel_loop3A_1253 = arith.addi %parallel_loop3A_1252, %parallel_loop3A_1248 : i32
      %parallel_loop3A_1254 = arith.constant 2 : i32
      %parallel_loop3A_1255 = arith.muli %parallel_loop3A_1254, %parallel_loop3A_1253 : i32
      %parallel_loop3A_1256 = arith.constant 0 : i32
      %parallel_loop3A_1257 = arith.addi %parallel_loop3A_1255, %parallel_loop3A_1256 : i32
      %parallel_loop3A_1258 = arith.index_cast %parallel_loop3A_1257 : i32 to index
      %parallel_loop3A_1259 = arith.constant 0 : index
      %parallel_loop3A_1260 = tpu.vector_load %arg11[%parallel_loop3A_1258, %parallel_loop3A_1259] {strides = array<i32>} : memref<256x128xi32, #tpu.memory_space<vmem>>, vector<16xi32>,
      %parallel_loop3A_1261 = arith.constant 7 : i32
      %parallel_loop3A_1262 = vector.broadcast %parallel_loop3A_1261 : i32 to vector<16xi32>
      %parallel_loop3A_1263 = arith.shrsi %parallel_loop3A_1260, %parallel_loop3A_1262 : vector<16xi32>
      %parallel_loop3A_1264 = arith.addi %parallel_loop3A_1251, %parallel_loop3A_1263 : vector<16xi32>
      %parallel_loop3A_1265 = arith.constant 127 : i32
      %parallel_loop3A_1266 = vector.broadcast %parallel_loop3A_1265 : i32 to vector<16xi32>
      %parallel_loop3A_1267 = arith.andi %parallel_loop3A_1260, %parallel_loop3A_1266 : vector<16xi32>
      %parallel_loop3A_1268 = tpu.vector_load_idx %arg9[%parallel_loop3A_1264, %parallel_loop3A_1267] : memref<256x128xf32, #tpu.memory_space<vmem>>[vector<16xi32>, vector<16xi32>], vector<16xf32>,
      %parallel_loop3A_1269 = arith.constant 0 : i32
      %parallel_loop3A_1270 = arith.addi %parallel_loop3A_1269, %parallel_loop3A_1248 : i32
      %parallel_loop3A_1271 = arith.constant 2 : i32
      %parallel_loop3A_1272 = arith.muli %parallel_loop3A_1271, %parallel_loop3A_1270 : i32
      %parallel_loop3A_1273 = arith.constant 0 : i32
      %parallel_loop3A_1274 = arith.addi %parallel_loop3A_1272, %parallel_loop3A_1273 : i32
      %parallel_loop3A_1275 = arith.index_cast %parallel_loop3A_1274 : i32 to index
      %parallel_loop3A_1276 = arith.constant 16 : index
      %parallel_loop3A_1277 = tpu.vector_load %arg11[%parallel_loop3A_1275, %parallel_loop3A_1276] {strides = array<i32>} : memref<256x128xi32, #tpu.memory_space<vmem>>, vector<16xi32>,
      %parallel_loop3A_1278 = arith.constant 7 : i32
      %parallel_loop3A_1279 = vector.broadcast %parallel_loop3A_1278 : i32 to vector<16xi32>
      %parallel_loop3A_1280 = arith.shrsi %parallel_loop3A_1277, %parallel_loop3A_1279 : vector<16xi32>
      %parallel_loop3A_1281 = arith.addi %parallel_loop3A_1251, %parallel_loop3A_1280 : vector<16xi32>
      %parallel_loop3A_1282 = arith.constant 127 : i32
      %parallel_loop3A_1283 = vector.broadcast %parallel_loop3A_1282 : i32 to vector<16xi32>
      %parallel_loop3A_1284 = arith.andi %parallel_loop3A_1277, %parallel_loop3A_1283 : vector<16xi32>
      %parallel_loop3A_1285 = tpu.vector_load_idx %arg9[%parallel_loop3A_1281, %parallel_loop3A_1284] : memref<256x128xf32, #tpu.memory_space<vmem>>[vector<16xi32>, vector<16xi32>], vector<16xf32>,
      %parallel_loop3A_1286 = arith.mulf %parallel_loop3A_1268, %parallel_loop3A_1285 : vector<16xf32>
      %parallel_loop3A_1287 = arith.constant 0 : i32
      %parallel_loop3A_1288 = arith.addi %parallel_loop3A_1287, %parallel_loop3A_1248 : i32
      %parallel_loop3A_1289 = arith.constant 2 : i32
      %parallel_loop3A_1290 = arith.muli %parallel_loop3A_1289, %parallel_loop3A_1288 : i32
      %parallel_loop3A_1291 = arith.constant 0 : i32
      %parallel_loop3A_1292 = arith.addi %parallel_loop3A_1290, %parallel_loop3A_1291 : i32
      %parallel_loop3A_1293 = arith.index_cast %parallel_loop3A_1292 : i32 to index
      %parallel_loop3A_1294 = arith.constant 32 : index
      %parallel_loop3A_1295 = tpu.vector_load %arg11[%parallel_loop3A_1293, %parallel_loop3A_1294] {strides = array<i32>} : memref<256x128xi32, #tpu.memory_space<vmem>>, vector<16xi32>,
      %parallel_loop3A_1296 = arith.constant 7 : i32
      %parallel_loop3A_1297 = vector.broadcast %parallel_loop3A_1296 : i32 to vector<16xi32>
      %parallel_loop3A_1298 = arith.shrsi %parallel_loop3A_1295, %parallel_loop3A_1297 : vector<16xi32>
      %parallel_loop3A_1299 = arith.addi %parallel_loop3A_1251, %parallel_loop3A_1298 : vector<16xi32>
      %parallel_loop3A_1300 = arith.constant 127 : i32
      %parallel_loop3A_1301 = vector.broadcast %parallel_loop3A_1300 : i32 to vector<16xi32>
      %parallel_loop3A_1302 = arith.andi %parallel_loop3A_1295, %parallel_loop3A_1301 : vector<16xi32>
      %parallel_loop3A_1303 = tpu.vector_load_idx %arg9[%parallel_loop3A_1299, %parallel_loop3A_1302] : memref<256x128xf32, #tpu.memory_space<vmem>>[vector<16xi32>, vector<16xi32>], vector<16xf32>,
      %parallel_loop3A_1304 = arith.mulf %parallel_loop3A_1286, %parallel_loop3A_1303 : vector<16xf32>
      %parallel_loop3A_1305 = arith.constant 0 : i32
      %parallel_loop3A_1306 = arith.addi %parallel_loop3A_1305, %parallel_loop3A_1248 : i32
      %parallel_loop3A_1307 = arith.constant 2 : i32
      %parallel_loop3A_1308 = arith.muli %parallel_loop3A_1307, %parallel_loop3A_1306 : i32
      %parallel_loop3A_1309 = arith.constant 0 : i32
      %parallel_loop3A_1310 = arith.addi %parallel_loop3A_1308, %parallel_loop3A_1309 : i32
      %parallel_loop3A_1311 = arith.index_cast %parallel_loop3A_1310 : i32 to index
      %parallel_loop3A_1312 = arith.constant 48 : index
      %parallel_loop3A_1313 = tpu.vector_load %arg11[%parallel_loop3A_1311, %parallel_loop3A_1312] {strides = array<i32>} : memref<256x128xi32, #tpu.memory_space<vmem>>, vector<16xi32>,
      %parallel_loop3A_1314 = arith.constant 7 : i32
      %parallel_loop3A_1315 = vector.broadcast %parallel_loop3A_1314 : i32 to vector<16xi32>
      %parallel_loop3A_1316 = arith.shrsi %parallel_loop3A_1313, %parallel_loop3A_1315 : vector<16xi32>
      %parallel_loop3A_1317 = arith.addi %parallel_loop3A_1251, %parallel_loop3A_1316 : vector<16xi32>
      %parallel_loop3A_1318 = arith.constant 127 : i32
      %parallel_loop3A_1319 = vector.broadcast %parallel_loop3A_1318 : i32 to vector<16xi32>
      %parallel_loop3A_1320 = arith.andi %parallel_loop3A_1313, %parallel_loop3A_1319 : vector<16xi32>
      %parallel_loop3A_1321 = tpu.vector_load_idx %arg9[%parallel_loop3A_1317, %parallel_loop3A_1320] : memref<256x128xf32, #tpu.memory_space<vmem>>[vector<16xi32>, vector<16xi32>], vector<16xf32>,
      %parallel_loop3A_1322 = arith.mulf %parallel_loop3A_1304, %parallel_loop3A_1321 : vector<16xf32>
      %parallel_loop3A_1323 = arith.constant 0 : i32
      %parallel_loop3A_1324 = arith.addi %parallel_loop3A_1323, %parallel_loop3A_1248 : i32
      %parallel_loop3A_1325 = arith.constant 2 : i32
      %parallel_loop3A_1326 = arith.muli %parallel_loop3A_1325, %parallel_loop3A_1324 : i32
      %parallel_loop3A_1327 = arith.constant 0 : i32
      %parallel_loop3A_1328 = arith.addi %parallel_loop3A_1326, %parallel_loop3A_1327 : i32
      %parallel_loop3A_1329 = arith.index_cast %parallel_loop3A_1328 : i32 to index
      %parallel_loop3A_1330 = arith.constant 64 : index
      %parallel_loop3A_1331 = tpu.vector_load %arg11[%parallel_loop3A_1329, %parallel_loop3A_1330] {strides = array<i32>} : memref<256x128xi32, #tpu.memory_space<vmem>>, vector<16xi32>,
      %parallel_loop3A_1332 = arith.constant 7 : i32
      %parallel_loop3A_1333 = vector.broadcast %parallel_loop3A_1332 : i32 to vector<16xi32>
      %parallel_loop3A_1334 = arith.shrsi %parallel_loop3A_1331, %parallel_loop3A_1333 : vector<16xi32>
      %parallel_loop3A_1335 = arith.addi %parallel_loop3A_1251, %parallel_loop3A_1334 : vector<16xi32>
      %parallel_loop3A_1336 = arith.constant 127 : i32
      %parallel_loop3A_1337 = vector.broadcast %parallel_loop3A_1336 : i32 to vector<16xi32>
      %parallel_loop3A_1338 = arith.andi %parallel_loop3A_1331, %parallel_loop3A_1337 : vector<16xi32>
      %parallel_loop3A_1339 = tpu.vector_load_idx %arg9[%parallel_loop3A_1335, %parallel_loop3A_1338] : memref<256x128xf32, #tpu.memory_space<vmem>>[vector<16xi32>, vector<16xi32>], vector<16xf32>,
      %parallel_loop3A_1340 = arith.mulf %parallel_loop3A_1322, %parallel_loop3A_1339 : vector<16xf32>
      %parallel_loop3A_1341 = arith.constant 0 : i32
      %parallel_loop3A_1342 = arith.addi %parallel_loop3A_1341, %parallel_loop3A_1248 : i32
      %parallel_loop3A_1343 = arith.constant 2 : i32
      %parallel_loop3A_1344 = arith.muli %parallel_loop3A_1343, %parallel_loop3A_1342 : i32
      %parallel_loop3A_1345 = arith.constant 0 : i32
      %parallel_loop3A_1346 = arith.addi %parallel_loop3A_1344, %parallel_loop3A_1345 : i32
      %parallel_loop3A_1347 = arith.index_cast %parallel_loop3A_1346 : i32 to index
      %parallel_loop3A_1348 = arith.constant 80 : index
      %parallel_loop3A_1349 = tpu.vector_load %arg11[%parallel_loop3A_1347, %parallel_loop3A_1348] {strides = array<i32>} : memref<256x128xi32, #tpu.memory_space<vmem>>, vector<16xi32>,
      %parallel_loop3A_1350 = arith.constant 7 : i32
      %parallel_loop3A_1351 = vector.broadcast %parallel_loop3A_1350 : i32 to vector<16xi32>
      %parallel_loop3A_1352 = arith.shrsi %parallel_loop3A_1349, %parallel_loop3A_1351 : vector<16xi32>
      %parallel_loop3A_1353 = arith.addi %parallel_loop3A_1251, %parallel_loop3A_1352 : vector<16xi32>
      %parallel_loop3A_1354 = arith.constant 127 : i32
      %parallel_loop3A_1355 = vector.broadcast %parallel_loop3A_1354 : i32 to vector<16xi32>
      %parallel_loop3A_1356 = arith.andi %parallel_loop3A_1349, %parallel_loop3A_1355 : vector<16xi32>
      %parallel_loop3A_1357 = tpu.vector_load_idx %arg9[%parallel_loop3A_1353, %parallel_loop3A_1356] : memref<256x128xf32, #tpu.memory_space<vmem>>[vector<16xi32>, vector<16xi32>], vector<16xf32>,
      %parallel_loop3A_1358 = arith.mulf %parallel_loop3A_1340, %parallel_loop3A_1357 : vector<16xf32>
      %parallel_loop3A_1359 = arith.constant 0 : i32
      %parallel_loop3A_1360 = arith.addi %parallel_loop3A_1359, %parallel_loop3A_1248 : i32
      %parallel_loop3A_1361 = arith.constant 2 : i32
      %parallel_loop3A_1362 = arith.muli %parallel_loop3A_1361, %parallel_loop3A_1360 : i32
      %parallel_loop3A_1363 = arith.constant 0 : i32
      %parallel_loop3A_1364 = arith.addi %parallel_loop3A_1362, %parallel_loop3A_1363 : i32
      %parallel_loop3A_1365 = arith.index_cast %parallel_loop3A_1364 : i32 to index
      %parallel_loop3A_1366 = arith.constant 96 : index
      %parallel_loop3A_1367 = tpu.vector_load %arg11[%parallel_loop3A_1365, %parallel_loop3A_1366] {strides = array<i32>} : memref<256x128xi32, #tpu.memory_space<vmem>>, vector<16xi32>,
      %parallel_loop3A_1368 = arith.constant 7 : i32
      %parallel_loop3A_1369 = vector.broadcast %parallel_loop3A_1368 : i32 to vector<16xi32>
      %parallel_loop3A_1370 = arith.shrsi %parallel_loop3A_1367, %parallel_loop3A_1369 : vector<16xi32>
      %parallel_loop3A_1371 = arith.addi %parallel_loop3A_1251, %parallel_loop3A_1370 : vector<16xi32>
      %parallel_loop3A_1372 = arith.constant 127 : i32
      %parallel_loop3A_1373 = vector.broadcast %parallel_loop3A_1372 : i32 to vector<16xi32>
      %parallel_loop3A_1374 = arith.andi %parallel_loop3A_1367, %parallel_loop3A_1373 : vector<16xi32>
      %parallel_loop3A_1375 = tpu.vector_load_idx %arg9[%parallel_loop3A_1371, %parallel_loop3A_1374] : memref<256x128xf32, #tpu.memory_space<vmem>>[vector<16xi32>, vector<16xi32>], vector<16xf32>,
      %parallel_loop3A_1376 = arith.mulf %parallel_loop3A_1358, %parallel_loop3A_1375 : vector<16xf32>
      %parallel_loop3A_1377 = arith.constant 0 : i32
      %parallel_loop3A_1378 = arith.addi %parallel_loop3A_1377, %parallel_loop3A_1248 : i32
      %parallel_loop3A_1379 = arith.constant 2 : i32
      %parallel_loop3A_1380 = arith.muli %parallel_loop3A_1379, %parallel_loop3A_1378 : i32
      %parallel_loop3A_1381 = arith.constant 0 : i32
      %parallel_loop3A_1382 = arith.addi %parallel_loop3A_1380, %parallel_loop3A_1381 : i32
      %parallel_loop3A_1383 = arith.index_cast %parallel_loop3A_1382 : i32 to index
      %parallel_loop3A_1384 = arith.constant 112 : index
      %parallel_loop3A_1385 = tpu.vector_load %arg11[%parallel_loop3A_1383, %parallel_loop3A_1384] {strides = array<i32>} : memref<256x128xi32, #tpu.memory_space<vmem>>, vector<16xi32>,
      %parallel_loop3A_1386 = arith.constant 7 : i32
      %parallel_loop3A_1387 = vector.broadcast %parallel_loop3A_1386 : i32 to vector<16xi32>
      %parallel_loop3A_1388 = arith.shrsi %parallel_loop3A_1385, %parallel_loop3A_1387 : vector<16xi32>
      %parallel_loop3A_1389 = arith.addi %parallel_loop3A_1251, %parallel_loop3A_1388 : vector<16xi32>
      %parallel_loop3A_1390 = arith.constant 127 : i32
      %parallel_loop3A_1391 = vector.broadcast %parallel_loop3A_1390 : i32 to vector<16xi32>
      %parallel_loop3A_1392 = arith.andi %parallel_loop3A_1385, %parallel_loop3A_1391 : vector<16xi32>
      %parallel_loop3A_1393 = tpu.vector_load_idx %arg9[%parallel_loop3A_1389, %parallel_loop3A_1392] : memref<256x128xf32, #tpu.memory_space<vmem>>[vector<16xi32>, vector<16xi32>], vector<16xf32>,
      %parallel_loop3A_1394 = arith.mulf %parallel_loop3A_1376, %parallel_loop3A_1393 : vector<16xf32>
      %parallel_loop3A_1395 = arith.constant 0 : i32
      %parallel_loop3A_1396 = arith.addi %parallel_loop3A_1395, %parallel_loop3A_1248 : i32
      %parallel_loop3A_1397 = arith.constant 2 : i32
      %parallel_loop3A_1398 = arith.muli %parallel_loop3A_1397, %parallel_loop3A_1396 : i32
      %parallel_loop3A_1399 = arith.constant 1 : i32
      %parallel_loop3A_1400 = arith.addi %parallel_loop3A_1398, %parallel_loop3A_1399 : i32
      %parallel_loop3A_1401 = arith.index_cast %parallel_loop3A_1400 : i32 to index
      %parallel_loop3A_1402 = arith.constant 0 : index
      %parallel_loop3A_1403 = tpu.vector_load %arg11[%parallel_loop3A_1401, %parallel_loop3A_1402] {strides = array<i32>} : memref<256x128xi32, #tpu.memory_space<vmem>>, vector<16xi32>,
      %parallel_loop3A_1404 = arith.constant 7 : i32
      %parallel_loop3A_1405 = vector.broadcast %parallel_loop3A_1404 : i32 to vector<16xi32>
      %parallel_loop3A_1406 = arith.shrsi %parallel_loop3A_1403, %parallel_loop3A_1405 : vector<16xi32>
      %parallel_loop3A_1407 = arith.addi %parallel_loop3A_1251, %parallel_loop3A_1406 : vector<16xi32>
      %parallel_loop3A_1408 = arith.constant 127 : i32
      %parallel_loop3A_1409 = vector.broadcast %parallel_loop3A_1408 : i32 to vector<16xi32>
      %parallel_loop3A_1410 = arith.andi %parallel_loop3A_1403, %parallel_loop3A_1409 : vector<16xi32>
      %parallel_loop3A_1411 = tpu.vector_load_idx %arg9[%parallel_loop3A_1407, %parallel_loop3A_1410] : memref<256x128xf32, #tpu.memory_space<vmem>>[vector<16xi32>, vector<16xi32>], vector<16xf32>,
      %parallel_loop3A_1412 = arith.mulf %parallel_loop3A_1394, %parallel_loop3A_1411 : vector<16xf32>
      %parallel_loop3A_1413 = arith.constant 0 : i32
      %parallel_loop3A_1414 = arith.addi %parallel_loop3A_1413, %parallel_loop3A_1248 : i32
      %parallel_loop3A_1415 = arith.constant 2 : i32
      %parallel_loop3A_1416 = arith.muli %parallel_loop3A_1415, %parallel_loop3A_1414 : i32
      %parallel_loop3A_1417 = arith.constant 1 : i32
      %parallel_loop3A_1418 = arith.addi %parallel_loop3A_1416, %parallel_loop3A_1417 : i32
      %parallel_loop3A_1419 = arith.index_cast %parallel_loop3A_1418 : i32 to index
      %parallel_loop3A_1420 = arith.constant 16 : index
      %parallel_loop3A_1421 = tpu.vector_load %arg11[%parallel_loop3A_1419, %parallel_loop3A_1420] {strides = array<i32>} : memref<256x128xi32, #tpu.memory_space<vmem>>, vector<16xi32>,
      %parallel_loop3A_1422 = arith.constant 7 : i32
      %parallel_loop3A_1423 = vector.broadcast %parallel_loop3A_1422 : i32 to vector<16xi32>
      %parallel_loop3A_1424 = arith.shrsi %parallel_loop3A_1421, %parallel_loop3A_1423 : vector<16xi32>
      %parallel_loop3A_1425 = arith.addi %parallel_loop3A_1251, %parallel_loop3A_1424 : vector<16xi32>
      %parallel_loop3A_1426 = arith.constant 127 : i32
      %parallel_loop3A_1427 = vector.broadcast %parallel_loop3A_1426 : i32 to vector<16xi32>
      %parallel_loop3A_1428 = arith.andi %parallel_loop3A_1421, %parallel_loop3A_1427 : vector<16xi32>
      %parallel_loop3A_1429 = tpu.vector_load_idx %arg9[%parallel_loop3A_1425, %parallel_loop3A_1428] : memref<256x128xf32, #tpu.memory_space<vmem>>[vector<16xi32>, vector<16xi32>], vector<16xf32>,
      %parallel_loop3A_1430 = arith.mulf %parallel_loop3A_1412, %parallel_loop3A_1429 : vector<16xf32>
      %parallel_loop3A_1431 = arith.constant 0 : i32
      %parallel_loop3A_1432 = arith.addi %parallel_loop3A_1431, %parallel_loop3A_1248 : i32
      %parallel_loop3A_1433 = arith.constant 2 : i32
      %parallel_loop3A_1434 = arith.muli %parallel_loop3A_1433, %parallel_loop3A_1432 : i32
      %parallel_loop3A_1435 = arith.constant 1 : i32
      %parallel_loop3A_1436 = arith.addi %parallel_loop3A_1434, %parallel_loop3A_1435 : i32
      %parallel_loop3A_1437 = arith.index_cast %parallel_loop3A_1436 : i32 to index
      %parallel_loop3A_1438 = arith.constant 32 : index
      %parallel_loop3A_1439 = tpu.vector_load %arg11[%parallel_loop3A_1437, %parallel_loop3A_1438] {strides = array<i32>} : memref<256x128xi32, #tpu.memory_space<vmem>>, vector<16xi32>,
      %parallel_loop3A_1440 = arith.constant 7 : i32
      %parallel_loop3A_1441 = vector.broadcast %parallel_loop3A_1440 : i32 to vector<16xi32>
      %parallel_loop3A_1442 = arith.shrsi %parallel_loop3A_1439, %parallel_loop3A_1441 : vector<16xi32>
      %parallel_loop3A_1443 = arith.addi %parallel_loop3A_1251, %parallel_loop3A_1442 : vector<16xi32>
      %parallel_loop3A_1444 = arith.constant 127 : i32
      %parallel_loop3A_1445 = vector.broadcast %parallel_loop3A_1444 : i32 to vector<16xi32>
      %parallel_loop3A_1446 = arith.andi %parallel_loop3A_1439, %parallel_loop3A_1445 : vector<16xi32>
      %parallel_loop3A_1447 = tpu.vector_load_idx %arg9[%parallel_loop3A_1443, %parallel_loop3A_1446] : memref<256x128xf32, #tpu.memory_space<vmem>>[vector<16xi32>, vector<16xi32>], vector<16xf32>,
      %parallel_loop3A_1448 = arith.mulf %parallel_loop3A_1430, %parallel_loop3A_1447 : vector<16xf32>
      %parallel_loop3A_1449 = arith.constant 0 : i32
      %parallel_loop3A_1450 = arith.addi %parallel_loop3A_1449, %parallel_loop3A_1248 : i32
      %parallel_loop3A_1451 = arith.constant 2 : i32
      %parallel_loop3A_1452 = arith.muli %parallel_loop3A_1451, %parallel_loop3A_1450 : i32
      %parallel_loop3A_1453 = arith.constant 1 : i32
      %parallel_loop3A_1454 = arith.addi %parallel_loop3A_1452, %parallel_loop3A_1453 : i32
      %parallel_loop3A_1455 = arith.index_cast %parallel_loop3A_1454 : i32 to index
      %parallel_loop3A_1456 = arith.constant 48 : index
      %parallel_loop3A_1457 = tpu.vector_load %arg11[%parallel_loop3A_1455, %parallel_loop3A_1456] {strides = array<i32>} : memref<256x128xi32, #tpu.memory_space<vmem>>, vector<16xi32>,
      %parallel_loop3A_1458 = arith.constant 7 : i32
      %parallel_loop3A_1459 = vector.broadcast %parallel_loop3A_1458 : i32 to vector<16xi32>
      %parallel_loop3A_1460 = arith.shrsi %parallel_loop3A_1457, %parallel_loop3A_1459 : vector<16xi32>
      %parallel_loop3A_1461 = arith.addi %parallel_loop3A_1251, %parallel_loop3A_1460 : vector<16xi32>
      %parallel_loop3A_1462 = arith.constant 127 : i32
      %parallel_loop3A_1463 = vector.broadcast %parallel_loop3A_1462 : i32 to vector<16xi32>
      %parallel_loop3A_1464 = arith.andi %parallel_loop3A_1457, %parallel_loop3A_1463 : vector<16xi32>
      %parallel_loop3A_1465 = tpu.vector_load_idx %arg9[%parallel_loop3A_1461, %parallel_loop3A_1464] : memref<256x128xf32, #tpu.memory_space<vmem>>[vector<16xi32>, vector<16xi32>], vector<16xf32>,
      %parallel_loop3A_1466 = arith.mulf %parallel_loop3A_1448, %parallel_loop3A_1465 : vector<16xf32>
      %parallel_loop3A_1467 = arith.constant 0 : i32
      %parallel_loop3A_1468 = arith.addi %parallel_loop3A_1467, %parallel_loop3A_1248 : i32
      %parallel_loop3A_1469 = arith.constant 2 : i32
      %parallel_loop3A_1470 = arith.muli %parallel_loop3A_1469, %parallel_loop3A_1468 : i32
      %parallel_loop3A_1471 = arith.constant 1 : i32
      %parallel_loop3A_1472 = arith.addi %parallel_loop3A_1470, %parallel_loop3A_1471 : i32
      %parallel_loop3A_1473 = arith.index_cast %parallel_loop3A_1472 : i32 to index
      %parallel_loop3A_1474 = arith.constant 64 : index
      %parallel_loop3A_1475 = tpu.vector_load %arg11[%parallel_loop3A_1473, %parallel_loop3A_1474] {strides = array<i32>} : memref<256x128xi32, #tpu.memory_space<vmem>>, vector<16xi32>,
      %parallel_loop3A_1476 = arith.constant 7 : i32
      %parallel_loop3A_1477 = vector.broadcast %parallel_loop3A_1476 : i32 to vector<16xi32>
      %parallel_loop3A_1478 = arith.shrsi %parallel_loop3A_1475, %parallel_loop3A_1477 : vector<16xi32>
      %parallel_loop3A_1479 = arith.addi %parallel_loop3A_1251, %parallel_loop3A_1478 : vector<16xi32>
      %parallel_loop3A_1480 = arith.constant 127 : i32
      %parallel_loop3A_1481 = vector.broadcast %parallel_loop3A_1480 : i32 to vector<16xi32>
      %parallel_loop3A_1482 = arith.andi %parallel_loop3A_1475, %parallel_loop3A_1481 : vector<16xi32>
      %parallel_loop3A_1483 = tpu.vector_load_idx %arg9[%parallel_loop3A_1479, %parallel_loop3A_1482] : memref<256x128xf32, #tpu.memory_space<vmem>>[vector<16xi32>, vector<16xi32>], vector<16xf32>,
      %parallel_loop3A_1484 = arith.mulf %parallel_loop3A_1466, %parallel_loop3A_1483 : vector<16xf32>
      %parallel_loop3A_1485 = arith.constant 0 : i32
      %parallel_loop3A_1486 = arith.addi %parallel_loop3A_1485, %parallel_loop3A_1248 : i32
      %parallel_loop3A_1487 = arith.constant 2 : i32
      %parallel_loop3A_1488 = arith.muli %parallel_loop3A_1487, %parallel_loop3A_1486 : i32
      %parallel_loop3A_1489 = arith.constant 1 : i32
      %parallel_loop3A_1490 = arith.addi %parallel_loop3A_1488, %parallel_loop3A_1489 : i32
      %parallel_loop3A_1491 = arith.index_cast %parallel_loop3A_1490 : i32 to index
      %parallel_loop3A_1492 = arith.constant 80 : index
      %parallel_loop3A_1493 = tpu.vector_load %arg11[%parallel_loop3A_1491, %parallel_loop3A_1492] {strides = array<i32>} : memref<256x128xi32, #tpu.memory_space<vmem>>, vector<16xi32>,
      %parallel_loop3A_1494 = arith.constant 7 : i32
      %parallel_loop3A_1495 = vector.broadcast %parallel_loop3A_1494 : i32 to vector<16xi32>
      %parallel_loop3A_1496 = arith.shrsi %parallel_loop3A_1493, %parallel_loop3A_1495 : vector<16xi32>
      %parallel_loop3A_1497 = arith.addi %parallel_loop3A_1251, %parallel_loop3A_1496 : vector<16xi32>
      %parallel_loop3A_1498 = arith.constant 127 : i32
      %parallel_loop3A_1499 = vector.broadcast %parallel_loop3A_1498 : i32 to vector<16xi32>
      %parallel_loop3A_1500 = arith.andi %parallel_loop3A_1493, %parallel_loop3A_1499 : vector<16xi32>
      %parallel_loop3A_1501 = tpu.vector_load_idx %arg9[%parallel_loop3A_1497, %parallel_loop3A_1500] : memref<256x128xf32, #tpu.memory_space<vmem>>[vector<16xi32>, vector<16xi32>], vector<16xf32>,
      %parallel_loop3A_1502 = arith.constant 0 : i32
      %parallel_loop3A_1503 = arith.addi %parallel_loop3A_1502, %parallel_loop3A_1248 : i32
      %parallel_loop3A_1504 = arith.constant 32 : i32
      %parallel_loop3A_1505 = arith.muli %parallel_loop3A_1503, %parallel_loop3A_1504 : i32
      %parallel_loop3A_1506 = arith.index_cast %parallel_loop3A_1505 : i32 to index
      %parallel_loop3A_1507 = tpu.vector_load %arg12[%parallel_loop3A_1506] {strides = array<i32>} : memref<4096xf32, #tpu.memory_space<vmem>>, vector<16xf32>,
      tpu.vector_store %arg12[%parallel_loop3A_1506], %parallel_loop3A_1484 {strides = array<i32>} : memref<4096xf32, #tpu.memory_space<vmem>>, vector<16xf32>,
      %parallel_loop3A_1508 = arith.constant 0 : i32
      %parallel_loop3A_1509 = arith.addi %parallel_loop3A_1508, %parallel_loop3A_1248 : i32
      %parallel_loop3A_1510 = arith.constant 32 : i32
      %parallel_loop3A_1511 = arith.muli %parallel_loop3A_1509, %parallel_loop3A_1510 : i32
      %parallel_loop3A_1512 = arith.constant 16 : i32
      %parallel_loop3A_1513 = arith.addi %parallel_loop3A_1511, %parallel_loop3A_1512 : i32
      %parallel_loop3A_1514 = arith.index_cast %parallel_loop3A_1513 : i32 to index
      %parallel_loop3A_1515 = tpu.vector_load %arg12[%parallel_loop3A_1514] {strides = array<i32>} : memref<4096xf32, #tpu.memory_space<vmem>>, vector<16xf32>,
      tpu.vector_store %arg12[%parallel_loop3A_1514], %parallel_loop3A_1501 {strides = array<i32>} : memref<4096xf32, #tpu.memory_space<vmem>>, vector<16xf32>,
    } {sc.loop_unroll_factor = 4 : i64, sc.parallel_access}
    %add3A_609 = arith.constant 64 : i32
    %add3A_610 = vector.broadcast %add3A_609 : i32 to vector<16xi32>
    %add3A_611 = arith.addi %shift_right_arithmetic3A_4, %add3A_610 : vector<16xi32>
    %gather3A_612 = tpu.vector_load_idx %arg6[%add3A_611] : memref<128xi32, #tpu.memory_space<vmem>>[vector<16xi32>], vector<16xi32>,
    %shift_right_arithmetic3A_613 = arith.constant 3 : i32
    %shift_right_arithmetic3A_614 = vector.broadcast %shift_right_arithmetic3A_613 : i32 to vector<16xi32>
    %shift_right_arithmetic3A_615 = arith.shrsi %gather3A_612, %shift_right_arithmetic3A_614 : vector<16xi32>
    %shift_left3A_616 = arith.constant 6 : i32
    %shift_left3A_617 = vector.broadcast %shift_left3A_616 : i32 to vector<16xi32>
    %shift_left3A_618 = arith.shli %shift_right_arithmetic3A_615, %shift_left3A_617 : vector<16xi32>
    %add3A_619 = arith.addi %shift_left3A_618, %shift_left3A_8 : vector<16xi32>
    %and3A_620 = arith.constant 7 : i32
    %and3A_621 = vector.broadcast %and3A_620 : i32 to vector<16xi32>
    %and3A_622 = arith.andi %gather3A_612, %and3A_621 : vector<16xi32>
    %add3A_623 = arith.addi %add3A_619, %and3A_622 : vector<16xi32>
    %swap3A_624 = arith.constant 0 : index
    %swap3A_625 = tpu.vector_load %arg7[%swap3A_624] {strides = array<i32>} : memref<256xi32, #tpu.memory_space<vmem>>, vector<16xi32>,
    tpu.vector_store %arg7[%swap3A_624], %add3A_623 {strides = array<i32>} : memref<256xi32, #tpu.memory_space<vmem>>, vector<16xi32>,
    %add3A_626 = arith.constant 66 : i32
    %add3A_627 = vector.broadcast %add3A_626 : i32 to vector<16xi32>
    %add3A_628 = arith.addi %shift_right_arithmetic3A_4, %add3A_627 : vector<16xi32>
    %gather3A_629 = tpu.vector_load_idx %arg6[%add3A_628] : memref<128xi32, #tpu.memory_space<vmem>>[vector<16xi32>], vector<16xi32>,
    %shift_right_arithmetic3A_630 = arith.constant 3 : i32
    %shift_right_arithmetic3A_631 = vector.broadcast %shift_right_arithmetic3A_630 : i32 to vector<16xi32>
    %shift_right_arithmetic3A_632 = arith.shrsi %gather3A_629, %shift_right_arithmetic3A_631 : vector<16xi32>
    %shift_left3A_633 = arith.constant 6 : i32
    %shift_left3A_634 = vector.broadcast %shift_left3A_633 : i32 to vector<16xi32>
    %shift_left3A_635 = arith.shli %shift_right_arithmetic3A_632, %shift_left3A_634 : vector<16xi32>
    %add3A_636 = arith.addi %shift_left3A_635, %shift_left3A_8 : vector<16xi32>
    %and3A_637 = arith.constant 7 : i32
    %and3A_638 = vector.broadcast %and3A_637 : i32 to vector<16xi32>
    %and3A_639 = arith.andi %gather3A_629, %and3A_638 : vector<16xi32>
    %add3A_640 = arith.addi %add3A_636, %and3A_639 : vector<16xi32>
    %swap3A_641 = arith.constant 16 : index
    %swap3A_642 = tpu.vector_load %arg7[%swap3A_641] {strides = array<i32>} : memref<256xi32, #tpu.memory_space<vmem>>, vector<16xi32>,
    tpu.vector_store %arg7[%swap3A_641], %add3A_640 {strides = array<i32>} : memref<256xi32, #tpu.memory_space<vmem>>, vector<16xi32>,
    %add3A_643 = arith.constant 68 : i32
    %add3A_644 = vector.broadcast %add3A_643 : i32 to vector<16xi32>
    %add3A_645 = arith.addi %shift_right_arithmetic3A_4, %add3A_644 : vector<16xi32>
    %gather3A_646 = tpu.vector_load_idx %arg6[%add3A_645] : memref<128xi32, #tpu.memory_space<vmem>>[vector<16xi32>], vector<16xi32>,
    %shift_right_arithmetic3A_647 = arith.constant 3 : i32
    %shift_right_arithmetic3A_648 = vector.broadcast %shift_right_arithmetic3A_647 : i32 to vector<16xi32>
    %shift_right_arithmetic3A_649 = arith.shrsi %gather3A_646, %shift_right_arithmetic3A_648 : vector<16xi32>
    %shift_left3A_650 = arith.constant 6 : i32
    %shift_left3A_651 = vector.broadcast %shift_left3A_650 : i32 to vector<16xi32>
    %shift_left3A_652 = arith.shli %shift_right_arithmetic3A_649, %shift_left3A_651 : vector<16xi32>
    %add3A_653 = arith.addi %shift_left3A_652, %shift_left3A_8 : vector<16xi32>
    %and3A_654 = arith.constant 7 : i32
    %and3A_655 = vector.broadcast %and3A_654 : i32 to vector<16xi32>
    %and3A_656 = arith.andi %gather3A_646, %and3A_655 : vector<16xi32>
    %add3A_657 = arith.addi %add3A_653, %and3A_656 : vector<16xi32>
    %swap3A_658 = arith.constant 32 : index
    %swap3A_659 = tpu.vector_load %arg7[%swap3A_658] {strides = array<i32>} : memref<256xi32, #tpu.memory_space<vmem>>, vector<16xi32>,
    tpu.vector_store %arg7[%swap3A_658], %add3A_657 {strides = array<i32>} : memref<256xi32, #tpu.memory_space<vmem>>, vector<16xi32>,
    %add3A_660 = arith.constant 70 : i32
    %add3A_661 = vector.broadcast %add3A_660 : i32 to vector<16xi32>
    %add3A_662 = arith.addi %shift_right_arithmetic3A_4, %add3A_661 : vector<16xi32>
    %gather3A_663 = tpu.vector_load_idx %arg6[%add3A_662] : memref<128xi32, #tpu.memory_space<vmem>>[vector<16xi32>], vector<16xi32>,
    %shift_right_arithmetic3A_664 = arith.constant 3 : i32
    %shift_right_arithmetic3A_665 = vector.broadcast %shift_right_arithmetic3A_664 : i32 to vector<16xi32>
    %shift_right_arithmetic3A_666 = arith.shrsi %gather3A_663, %shift_right_arithmetic3A_665 : vector<16xi32>
    %shift_left3A_667 = arith.constant 6 : i32
    %shift_left3A_668 = vector.broadcast %shift_left3A_667 : i32 to vector<16xi32>
    %shift_left3A_669 = arith.shli %shift_right_arithmetic3A_666, %shift_left3A_668 : vector<16xi32>
    %add3A_670 = arith.addi %shift_left3A_669, %shift_left3A_8 : vector<16xi32>
    %and3A_671 = arith.constant 7 : i32
    %and3A_672 = vector.broadcast %and3A_671 : i32 to vector<16xi32>
    %and3A_673 = arith.andi %gather3A_663, %and3A_672 : vector<16xi32>
    %add3A_674 = arith.addi %add3A_670, %and3A_673 : vector<16xi32>
    %swap3A_675 = arith.constant 48 : index
    %swap3A_676 = tpu.vector_load %arg7[%swap3A_675] {strides = array<i32>} : memref<256xi32, #tpu.memory_space<vmem>>, vector<16xi32>,
    tpu.vector_store %arg7[%swap3A_675], %add3A_674 {strides = array<i32>} : memref<256xi32, #tpu.memory_space<vmem>>, vector<16xi32>,
    %add3A_677 = arith.constant 72 : i32
    %add3A_678 = vector.broadcast %add3A_677 : i32 to vector<16xi32>
    %add3A_679 = arith.addi %shift_right_arithmetic3A_4, %add3A_678 : vector<16xi32>
    %gather3A_680 = tpu.vector_load_idx %arg6[%add3A_679] : memref<128xi32, #tpu.memory_space<vmem>>[vector<16xi32>], vector<16xi32>,
    %shift_right_arithmetic3A_681 = arith.constant 3 : i32
    %shift_right_arithmetic3A_682 = vector.broadcast %shift_right_arithmetic3A_681 : i32 to vector<16xi32>
    %shift_right_arithmetic3A_683 = arith.shrsi %gather3A_680, %shift_right_arithmetic3A_682 : vector<16xi32>
    %shift_left3A_684 = arith.constant 6 : i32
    %shift_left3A_685 = vector.broadcast %shift_left3A_684 : i32 to vector<16xi32>
    %shift_left3A_686 = arith.shli %shift_right_arithmetic3A_683, %shift_left3A_685 : vector<16xi32>
    %add3A_687 = arith.addi %shift_left3A_686, %shift_left3A_8 : vector<16xi32>
    %and3A_688 = arith.constant 7 : i32
    %and3A_689 = vector.broadcast %and3A_688 : i32 to vector<16xi32>
    %and3A_690 = arith.andi %gather3A_680, %and3A_689 : vector<16xi32>
    %add3A_691 = arith.addi %add3A_687, %and3A_690 : vector<16xi32>
    %swap3A_692 = arith.constant 64 : index
    %swap3A_693 = tpu.vector_load %arg7[%swap3A_692] {strides = array<i32>} : memref<256xi32, #tpu.memory_space<vmem>>, vector<16xi32>,
    tpu.vector_store %arg7[%swap3A_692], %add3A_691 {strides = array<i32>} : memref<256xi32, #tpu.memory_space<vmem>>, vector<16xi32>,
    %add3A_694 = arith.constant 74 : i32
    %add3A_695 = vector.broadcast %add3A_694 : i32 to vector<16xi32>
    %add3A_696 = arith.addi %shift_right_arithmetic3A_4, %add3A_695 : vector<16xi32>
    %gather3A_697 = tpu.vector_load_idx %arg6[%add3A_696] : memref<128xi32, #tpu.memory_space<vmem>>[vector<16xi32>], vector<16xi32>,
    %shift_right_arithmetic3A_698 = arith.constant 3 : i32
    %shift_right_arithmetic3A_699 = vector.broadcast %shift_right_arithmetic3A_698 : i32 to vector<16xi32>
    %shift_right_arithmetic3A_700 = arith.shrsi %gather3A_697, %shift_right_arithmetic3A_699 : vector<16xi32>
    %shift_left3A_701 = arith.constant 6 : i32
    %shift_left3A_702 = vector.broadcast %shift_left3A_701 : i32 to vector<16xi32>
    %shift_left3A_703 = arith.shli %shift_right_arithmetic3A_700, %shift_left3A_702 : vector<16xi32>
    %add3A_704 = arith.addi %shift_left3A_703, %shift_left3A_8 : vector<16xi32>
    %and3A_705 = arith.constant 7 : i32
    %and3A_706 = vector.broadcast %and3A_705 : i32 to vector<16xi32>
    %and3A_707 = arith.andi %gather3A_697, %and3A_706 : vector<16xi32>
    %add3A_708 = arith.addi %add3A_704, %and3A_707 : vector<16xi32>
    %swap3A_709 = arith.constant 80 : index
    %swap3A_710 = tpu.vector_load %arg7[%swap3A_709] {strides = array<i32>} : memref<256xi32, #tpu.memory_space<vmem>>, vector<16xi32>,
    tpu.vector_store %arg7[%swap3A_709], %add3A_708 {strides = array<i32>} : memref<256xi32, #tpu.memory_space<vmem>>, vector<16xi32>,
    %add3A_711 = arith.constant 76 : i32
    %add3A_712 = vector.broadcast %add3A_711 : i32 to vector<16xi32>
    %add3A_713 = arith.addi %shift_right_arithmetic3A_4, %add3A_712 : vector<16xi32>
    %gather3A_714 = tpu.vector_load_idx %arg6[%add3A_713] : memref<128xi32, #tpu.memory_space<vmem>>[vector<16xi32>], vector<16xi32>,
    %shift_right_arithmetic3A_715 = arith.constant 3 : i32
    %shift_right_arithmetic3A_716 = vector.broadcast %shift_right_arithmetic3A_715 : i32 to vector<16xi32>
    %shift_right_arithmetic3A_717 = arith.shrsi %gather3A_714, %shift_right_arithmetic3A_716 : vector<16xi32>
    %shift_left3A_718 = arith.constant 6 : i32
    %shift_left3A_719 = vector.broadcast %shift_left3A_718 : i32 to vector<16xi32>
    %shift_left3A_720 = arith.shli %shift_right_arithmetic3A_717, %shift_left3A_719 : vector<16xi32>
    %add3A_721 = arith.addi %shift_left3A_720, %shift_left3A_8 : vector<16xi32>
    %and3A_722 = arith.constant 7 : i32
    %and3A_723 = vector.broadcast %and3A_722 : i32 to vector<16xi32>
    %and3A_724 = arith.andi %gather3A_714, %and3A_723 : vector<16xi32>
    %add3A_725 = arith.addi %add3A_721, %and3A_724 : vector<16xi32>
    %swap3A_726 = arith.constant 96 : index
    %swap3A_727 = tpu.vector_load %arg7[%swap3A_726] {strides = array<i32>} : memref<256xi32, #tpu.memory_space<vmem>>, vector<16xi32>,
    tpu.vector_store %arg7[%swap3A_726], %add3A_725 {strides = array<i32>} : memref<256xi32, #tpu.memory_space<vmem>>, vector<16xi32>,
    %add3A_728 = arith.constant 78 : i32
    %add3A_729 = vector.broadcast %add3A_728 : i32 to vector<16xi32>
    %add3A_730 = arith.addi %shift_right_arithmetic3A_4, %add3A_729 : vector<16xi32>
    %gather3A_731 = tpu.vector_load_idx %arg6[%add3A_730] : memref<128xi32, #tpu.memory_space<vmem>>[vector<16xi32>], vector<16xi32>,
    %shift_right_arithmetic3A_732 = arith.constant 3 : i32
    %shift_right_arithmetic3A_733 = vector.broadcast %shift_right_arithmetic3A_732 : i32 to vector<16xi32>
    %shift_right_arithmetic3A_734 = arith.shrsi %gather3A_731, %shift_right_arithmetic3A_733 : vector<16xi32>
    %shift_left3A_735 = arith.constant 6 : i32
    %shift_left3A_736 = vector.broadcast %shift_left3A_735 : i32 to vector<16xi32>
    %shift_left3A_737 = arith.shli %shift_right_arithmetic3A_734, %shift_left3A_736 : vector<16xi32>
    %add3A_738 = arith.addi %shift_left3A_737, %shift_left3A_8 : vector<16xi32>
    %and3A_739 = arith.constant 7 : i32
    %and3A_740 = vector.broadcast %and3A_739 : i32 to vector<16xi32>
    %and3A_741 = arith.andi %gather3A_731, %and3A_740 : vector<16xi32>
    %add3A_742 = arith.addi %add3A_738, %and3A_741 : vector<16xi32>
    %swap3A_743 = arith.constant 112 : index
    %swap3A_744 = tpu.vector_load %arg7[%swap3A_743] {strides = array<i32>} : memref<256xi32, #tpu.memory_space<vmem>>, vector<16xi32>,
    tpu.vector_store %arg7[%swap3A_743], %add3A_742 {strides = array<i32>} : memref<256xi32, #tpu.memory_space<vmem>>, vector<16xi32>,
    %add3A_745 = arith.constant 80 : i32
    %add3A_746 = vector.broadcast %add3A_745 : i32 to vector<16xi32>
    %add3A_747 = arith.addi %shift_right_arithmetic3A_4, %add3A_746 : vector<16xi32>
    %gather3A_748 = tpu.vector_load_idx %arg6[%add3A_747] : memref<128xi32, #tpu.memory_space<vmem>>[vector<16xi32>], vector<16xi32>,
    %shift_right_arithmetic3A_749 = arith.constant 3 : i32
    %shift_right_arithmetic3A_750 = vector.broadcast %shift_right_arithmetic3A_749 : i32 to vector<16xi32>
    %shift_right_arithmetic3A_751 = arith.shrsi %gather3A_748, %shift_right_arithmetic3A_750 : vector<16xi32>
    %shift_left3A_752 = arith.constant 6 : i32
    %shift_left3A_753 = vector.broadcast %shift_left3A_752 : i32 to vector<16xi32>
    %shift_left3A_754 = arith.shli %shift_right_arithmetic3A_751, %shift_left3A_753 : vector<16xi32>
    %add3A_755 = arith.addi %shift_left3A_754, %shift_left3A_8 : vector<16xi32>
    %and3A_756 = arith.constant 7 : i32
    %and3A_757 = vector.broadcast %and3A_756 : i32 to vector<16xi32>
    %and3A_758 = arith.andi %gather3A_748, %and3A_757 : vector<16xi32>
    %add3A_759 = arith.addi %add3A_755, %and3A_758 : vector<16xi32>
    %swap3A_760 = arith.constant 128 : index
    %swap3A_761 = tpu.vector_load %arg7[%swap3A_760] {strides = array<i32>} : memref<256xi32, #tpu.memory_space<vmem>>, vector<16xi32>,
    tpu.vector_store %arg7[%swap3A_760], %add3A_759 {strides = array<i32>} : memref<256xi32, #tpu.memory_space<vmem>>, vector<16xi32>,
    %add3A_762 = arith.constant 82 : i32
    %add3A_763 = vector.broadcast %add3A_762 : i32 to vector<16xi32>
    %add3A_764 = arith.addi %shift_right_arithmetic3A_4, %add3A_763 : vector<16xi32>
    %gather3A_765 = tpu.vector_load_idx %arg6[%add3A_764] : memref<128xi32, #tpu.memory_space<vmem>>[vector<16xi32>], vector<16xi32>,
    %shift_right_arithmetic3A_766 = arith.constant 3 : i32
    %shift_right_arithmetic3A_767 = vector.broadcast %shift_right_arithmetic3A_766 : i32 to vector<16xi32>
    %shift_right_arithmetic3A_768 = arith.shrsi %gather3A_765, %shift_right_arithmetic3A_767 : vector<16xi32>
    %shift_left3A_769 = arith.constant 6 : i32
    %shift_left3A_770 = vector.broadcast %shift_left3A_769 : i32 to vector<16xi32>
    %shift_left3A_771 = arith.shli %shift_right_arithmetic3A_768, %shift_left3A_770 : vector<16xi32>
    %add3A_772 = arith.addi %shift_left3A_771, %shift_left3A_8 : vector<16xi32>
    %and3A_773 = arith.constant 7 : i32
    %and3A_774 = vector.broadcast %and3A_773 : i32 to vector<16xi32>
    %and3A_775 = arith.andi %gather3A_765, %and3A_774 : vector<16xi32>
    %add3A_776 = arith.addi %add3A_772, %and3A_775 : vector<16xi32>
    %swap3A_777 = arith.constant 144 : index
    %swap3A_778 = tpu.vector_load %arg7[%swap3A_777] {strides = array<i32>} : memref<256xi32, #tpu.memory_space<vmem>>, vector<16xi32>,
    tpu.vector_store %arg7[%swap3A_777], %add3A_776 {strides = array<i32>} : memref<256xi32, #tpu.memory_space<vmem>>, vector<16xi32>,
    %add3A_779 = arith.constant 84 : i32
    %add3A_780 = vector.broadcast %add3A_779 : i32 to vector<16xi32>
    %add3A_781 = arith.addi %shift_right_arithmetic3A_4, %add3A_780 : vector<16xi32>
    %gather3A_782 = tpu.vector_load_idx %arg6[%add3A_781] : memref<128xi32, #tpu.memory_space<vmem>>[vector<16xi32>], vector<16xi32>,
    %shift_right_arithmetic3A_783 = arith.constant 3 : i32
    %shift_right_arithmetic3A_784 = vector.broadcast %shift_right_arithmetic3A_783 : i32 to vector<16xi32>
    %shift_right_arithmetic3A_785 = arith.shrsi %gather3A_782, %shift_right_arithmetic3A_784 : vector<16xi32>
    %shift_left3A_786 = arith.constant 6 : i32
    %shift_left3A_787 = vector.broadcast %shift_left3A_786 : i32 to vector<16xi32>
    %shift_left3A_788 = arith.shli %shift_right_arithmetic3A_785, %shift_left3A_787 : vector<16xi32>
    %add3A_789 = arith.addi %shift_left3A_788, %shift_left3A_8 : vector<16xi32>
    %and3A_790 = arith.constant 7 : i32
    %and3A_791 = vector.broadcast %and3A_790 : i32 to vector<16xi32>
    %and3A_792 = arith.andi %gather3A_782, %and3A_791 : vector<16xi32>
    %add3A_793 = arith.addi %add3A_789, %and3A_792 : vector<16xi32>
    %swap3A_794 = arith.constant 160 : index
    %swap3A_795 = tpu.vector_load %arg7[%swap3A_794] {strides = array<i32>} : memref<256xi32, #tpu.memory_space<vmem>>, vector<16xi32>,
    tpu.vector_store %arg7[%swap3A_794], %add3A_793 {strides = array<i32>} : memref<256xi32, #tpu.memory_space<vmem>>, vector<16xi32>,
    %add3A_796 = arith.constant 86 : i32
    %add3A_797 = vector.broadcast %add3A_796 : i32 to vector<16xi32>
    %add3A_798 = arith.addi %shift_right_arithmetic3A_4, %add3A_797 : vector<16xi32>
    %gather3A_799 = tpu.vector_load_idx %arg6[%add3A_798] : memref<128xi32, #tpu.memory_space<vmem>>[vector<16xi32>], vector<16xi32>,
    %shift_right_arithmetic3A_800 = arith.constant 3 : i32
    %shift_right_arithmetic3A_801 = vector.broadcast %shift_right_arithmetic3A_800 : i32 to vector<16xi32>
    %shift_right_arithmetic3A_802 = arith.shrsi %gather3A_799, %shift_right_arithmetic3A_801 : vector<16xi32>
    %shift_left3A_803 = arith.constant 6 : i32
    %shift_left3A_804 = vector.broadcast %shift_left3A_803 : i32 to vector<16xi32>
    %shift_left3A_805 = arith.shli %shift_right_arithmetic3A_802, %shift_left3A_804 : vector<16xi32>
    %add3A_806 = arith.addi %shift_left3A_805, %shift_left3A_8 : vector<16xi32>
    %and3A_807 = arith.constant 7 : i32
    %and3A_808 = vector.broadcast %and3A_807 : i32 to vector<16xi32>
    %and3A_809 = arith.andi %gather3A_799, %and3A_808 : vector<16xi32>
    %add3A_810 = arith.addi %add3A_806, %and3A_809 : vector<16xi32>
    %swap3A_811 = arith.constant 176 : index
    %swap3A_812 = tpu.vector_load %arg7[%swap3A_811] {strides = array<i32>} : memref<256xi32, #tpu.memory_space<vmem>>, vector<16xi32>,
    tpu.vector_store %arg7[%swap3A_811], %add3A_810 {strides = array<i32>} : memref<256xi32, #tpu.memory_space<vmem>>, vector<16xi32>,
    %add3A_813 = arith.constant 88 : i32
    %add3A_814 = vector.broadcast %add3A_813 : i32 to vector<16xi32>
    %add3A_815 = arith.addi %shift_right_arithmetic3A_4, %add3A_814 : vector<16xi32>
    %gather3A_816 = tpu.vector_load_idx %arg6[%add3A_815] : memref<128xi32, #tpu.memory_space<vmem>>[vector<16xi32>], vector<16xi32>,
    %shift_right_arithmetic3A_817 = arith.constant 3 : i32
    %shift_right_arithmetic3A_818 = vector.broadcast %shift_right_arithmetic3A_817 : i32 to vector<16xi32>
    %shift_right_arithmetic3A_819 = arith.shrsi %gather3A_816, %shift_right_arithmetic3A_818 : vector<16xi32>
    %shift_left3A_820 = arith.constant 6 : i32
    %shift_left3A_821 = vector.broadcast %shift_left3A_820 : i32 to vector<16xi32>
    %shift_left3A_822 = arith.shli %shift_right_arithmetic3A_819, %shift_left3A_821 : vector<16xi32>
    %add3A_823 = arith.addi %shift_left3A_822, %shift_left3A_8 : vector<16xi32>
    %and3A_824 = arith.constant 7 : i32
    %and3A_825 = vector.broadcast %and3A_824 : i32 to vector<16xi32>
    %and3A_826 = arith.andi %gather3A_816, %and3A_825 : vector<16xi32>
    %add3A_827 = arith.addi %add3A_823, %and3A_826 : vector<16xi32>
    %swap3A_828 = arith.constant 192 : index
    %swap3A_829 = tpu.vector_load %arg7[%swap3A_828] {strides = array<i32>} : memref<256xi32, #tpu.memory_space<vmem>>, vector<16xi32>,
    tpu.vector_store %arg7[%swap3A_828], %add3A_827 {strides = array<i32>} : memref<256xi32, #tpu.memory_space<vmem>>, vector<16xi32>,
    %add3A_830 = arith.constant 90 : i32
    %add3A_831 = vector.broadcast %add3A_830 : i32 to vector<16xi32>
    %add3A_832 = arith.addi %shift_right_arithmetic3A_4, %add3A_831 : vector<16xi32>
    %gather3A_833 = tpu.vector_load_idx %arg6[%add3A_832] : memref<128xi32, #tpu.memory_space<vmem>>[vector<16xi32>], vector<16xi32>,
    %shift_right_arithmetic3A_834 = arith.constant 3 : i32
    %shift_right_arithmetic3A_835 = vector.broadcast %shift_right_arithmetic3A_834 : i32 to vector<16xi32>
    %shift_right_arithmetic3A_836 = arith.shrsi %gather3A_833, %shift_right_arithmetic3A_835 : vector<16xi32>
    %shift_left3A_837 = arith.constant 6 : i32
    %shift_left3A_838 = vector.broadcast %shift_left3A_837 : i32 to vector<16xi32>
    %shift_left3A_839 = arith.shli %shift_right_arithmetic3A_836, %shift_left3A_838 : vector<16xi32>
    %add3A_840 = arith.addi %shift_left3A_839, %shift_left3A_8 : vector<16xi32>
    %and3A_841 = arith.constant 7 : i32
    %and3A_842 = vector.broadcast %and3A_841 : i32 to vector<16xi32>
    %and3A_843 = arith.andi %gather3A_833, %and3A_842 : vector<16xi32>
    %add3A_844 = arith.addi %add3A_840, %and3A_843 : vector<16xi32>
    %swap3A_845 = arith.constant 208 : index
    %swap3A_846 = tpu.vector_load %arg7[%swap3A_845] {strides = array<i32>} : memref<256xi32, #tpu.memory_space<vmem>>, vector<16xi32>,
    tpu.vector_store %arg7[%swap3A_845], %add3A_844 {strides = array<i32>} : memref<256xi32, #tpu.memory_space<vmem>>, vector<16xi32>,
    %add3A_847 = arith.constant 92 : i32
    %add3A_848 = vector.broadcast %add3A_847 : i32 to vector<16xi32>
    %add3A_849 = arith.addi %shift_right_arithmetic3A_4, %add3A_848 : vector<16xi32>
    %gather3A_850 = tpu.vector_load_idx %arg6[%add3A_849] : memref<128xi32, #tpu.memory_space<vmem>>[vector<16xi32>], vector<16xi32>,
    %shift_right_arithmetic3A_851 = arith.constant 3 : i32
    %shift_right_arithmetic3A_852 = vector.broadcast %shift_right_arithmetic3A_851 : i32 to vector<16xi32>
    %shift_right_arithmetic3A_853 = arith.shrsi %gather3A_850, %shift_right_arithmetic3A_852 : vector<16xi32>
    %shift_left3A_854 = arith.constant 6 : i32
    %shift_left3A_855 = vector.broadcast %shift_left3A_854 : i32 to vector<16xi32>
    %shift_left3A_856 = arith.shli %shift_right_arithmetic3A_853, %shift_left3A_855 : vector<16xi32>
    %add3A_857 = arith.addi %shift_left3A_856, %shift_left3A_8 : vector<16xi32>
    %and3A_858 = arith.constant 7 : i32
    %and3A_859 = vector.broadcast %and3A_858 : i32 to vector<16xi32>
    %and3A_860 = arith.andi %gather3A_850, %and3A_859 : vector<16xi32>
    %add3A_861 = arith.addi %add3A_857, %and3A_860 : vector<16xi32>
    %swap3A_862 = arith.constant 224 : index
    %swap3A_863 = tpu.vector_load %arg7[%swap3A_862] {strides = array<i32>} : memref<256xi32, #tpu.memory_space<vmem>>, vector<16xi32>,
    tpu.vector_store %arg7[%swap3A_862], %add3A_861 {strides = array<i32>} : memref<256xi32, #tpu.memory_space<vmem>>, vector<16xi32>,
    %add3A_864 = arith.constant 94 : i32
    %add3A_865 = vector.broadcast %add3A_864 : i32 to vector<16xi32>
    %add3A_866 = arith.addi %shift_right_arithmetic3A_4, %add3A_865 : vector<16xi32>
    %gather3A_867 = tpu.vector_load_idx %arg6[%add3A_866] : memref<128xi32, #tpu.memory_space<vmem>>[vector<16xi32>], vector<16xi32>,
    %shift_right_arithmetic3A_868 = arith.constant 3 : i32
    %shift_right_arithmetic3A_869 = vector.broadcast %shift_right_arithmetic3A_868 : i32 to vector<16xi32>
    %shift_right_arithmetic3A_870 = arith.shrsi %gather3A_867, %shift_right_arithmetic3A_869 : vector<16xi32>
    %shift_left3A_871 = arith.constant 6 : i32
    %shift_left3A_872 = vector.broadcast %shift_left3A_871 : i32 to vector<16xi32>
    %shift_left3A_873 = arith.shli %shift_right_arithmetic3A_870, %shift_left3A_872 : vector<16xi32>
    %add3A_874 = arith.addi %shift_left3A_873, %shift_left3A_8 : vector<16xi32>
    %and3A_875 = arith.constant 7 : i32
    %and3A_876 = vector.broadcast %and3A_875 : i32 to vector<16xi32>
    %and3A_877 = arith.andi %gather3A_867, %and3A_876 : vector<16xi32>
    %add3A_878 = arith.addi %add3A_874, %and3A_877 : vector<16xi32>
    %swap3A_879 = arith.constant 240 : index
    %swap3A_880 = tpu.vector_load %arg7[%swap3A_879] {strides = array<i32>} : memref<256xi32, #tpu.memory_space<vmem>>, vector<16xi32>,
    tpu.vector_store %arg7[%swap3A_879], %add3A_878 {strides = array<i32>} : memref<256xi32, #tpu.memory_space<vmem>>, vector<16xi32>,
    %dma_start3A_881 = arith.constant 0 : i32
    %dma_start3A_882 = arith.constant 0 : i32
    %dma_start3A_883 = tpu.memref_slice %arg9[%dma_start3A_881, %dma_start3A_882] : memref<256x128xf32, #tpu.memory_space<vmem>> -> memref<128x128xf32, #tpu.memory_space<vmem>>
    %dma_start3A_884 = arith.constant 0 : i32
    %dma_start3A_885 = tpu.memref_slice %arg7[%dma_start3A_884] : memref<256xi32, #tpu.memory_space<vmem>> -> memref<128xi32, #tpu.memory_space<vmem>>
    %dma_start3A_886 = arith.constant 0 : i32
    %dma_start3A_887 = arith.constant 0 : i32
    %dma_start3A_888 = tpu.memref_slice %arg2[%dma_start3A_886, %dma_start3A_887] : memref<8000x128xf32, #tpu.memory_space<hbm>> -> memref<8000x128xf32, #tpu.memory_space<hbm>>
    tpu.enqueue_indirect_dma source(%dma_start3A_888 : memref<8000x128xf32, #tpu.memory_space<hbm>>) target(%dma_start3A_883 : memref<128x128xf32, #tpu.memory_space<vmem>>) offsets(%dma_start3A_885 : memref<128xi32, #tpu.memory_space<vmem>>) semaphore(%arg13 : memref<!tpu.dma_semaphore, #tpu.memory_space<semaphore_mem>>)
    %dma_start3A_889 = arith.constant 128 : i32
    %dma_start3A_890 = arith.constant 0 : i32
    %dma_start3A_891 = tpu.memref_slice %arg9[%dma_start3A_889, %dma_start3A_890] : memref<256x128xf32, #tpu.memory_space<vmem>> -> memref<128x128xf32, #tpu.memory_space<vmem>>
    %dma_start3A_892 = arith.constant 128 : i32
    %dma_start3A_893 = tpu.memref_slice %arg7[%dma_start3A_892] : memref<256xi32, #tpu.memory_space<vmem>> -> memref<128xi32, #tpu.memory_space<vmem>>
    %dma_start3A_894 = arith.constant 0 : i32
    %dma_start3A_895 = arith.constant 0 : i32
    %dma_start3A_896 = tpu.memref_slice %arg2[%dma_start3A_894, %dma_start3A_895] : memref<8000x128xf32, #tpu.memory_space<hbm>> -> memref<8000x128xf32, #tpu.memory_space<hbm>>
    tpu.enqueue_indirect_dma source(%dma_start3A_896 : memref<8000x128xf32, #tpu.memory_space<hbm>>) target(%dma_start3A_891 : memref<128x128xf32, #tpu.memory_space<vmem>>) offsets(%dma_start3A_893 : memref<128xi32, #tpu.memory_space<vmem>>) semaphore(%arg13 : memref<!tpu.dma_semaphore, #tpu.memory_space<semaphore_mem>>)
    %dma_wait3A_897 = arith.constant 0 : i32
    %dma_wait3A_898 = arith.constant 0 : i32
    %dma_wait3A_899 = tpu.memref_slice %arg10[%dma_wait3A_897, %dma_wait3A_898] : memref<256x128xf32, #tpu.memory_space<vmem>> -> memref<128x128xf32, #tpu.memory_space<vmem>>
    %dma_wait3A_900 = arith.constant 0 : i32
    %dma_wait3A_901 = tpu.memref_slice %arg8[%dma_wait3A_900] : memref<256xi32, #tpu.memory_space<vmem>> -> memref<128xi32, #tpu.memory_space<vmem>>
    %dma_wait3A_902 = arith.constant 0 : i32
    %dma_wait3A_903 = arith.constant 0 : i32
    %dma_wait3A_904 = tpu.memref_slice %arg2[%dma_wait3A_902, %dma_wait3A_903] : memref<8000x128xf32, #tpu.memory_space<hbm>> -> memref<8000x128xf32, #tpu.memory_space<hbm>>
    tpu.wait_indirect_dma semaphore(%arg14 : memref<!tpu.dma_semaphore, #tpu.memory_space<semaphore_mem>>) src(%dma_wait3A_904 : memref<8000x128xf32, #tpu.memory_space<hbm>>) dst(%dma_wait3A_899 : memref<128x128xf32, #tpu.memory_space<vmem>>)
    %dma_wait3A_905 = arith.constant 128 : i32
    %dma_wait3A_906 = arith.constant 0 : i32
    %dma_wait3A_907 = tpu.memref_slice %arg10[%dma_wait3A_905, %dma_wait3A_906] : memref<256x128xf32, #tpu.memory_space<vmem>> -> memref<128x128xf32, #tpu.memory_space<vmem>>
    %dma_wait3A_908 = arith.constant 128 : i32
    %dma_wait3A_909 = tpu.memref_slice %arg8[%dma_wait3A_908] : memref<256xi32, #tpu.memory_space<vmem>> -> memref<128xi32, #tpu.memory_space<vmem>>
    %dma_wait3A_910 = arith.constant 0 : i32
    %dma_wait3A_911 = arith.constant 0 : i32
    %dma_wait3A_912 = tpu.memref_slice %arg2[%dma_wait3A_910, %dma_wait3A_911] : memref<8000x128xf32, #tpu.memory_space<hbm>> -> memref<8000x128xf32, #tpu.memory_space<hbm>>
    tpu.wait_indirect_dma semaphore(%arg14 : memref<!tpu.dma_semaphore, #tpu.memory_space<semaphore_mem>>) src(%dma_wait3A_912 : memref<8000x128xf32, #tpu.memory_space<hbm>>) dst(%dma_wait3A_907 : memref<128x128xf32, #tpu.memory_space<vmem>>)
    %parallel_loop3A_913 = arith.constant 0 : i32
    %parallel_loop3A_914 = arith.constant 32 : i32
    %parallel_loop3A_915 = arith.constant 1 : i32
    scf.for %parallel_loop3A_1248 = %parallel_loop3A_913 to %parallel_loop3A_914 step %parallel_loop3A_915  : i32 {
      %parallel_loop3A_1249 = arith.constant 8 : i32
      %parallel_loop3A_1250 = arith.muli %parallel_loop3A_1249, %parallel_loop3A_1248 : i32
      %parallel_loop3A_1251 = vector.broadcast %parallel_loop3A_1250 : i32 to vector<16xi32>
      %parallel_loop3A_1252 = arith.constant 32 : i32
      %parallel_loop3A_1253 = arith.addi %parallel_loop3A_1252, %parallel_loop3A_1248 : i32
      %parallel_loop3A_1254 = arith.constant 2 : i32
      %parallel_loop3A_1255 = arith.muli %parallel_loop3A_1254, %parallel_loop3A_1253 : i32
      %parallel_loop3A_1256 = arith.constant 0 : i32
      %parallel_loop3A_1257 = arith.addi %parallel_loop3A_1255, %parallel_loop3A_1256 : i32
      %parallel_loop3A_1258 = arith.index_cast %parallel_loop3A_1257 : i32 to index
      %parallel_loop3A_1259 = arith.constant 0 : index
      %parallel_loop3A_1260 = tpu.vector_load %arg11[%parallel_loop3A_1258, %parallel_loop3A_1259] {strides = array<i32>} : memref<256x128xi32, #tpu.memory_space<vmem>>, vector<16xi32>,
      %parallel_loop3A_1261 = arith.constant 7 : i32
      %parallel_loop3A_1262 = vector.broadcast %parallel_loop3A_1261 : i32 to vector<16xi32>
      %parallel_loop3A_1263 = arith.shrsi %parallel_loop3A_1260, %parallel_loop3A_1262 : vector<16xi32>
      %parallel_loop3A_1264 = arith.addi %parallel_loop3A_1251, %parallel_loop3A_1263 : vector<16xi32>
      %parallel_loop3A_1265 = arith.constant 127 : i32
      %parallel_loop3A_1266 = vector.broadcast %parallel_loop3A_1265 : i32 to vector<16xi32>
      %parallel_loop3A_1267 = arith.andi %parallel_loop3A_1260, %parallel_loop3A_1266 : vector<16xi32>
      %parallel_loop3A_1268 = tpu.vector_load_idx %arg10[%parallel_loop3A_1264, %parallel_loop3A_1267] : memref<256x128xf32, #tpu.memory_space<vmem>>[vector<16xi32>, vector<16xi32>], vector<16xf32>,
      %parallel_loop3A_1269 = arith.constant 32 : i32
      %parallel_loop3A_1270 = arith.addi %parallel_loop3A_1269, %parallel_loop3A_1248 : i32
      %parallel_loop3A_1271 = arith.constant 2 : i32
      %parallel_loop3A_1272 = arith.muli %parallel_loop3A_1271, %parallel_loop3A_1270 : i32
      %parallel_loop3A_1273 = arith.constant 0 : i32
      %parallel_loop3A_1274 = arith.addi %parallel_loop3A_1272, %parallel_loop3A_1273 : i32
      %parallel_loop3A_1275 = arith.index_cast %parallel_loop3A_1274 : i32 to index
      %parallel_loop3A_1276 = arith.constant 16 : index
      %parallel_loop3A_1277 = tpu.vector_load %arg11[%parallel_loop3A_1275, %parallel_loop3A_1276] {strides = array<i32>} : memref<256x128xi32, #tpu.memory_space<vmem>>, vector<16xi32>,
      %parallel_loop3A_1278 = arith.constant 7 : i32
      %parallel_loop3A_1279 = vector.broadcast %parallel_loop3A_1278 : i32 to vector<16xi32>
      %parallel_loop3A_1280 = arith.shrsi %parallel_loop3A_1277, %parallel_loop3A_1279 : vector<16xi32>
      %parallel_loop3A_1281 = arith.addi %parallel_loop3A_1251, %parallel_loop3A_1280 : vector<16xi32>
      %parallel_loop3A_1282 = arith.constant 127 : i32
      %parallel_loop3A_1283 = vector.broadcast %parallel_loop3A_1282 : i32 to vector<16xi32>
      %parallel_loop3A_1284 = arith.andi %parallel_loop3A_1277, %parallel_loop3A_1283 : vector<16xi32>
      %parallel_loop3A_1285 = tpu.vector_load_idx %arg10[%parallel_loop3A_1281, %parallel_loop3A_1284] : memref<256x128xf32, #tpu.memory_space<vmem>>[vector<16xi32>, vector<16xi32>], vector<16xf32>,
      %parallel_loop3A_1286 = arith.mulf %parallel_loop3A_1268, %parallel_loop3A_1285 : vector<16xf32>
      %parallel_loop3A_1287 = arith.constant 32 : i32
      %parallel_loop3A_1288 = arith.addi %parallel_loop3A_1287, %parallel_loop3A_1248 : i32
      %parallel_loop3A_1289 = arith.constant 2 : i32
      %parallel_loop3A_1290 = arith.muli %parallel_loop3A_1289, %parallel_loop3A_1288 : i32
      %parallel_loop3A_1291 = arith.constant 0 : i32
      %parallel_loop3A_1292 = arith.addi %parallel_loop3A_1290, %parallel_loop3A_1291 : i32
      %parallel_loop3A_1293 = arith.index_cast %parallel_loop3A_1292 : i32 to index
      %parallel_loop3A_1294 = arith.constant 32 : index
      %parallel_loop3A_1295 = tpu.vector_load %arg11[%parallel_loop3A_1293, %parallel_loop3A_1294] {strides = array<i32>} : memref<256x128xi32, #tpu.memory_space<vmem>>, vector<16xi32>,
      %parallel_loop3A_1296 = arith.constant 7 : i32
      %parallel_loop3A_1297 = vector.broadcast %parallel_loop3A_1296 : i32 to vector<16xi32>
      %parallel_loop3A_1298 = arith.shrsi %parallel_loop3A_1295, %parallel_loop3A_1297 : vector<16xi32>
      %parallel_loop3A_1299 = arith.addi %parallel_loop3A_1251, %parallel_loop3A_1298 : vector<16xi32>
      %parallel_loop3A_1300 = arith.constant 127 : i32
      %parallel_loop3A_1301 = vector.broadcast %parallel_loop3A_1300 : i32 to vector<16xi32>
      %parallel_loop3A_1302 = arith.andi %parallel_loop3A_1295, %parallel_loop3A_1301 : vector<16xi32>
      %parallel_loop3A_1303 = tpu.vector_load_idx %arg10[%parallel_loop3A_1299, %parallel_loop3A_1302] : memref<256x128xf32, #tpu.memory_space<vmem>>[vector<16xi32>, vector<16xi32>], vector<16xf32>,
      %parallel_loop3A_1304 = arith.mulf %parallel_loop3A_1286, %parallel_loop3A_1303 : vector<16xf32>
      %parallel_loop3A_1305 = arith.constant 32 : i32
      %parallel_loop3A_1306 = arith.addi %parallel_loop3A_1305, %parallel_loop3A_1248 : i32
      %parallel_loop3A_1307 = arith.constant 2 : i32
      %parallel_loop3A_1308 = arith.muli %parallel_loop3A_1307, %parallel_loop3A_1306 : i32
      %parallel_loop3A_1309 = arith.constant 0 : i32
      %parallel_loop3A_1310 = arith.addi %parallel_loop3A_1308, %parallel_loop3A_1309 : i32
      %parallel_loop3A_1311 = arith.index_cast %parallel_loop3A_1310 : i32 to index
      %parallel_loop3A_1312 = arith.constant 48 : index
      %parallel_loop3A_1313 = tpu.vector_load %arg11[%parallel_loop3A_1311, %parallel_loop3A_1312] {strides = array<i32>} : memref<256x128xi32, #tpu.memory_space<vmem>>, vector<16xi32>,
      %parallel_loop3A_1314 = arith.constant 7 : i32
      %parallel_loop3A_1315 = vector.broadcast %parallel_loop3A_1314 : i32 to vector<16xi32>
      %parallel_loop3A_1316 = arith.shrsi %parallel_loop3A_1313, %parallel_loop3A_1315 : vector<16xi32>
      %parallel_loop3A_1317 = arith.addi %parallel_loop3A_1251, %parallel_loop3A_1316 : vector<16xi32>
      %parallel_loop3A_1318 = arith.constant 127 : i32
      %parallel_loop3A_1319 = vector.broadcast %parallel_loop3A_1318 : i32 to vector<16xi32>
      %parallel_loop3A_1320 = arith.andi %parallel_loop3A_1313, %parallel_loop3A_1319 : vector<16xi32>
      %parallel_loop3A_1321 = tpu.vector_load_idx %arg10[%parallel_loop3A_1317, %parallel_loop3A_1320] : memref<256x128xf32, #tpu.memory_space<vmem>>[vector<16xi32>, vector<16xi32>], vector<16xf32>,
      %parallel_loop3A_1322 = arith.mulf %parallel_loop3A_1304, %parallel_loop3A_1321 : vector<16xf32>
      %parallel_loop3A_1323 = arith.constant 32 : i32
      %parallel_loop3A_1324 = arith.addi %parallel_loop3A_1323, %parallel_loop3A_1248 : i32
      %parallel_loop3A_1325 = arith.constant 2 : i32
      %parallel_loop3A_1326 = arith.muli %parallel_loop3A_1325, %parallel_loop3A_1324 : i32
      %parallel_loop3A_1327 = arith.constant 0 : i32
      %parallel_loop3A_1328 = arith.addi %parallel_loop3A_1326, %parallel_loop3A_1327 : i32
      %parallel_loop3A_1329 = arith.index_cast %parallel_loop3A_1328 : i32 to index
      %parallel_loop3A_1330 = arith.constant 64 : index
      %parallel_loop3A_1331 = tpu.vector_load %arg11[%parallel_loop3A_1329, %parallel_loop3A_1330] {strides = array<i32>} : memref<256x128xi32, #tpu.memory_space<vmem>>, vector<16xi32>,
      %parallel_loop3A_1332 = arith.constant 7 : i32
      %parallel_loop3A_1333 = vector.broadcast %parallel_loop3A_1332 : i32 to vector<16xi32>
      %parallel_loop3A_1334 = arith.shrsi %parallel_loop3A_1331, %parallel_loop3A_1333 : vector<16xi32>
      %parallel_loop3A_1335 = arith.addi %parallel_loop3A_1251, %parallel_loop3A_1334 : vector<16xi32>
      %parallel_loop3A_1336 = arith.constant 127 : i32
      %parallel_loop3A_1337 = vector.broadcast %parallel_loop3A_1336 : i32 to vector<16xi32>
      %parallel_loop3A_1338 = arith.andi %parallel_loop3A_1331, %parallel_loop3A_1337 : vector<16xi32>
      %parallel_loop3A_1339 = tpu.vector_load_idx %arg10[%parallel_loop3A_1335, %parallel_loop3A_1338] : memref<256x128xf32, #tpu.memory_space<vmem>>[vector<16xi32>, vector<16xi32>], vector<16xf32>,
      %parallel_loop3A_1340 = arith.mulf %parallel_loop3A_1322, %parallel_loop3A_1339 : vector<16xf32>
      %parallel_loop3A_1341 = arith.constant 32 : i32
      %parallel_loop3A_1342 = arith.addi %parallel_loop3A_1341, %parallel_loop3A_1248 : i32
      %parallel_loop3A_1343 = arith.constant 2 : i32
      %parallel_loop3A_1344 = arith.muli %parallel_loop3A_1343, %parallel_loop3A_1342 : i32
      %parallel_loop3A_1345 = arith.constant 0 : i32
      %parallel_loop3A_1346 = arith.addi %parallel_loop3A_1344, %parallel_loop3A_1345 : i32
      %parallel_loop3A_1347 = arith.index_cast %parallel_loop3A_1346 : i32 to index
      %parallel_loop3A_1348 = arith.constant 80 : index
      %parallel_loop3A_1349 = tpu.vector_load %arg11[%parallel_loop3A_1347, %parallel_loop3A_1348] {strides = array<i32>} : memref<256x128xi32, #tpu.memory_space<vmem>>, vector<16xi32>,
      %parallel_loop3A_1350 = arith.constant 7 : i32
      %parallel_loop3A_1351 = vector.broadcast %parallel_loop3A_1350 : i32 to vector<16xi32>
      %parallel_loop3A_1352 = arith.shrsi %parallel_loop3A_1349, %parallel_loop3A_1351 : vector<16xi32>
      %parallel_loop3A_1353 = arith.addi %parallel_loop3A_1251, %parallel_loop3A_1352 : vector<16xi32>
      %parallel_loop3A_1354 = arith.constant 127 : i32
      %parallel_loop3A_1355 = vector.broadcast %parallel_loop3A_1354 : i32 to vector<16xi32>
      %parallel_loop3A_1356 = arith.andi %parallel_loop3A_1349, %parallel_loop3A_1355 : vector<16xi32>
      %parallel_loop3A_1357 = tpu.vector_load_idx %arg10[%parallel_loop3A_1353, %parallel_loop3A_1356] : memref<256x128xf32, #tpu.memory_space<vmem>>[vector<16xi32>, vector<16xi32>], vector<16xf32>,
      %parallel_loop3A_1358 = arith.mulf %parallel_loop3A_1340, %parallel_loop3A_1357 : vector<16xf32>
      %parallel_loop3A_1359 = arith.constant 32 : i32
      %parallel_loop3A_1360 = arith.addi %parallel_loop3A_1359, %parallel_loop3A_1248 : i32
      %parallel_loop3A_1361 = arith.constant 2 : i32
      %parallel_loop3A_1362 = arith.muli %parallel_loop3A_1361, %parallel_loop3A_1360 : i32
      %parallel_loop3A_1363 = arith.constant 0 : i32
      %parallel_loop3A_1364 = arith.addi %parallel_loop3A_1362, %parallel_loop3A_1363 : i32
      %parallel_loop3A_1365 = arith.index_cast %parallel_loop3A_1364 : i32 to index
      %parallel_loop3A_1366 = arith.constant 96 : index
      %parallel_loop3A_1367 = tpu.vector_load %arg11[%parallel_loop3A_1365, %parallel_loop3A_1366] {strides = array<i32>} : memref<256x128xi32, #tpu.memory_space<vmem>>, vector<16xi32>,
      %parallel_loop3A_1368 = arith.constant 7 : i32
      %parallel_loop3A_1369 = vector.broadcast %parallel_loop3A_1368 : i32 to vector<16xi32>
      %parallel_loop3A_1370 = arith.shrsi %parallel_loop3A_1367, %parallel_loop3A_1369 : vector<16xi32>
      %parallel_loop3A_1371 = arith.addi %parallel_loop3A_1251, %parallel_loop3A_1370 : vector<16xi32>
      %parallel_loop3A_1372 = arith.constant 127 : i32
      %parallel_loop3A_1373 = vector.broadcast %parallel_loop3A_1372 : i32 to vector<16xi32>
      %parallel_loop3A_1374 = arith.andi %parallel_loop3A_1367, %parallel_loop3A_1373 : vector<16xi32>
      %parallel_loop3A_1375 = tpu.vector_load_idx %arg10[%parallel_loop3A_1371, %parallel_loop3A_1374] : memref<256x128xf32, #tpu.memory_space<vmem>>[vector<16xi32>, vector<16xi32>], vector<16xf32>,
      %parallel_loop3A_1376 = arith.mulf %parallel_loop3A_1358, %parallel_loop3A_1375 : vector<16xf32>
      %parallel_loop3A_1377 = arith.constant 32 : i32
      %parallel_loop3A_1378 = arith.addi %parallel_loop3A_1377, %parallel_loop3A_1248 : i32
      %parallel_loop3A_1379 = arith.constant 2 : i32
      %parallel_loop3A_1380 = arith.muli %parallel_loop3A_1379, %parallel_loop3A_1378 : i32
      %parallel_loop3A_1381 = arith.constant 0 : i32
      %parallel_loop3A_1382 = arith.addi %parallel_loop3A_1380, %parallel_loop3A_1381 : i32
      %parallel_loop3A_1383 = arith.index_cast %parallel_loop3A_1382 : i32 to index
      %parallel_loop3A_1384 = arith.constant 112 : index
      %parallel_loop3A_1385 = tpu.vector_load %arg11[%parallel_loop3A_1383, %parallel_loop3A_1384] {strides = array<i32>} : memref<256x128xi32, #tpu.memory_space<vmem>>, vector<16xi32>,
      %parallel_loop3A_1386 = arith.constant 7 : i32
      %parallel_loop3A_1387 = vector.broadcast %parallel_loop3A_1386 : i32 to vector<16xi32>
      %parallel_loop3A_1388 = arith.shrsi %parallel_loop3A_1385, %parallel_loop3A_1387 : vector<16xi32>
      %parallel_loop3A_1389 = arith.addi %parallel_loop3A_1251, %parallel_loop3A_1388 : vector<16xi32>
      %parallel_loop3A_1390 = arith.constant 127 : i32
      %parallel_loop3A_1391 = vector.broadcast %parallel_loop3A_1390 : i32 to vector<16xi32>
      %parallel_loop3A_1392 = arith.andi %parallel_loop3A_1385, %parallel_loop3A_1391 : vector<16xi32>
      %parallel_loop3A_1393 = tpu.vector_load_idx %arg10[%parallel_loop3A_1389, %parallel_loop3A_1392] : memref<256x128xf32, #tpu.memory_space<vmem>>[vector<16xi32>, vector<16xi32>], vector<16xf32>,
      %parallel_loop3A_1394 = arith.mulf %parallel_loop3A_1376, %parallel_loop3A_1393 : vector<16xf32>
      %parallel_loop3A_1395 = arith.constant 32 : i32
      %parallel_loop3A_1396 = arith.addi %parallel_loop3A_1395, %parallel_loop3A_1248 : i32
      %parallel_loop3A_1397 = arith.constant 2 : i32
      %parallel_loop3A_1398 = arith.muli %parallel_loop3A_1397, %parallel_loop3A_1396 : i32
      %parallel_loop3A_1399 = arith.constant 1 : i32
      %parallel_loop3A_1400 = arith.addi %parallel_loop3A_1398, %parallel_loop3A_1399 : i32
      %parallel_loop3A_1401 = arith.index_cast %parallel_loop3A_1400 : i32 to index
      %parallel_loop3A_1402 = arith.constant 0 : index
      %parallel_loop3A_1403 = tpu.vector_load %arg11[%parallel_loop3A_1401, %parallel_loop3A_1402] {strides = array<i32>} : memref<256x128xi32, #tpu.memory_space<vmem>>, vector<16xi32>,
      %parallel_loop3A_1404 = arith.constant 7 : i32
      %parallel_loop3A_1405 = vector.broadcast %parallel_loop3A_1404 : i32 to vector<16xi32>
      %parallel_loop3A_1406 = arith.shrsi %parallel_loop3A_1403, %parallel_loop3A_1405 : vector<16xi32>
      %parallel_loop3A_1407 = arith.addi %parallel_loop3A_1251, %parallel_loop3A_1406 : vector<16xi32>
      %parallel_loop3A_1408 = arith.constant 127 : i32
      %parallel_loop3A_1409 = vector.broadcast %parallel_loop3A_1408 : i32 to vector<16xi32>
      %parallel_loop3A_1410 = arith.andi %parallel_loop3A_1403, %parallel_loop3A_1409 : vector<16xi32>
      %parallel_loop3A_1411 = tpu.vector_load_idx %arg10[%parallel_loop3A_1407, %parallel_loop3A_1410] : memref<256x128xf32, #tpu.memory_space<vmem>>[vector<16xi32>, vector<16xi32>], vector<16xf32>,
      %parallel_loop3A_1412 = arith.mulf %parallel_loop3A_1394, %parallel_loop3A_1411 : vector<16xf32>
      %parallel_loop3A_1413 = arith.constant 32 : i32
      %parallel_loop3A_1414 = arith.addi %parallel_loop3A_1413, %parallel_loop3A_1248 : i32
      %parallel_loop3A_1415 = arith.constant 2 : i32
      %parallel_loop3A_1416 = arith.muli %parallel_loop3A_1415, %parallel_loop3A_1414 : i32
      %parallel_loop3A_1417 = arith.constant 1 : i32
      %parallel_loop3A_1418 = arith.addi %parallel_loop3A_1416, %parallel_loop3A_1417 : i32
      %parallel_loop3A_1419 = arith.index_cast %parallel_loop3A_1418 : i32 to index
      %parallel_loop3A_1420 = arith.constant 16 : index
      %parallel_loop3A_1421 = tpu.vector_load %arg11[%parallel_loop3A_1419, %parallel_loop3A_1420] {strides = array<i32>} : memref<256x128xi32, #tpu.memory_space<vmem>>, vector<16xi32>,
      %parallel_loop3A_1422 = arith.constant 7 : i32
      %parallel_loop3A_1423 = vector.broadcast %parallel_loop3A_1422 : i32 to vector<16xi32>
      %parallel_loop3A_1424 = arith.shrsi %parallel_loop3A_1421, %parallel_loop3A_1423 : vector<16xi32>
      %parallel_loop3A_1425 = arith.addi %parallel_loop3A_1251, %parallel_loop3A_1424 : vector<16xi32>
      %parallel_loop3A_1426 = arith.constant 127 : i32
      %parallel_loop3A_1427 = vector.broadcast %parallel_loop3A_1426 : i32 to vector<16xi32>
      %parallel_loop3A_1428 = arith.andi %parallel_loop3A_1421, %parallel_loop3A_1427 : vector<16xi32>
      %parallel_loop3A_1429 = tpu.vector_load_idx %arg10[%parallel_loop3A_1425, %parallel_loop3A_1428] : memref<256x128xf32, #tpu.memory_space<vmem>>[vector<16xi32>, vector<16xi32>], vector<16xf32>,
      %parallel_loop3A_1430 = arith.mulf %parallel_loop3A_1412, %parallel_loop3A_1429 : vector<16xf32>
      %parallel_loop3A_1431 = arith.constant 32 : i32
      %parallel_loop3A_1432 = arith.addi %parallel_loop3A_1431, %parallel_loop3A_1248 : i32
      %parallel_loop3A_1433 = arith.constant 2 : i32
      %parallel_loop3A_1434 = arith.muli %parallel_loop3A_1433, %parallel_loop3A_1432 : i32
      %parallel_loop3A_1435 = arith.constant 1 : i32
      %parallel_loop3A_1436 = arith.addi %parallel_loop3A_1434, %parallel_loop3A_1435 : i32
      %parallel_loop3A_1437 = arith.index_cast %parallel_loop3A_1436 : i32 to index
      %parallel_loop3A_1438 = arith.constant 32 : index
      %parallel_loop3A_1439 = tpu.vector_load %arg11[%parallel_loop3A_1437, %parallel_loop3A_1438] {strides = array<i32>} : memref<256x128xi32, #tpu.memory_space<vmem>>, vector<16xi32>,
      %parallel_loop3A_1440 = arith.constant 7 : i32
      %parallel_loop3A_1441 = vector.broadcast %parallel_loop3A_1440 : i32 to vector<16xi32>
      %parallel_loop3A_1442 = arith.shrsi %parallel_loop3A_1439, %parallel_loop3A_1441 : vector<16xi32>
      %parallel_loop3A_1443 = arith.addi %parallel_loop3A_1251, %parallel_loop3A_1442 : vector<16xi32>
      %parallel_loop3A_1444 = arith.constant 127 : i32
      %parallel_loop3A_1445 = vector.broadcast %parallel_loop3A_1444 : i32 to vector<16xi32>
      %parallel_loop3A_1446 = arith.andi %parallel_loop3A_1439, %parallel_loop3A_1445 : vector<16xi32>
      %parallel_loop3A_1447 = tpu.vector_load_idx %arg10[%parallel_loop3A_1443, %parallel_loop3A_1446] : memref<256x128xf32, #tpu.memory_space<vmem>>[vector<16xi32>, vector<16xi32>], vector<16xf32>,
      %parallel_loop3A_1448 = arith.mulf %parallel_loop3A_1430, %parallel_loop3A_1447 : vector<16xf32>
      %parallel_loop3A_1449 = arith.constant 32 : i32
      %parallel_loop3A_1450 = arith.addi %parallel_loop3A_1449, %parallel_loop3A_1248 : i32
      %parallel_loop3A_1451 = arith.constant 2 : i32
      %parallel_loop3A_1452 = arith.muli %parallel_loop3A_1451, %parallel_loop3A_1450 : i32
      %parallel_loop3A_1453 = arith.constant 1 : i32
      %parallel_loop3A_1454 = arith.addi %parallel_loop3A_1452, %parallel_loop3A_1453 : i32
      %parallel_loop3A_1455 = arith.index_cast %parallel_loop3A_1454 : i32 to index
      %parallel_loop3A_1456 = arith.constant 48 : index
      %parallel_loop3A_1457 = tpu.vector_load %arg11[%parallel_loop3A_1455, %parallel_loop3A_1456] {strides = array<i32>} : memref<256x128xi32, #tpu.memory_space<vmem>>, vector<16xi32>,
      %parallel_loop3A_1458 = arith.constant 7 : i32
      %parallel_loop3A_1459 = vector.broadcast %parallel_loop3A_1458 : i32 to vector<16xi32>
      %parallel_loop3A_1460 = arith.shrsi %parallel_loop3A_1457, %parallel_loop3A_1459 : vector<16xi32>
      %parallel_loop3A_1461 = arith.addi %parallel_loop3A_1251, %parallel_loop3A_1460 : vector<16xi32>
      %parallel_loop3A_1462 = arith.constant 127 : i32
      %parallel_loop3A_1463 = vector.broadcast %parallel_loop3A_1462 : i32 to vector<16xi32>
      %parallel_loop3A_1464 = arith.andi %parallel_loop3A_1457, %parallel_loop3A_1463 : vector<16xi32>
      %parallel_loop3A_1465 = tpu.vector_load_idx %arg10[%parallel_loop3A_1461, %parallel_loop3A_1464] : memref<256x128xf32, #tpu.memory_space<vmem>>[vector<16xi32>, vector<16xi32>], vector<16xf32>,
      %parallel_loop3A_1466 = arith.mulf %parallel_loop3A_1448, %parallel_loop3A_1465 : vector<16xf32>
      %parallel_loop3A_1467 = arith.constant 32 : i32
      %parallel_loop3A_1468 = arith.addi %parallel_loop3A_1467, %parallel_loop3A_1248 : i32
      %parallel_loop3A_1469 = arith.constant 2 : i32
      %parallel_loop3A_1470 = arith.muli %parallel_loop3A_1469, %parallel_loop3A_1468 : i32
      %parallel_loop3A_1471 = arith.constant 1 : i32
      %parallel_loop3A_1472 = arith.addi %parallel_loop3A_1470, %parallel_loop3A_1471 : i32
      %parallel_loop3A_1473 = arith.index_cast %parallel_loop3A_1472 : i32 to index
      %parallel_loop3A_1474 = arith.constant 64 : index
      %parallel_loop3A_1475 = tpu.vector_load %arg11[%parallel_loop3A_1473, %parallel_loop3A_1474] {strides = array<i32>} : memref<256x128xi32, #tpu.memory_space<vmem>>, vector<16xi32>,
      %parallel_loop3A_1476 = arith.constant 7 : i32
      %parallel_loop3A_1477 = vector.broadcast %parallel_loop3A_1476 : i32 to vector<16xi32>
      %parallel_loop3A_1478 = arith.shrsi %parallel_loop3A_1475, %parallel_loop3A_1477 : vector<16xi32>
      %parallel_loop3A_1479 = arith.addi %parallel_loop3A_1251, %parallel_loop3A_1478 : vector<16xi32>
      %parallel_loop3A_1480 = arith.constant 127 : i32
      %parallel_loop3A_1481 = vector.broadcast %parallel_loop3A_1480 : i32 to vector<16xi32>
      %parallel_loop3A_1482 = arith.andi %parallel_loop3A_1475, %parallel_loop3A_1481 : vector<16xi32>
      %parallel_loop3A_1483 = tpu.vector_load_idx %arg10[%parallel_loop3A_1479, %parallel_loop3A_1482] : memref<256x128xf32, #tpu.memory_space<vmem>>[vector<16xi32>, vector<16xi32>], vector<16xf32>,
      %parallel_loop3A_1484 = arith.mulf %parallel_loop3A_1466, %parallel_loop3A_1483 : vector<16xf32>
      %parallel_loop3A_1485 = arith.constant 32 : i32
      %parallel_loop3A_1486 = arith.addi %parallel_loop3A_1485, %parallel_loop3A_1248 : i32
      %parallel_loop3A_1487 = arith.constant 2 : i32
      %parallel_loop3A_1488 = arith.muli %parallel_loop3A_1487, %parallel_loop3A_1486 : i32
      %parallel_loop3A_1489 = arith.constant 1 : i32
      %parallel_loop3A_1490 = arith.addi %parallel_loop3A_1488, %parallel_loop3A_1489 : i32
      %parallel_loop3A_1491 = arith.index_cast %parallel_loop3A_1490 : i32 to index
      %parallel_loop3A_1492 = arith.constant 80 : index
      %parallel_loop3A_1493 = tpu.vector_load %arg11[%parallel_loop3A_1491, %parallel_loop3A_1492] {strides = array<i32>} : memref<256x128xi32, #tpu.memory_space<vmem>>, vector<16xi32>,
      %parallel_loop3A_1494 = arith.constant 7 : i32
      %parallel_loop3A_1495 = vector.broadcast %parallel_loop3A_1494 : i32 to vector<16xi32>
      %parallel_loop3A_1496 = arith.shrsi %parallel_loop3A_1493, %parallel_loop3A_1495 : vector<16xi32>
      %parallel_loop3A_1497 = arith.addi %parallel_loop3A_1251, %parallel_loop3A_1496 : vector<16xi32>
      %parallel_loop3A_1498 = arith.constant 127 : i32
      %parallel_loop3A_1499 = vector.broadcast %parallel_loop3A_1498 : i32 to vector<16xi32>
      %parallel_loop3A_1500 = arith.andi %parallel_loop3A_1493, %parallel_loop3A_1499 : vector<16xi32>
      %parallel_loop3A_1501 = tpu.vector_load_idx %arg10[%parallel_loop3A_1497, %parallel_loop3A_1500] : memref<256x128xf32, #tpu.memory_space<vmem>>[vector<16xi32>, vector<16xi32>], vector<16xf32>,
      %parallel_loop3A_1502 = arith.constant 32 : i32
      %parallel_loop3A_1503 = arith.addi %parallel_loop3A_1502, %parallel_loop3A_1248 : i32
      %parallel_loop3A_1504 = arith.constant 32 : i32
      %parallel_loop3A_1505 = arith.muli %parallel_loop3A_1503, %parallel_loop3A_1504 : i32
      %parallel_loop3A_1506 = arith.index_cast %parallel_loop3A_1505 : i32 to index
      %parallel_loop3A_1507 = tpu.vector_load %arg12[%parallel_loop3A_1506] {strides = array<i32>} : memref<4096xf32, #tpu.memory_space<vmem>>, vector<16xf32>,
      tpu.vector_store %arg12[%parallel_loop3A_1506], %parallel_loop3A_1484 {strides = array<i32>} : memref<4096xf32, #tpu.memory_space<vmem>>, vector<16xf32>,
      %parallel_loop3A_1508 = arith.constant 32 : i32
      %parallel_loop3A_1509 = arith.addi %parallel_loop3A_1508, %parallel_loop3A_1248 : i32
      %parallel_loop3A_1510 = arith.constant 32 : i32
      %parallel_loop3A_1511 = arith.muli %parallel_loop3A_1509, %parallel_loop3A_1510 : i32
      %parallel_loop3A_1512 = arith.constant 16 : i32
      %parallel_loop3A_1513 = arith.addi %parallel_loop3A_1511, %parallel_loop3A_1512 : i32
      %parallel_loop3A_1514 = arith.index_cast %parallel_loop3A_1513 : i32 to index
      %parallel_loop3A_1515 = tpu.vector_load %arg12[%parallel_loop3A_1514] {strides = array<i32>} : memref<4096xf32, #tpu.memory_space<vmem>>, vector<16xf32>,
      tpu.vector_store %arg12[%parallel_loop3A_1514], %parallel_loop3A_1501 {strides = array<i32>} : memref<4096xf32, #tpu.memory_space<vmem>>, vector<16xf32>,
    } {sc.loop_unroll_factor = 4 : i64, sc.parallel_access}
    %add3A_916 = arith.constant 96 : i32
    %add3A_917 = vector.broadcast %add3A_916 : i32 to vector<16xi32>
    %add3A_918 = arith.addi %shift_right_arithmetic3A_4, %add3A_917 : vector<16xi32>
    %gather3A_919 = tpu.vector_load_idx %arg6[%add3A_918] : memref<128xi32, #tpu.memory_space<vmem>>[vector<16xi32>], vector<16xi32>,
    %shift_right_arithmetic3A_920 = arith.constant 3 : i32
    %shift_right_arithmetic3A_921 = vector.broadcast %shift_right_arithmetic3A_920 : i32 to vector<16xi32>
    %shift_right_arithmetic3A_922 = arith.shrsi %gather3A_919, %shift_right_arithmetic3A_921 : vector<16xi32>
    %shift_left3A_923 = arith.constant 6 : i32
    %shift_left3A_924 = vector.broadcast %shift_left3A_923 : i32 to vector<16xi32>
    %shift_left3A_925 = arith.shli %shift_right_arithmetic3A_922, %shift_left3A_924 : vector<16xi32>
    %add3A_926 = arith.addi %shift_left3A_925, %shift_left3A_8 : vector<16xi32>
    %and3A_927 = arith.constant 7 : i32
    %and3A_928 = vector.broadcast %and3A_927 : i32 to vector<16xi32>
    %and3A_929 = arith.andi %gather3A_919, %and3A_928 : vector<16xi32>
    %add3A_930 = arith.addi %add3A_926, %and3A_929 : vector<16xi32>
    %swap3A_931 = arith.constant 0 : index
    %swap3A_932 = tpu.vector_load %arg8[%swap3A_931] {strides = array<i32>} : memref<256xi32, #tpu.memory_space<vmem>>, vector<16xi32>,
    tpu.vector_store %arg8[%swap3A_931], %add3A_930 {strides = array<i32>} : memref<256xi32, #tpu.memory_space<vmem>>, vector<16xi32>,
    %add3A_933 = arith.constant 98 : i32
    %add3A_934 = vector.broadcast %add3A_933 : i32 to vector<16xi32>
    %add3A_935 = arith.addi %shift_right_arithmetic3A_4, %add3A_934 : vector<16xi32>
    %gather3A_936 = tpu.vector_load_idx %arg6[%add3A_935] : memref<128xi32, #tpu.memory_space<vmem>>[vector<16xi32>], vector<16xi32>,
    %shift_right_arithmetic3A_937 = arith.constant 3 : i32
    %shift_right_arithmetic3A_938 = vector.broadcast %shift_right_arithmetic3A_937 : i32 to vector<16xi32>
    %shift_right_arithmetic3A_939 = arith.shrsi %gather3A_936, %shift_right_arithmetic3A_938 : vector<16xi32>
    %shift_left3A_940 = arith.constant 6 : i32
    %shift_left3A_941 = vector.broadcast %shift_left3A_940 : i32 to vector<16xi32>
    %shift_left3A_942 = arith.shli %shift_right_arithmetic3A_939, %shift_left3A_941 : vector<16xi32>
    %add3A_943 = arith.addi %shift_left3A_942, %shift_left3A_8 : vector<16xi32>
    %and3A_944 = arith.constant 7 : i32
    %and3A_945 = vector.broadcast %and3A_944 : i32 to vector<16xi32>
    %and3A_946 = arith.andi %gather3A_936, %and3A_945 : vector<16xi32>
    %add3A_947 = arith.addi %add3A_943, %and3A_946 : vector<16xi32>
    %swap3A_948 = arith.constant 16 : index
    %swap3A_949 = tpu.vector_load %arg8[%swap3A_948] {strides = array<i32>} : memref<256xi32, #tpu.memory_space<vmem>>, vector<16xi32>,
    tpu.vector_store %arg8[%swap3A_948], %add3A_947 {strides = array<i32>} : memref<256xi32, #tpu.memory_space<vmem>>, vector<16xi32>,
    %add3A_950 = arith.constant 100 : i32
    %add3A_951 = vector.broadcast %add3A_950 : i32 to vector<16xi32>
    %add3A_952 = arith.addi %shift_right_arithmetic3A_4, %add3A_951 : vector<16xi32>
    %gather3A_953 = tpu.vector_load_idx %arg6[%add3A_952] : memref<128xi32, #tpu.memory_space<vmem>>[vector<16xi32>], vector<16xi32>,
    %shift_right_arithmetic3A_954 = arith.constant 3 : i32
    %shift_right_arithmetic3A_955 = vector.broadcast %shift_right_arithmetic3A_954 : i32 to vector<16xi32>
    %shift_right_arithmetic3A_956 = arith.shrsi %gather3A_953, %shift_right_arithmetic3A_955 : vector<16xi32>
    %shift_left3A_957 = arith.constant 6 : i32
    %shift_left3A_958 = vector.broadcast %shift_left3A_957 : i32 to vector<16xi32>
    %shift_left3A_959 = arith.shli %shift_right_arithmetic3A_956, %shift_left3A_958 : vector<16xi32>
    %add3A_960 = arith.addi %shift_left3A_959, %shift_left3A_8 : vector<16xi32>
    %and3A_961 = arith.constant 7 : i32
    %and3A_962 = vector.broadcast %and3A_961 : i32 to vector<16xi32>
    %and3A_963 = arith.andi %gather3A_953, %and3A_962 : vector<16xi32>
    %add3A_964 = arith.addi %add3A_960, %and3A_963 : vector<16xi32>
    %swap3A_965 = arith.constant 32 : index
    %swap3A_966 = tpu.vector_load %arg8[%swap3A_965] {strides = array<i32>} : memref<256xi32, #tpu.memory_space<vmem>>, vector<16xi32>,
    tpu.vector_store %arg8[%swap3A_965], %add3A_964 {strides = array<i32>} : memref<256xi32, #tpu.memory_space<vmem>>, vector<16xi32>,
    %add3A_967 = arith.constant 102 : i32
    %add3A_968 = vector.broadcast %add3A_967 : i32 to vector<16xi32>
    %add3A_969 = arith.addi %shift_right_arithmetic3A_4, %add3A_968 : vector<16xi32>
    %gather3A_970 = tpu.vector_load_idx %arg6[%add3A_969] : memref<128xi32, #tpu.memory_space<vmem>>[vector<16xi32>], vector<16xi32>,
    %shift_right_arithmetic3A_971 = arith.constant 3 : i32
    %shift_right_arithmetic3A_972 = vector.broadcast %shift_right_arithmetic3A_971 : i32 to vector<16xi32>
    %shift_right_arithmetic3A_973 = arith.shrsi %gather3A_970, %shift_right_arithmetic3A_972 : vector<16xi32>
    %shift_left3A_974 = arith.constant 6 : i32
    %shift_left3A_975 = vector.broadcast %shift_left3A_974 : i32 to vector<16xi32>
    %shift_left3A_976 = arith.shli %shift_right_arithmetic3A_973, %shift_left3A_975 : vector<16xi32>
    %add3A_977 = arith.addi %shift_left3A_976, %shift_left3A_8 : vector<16xi32>
    %and3A_978 = arith.constant 7 : i32
    %and3A_979 = vector.broadcast %and3A_978 : i32 to vector<16xi32>
    %and3A_980 = arith.andi %gather3A_970, %and3A_979 : vector<16xi32>
    %add3A_981 = arith.addi %add3A_977, %and3A_980 : vector<16xi32>
    %swap3A_982 = arith.constant 48 : index
    %swap3A_983 = tpu.vector_load %arg8[%swap3A_982] {strides = array<i32>} : memref<256xi32, #tpu.memory_space<vmem>>, vector<16xi32>,
    tpu.vector_store %arg8[%swap3A_982], %add3A_981 {strides = array<i32>} : memref<256xi32, #tpu.memory_space<vmem>>, vector<16xi32>,
    %add3A_984 = arith.constant 104 : i32
    %add3A_985 = vector.broadcast %add3A_984 : i32 to vector<16xi32>
    %add3A_986 = arith.addi %shift_right_arithmetic3A_4, %add3A_985 : vector<16xi32>
    %gather3A_987 = tpu.vector_load_idx %arg6[%add3A_986] : memref<128xi32, #tpu.memory_space<vmem>>[vector<16xi32>], vector<16xi32>,
    %shift_right_arithmetic3A_988 = arith.constant 3 : i32
    %shift_right_arithmetic3A_989 = vector.broadcast %shift_right_arithmetic3A_988 : i32 to vector<16xi32>
    %shift_right_arithmetic3A_990 = arith.shrsi %gather3A_987, %shift_right_arithmetic3A_989 : vector<16xi32>
    %shift_left3A_991 = arith.constant 6 : i32
    %shift_left3A_992 = vector.broadcast %shift_left3A_991 : i32 to vector<16xi32>
    %shift_left3A_993 = arith.shli %shift_right_arithmetic3A_990, %shift_left3A_992 : vector<16xi32>
    %add3A_994 = arith.addi %shift_left3A_993, %shift_left3A_8 : vector<16xi32>
    %and3A_995 = arith.constant 7 : i32
    %and3A_996 = vector.broadcast %and3A_995 : i32 to vector<16xi32>
    %and3A_997 = arith.andi %gather3A_987, %and3A_996 : vector<16xi32>
    %add3A_998 = arith.addi %add3A_994, %and3A_997 : vector<16xi32>
    %swap3A_999 = arith.constant 64 : index
    %swap3A_1000 = tpu.vector_load %arg8[%swap3A_999] {strides = array<i32>} : memref<256xi32, #tpu.memory_space<vmem>>, vector<16xi32>,
    tpu.vector_store %arg8[%swap3A_999], %add3A_998 {strides = array<i32>} : memref<256xi32, #tpu.memory_space<vmem>>, vector<16xi32>,
    %add3A_1001 = arith.constant 106 : i32
    %add3A_1002 = vector.broadcast %add3A_1001 : i32 to vector<16xi32>
    %add3A_1003 = arith.addi %shift_right_arithmetic3A_4, %add3A_1002 : vector<16xi32>
    %gather3A_1004 = tpu.vector_load_idx %arg6[%add3A_1003] : memref<128xi32, #tpu.memory_space<vmem>>[vector<16xi32>], vector<16xi32>,
    %shift_right_arithmetic3A_1005 = arith.constant 3 : i32
    %shift_right_arithmetic3A_1006 = vector.broadcast %shift_right_arithmetic3A_1005 : i32 to vector<16xi32>
    %shift_right_arithmetic3A_1007 = arith.shrsi %gather3A_1004, %shift_right_arithmetic3A_1006 : vector<16xi32>
    %shift_left3A_1008 = arith.constant 6 : i32
    %shift_left3A_1009 = vector.broadcast %shift_left3A_1008 : i32 to vector<16xi32>
    %shift_left3A_1010 = arith.shli %shift_right_arithmetic3A_1007, %shift_left3A_1009 : vector<16xi32>
    %add3A_1011 = arith.addi %shift_left3A_1010, %shift_left3A_8 : vector<16xi32>
    %and3A_1012 = arith.constant 7 : i32
    %and3A_1013 = vector.broadcast %and3A_1012 : i32 to vector<16xi32>
    %and3A_1014 = arith.andi %gather3A_1004, %and3A_1013 : vector<16xi32>
    %add3A_1015 = arith.addi %add3A_1011, %and3A_1014 : vector<16xi32>
    %swap3A_1016 = arith.constant 80 : index
    %swap3A_1017 = tpu.vector_load %arg8[%swap3A_1016] {strides = array<i32>} : memref<256xi32, #tpu.memory_space<vmem>>, vector<16xi32>,
    tpu.vector_store %arg8[%swap3A_1016], %add3A_1015 {strides = array<i32>} : memref<256xi32, #tpu.memory_space<vmem>>, vector<16xi32>,
    %add3A_1018 = arith.constant 108 : i32
    %add3A_1019 = vector.broadcast %add3A_1018 : i32 to vector<16xi32>
    %add3A_1020 = arith.addi %shift_right_arithmetic3A_4, %add3A_1019 : vector<16xi32>
    %gather3A_1021 = tpu.vector_load_idx %arg6[%add3A_1020] : memref<128xi32, #tpu.memory_space<vmem>>[vector<16xi32>], vector<16xi32>,
    %shift_right_arithmetic3A_1022 = arith.constant 3 : i32
    %shift_right_arithmetic3A_1023 = vector.broadcast %shift_right_arithmetic3A_1022 : i32 to vector<16xi32>
    %shift_right_arithmetic3A_1024 = arith.shrsi %gather3A_1021, %shift_right_arithmetic3A_1023 : vector<16xi32>
    %shift_left3A_1025 = arith.constant 6 : i32
    %shift_left3A_1026 = vector.broadcast %shift_left3A_1025 : i32 to vector<16xi32>
    %shift_left3A_1027 = arith.shli %shift_right_arithmetic3A_1024, %shift_left3A_1026 : vector<16xi32>
    %add3A_1028 = arith.addi %shift_left3A_1027, %shift_left3A_8 : vector<16xi32>
    %and3A_1029 = arith.constant 7 : i32
    %and3A_1030 = vector.broadcast %and3A_1029 : i32 to vector<16xi32>
    %and3A_1031 = arith.andi %gather3A_1021, %and3A_1030 : vector<16xi32>
    %add3A_1032 = arith.addi %add3A_1028, %and3A_1031 : vector<16xi32>
    %swap3A_1033 = arith.constant 96 : index
    %swap3A_1034 = tpu.vector_load %arg8[%swap3A_1033] {strides = array<i32>} : memref<256xi32, #tpu.memory_space<vmem>>, vector<16xi32>,
    tpu.vector_store %arg8[%swap3A_1033], %add3A_1032 {strides = array<i32>} : memref<256xi32, #tpu.memory_space<vmem>>, vector<16xi32>,
    %add3A_1035 = arith.constant 110 : i32
    %add3A_1036 = vector.broadcast %add3A_1035 : i32 to vector<16xi32>
    %add3A_1037 = arith.addi %shift_right_arithmetic3A_4, %add3A_1036 : vector<16xi32>
    %gather3A_1038 = tpu.vector_load_idx %arg6[%add3A_1037] : memref<128xi32, #tpu.memory_space<vmem>>[vector<16xi32>], vector<16xi32>,
    %shift_right_arithmetic3A_1039 = arith.constant 3 : i32
    %shift_right_arithmetic3A_1040 = vector.broadcast %shift_right_arithmetic3A_1039 : i32 to vector<16xi32>
    %shift_right_arithmetic3A_1041 = arith.shrsi %gather3A_1038, %shift_right_arithmetic3A_1040 : vector<16xi32>
    %shift_left3A_1042 = arith.constant 6 : i32
    %shift_left3A_1043 = vector.broadcast %shift_left3A_1042 : i32 to vector<16xi32>
    %shift_left3A_1044 = arith.shli %shift_right_arithmetic3A_1041, %shift_left3A_1043 : vector<16xi32>
    %add3A_1045 = arith.addi %shift_left3A_1044, %shift_left3A_8 : vector<16xi32>
    %and3A_1046 = arith.constant 7 : i32
    %and3A_1047 = vector.broadcast %and3A_1046 : i32 to vector<16xi32>
    %and3A_1048 = arith.andi %gather3A_1038, %and3A_1047 : vector<16xi32>
    %add3A_1049 = arith.addi %add3A_1045, %and3A_1048 : vector<16xi32>
    %swap3A_1050 = arith.constant 112 : index
    %swap3A_1051 = tpu.vector_load %arg8[%swap3A_1050] {strides = array<i32>} : memref<256xi32, #tpu.memory_space<vmem>>, vector<16xi32>,
    tpu.vector_store %arg8[%swap3A_1050], %add3A_1049 {strides = array<i32>} : memref<256xi32, #tpu.memory_space<vmem>>, vector<16xi32>,
    %add3A_1052 = arith.constant 112 : i32
    %add3A_1053 = vector.broadcast %add3A_1052 : i32 to vector<16xi32>
    %add3A_1054 = arith.addi %shift_right_arithmetic3A_4, %add3A_1053 : vector<16xi32>
    %gather3A_1055 = tpu.vector_load_idx %arg6[%add3A_1054] : memref<128xi32, #tpu.memory_space<vmem>>[vector<16xi32>], vector<16xi32>,
    %shift_right_arithmetic3A_1056 = arith.constant 3 : i32
    %shift_right_arithmetic3A_1057 = vector.broadcast %shift_right_arithmetic3A_1056 : i32 to vector<16xi32>
    %shift_right_arithmetic3A_1058 = arith.shrsi %gather3A_1055, %shift_right_arithmetic3A_1057 : vector<16xi32>
    %shift_left3A_1059 = arith.constant 6 : i32
    %shift_left3A_1060 = vector.broadcast %shift_left3A_1059 : i32 to vector<16xi32>
    %shift_left3A_1061 = arith.shli %shift_right_arithmetic3A_1058, %shift_left3A_1060 : vector<16xi32>
    %add3A_1062 = arith.addi %shift_left3A_1061, %shift_left3A_8 : vector<16xi32>
    %and3A_1063 = arith.constant 7 : i32
    %and3A_1064 = vector.broadcast %and3A_1063 : i32 to vector<16xi32>
    %and3A_1065 = arith.andi %gather3A_1055, %and3A_1064 : vector<16xi32>
    %add3A_1066 = arith.addi %add3A_1062, %and3A_1065 : vector<16xi32>
    %swap3A_1067 = arith.constant 128 : index
    %swap3A_1068 = tpu.vector_load %arg8[%swap3A_1067] {strides = array<i32>} : memref<256xi32, #tpu.memory_space<vmem>>, vector<16xi32>,
    tpu.vector_store %arg8[%swap3A_1067], %add3A_1066 {strides = array<i32>} : memref<256xi32, #tpu.memory_space<vmem>>, vector<16xi32>,
    %add3A_1069 = arith.constant 114 : i32
    %add3A_1070 = vector.broadcast %add3A_1069 : i32 to vector<16xi32>
    %add3A_1071 = arith.addi %shift_right_arithmetic3A_4, %add3A_1070 : vector<16xi32>
    %gather3A_1072 = tpu.vector_load_idx %arg6[%add3A_1071] : memref<128xi32, #tpu.memory_space<vmem>>[vector<16xi32>], vector<16xi32>,
    %shift_right_arithmetic3A_1073 = arith.constant 3 : i32
    %shift_right_arithmetic3A_1074 = vector.broadcast %shift_right_arithmetic3A_1073 : i32 to vector<16xi32>
    %shift_right_arithmetic3A_1075 = arith.shrsi %gather3A_1072, %shift_right_arithmetic3A_1074 : vector<16xi32>
    %shift_left3A_1076 = arith.constant 6 : i32
    %shift_left3A_1077 = vector.broadcast %shift_left3A_1076 : i32 to vector<16xi32>
    %shift_left3A_1078 = arith.shli %shift_right_arithmetic3A_1075, %shift_left3A_1077 : vector<16xi32>
    %add3A_1079 = arith.addi %shift_left3A_1078, %shift_left3A_8 : vector<16xi32>
    %and3A_1080 = arith.constant 7 : i32
    %and3A_1081 = vector.broadcast %and3A_1080 : i32 to vector<16xi32>
    %and3A_1082 = arith.andi %gather3A_1072, %and3A_1081 : vector<16xi32>
    %add3A_1083 = arith.addi %add3A_1079, %and3A_1082 : vector<16xi32>
    %swap3A_1084 = arith.constant 144 : index
    %swap3A_1085 = tpu.vector_load %arg8[%swap3A_1084] {strides = array<i32>} : memref<256xi32, #tpu.memory_space<vmem>>, vector<16xi32>,
    tpu.vector_store %arg8[%swap3A_1084], %add3A_1083 {strides = array<i32>} : memref<256xi32, #tpu.memory_space<vmem>>, vector<16xi32>,
    %add3A_1086 = arith.constant 116 : i32
    %add3A_1087 = vector.broadcast %add3A_1086 : i32 to vector<16xi32>
    %add3A_1088 = arith.addi %shift_right_arithmetic3A_4, %add3A_1087 : vector<16xi32>
    %gather3A_1089 = tpu.vector_load_idx %arg6[%add3A_1088] : memref<128xi32, #tpu.memory_space<vmem>>[vector<16xi32>], vector<16xi32>,
    %shift_right_arithmetic3A_1090 = arith.constant 3 : i32
    %shift_right_arithmetic3A_1091 = vector.broadcast %shift_right_arithmetic3A_1090 : i32 to vector<16xi32>
    %shift_right_arithmetic3A_1092 = arith.shrsi %gather3A_1089, %shift_right_arithmetic3A_1091 : vector<16xi32>
    %shift_left3A_1093 = arith.constant 6 : i32
    %shift_left3A_1094 = vector.broadcast %shift_left3A_1093 : i32 to vector<16xi32>
    %shift_left3A_1095 = arith.shli %shift_right_arithmetic3A_1092, %shift_left3A_1094 : vector<16xi32>
    %add3A_1096 = arith.addi %shift_left3A_1095, %shift_left3A_8 : vector<16xi32>
    %and3A_1097 = arith.constant 7 : i32
    %and3A_1098 = vector.broadcast %and3A_1097 : i32 to vector<16xi32>
    %and3A_1099 = arith.andi %gather3A_1089, %and3A_1098 : vector<16xi32>
    %add3A_1100 = arith.addi %add3A_1096, %and3A_1099 : vector<16xi32>
    %swap3A_1101 = arith.constant 160 : index
    %swap3A_1102 = tpu.vector_load %arg8[%swap3A_1101] {strides = array<i32>} : memref<256xi32, #tpu.memory_space<vmem>>, vector<16xi32>,
    tpu.vector_store %arg8[%swap3A_1101], %add3A_1100 {strides = array<i32>} : memref<256xi32, #tpu.memory_space<vmem>>, vector<16xi32>,
    %add3A_1103 = arith.constant 118 : i32
    %add3A_1104 = vector.broadcast %add3A_1103 : i32 to vector<16xi32>
    %add3A_1105 = arith.addi %shift_right_arithmetic3A_4, %add3A_1104 : vector<16xi32>
    %gather3A_1106 = tpu.vector_load_idx %arg6[%add3A_1105] : memref<128xi32, #tpu.memory_space<vmem>>[vector<16xi32>], vector<16xi32>,
    %shift_right_arithmetic3A_1107 = arith.constant 3 : i32
    %shift_right_arithmetic3A_1108 = vector.broadcast %shift_right_arithmetic3A_1107 : i32 to vector<16xi32>
    %shift_right_arithmetic3A_1109 = arith.shrsi %gather3A_1106, %shift_right_arithmetic3A_1108 : vector<16xi32>
    %shift_left3A_1110 = arith.constant 6 : i32
    %shift_left3A_1111 = vector.broadcast %shift_left3A_1110 : i32 to vector<16xi32>
    %shift_left3A_1112 = arith.shli %shift_right_arithmetic3A_1109, %shift_left3A_1111 : vector<16xi32>
    %add3A_1113 = arith.addi %shift_left3A_1112, %shift_left3A_8 : vector<16xi32>
    %and3A_1114 = arith.constant 7 : i32
    %and3A_1115 = vector.broadcast %and3A_1114 : i32 to vector<16xi32>
    %and3A_1116 = arith.andi %gather3A_1106, %and3A_1115 : vector<16xi32>
    %add3A_1117 = arith.addi %add3A_1113, %and3A_1116 : vector<16xi32>
    %swap3A_1118 = arith.constant 176 : index
    %swap3A_1119 = tpu.vector_load %arg8[%swap3A_1118] {strides = array<i32>} : memref<256xi32, #tpu.memory_space<vmem>>, vector<16xi32>,
    tpu.vector_store %arg8[%swap3A_1118], %add3A_1117 {strides = array<i32>} : memref<256xi32, #tpu.memory_space<vmem>>, vector<16xi32>,
    %add3A_1120 = arith.constant 120 : i32
    %add3A_1121 = vector.broadcast %add3A_1120 : i32 to vector<16xi32>
    %add3A_1122 = arith.addi %shift_right_arithmetic3A_4, %add3A_1121 : vector<16xi32>
    %gather3A_1123 = tpu.vector_load_idx %arg6[%add3A_1122] : memref<128xi32, #tpu.memory_space<vmem>>[vector<16xi32>], vector<16xi32>,
    %shift_right_arithmetic3A_1124 = arith.constant 3 : i32
    %shift_right_arithmetic3A_1125 = vector.broadcast %shift_right_arithmetic3A_1124 : i32 to vector<16xi32>
    %shift_right_arithmetic3A_1126 = arith.shrsi %gather3A_1123, %shift_right_arithmetic3A_1125 : vector<16xi32>
    %shift_left3A_1127 = arith.constant 6 : i32
    %shift_left3A_1128 = vector.broadcast %shift_left3A_1127 : i32 to vector<16xi32>
    %shift_left3A_1129 = arith.shli %shift_right_arithmetic3A_1126, %shift_left3A_1128 : vector<16xi32>
    %add3A_1130 = arith.addi %shift_left3A_1129, %shift_left3A_8 : vector<16xi32>
    %and3A_1131 = arith.constant 7 : i32
    %and3A_1132 = vector.broadcast %and3A_1131 : i32 to vector<16xi32>
    %and3A_1133 = arith.andi %gather3A_1123, %and3A_1132 : vector<16xi32>
    %add3A_1134 = arith.addi %add3A_1130, %and3A_1133 : vector<16xi32>
    %swap3A_1135 = arith.constant 192 : index
    %swap3A_1136 = tpu.vector_load %arg8[%swap3A_1135] {strides = array<i32>} : memref<256xi32, #tpu.memory_space<vmem>>, vector<16xi32>,
    tpu.vector_store %arg8[%swap3A_1135], %add3A_1134 {strides = array<i32>} : memref<256xi32, #tpu.memory_space<vmem>>, vector<16xi32>,
    %add3A_1137 = arith.constant 122 : i32
    %add3A_1138 = vector.broadcast %add3A_1137 : i32 to vector<16xi32>
    %add3A_1139 = arith.addi %shift_right_arithmetic3A_4, %add3A_1138 : vector<16xi32>
    %gather3A_1140 = tpu.vector_load_idx %arg6[%add3A_1139] : memref<128xi32, #tpu.memory_space<vmem>>[vector<16xi32>], vector<16xi32>,
    %shift_right_arithmetic3A_1141 = arith.constant 3 : i32
    %shift_right_arithmetic3A_1142 = vector.broadcast %shift_right_arithmetic3A_1141 : i32 to vector<16xi32>
    %shift_right_arithmetic3A_1143 = arith.shrsi %gather3A_1140, %shift_right_arithmetic3A_1142 : vector<16xi32>
    %shift_left3A_1144 = arith.constant 6 : i32
    %shift_left3A_1145 = vector.broadcast %shift_left3A_1144 : i32 to vector<16xi32>
    %shift_left3A_1146 = arith.shli %shift_right_arithmetic3A_1143, %shift_left3A_1145 : vector<16xi32>
    %add3A_1147 = arith.addi %shift_left3A_1146, %shift_left3A_8 : vector<16xi32>
    %and3A_1148 = arith.constant 7 : i32
    %and3A_1149 = vector.broadcast %and3A_1148 : i32 to vector<16xi32>
    %and3A_1150 = arith.andi %gather3A_1140, %and3A_1149 : vector<16xi32>
    %add3A_1151 = arith.addi %add3A_1147, %and3A_1150 : vector<16xi32>
    %swap3A_1152 = arith.constant 208 : index
    %swap3A_1153 = tpu.vector_load %arg8[%swap3A_1152] {strides = array<i32>} : memref<256xi32, #tpu.memory_space<vmem>>, vector<16xi32>,
    tpu.vector_store %arg8[%swap3A_1152], %add3A_1151 {strides = array<i32>} : memref<256xi32, #tpu.memory_space<vmem>>, vector<16xi32>,
    %add3A_1154 = arith.constant 124 : i32
    %add3A_1155 = vector.broadcast %add3A_1154 : i32 to vector<16xi32>
    %add3A_1156 = arith.addi %shift_right_arithmetic3A_4, %add3A_1155 : vector<16xi32>
    %gather3A_1157 = tpu.vector_load_idx %arg6[%add3A_1156] : memref<128xi32, #tpu.memory_space<vmem>>[vector<16xi32>], vector<16xi32>,
    %shift_right_arithmetic3A_1158 = arith.constant 3 : i32
    %shift_right_arithmetic3A_1159 = vector.broadcast %shift_right_arithmetic3A_1158 : i32 to vector<16xi32>
    %shift_right_arithmetic3A_1160 = arith.shrsi %gather3A_1157, %shift_right_arithmetic3A_1159 : vector<16xi32>
    %shift_left3A_1161 = arith.constant 6 : i32
    %shift_left3A_1162 = vector.broadcast %shift_left3A_1161 : i32 to vector<16xi32>
    %shift_left3A_1163 = arith.shli %shift_right_arithmetic3A_1160, %shift_left3A_1162 : vector<16xi32>
    %add3A_1164 = arith.addi %shift_left3A_1163, %shift_left3A_8 : vector<16xi32>
    %and3A_1165 = arith.constant 7 : i32
    %and3A_1166 = vector.broadcast %and3A_1165 : i32 to vector<16xi32>
    %and3A_1167 = arith.andi %gather3A_1157, %and3A_1166 : vector<16xi32>
    %add3A_1168 = arith.addi %add3A_1164, %and3A_1167 : vector<16xi32>
    %swap3A_1169 = arith.constant 224 : index
    %swap3A_1170 = tpu.vector_load %arg8[%swap3A_1169] {strides = array<i32>} : memref<256xi32, #tpu.memory_space<vmem>>, vector<16xi32>,
    tpu.vector_store %arg8[%swap3A_1169], %add3A_1168 {strides = array<i32>} : memref<256xi32, #tpu.memory_space<vmem>>, vector<16xi32>,
    %add3A_1171 = arith.constant 126 : i32
    %add3A_1172 = vector.broadcast %add3A_1171 : i32 to vector<16xi32>
    %add3A_1173 = arith.addi %shift_right_arithmetic3A_4, %add3A_1172 : vector<16xi32>
    %gather3A_1174 = tpu.vector_load_idx %arg6[%add3A_1173] : memref<128xi32, #tpu.memory_space<vmem>>[vector<16xi32>], vector<16xi32>,
    %shift_right_arithmetic3A_1175 = arith.constant 3 : i32
    %shift_right_arithmetic3A_1176 = vector.broadcast %shift_right_arithmetic3A_1175 : i32 to vector<16xi32>
    %shift_right_arithmetic3A_1177 = arith.shrsi %gather3A_1174, %shift_right_arithmetic3A_1176 : vector<16xi32>
    %shift_left3A_1178 = arith.constant 6 : i32
    %shift_left3A_1179 = vector.broadcast %shift_left3A_1178 : i32 to vector<16xi32>
    %shift_left3A_1180 = arith.shli %shift_right_arithmetic3A_1177, %shift_left3A_1179 : vector<16xi32>
    %add3A_1181 = arith.addi %shift_left3A_1180, %shift_left3A_8 : vector<16xi32>
    %and3A_1182 = arith.constant 7 : i32
    %and3A_1183 = vector.broadcast %and3A_1182 : i32 to vector<16xi32>
    %and3A_1184 = arith.andi %gather3A_1174, %and3A_1183 : vector<16xi32>
    %add3A_1185 = arith.addi %add3A_1181, %and3A_1184 : vector<16xi32>
    %swap3A_1186 = arith.constant 240 : index
    %swap3A_1187 = tpu.vector_load %arg8[%swap3A_1186] {strides = array<i32>} : memref<256xi32, #tpu.memory_space<vmem>>, vector<16xi32>,
    tpu.vector_store %arg8[%swap3A_1186], %add3A_1185 {strides = array<i32>} : memref<256xi32, #tpu.memory_space<vmem>>, vector<16xi32>,
    %dma_start3A_1188 = arith.constant 0 : i32
    %dma_start3A_1189 = arith.constant 0 : i32
    %dma_start3A_1190 = tpu.memref_slice %arg10[%dma_start3A_1188, %dma_start3A_1189] : memref<256x128xf32, #tpu.memory_space<vmem>> -> memref<128x128xf32, #tpu.memory_space<vmem>>
    %dma_start3A_1191 = arith.constant 0 : i32
    %dma_start3A_1192 = tpu.memref_slice %arg8[%dma_start3A_1191] : memref<256xi32, #tpu.memory_space<vmem>> -> memref<128xi32, #tpu.memory_space<vmem>>
    %dma_start3A_1193 = arith.constant 0 : i32
    %dma_start3A_1194 = arith.constant 0 : i32
    %dma_start3A_1195 = tpu.memref_slice %arg2[%dma_start3A_1193, %dma_start3A_1194] : memref<8000x128xf32, #tpu.memory_space<hbm>> -> memref<8000x128xf32, #tpu.memory_space<hbm>>
    tpu.enqueue_indirect_dma source(%dma_start3A_1195 : memref<8000x128xf32, #tpu.memory_space<hbm>>) target(%dma_start3A_1190 : memref<128x128xf32, #tpu.memory_space<vmem>>) offsets(%dma_start3A_1192 : memref<128xi32, #tpu.memory_space<vmem>>) semaphore(%arg14 : memref<!tpu.dma_semaphore, #tpu.memory_space<semaphore_mem>>)
    %dma_start3A_1196 = arith.constant 128 : i32
    %dma_start3A_1197 = arith.constant 0 : i32
    %dma_start3A_1198 = tpu.memref_slice %arg10[%dma_start3A_1196, %dma_start3A_1197] : memref<256x128xf32, #tpu.memory_space<vmem>> -> memref<128x128xf32, #tpu.memory_space<vmem>>
    %dma_start3A_1199 = arith.constant 128 : i32
    %dma_start3A_1200 = tpu.memref_slice %arg8[%dma_start3A_1199] : memref<256xi32, #tpu.memory_space<vmem>> -> memref<128xi32, #tpu.memory_space<vmem>>
    %dma_start3A_1201 = arith.constant 0 : i32
    %dma_start3A_1202 = arith.constant 0 : i32
    %dma_start3A_1203 = tpu.memref_slice %arg2[%dma_start3A_1201, %dma_start3A_1202] : memref<8000x128xf32, #tpu.memory_space<hbm>> -> memref<8000x128xf32, #tpu.memory_space<hbm>>
    tpu.enqueue_indirect_dma source(%dma_start3A_1203 : memref<8000x128xf32, #tpu.memory_space<hbm>>) target(%dma_start3A_1198 : memref<128x128xf32, #tpu.memory_space<vmem>>) offsets(%dma_start3A_1200 : memref<128xi32, #tpu.memory_space<vmem>>) semaphore(%arg14 : memref<!tpu.dma_semaphore, #tpu.memory_space<semaphore_mem>>)
    %dma_wait3A_1204 = arith.constant 0 : i32
    %dma_wait3A_1205 = arith.constant 0 : i32
    %dma_wait3A_1206 = tpu.memref_slice %arg9[%dma_wait3A_1204, %dma_wait3A_1205] : memref<256x128xf32, #tpu.memory_space<vmem>> -> memref<128x128xf32, #tpu.memory_space<vmem>>
    %dma_wait3A_1207 = arith.constant 0 : i32
    %dma_wait3A_1208 = tpu.memref_slice %arg7[%dma_wait3A_1207] : memref<256xi32, #tpu.memory_space<vmem>> -> memref<128xi32, #tpu.memory_space<vmem>>
    %dma_wait3A_1209 = arith.constant 0 : i32
    %dma_wait3A_1210 = arith.constant 0 : i32
    %dma_wait3A_1211 = tpu.memref_slice %arg2[%dma_wait3A_1209, %dma_wait3A_1210] : memref<8000x128xf32, #tpu.memory_space<hbm>> -> memref<8000x128xf32, #tpu.memory_space<hbm>>
    tpu.wait_indirect_dma semaphore(%arg13 : memref<!tpu.dma_semaphore, #tpu.memory_space<semaphore_mem>>) src(%dma_wait3A_1211 : memref<8000x128xf32, #tpu.memory_space<hbm>>) dst(%dma_wait3A_1206 : memref<128x128xf32, #tpu.memory_space<vmem>>)
    %dma_wait3A_1212 = arith.constant 128 : i32
    %dma_wait3A_1213 = arith.constant 0 : i32
    %dma_wait3A_1214 = tpu.memref_slice %arg9[%dma_wait3A_1212, %dma_wait3A_1213] : memref<256x128xf32, #tpu.memory_space<vmem>> -> memref<128x128xf32, #tpu.memory_space<vmem>>
    %dma_wait3A_1215 = arith.constant 128 : i32
    %dma_wait3A_1216 = tpu.memref_slice %arg7[%dma_wait3A_1215] : memref<256xi32, #tpu.memory_space<vmem>> -> memref<128xi32, #tpu.memory_space<vmem>>
    %dma_wait3A_1217 = arith.constant 0 : i32
    %dma_wait3A_1218 = arith.constant 0 : i32
    %dma_wait3A_1219 = tpu.memref_slice %arg2[%dma_wait3A_1217, %dma_wait3A_1218] : memref<8000x128xf32, #tpu.memory_space<hbm>> -> memref<8000x128xf32, #tpu.memory_space<hbm>>
    tpu.wait_indirect_dma semaphore(%arg13 : memref<!tpu.dma_semaphore, #tpu.memory_space<semaphore_mem>>) src(%dma_wait3A_1219 : memref<8000x128xf32, #tpu.memory_space<hbm>>) dst(%dma_wait3A_1214 : memref<128x128xf32, #tpu.memory_space<vmem>>)
    %parallel_loop3A_1220 = arith.constant 0 : i32
    %parallel_loop3A_1221 = arith.constant 32 : i32
    %parallel_loop3A_1222 = arith.constant 1 : i32
    scf.for %parallel_loop3A_1248 = %parallel_loop3A_1220 to %parallel_loop3A_1221 step %parallel_loop3A_1222  : i32 {
      %parallel_loop3A_1249 = arith.constant 8 : i32
      %parallel_loop3A_1250 = arith.muli %parallel_loop3A_1249, %parallel_loop3A_1248 : i32
      %parallel_loop3A_1251 = vector.broadcast %parallel_loop3A_1250 : i32 to vector<16xi32>
      %parallel_loop3A_1252 = arith.constant 64 : i32
      %parallel_loop3A_1253 = arith.addi %parallel_loop3A_1252, %parallel_loop3A_1248 : i32
      %parallel_loop3A_1254 = arith.constant 2 : i32
      %parallel_loop3A_1255 = arith.muli %parallel_loop3A_1254, %parallel_loop3A_1253 : i32
      %parallel_loop3A_1256 = arith.constant 0 : i32
      %parallel_loop3A_1257 = arith.addi %parallel_loop3A_1255, %parallel_loop3A_1256 : i32
      %parallel_loop3A_1258 = arith.index_cast %parallel_loop3A_1257 : i32 to index
      %parallel_loop3A_1259 = arith.constant 0 : index
      %parallel_loop3A_1260 = tpu.vector_load %arg11[%parallel_loop3A_1258, %parallel_loop3A_1259] {strides = array<i32>} : memref<256x128xi32, #tpu.memory_space<vmem>>, vector<16xi32>,
      %parallel_loop3A_1261 = arith.constant 7 : i32
      %parallel_loop3A_1262 = vector.broadcast %parallel_loop3A_1261 : i32 to vector<16xi32>
      %parallel_loop3A_1263 = arith.shrsi %parallel_loop3A_1260, %parallel_loop3A_1262 : vector<16xi32>
      %parallel_loop3A_1264 = arith.addi %parallel_loop3A_1251, %parallel_loop3A_1263 : vector<16xi32>
      %parallel_loop3A_1265 = arith.constant 127 : i32
      %parallel_loop3A_1266 = vector.broadcast %parallel_loop3A_1265 : i32 to vector<16xi32>
      %parallel_loop3A_1267 = arith.andi %parallel_loop3A_1260, %parallel_loop3A_1266 : vector<16xi32>
      %parallel_loop3A_1268 = tpu.vector_load_idx %arg9[%parallel_loop3A_1264, %parallel_loop3A_1267] : memref<256x128xf32, #tpu.memory_space<vmem>>[vector<16xi32>, vector<16xi32>], vector<16xf32>,
      %parallel_loop3A_1269 = arith.constant 64 : i32
      %parallel_loop3A_1270 = arith.addi %parallel_loop3A_1269, %parallel_loop3A_1248 : i32
      %parallel_loop3A_1271 = arith.constant 2 : i32
      %parallel_loop3A_1272 = arith.muli %parallel_loop3A_1271, %parallel_loop3A_1270 : i32
      %parallel_loop3A_1273 = arith.constant 0 : i32
      %parallel_loop3A_1274 = arith.addi %parallel_loop3A_1272, %parallel_loop3A_1273 : i32
      %parallel_loop3A_1275 = arith.index_cast %parallel_loop3A_1274 : i32 to index
      %parallel_loop3A_1276 = arith.constant 16 : index
      %parallel_loop3A_1277 = tpu.vector_load %arg11[%parallel_loop3A_1275, %parallel_loop3A_1276] {strides = array<i32>} : memref<256x128xi32, #tpu.memory_space<vmem>>, vector<16xi32>,
      %parallel_loop3A_1278 = arith.constant 7 : i32
      %parallel_loop3A_1279 = vector.broadcast %parallel_loop3A_1278 : i32 to vector<16xi32>
      %parallel_loop3A_1280 = arith.shrsi %parallel_loop3A_1277, %parallel_loop3A_1279 : vector<16xi32>
      %parallel_loop3A_1281 = arith.addi %parallel_loop3A_1251, %parallel_loop3A_1280 : vector<16xi32>
      %parallel_loop3A_1282 = arith.constant 127 : i32
      %parallel_loop3A_1283 = vector.broadcast %parallel_loop3A_1282 : i32 to vector<16xi32>
      %parallel_loop3A_1284 = arith.andi %parallel_loop3A_1277, %parallel_loop3A_1283 : vector<16xi32>
      %parallel_loop3A_1285 = tpu.vector_load_idx %arg9[%parallel_loop3A_1281, %parallel_loop3A_1284] : memref<256x128xf32, #tpu.memory_space<vmem>>[vector<16xi32>, vector<16xi32>], vector<16xf32>,
      %parallel_loop3A_1286 = arith.mulf %parallel_loop3A_1268, %parallel_loop3A_1285 : vector<16xf32>
      %parallel_loop3A_1287 = arith.constant 64 : i32
      %parallel_loop3A_1288 = arith.addi %parallel_loop3A_1287, %parallel_loop3A_1248 : i32
      %parallel_loop3A_1289 = arith.constant 2 : i32
      %parallel_loop3A_1290 = arith.muli %parallel_loop3A_1289, %parallel_loop3A_1288 : i32
      %parallel_loop3A_1291 = arith.constant 0 : i32
      %parallel_loop3A_1292 = arith.addi %parallel_loop3A_1290, %parallel_loop3A_1291 : i32
      %parallel_loop3A_1293 = arith.index_cast %parallel_loop3A_1292 : i32 to index
      %parallel_loop3A_1294 = arith.constant 32 : index
      %parallel_loop3A_1295 = tpu.vector_load %arg11[%parallel_loop3A_1293, %parallel_loop3A_1294] {strides = array<i32>} : memref<256x128xi32, #tpu.memory_space<vmem>>, vector<16xi32>,
      %parallel_loop3A_1296 = arith.constant 7 : i32
      %parallel_loop3A_1297 = vector.broadcast %parallel_loop3A_1296 : i32 to vector<16xi32>
      %parallel_loop3A_1298 = arith.shrsi %parallel_loop3A_1295, %parallel_loop3A_1297 : vector<16xi32>
      %parallel_loop3A_1299 = arith.addi %parallel_loop3A_1251, %parallel_loop3A_1298 : vector<16xi32>
      %parallel_loop3A_1300 = arith.constant 127 : i32
      %parallel_loop3A_1301 = vector.broadcast %parallel_loop3A_1300 : i32 to vector<16xi32>
      %parallel_loop3A_1302 = arith.andi %parallel_loop3A_1295, %parallel_loop3A_1301 : vector<16xi32>
      %parallel_loop3A_1303 = tpu.vector_load_idx %arg9[%parallel_loop3A_1299, %parallel_loop3A_1302] : memref<256x128xf32, #tpu.memory_space<vmem>>[vector<16xi32>, vector<16xi32>], vector<16xf32>,
      %parallel_loop3A_1304 = arith.mulf %parallel_loop3A_1286, %parallel_loop3A_1303 : vector<16xf32>
      %parallel_loop3A_1305 = arith.constant 64 : i32
      %parallel_loop3A_1306 = arith.addi %parallel_loop3A_1305, %parallel_loop3A_1248 : i32
      %parallel_loop3A_1307 = arith.constant 2 : i32
      %parallel_loop3A_1308 = arith.muli %parallel_loop3A_1307, %parallel_loop3A_1306 : i32
      %parallel_loop3A_1309 = arith.constant 0 : i32
      %parallel_loop3A_1310 = arith.addi %parallel_loop3A_1308, %parallel_loop3A_1309 : i32
      %parallel_loop3A_1311 = arith.index_cast %parallel_loop3A_1310 : i32 to index
      %parallel_loop3A_1312 = arith.constant 48 : index
      %parallel_loop3A_1313 = tpu.vector_load %arg11[%parallel_loop3A_1311, %parallel_loop3A_1312] {strides = array<i32>} : memref<256x128xi32, #tpu.memory_space<vmem>>, vector<16xi32>,
      %parallel_loop3A_1314 = arith.constant 7 : i32
      %parallel_loop3A_1315 = vector.broadcast %parallel_loop3A_1314 : i32 to vector<16xi32>
      %parallel_loop3A_1316 = arith.shrsi %parallel_loop3A_1313, %parallel_loop3A_1315 : vector<16xi32>
      %parallel_loop3A_1317 = arith.addi %parallel_loop3A_1251, %parallel_loop3A_1316 : vector<16xi32>
      %parallel_loop3A_1318 = arith.constant 127 : i32
      %parallel_loop3A_1319 = vector.broadcast %parallel_loop3A_1318 : i32 to vector<16xi32>
      %parallel_loop3A_1320 = arith.andi %parallel_loop3A_1313, %parallel_loop3A_1319 : vector<16xi32>
      %parallel_loop3A_1321 = tpu.vector_load_idx %arg9[%parallel_loop3A_1317, %parallel_loop3A_1320] : memref<256x128xf32, #tpu.memory_space<vmem>>[vector<16xi32>, vector<16xi32>], vector<16xf32>,
      %parallel_loop3A_1322 = arith.mulf %parallel_loop3A_1304, %parallel_loop3A_1321 : vector<16xf32>
      %parallel_loop3A_1323 = arith.constant 64 : i32
      %parallel_loop3A_1324 = arith.addi %parallel_loop3A_1323, %parallel_loop3A_1248 : i32
      %parallel_loop3A_1325 = arith.constant 2 : i32
      %parallel_loop3A_1326 = arith.muli %parallel_loop3A_1325, %parallel_loop3A_1324 : i32
      %parallel_loop3A_1327 = arith.constant 0 : i32
      %parallel_loop3A_1328 = arith.addi %parallel_loop3A_1326, %parallel_loop3A_1327 : i32
      %parallel_loop3A_1329 = arith.index_cast %parallel_loop3A_1328 : i32 to index
      %parallel_loop3A_1330 = arith.constant 64 : index
      %parallel_loop3A_1331 = tpu.vector_load %arg11[%parallel_loop3A_1329, %parallel_loop3A_1330] {strides = array<i32>} : memref<256x128xi32, #tpu.memory_space<vmem>>, vector<16xi32>,
      %parallel_loop3A_1332 = arith.constant 7 : i32
      %parallel_loop3A_1333 = vector.broadcast %parallel_loop3A_1332 : i32 to vector<16xi32>
      %parallel_loop3A_1334 = arith.shrsi %parallel_loop3A_1331, %parallel_loop3A_1333 : vector<16xi32>
      %parallel_loop3A_1335 = arith.addi %parallel_loop3A_1251, %parallel_loop3A_1334 : vector<16xi32>
      %parallel_loop3A_1336 = arith.constant 127 : i32
      %parallel_loop3A_1337 = vector.broadcast %parallel_loop3A_1336 : i32 to vector<16xi32>
      %parallel_loop3A_1338 = arith.andi %parallel_loop3A_1331, %parallel_loop3A_1337 : vector<16xi32>
      %parallel_loop3A_1339 = tpu.vector_load_idx %arg9[%parallel_loop3A_1335, %parallel_loop3A_1338] : memref<256x128xf32, #tpu.memory_space<vmem>>[vector<16xi32>, vector<16xi32>], vector<16xf32>,
      %parallel_loop3A_1340 = arith.mulf %parallel_loop3A_1322, %parallel_loop3A_1339 : vector<16xf32>
      %parallel_loop3A_1341 = arith.constant 64 : i32
      %parallel_loop3A_1342 = arith.addi %parallel_loop3A_1341, %parallel_loop3A_1248 : i32
      %parallel_loop3A_1343 = arith.constant 2 : i32
      %parallel_loop3A_1344 = arith.muli %parallel_loop3A_1343, %parallel_loop3A_1342 : i32
      %parallel_loop3A_1345 = arith.constant 0 : i32
      %parallel_loop3A_1346 = arith.addi %parallel_loop3A_1344, %parallel_loop3A_1345 : i32
      %parallel_loop3A_1347 = arith.index_cast %parallel_loop3A_1346 : i32 to index
      %parallel_loop3A_1348 = arith.constant 80 : index
      %parallel_loop3A_1349 = tpu.vector_load %arg11[%parallel_loop3A_1347, %parallel_loop3A_1348] {strides = array<i32>} : memref<256x128xi32, #tpu.memory_space<vmem>>, vector<16xi32>,
      %parallel_loop3A_1350 = arith.constant 7 : i32
      %parallel_loop3A_1351 = vector.broadcast %parallel_loop3A_1350 : i32 to vector<16xi32>
      %parallel_loop3A_1352 = arith.shrsi %parallel_loop3A_1349, %parallel_loop3A_1351 : vector<16xi32>
      %parallel_loop3A_1353 = arith.addi %parallel_loop3A_1251, %parallel_loop3A_1352 : vector<16xi32>
      %parallel_loop3A_1354 = arith.constant 127 : i32
      %parallel_loop3A_1355 = vector.broadcast %parallel_loop3A_1354 : i32 to vector<16xi32>
      %parallel_loop3A_1356 = arith.andi %parallel_loop3A_1349, %parallel_loop3A_1355 : vector<16xi32>
      %parallel_loop3A_1357 = tpu.vector_load_idx %arg9[%parallel_loop3A_1353, %parallel_loop3A_1356] : memref<256x128xf32, #tpu.memory_space<vmem>>[vector<16xi32>, vector<16xi32>], vector<16xf32>,
      %parallel_loop3A_1358 = arith.mulf %parallel_loop3A_1340, %parallel_loop3A_1357 : vector<16xf32>
      %parallel_loop3A_1359 = arith.constant 64 : i32
      %parallel_loop3A_1360 = arith.addi %parallel_loop3A_1359, %parallel_loop3A_1248 : i32
      %parallel_loop3A_1361 = arith.constant 2 : i32
      %parallel_loop3A_1362 = arith.muli %parallel_loop3A_1361, %parallel_loop3A_1360 : i32
      %parallel_loop3A_1363 = arith.constant 0 : i32
      %parallel_loop3A_1364 = arith.addi %parallel_loop3A_1362, %parallel_loop3A_1363 : i32
      %parallel_loop3A_1365 = arith.index_cast %parallel_loop3A_1364 : i32 to index
      %parallel_loop3A_1366 = arith.constant 96 : index
      %parallel_loop3A_1367 = tpu.vector_load %arg11[%parallel_loop3A_1365, %parallel_loop3A_1366] {strides = array<i32>} : memref<256x128xi32, #tpu.memory_space<vmem>>, vector<16xi32>,
      %parallel_loop3A_1368 = arith.constant 7 : i32
      %parallel_loop3A_1369 = vector.broadcast %parallel_loop3A_1368 : i32 to vector<16xi32>
      %parallel_loop3A_1370 = arith.shrsi %parallel_loop3A_1367, %parallel_loop3A_1369 : vector<16xi32>
      %parallel_loop3A_1371 = arith.addi %parallel_loop3A_1251, %parallel_loop3A_1370 : vector<16xi32>
      %parallel_loop3A_1372 = arith.constant 127 : i32
      %parallel_loop3A_1373 = vector.broadcast %parallel_loop3A_1372 : i32 to vector<16xi32>
      %parallel_loop3A_1374 = arith.andi %parallel_loop3A_1367, %parallel_loop3A_1373 : vector<16xi32>
      %parallel_loop3A_1375 = tpu.vector_load_idx %arg9[%parallel_loop3A_1371, %parallel_loop3A_1374] : memref<256x128xf32, #tpu.memory_space<vmem>>[vector<16xi32>, vector<16xi32>], vector<16xf32>,
      %parallel_loop3A_1376 = arith.mulf %parallel_loop3A_1358, %parallel_loop3A_1375 : vector<16xf32>
      %parallel_loop3A_1377 = arith.constant 64 : i32
      %parallel_loop3A_1378 = arith.addi %parallel_loop3A_1377, %parallel_loop3A_1248 : i32
      %parallel_loop3A_1379 = arith.constant 2 : i32
      %parallel_loop3A_1380 = arith.muli %parallel_loop3A_1379, %parallel_loop3A_1378 : i32
      %parallel_loop3A_1381 = arith.constant 0 : i32
      %parallel_loop3A_1382 = arith.addi %parallel_loop3A_1380, %parallel_loop3A_1381 : i32
      %parallel_loop3A_1383 = arith.index_cast %parallel_loop3A_1382 : i32 to index
      %parallel_loop3A_1384 = arith.constant 112 : index
      %parallel_loop3A_1385 = tpu.vector_load %arg11[%parallel_loop3A_1383, %parallel_loop3A_1384] {strides = array<i32>} : memref<256x128xi32, #tpu.memory_space<vmem>>, vector<16xi32>,
      %parallel_loop3A_1386 = arith.constant 7 : i32
      %parallel_loop3A_1387 = vector.broadcast %parallel_loop3A_1386 : i32 to vector<16xi32>
      %parallel_loop3A_1388 = arith.shrsi %parallel_loop3A_1385, %parallel_loop3A_1387 : vector<16xi32>
      %parallel_loop3A_1389 = arith.addi %parallel_loop3A_1251, %parallel_loop3A_1388 : vector<16xi32>
      %parallel_loop3A_1390 = arith.constant 127 : i32
      %parallel_loop3A_1391 = vector.broadcast %parallel_loop3A_1390 : i32 to vector<16xi32>
      %parallel_loop3A_1392 = arith.andi %parallel_loop3A_1385, %parallel_loop3A_1391 : vector<16xi32>
      %parallel_loop3A_1393 = tpu.vector_load_idx %arg9[%parallel_loop3A_1389, %parallel_loop3A_1392] : memref<256x128xf32, #tpu.memory_space<vmem>>[vector<16xi32>, vector<16xi32>], vector<16xf32>,
      %parallel_loop3A_1394 = arith.mulf %parallel_loop3A_1376, %parallel_loop3A_1393 : vector<16xf32>
      %parallel_loop3A_1395 = arith.constant 64 : i32
      %parallel_loop3A_1396 = arith.addi %parallel_loop3A_1395, %parallel_loop3A_1248 : i32
      %parallel_loop3A_1397 = arith.constant 2 : i32
      %parallel_loop3A_1398 = arith.muli %parallel_loop3A_1397, %parallel_loop3A_1396 : i32
      %parallel_loop3A_1399 = arith.constant 1 : i32
      %parallel_loop3A_1400 = arith.addi %parallel_loop3A_1398, %parallel_loop3A_1399 : i32
      %parallel_loop3A_1401 = arith.index_cast %parallel_loop3A_1400 : i32 to index
      %parallel_loop3A_1402 = arith.constant 0 : index
      %parallel_loop3A_1403 = tpu.vector_load %arg11[%parallel_loop3A_1401, %parallel_loop3A_1402] {strides = array<i32>} : memref<256x128xi32, #tpu.memory_space<vmem>>, vector<16xi32>,
      %parallel_loop3A_1404 = arith.constant 7 : i32
      %parallel_loop3A_1405 = vector.broadcast %parallel_loop3A_1404 : i32 to vector<16xi32>
      %parallel_loop3A_1406 = arith.shrsi %parallel_loop3A_1403, %parallel_loop3A_1405 : vector<16xi32>
      %parallel_loop3A_1407 = arith.addi %parallel_loop3A_1251, %parallel_loop3A_1406 : vector<16xi32>
      %parallel_loop3A_1408 = arith.constant 127 : i32
      %parallel_loop3A_1409 = vector.broadcast %parallel_loop3A_1408 : i32 to vector<16xi32>
      %parallel_loop3A_1410 = arith.andi %parallel_loop3A_1403, %parallel_loop3A_1409 : vector<16xi32>
      %parallel_loop3A_1411 = tpu.vector_load_idx %arg9[%parallel_loop3A_1407, %parallel_loop3A_1410] : memref<256x128xf32, #tpu.memory_space<vmem>>[vector<16xi32>, vector<16xi32>], vector<16xf32>,
      %parallel_loop3A_1412 = arith.mulf %parallel_loop3A_1394, %parallel_loop3A_1411 : vector<16xf32>
      %parallel_loop3A_1413 = arith.constant 64 : i32
      %parallel_loop3A_1414 = arith.addi %parallel_loop3A_1413, %parallel_loop3A_1248 : i32
      %parallel_loop3A_1415 = arith.constant 2 : i32
      %parallel_loop3A_1416 = arith.muli %parallel_loop3A_1415, %parallel_loop3A_1414 : i32
      %parallel_loop3A_1417 = arith.constant 1 : i32
      %parallel_loop3A_1418 = arith.addi %parallel_loop3A_1416, %parallel_loop3A_1417 : i32
      %parallel_loop3A_1419 = arith.index_cast %parallel_loop3A_1418 : i32 to index
      %parallel_loop3A_1420 = arith.constant 16 : index
      %parallel_loop3A_1421 = tpu.vector_load %arg11[%parallel_loop3A_1419, %parallel_loop3A_1420] {strides = array<i32>} : memref<256x128xi32, #tpu.memory_space<vmem>>, vector<16xi32>,
      %parallel_loop3A_1422 = arith.constant 7 : i32
      %parallel_loop3A_1423 = vector.broadcast %parallel_loop3A_1422 : i32 to vector<16xi32>
      %parallel_loop3A_1424 = arith.shrsi %parallel_loop3A_1421, %parallel_loop3A_1423 : vector<16xi32>
      %parallel_loop3A_1425 = arith.addi %parallel_loop3A_1251, %parallel_loop3A_1424 : vector<16xi32>
      %parallel_loop3A_1426 = arith.constant 127 : i32
      %parallel_loop3A_1427 = vector.broadcast %parallel_loop3A_1426 : i32 to vector<16xi32>
      %parallel_loop3A_1428 = arith.andi %parallel_loop3A_1421, %parallel_loop3A_1427 : vector<16xi32>
      %parallel_loop3A_1429 = tpu.vector_load_idx %arg9[%parallel_loop3A_1425, %parallel_loop3A_1428] : memref<256x128xf32, #tpu.memory_space<vmem>>[vector<16xi32>, vector<16xi32>], vector<16xf32>,
      %parallel_loop3A_1430 = arith.mulf %parallel_loop3A_1412, %parallel_loop3A_1429 : vector<16xf32>
      %parallel_loop3A_1431 = arith.constant 64 : i32
      %parallel_loop3A_1432 = arith.addi %parallel_loop3A_1431, %parallel_loop3A_1248 : i32
      %parallel_loop3A_1433 = arith.constant 2 : i32
      %parallel_loop3A_1434 = arith.muli %parallel_loop3A_1433, %parallel_loop3A_1432 : i32
      %parallel_loop3A_1435 = arith.constant 1 : i32
      %parallel_loop3A_1436 = arith.addi %parallel_loop3A_1434, %parallel_loop3A_1435 : i32
      %parallel_loop3A_1437 = arith.index_cast %parallel_loop3A_1436 : i32 to index
      %parallel_loop3A_1438 = arith.constant 32 : index
      %parallel_loop3A_1439 = tpu.vector_load %arg11[%parallel_loop3A_1437, %parallel_loop3A_1438] {strides = array<i32>} : memref<256x128xi32, #tpu.memory_space<vmem>>, vector<16xi32>,
      %parallel_loop3A_1440 = arith.constant 7 : i32
      %parallel_loop3A_1441 = vector.broadcast %parallel_loop3A_1440 : i32 to vector<16xi32>
      %parallel_loop3A_1442 = arith.shrsi %parallel_loop3A_1439, %parallel_loop3A_1441 : vector<16xi32>
      %parallel_loop3A_1443 = arith.addi %parallel_loop3A_1251, %parallel_loop3A_1442 : vector<16xi32>
      %parallel_loop3A_1444 = arith.constant 127 : i32
      %parallel_loop3A_1445 = vector.broadcast %parallel_loop3A_1444 : i32 to vector<16xi32>
      %parallel_loop3A_1446 = arith.andi %parallel_loop3A_1439, %parallel_loop3A_1445 : vector<16xi32>
      %parallel_loop3A_1447 = tpu.vector_load_idx %arg9[%parallel_loop3A_1443, %parallel_loop3A_1446] : memref<256x128xf32, #tpu.memory_space<vmem>>[vector<16xi32>, vector<16xi32>], vector<16xf32>,
      %parallel_loop3A_1448 = arith.mulf %parallel_loop3A_1430, %parallel_loop3A_1447 : vector<16xf32>
      %parallel_loop3A_1449 = arith.constant 64 : i32
      %parallel_loop3A_1450 = arith.addi %parallel_loop3A_1449, %parallel_loop3A_1248 : i32
      %parallel_loop3A_1451 = arith.constant 2 : i32
      %parallel_loop3A_1452 = arith.muli %parallel_loop3A_1451, %parallel_loop3A_1450 : i32
      %parallel_loop3A_1453 = arith.constant 1 : i32
      %parallel_loop3A_1454 = arith.addi %parallel_loop3A_1452, %parallel_loop3A_1453 : i32
      %parallel_loop3A_1455 = arith.index_cast %parallel_loop3A_1454 : i32 to index
      %parallel_loop3A_1456 = arith.constant 48 : index
      %parallel_loop3A_1457 = tpu.vector_load %arg11[%parallel_loop3A_1455, %parallel_loop3A_1456] {strides = array<i32>} : memref<256x128xi32, #tpu.memory_space<vmem>>, vector<16xi32>,
      %parallel_loop3A_1458 = arith.constant 7 : i32
      %parallel_loop3A_1459 = vector.broadcast %parallel_loop3A_1458 : i32 to vector<16xi32>
      %parallel_loop3A_1460 = arith.shrsi %parallel_loop3A_1457, %parallel_loop3A_1459 : vector<16xi32>
      %parallel_loop3A_1461 = arith.addi %parallel_loop3A_1251, %parallel_loop3A_1460 : vector<16xi32>
      %parallel_loop3A_1462 = arith.constant 127 : i32
      %parallel_loop3A_1463 = vector.broadcast %parallel_loop3A_1462 : i32 to vector<16xi32>
      %parallel_loop3A_1464 = arith.andi %parallel_loop3A_1457, %parallel_loop3A_1463 : vector<16xi32>
      %parallel_loop3A_1465 = tpu.vector_load_idx %arg9[%parallel_loop3A_1461, %parallel_loop3A_1464] : memref<256x128xf32, #tpu.memory_space<vmem>>[vector<16xi32>, vector<16xi32>], vector<16xf32>,
      %parallel_loop3A_1466 = arith.mulf %parallel_loop3A_1448, %parallel_loop3A_1465 : vector<16xf32>
      %parallel_loop3A_1467 = arith.constant 64 : i32
      %parallel_loop3A_1468 = arith.addi %parallel_loop3A_1467, %parallel_loop3A_1248 : i32
      %parallel_loop3A_1469 = arith.constant 2 : i32
      %parallel_loop3A_1470 = arith.muli %parallel_loop3A_1469, %parallel_loop3A_1468 : i32
      %parallel_loop3A_1471 = arith.constant 1 : i32
      %parallel_loop3A_1472 = arith.addi %parallel_loop3A_1470, %parallel_loop3A_1471 : i32
      %parallel_loop3A_1473 = arith.index_cast %parallel_loop3A_1472 : i32 to index
      %parallel_loop3A_1474 = arith.constant 64 : index
      %parallel_loop3A_1475 = tpu.vector_load %arg11[%parallel_loop3A_1473, %parallel_loop3A_1474] {strides = array<i32>} : memref<256x128xi32, #tpu.memory_space<vmem>>, vector<16xi32>,
      %parallel_loop3A_1476 = arith.constant 7 : i32
      %parallel_loop3A_1477 = vector.broadcast %parallel_loop3A_1476 : i32 to vector<16xi32>
      %parallel_loop3A_1478 = arith.shrsi %parallel_loop3A_1475, %parallel_loop3A_1477 : vector<16xi32>
      %parallel_loop3A_1479 = arith.addi %parallel_loop3A_1251, %parallel_loop3A_1478 : vector<16xi32>
      %parallel_loop3A_1480 = arith.constant 127 : i32
      %parallel_loop3A_1481 = vector.broadcast %parallel_loop3A_1480 : i32 to vector<16xi32>
      %parallel_loop3A_1482 = arith.andi %parallel_loop3A_1475, %parallel_loop3A_1481 : vector<16xi32>
      %parallel_loop3A_1483 = tpu.vector_load_idx %arg9[%parallel_loop3A_1479, %parallel_loop3A_1482] : memref<256x128xf32, #tpu.memory_space<vmem>>[vector<16xi32>, vector<16xi32>], vector<16xf32>,
      %parallel_loop3A_1484 = arith.mulf %parallel_loop3A_1466, %parallel_loop3A_1483 : vector<16xf32>
      %parallel_loop3A_1485 = arith.constant 64 : i32
      %parallel_loop3A_1486 = arith.addi %parallel_loop3A_1485, %parallel_loop3A_1248 : i32
      %parallel_loop3A_1487 = arith.constant 2 : i32
      %parallel_loop3A_1488 = arith.muli %parallel_loop3A_1487, %parallel_loop3A_1486 : i32
      %parallel_loop3A_1489 = arith.constant 1 : i32
      %parallel_loop3A_1490 = arith.addi %parallel_loop3A_1488, %parallel_loop3A_1489 : i32
      %parallel_loop3A_1491 = arith.index_cast %parallel_loop3A_1490 : i32 to index
      %parallel_loop3A_1492 = arith.constant 80 : index
      %parallel_loop3A_1493 = tpu.vector_load %arg11[%parallel_loop3A_1491, %parallel_loop3A_1492] {strides = array<i32>} : memref<256x128xi32, #tpu.memory_space<vmem>>, vector<16xi32>,
      %parallel_loop3A_1494 = arith.constant 7 : i32
      %parallel_loop3A_1495 = vector.broadcast %parallel_loop3A_1494 : i32 to vector<16xi32>
      %parallel_loop3A_1496 = arith.shrsi %parallel_loop3A_1493, %parallel_loop3A_1495 : vector<16xi32>
      %parallel_loop3A_1497 = arith.addi %parallel_loop3A_1251, %parallel_loop3A_1496 : vector<16xi32>
      %parallel_loop3A_1498 = arith.constant 127 : i32
      %parallel_loop3A_1499 = vector.broadcast %parallel_loop3A_1498 : i32 to vector<16xi32>
      %parallel_loop3A_1500 = arith.andi %parallel_loop3A_1493, %parallel_loop3A_1499 : vector<16xi32>
      %parallel_loop3A_1501 = tpu.vector_load_idx %arg9[%parallel_loop3A_1497, %parallel_loop3A_1500] : memref<256x128xf32, #tpu.memory_space<vmem>>[vector<16xi32>, vector<16xi32>], vector<16xf32>,
      %parallel_loop3A_1502 = arith.constant 64 : i32
      %parallel_loop3A_1503 = arith.addi %parallel_loop3A_1502, %parallel_loop3A_1248 : i32
      %parallel_loop3A_1504 = arith.constant 32 : i32
      %parallel_loop3A_1505 = arith.muli %parallel_loop3A_1503, %parallel_loop3A_1504 : i32
      %parallel_loop3A_1506 = arith.index_cast %parallel_loop3A_1505 : i32 to index
      %parallel_loop3A_1507 = tpu.vector_load %arg12[%parallel_loop3A_1506] {strides = array<i32>} : memref<4096xf32, #tpu.memory_space<vmem>>, vector<16xf32>,
      tpu.vector_store %arg12[%parallel_loop3A_1506], %parallel_loop3A_1484 {strides = array<i32>} : memref<4096xf32, #tpu.memory_space<vmem>>, vector<16xf32>,
      %parallel_loop3A_1508 = arith.constant 64 : i32
      %parallel_loop3A_1509 = arith.addi %parallel_loop3A_1508, %parallel_loop3A_1248 : i32
      %parallel_loop3A_1510 = arith.constant 32 : i32
      %parallel_loop3A_1511 = arith.muli %parallel_loop3A_1509, %parallel_loop3A_1510 : i32
      %parallel_loop3A_1512 = arith.constant 16 : i32
      %parallel_loop3A_1513 = arith.addi %parallel_loop3A_1511, %parallel_loop3A_1512 : i32
      %parallel_loop3A_1514 = arith.index_cast %parallel_loop3A_1513 : i32 to index
      %parallel_loop3A_1515 = tpu.vector_load %arg12[%parallel_loop3A_1514] {strides = array<i32>} : memref<4096xf32, #tpu.memory_space<vmem>>, vector<16xf32>,
      tpu.vector_store %arg12[%parallel_loop3A_1514], %parallel_loop3A_1501 {strides = array<i32>} : memref<4096xf32, #tpu.memory_space<vmem>>, vector<16xf32>,
    } {sc.loop_unroll_factor = 4 : i64, sc.parallel_access}
    %dma_wait3A_1223 = arith.constant 0 : i32
    %dma_wait3A_1224 = arith.constant 0 : i32
    %dma_wait3A_1225 = tpu.memref_slice %arg10[%dma_wait3A_1223, %dma_wait3A_1224] : memref<256x128xf32, #tpu.memory_space<vmem>> -> memref<128x128xf32, #tpu.memory_space<vmem>>
    %dma_wait3A_1226 = arith.constant 0 : i32
    %dma_wait3A_1227 = tpu.memref_slice %arg8[%dma_wait3A_1226] : memref<256xi32, #tpu.memory_space<vmem>> -> memref<128xi32, #tpu.memory_space<vmem>>
    %dma_wait3A_1228 = arith.constant 0 : i32
    %dma_wait3A_1229 = arith.constant 0 : i32
    %dma_wait3A_1230 = tpu.memref_slice %arg2[%dma_wait3A_1228, %dma_wait3A_1229] : memref<8000x128xf32, #tpu.memory_space<hbm>> -> memref<8000x128xf32, #tpu.memory_space<hbm>>
    tpu.wait_indirect_dma semaphore(%arg14 : memref<!tpu.dma_semaphore, #tpu.memory_space<semaphore_mem>>) src(%dma_wait3A_1230 : memref<8000x128xf32, #tpu.memory_space<hbm>>) dst(%dma_wait3A_1225 : memref<128x128xf32, #tpu.memory_space<vmem>>)
    %dma_wait3A_1231 = arith.constant 128 : i32
    %dma_wait3A_1232 = arith.constant 0 : i32
    %dma_wait3A_1233 = tpu.memref_slice %arg10[%dma_wait3A_1231, %dma_wait3A_1232] : memref<256x128xf32, #tpu.memory_space<vmem>> -> memref<128x128xf32, #tpu.memory_space<vmem>>
    %dma_wait3A_1234 = arith.constant 128 : i32
    %dma_wait3A_1235 = tpu.memref_slice %arg8[%dma_wait3A_1234] : memref<256xi32, #tpu.memory_space<vmem>> -> memref<128xi32, #tpu.memory_space<vmem>>
    %dma_wait3A_1236 = arith.constant 0 : i32
    %dma_wait3A_1237 = arith.constant 0 : i32
    %dma_wait3A_1238 = tpu.memref_slice %arg2[%dma_wait3A_1236, %dma_wait3A_1237] : memref<8000x128xf32, #tpu.memory_space<hbm>> -> memref<8000x128xf32, #tpu.memory_space<hbm>>
    tpu.wait_indirect_dma semaphore(%arg14 : memref<!tpu.dma_semaphore, #tpu.memory_space<semaphore_mem>>) src(%dma_wait3A_1238 : memref<8000x128xf32, #tpu.memory_space<hbm>>) dst(%dma_wait3A_1233 : memref<128x128xf32, #tpu.memory_space<vmem>>)
    %parallel_loop3A_1239 = arith.constant 0 : i32
    %parallel_loop3A_1240 = arith.constant 32 : i32
    %parallel_loop3A_1241 = arith.constant 1 : i32
    scf.for %parallel_loop3A_1248 = %parallel_loop3A_1239 to %parallel_loop3A_1240 step %parallel_loop3A_1241  : i32 {
      %parallel_loop3A_1249 = arith.constant 8 : i32
      %parallel_loop3A_1250 = arith.muli %parallel_loop3A_1249, %parallel_loop3A_1248 : i32
      %parallel_loop3A_1251 = vector.broadcast %parallel_loop3A_1250 : i32 to vector<16xi32>
      %parallel_loop3A_1252 = arith.constant 96 : i32
      %parallel_loop3A_1253 = arith.addi %parallel_loop3A_1252, %parallel_loop3A_1248 : i32
      %parallel_loop3A_1254 = arith.constant 2 : i32
      %parallel_loop3A_1255 = arith.muli %parallel_loop3A_1254, %parallel_loop3A_1253 : i32
      %parallel_loop3A_1256 = arith.constant 0 : i32
      %parallel_loop3A_1257 = arith.addi %parallel_loop3A_1255, %parallel_loop3A_1256 : i32
      %parallel_loop3A_1258 = arith.index_cast %parallel_loop3A_1257 : i32 to index
      %parallel_loop3A_1259 = arith.constant 0 : index
      %parallel_loop3A_1260 = tpu.vector_load %arg11[%parallel_loop3A_1258, %parallel_loop3A_1259] {strides = array<i32>} : memref<256x128xi32, #tpu.memory_space<vmem>>, vector<16xi32>,
      %parallel_loop3A_1261 = arith.constant 7 : i32
      %parallel_loop3A_1262 = vector.broadcast %parallel_loop3A_1261 : i32 to vector<16xi32>
      %parallel_loop3A_1263 = arith.shrsi %parallel_loop3A_1260, %parallel_loop3A_1262 : vector<16xi32>
      %parallel_loop3A_1264 = arith.addi %parallel_loop3A_1251, %parallel_loop3A_1263 : vector<16xi32>
      %parallel_loop3A_1265 = arith.constant 127 : i32
      %parallel_loop3A_1266 = vector.broadcast %parallel_loop3A_1265 : i32 to vector<16xi32>
      %parallel_loop3A_1267 = arith.andi %parallel_loop3A_1260, %parallel_loop3A_1266 : vector<16xi32>
      %parallel_loop3A_1268 = tpu.vector_load_idx %arg10[%parallel_loop3A_1264, %parallel_loop3A_1267] : memref<256x128xf32, #tpu.memory_space<vmem>>[vector<16xi32>, vector<16xi32>], vector<16xf32>,
      %parallel_loop3A_1269 = arith.constant 96 : i32
      %parallel_loop3A_1270 = arith.addi %parallel_loop3A_1269, %parallel_loop3A_1248 : i32
      %parallel_loop3A_1271 = arith.constant 2 : i32
      %parallel_loop3A_1272 = arith.muli %parallel_loop3A_1271, %parallel_loop3A_1270 : i32
      %parallel_loop3A_1273 = arith.constant 0 : i32
      %parallel_loop3A_1274 = arith.addi %parallel_loop3A_1272, %parallel_loop3A_1273 : i32
      %parallel_loop3A_1275 = arith.index_cast %parallel_loop3A_1274 : i32 to index
      %parallel_loop3A_1276 = arith.constant 16 : index
      %parallel_loop3A_1277 = tpu.vector_load %arg11[%parallel_loop3A_1275, %parallel_loop3A_1276] {strides = array<i32>} : memref<256x128xi32, #tpu.memory_space<vmem>>, vector<16xi32>,
      %parallel_loop3A_1278 = arith.constant 7 : i32
      %parallel_loop3A_1279 = vector.broadcast %parallel_loop3A_1278 : i32 to vector<16xi32>
      %parallel_loop3A_1280 = arith.shrsi %parallel_loop3A_1277, %parallel_loop3A_1279 : vector<16xi32>
      %parallel_loop3A_1281 = arith.addi %parallel_loop3A_1251, %parallel_loop3A_1280 : vector<16xi32>
      %parallel_loop3A_1282 = arith.constant 127 : i32
      %parallel_loop3A_1283 = vector.broadcast %parallel_loop3A_1282 : i32 to vector<16xi32>
      %parallel_loop3A_1284 = arith.andi %parallel_loop3A_1277, %parallel_loop3A_1283 : vector<16xi32>
      %parallel_loop3A_1285 = tpu.vector_load_idx %arg10[%parallel_loop3A_1281, %parallel_loop3A_1284] : memref<256x128xf32, #tpu.memory_space<vmem>>[vector<16xi32>, vector<16xi32>], vector<16xf32>,
      %parallel_loop3A_1286 = arith.mulf %parallel_loop3A_1268, %parallel_loop3A_1285 : vector<16xf32>
      %parallel_loop3A_1287 = arith.constant 96 : i32
      %parallel_loop3A_1288 = arith.addi %parallel_loop3A_1287, %parallel_loop3A_1248 : i32
      %parallel_loop3A_1289 = arith.constant 2 : i32
      %parallel_loop3A_1290 = arith.muli %parallel_loop3A_1289, %parallel_loop3A_1288 : i32
      %parallel_loop3A_1291 = arith.constant 0 : i32
      %parallel_loop3A_1292 = arith.addi %parallel_loop3A_1290, %parallel_loop3A_1291 : i32
      %parallel_loop3A_1293 = arith.index_cast %parallel_loop3A_1292 : i32 to index
      %parallel_loop3A_1294 = arith.constant 32 : index
      %parallel_loop3A_1295 = tpu.vector_load %arg11[%parallel_loop3A_1293, %parallel_loop3A_1294] {strides = array<i32>} : memref<256x128xi32, #tpu.memory_space<vmem>>, vector<16xi32>,
      %parallel_loop3A_1296 = arith.constant 7 : i32
      %parallel_loop3A_1297 = vector.broadcast %parallel_loop3A_1296 : i32 to vector<16xi32>
      %parallel_loop3A_1298 = arith.shrsi %parallel_loop3A_1295, %parallel_loop3A_1297 : vector<16xi32>
      %parallel_loop3A_1299 = arith.addi %parallel_loop3A_1251, %parallel_loop3A_1298 : vector<16xi32>
      %parallel_loop3A_1300 = arith.constant 127 : i32
      %parallel_loop3A_1301 = vector.broadcast %parallel_loop3A_1300 : i32 to vector<16xi32>
      %parallel_loop3A_1302 = arith.andi %parallel_loop3A_1295, %parallel_loop3A_1301 : vector<16xi32>
      %parallel_loop3A_1303 = tpu.vector_load_idx %arg10[%parallel_loop3A_1299, %parallel_loop3A_1302] : memref<256x128xf32, #tpu.memory_space<vmem>>[vector<16xi32>, vector<16xi32>], vector<16xf32>,
      %parallel_loop3A_1304 = arith.mulf %parallel_loop3A_1286, %parallel_loop3A_1303 : vector<16xf32>
      %parallel_loop3A_1305 = arith.constant 96 : i32
      %parallel_loop3A_1306 = arith.addi %parallel_loop3A_1305, %parallel_loop3A_1248 : i32
      %parallel_loop3A_1307 = arith.constant 2 : i32
      %parallel_loop3A_1308 = arith.muli %parallel_loop3A_1307, %parallel_loop3A_1306 : i32
      %parallel_loop3A_1309 = arith.constant 0 : i32
      %parallel_loop3A_1310 = arith.addi %parallel_loop3A_1308, %parallel_loop3A_1309 : i32
      %parallel_loop3A_1311 = arith.index_cast %parallel_loop3A_1310 : i32 to index
      %parallel_loop3A_1312 = arith.constant 48 : index
      %parallel_loop3A_1313 = tpu.vector_load %arg11[%parallel_loop3A_1311, %parallel_loop3A_1312] {strides = array<i32>} : memref<256x128xi32, #tpu.memory_space<vmem>>, vector<16xi32>,
      %parallel_loop3A_1314 = arith.constant 7 : i32
      %parallel_loop3A_1315 = vector.broadcast %parallel_loop3A_1314 : i32 to vector<16xi32>
      %parallel_loop3A_1316 = arith.shrsi %parallel_loop3A_1313, %parallel_loop3A_1315 : vector<16xi32>
      %parallel_loop3A_1317 = arith.addi %parallel_loop3A_1251, %parallel_loop3A_1316 : vector<16xi32>
      %parallel_loop3A_1318 = arith.constant 127 : i32
      %parallel_loop3A_1319 = vector.broadcast %parallel_loop3A_1318 : i32 to vector<16xi32>
      %parallel_loop3A_1320 = arith.andi %parallel_loop3A_1313, %parallel_loop3A_1319 : vector<16xi32>
      %parallel_loop3A_1321 = tpu.vector_load_idx %arg10[%parallel_loop3A_1317, %parallel_loop3A_1320] : memref<256x128xf32, #tpu.memory_space<vmem>>[vector<16xi32>, vector<16xi32>], vector<16xf32>,
      %parallel_loop3A_1322 = arith.mulf %parallel_loop3A_1304, %parallel_loop3A_1321 : vector<16xf32>
      %parallel_loop3A_1323 = arith.constant 96 : i32
      %parallel_loop3A_1324 = arith.addi %parallel_loop3A_1323, %parallel_loop3A_1248 : i32
      %parallel_loop3A_1325 = arith.constant 2 : i32
      %parallel_loop3A_1326 = arith.muli %parallel_loop3A_1325, %parallel_loop3A_1324 : i32
      %parallel_loop3A_1327 = arith.constant 0 : i32
      %parallel_loop3A_1328 = arith.addi %parallel_loop3A_1326, %parallel_loop3A_1327 : i32
      %parallel_loop3A_1329 = arith.index_cast %parallel_loop3A_1328 : i32 to index
      %parallel_loop3A_1330 = arith.constant 64 : index
      %parallel_loop3A_1331 = tpu.vector_load %arg11[%parallel_loop3A_1329, %parallel_loop3A_1330] {strides = array<i32>} : memref<256x128xi32, #tpu.memory_space<vmem>>, vector<16xi32>,
      %parallel_loop3A_1332 = arith.constant 7 : i32
      %parallel_loop3A_1333 = vector.broadcast %parallel_loop3A_1332 : i32 to vector<16xi32>
      %parallel_loop3A_1334 = arith.shrsi %parallel_loop3A_1331, %parallel_loop3A_1333 : vector<16xi32>
      %parallel_loop3A_1335 = arith.addi %parallel_loop3A_1251, %parallel_loop3A_1334 : vector<16xi32>
      %parallel_loop3A_1336 = arith.constant 127 : i32
      %parallel_loop3A_1337 = vector.broadcast %parallel_loop3A_1336 : i32 to vector<16xi32>
      %parallel_loop3A_1338 = arith.andi %parallel_loop3A_1331, %parallel_loop3A_1337 : vector<16xi32>
      %parallel_loop3A_1339 = tpu.vector_load_idx %arg10[%parallel_loop3A_1335, %parallel_loop3A_1338] : memref<256x128xf32, #tpu.memory_space<vmem>>[vector<16xi32>, vector<16xi32>], vector<16xf32>,
      %parallel_loop3A_1340 = arith.mulf %parallel_loop3A_1322, %parallel_loop3A_1339 : vector<16xf32>
      %parallel_loop3A_1341 = arith.constant 96 : i32
      %parallel_loop3A_1342 = arith.addi %parallel_loop3A_1341, %parallel_loop3A_1248 : i32
      %parallel_loop3A_1343 = arith.constant 2 : i32
      %parallel_loop3A_1344 = arith.muli %parallel_loop3A_1343, %parallel_loop3A_1342 : i32
      %parallel_loop3A_1345 = arith.constant 0 : i32
      %parallel_loop3A_1346 = arith.addi %parallel_loop3A_1344, %parallel_loop3A_1345 : i32
      %parallel_loop3A_1347 = arith.index_cast %parallel_loop3A_1346 : i32 to index
      %parallel_loop3A_1348 = arith.constant 80 : index
      %parallel_loop3A_1349 = tpu.vector_load %arg11[%parallel_loop3A_1347, %parallel_loop3A_1348] {strides = array<i32>} : memref<256x128xi32, #tpu.memory_space<vmem>>, vector<16xi32>,
      %parallel_loop3A_1350 = arith.constant 7 : i32
      %parallel_loop3A_1351 = vector.broadcast %parallel_loop3A_1350 : i32 to vector<16xi32>
      %parallel_loop3A_1352 = arith.shrsi %parallel_loop3A_1349, %parallel_loop3A_1351 : vector<16xi32>
      %parallel_loop3A_1353 = arith.addi %parallel_loop3A_1251, %parallel_loop3A_1352 : vector<16xi32>
      %parallel_loop3A_1354 = arith.constant 127 : i32
      %parallel_loop3A_1355 = vector.broadcast %parallel_loop3A_1354 : i32 to vector<16xi32>
      %parallel_loop3A_1356 = arith.andi %parallel_loop3A_1349, %parallel_loop3A_1355 : vector<16xi32>
      %parallel_loop3A_1357 = tpu.vector_load_idx %arg10[%parallel_loop3A_1353, %parallel_loop3A_1356] : memref<256x128xf32, #tpu.memory_space<vmem>>[vector<16xi32>, vector<16xi32>], vector<16xf32>,
      %parallel_loop3A_1358 = arith.mulf %parallel_loop3A_1340, %parallel_loop3A_1357 : vector<16xf32>
      %parallel_loop3A_1359 = arith.constant 96 : i32
      %parallel_loop3A_1360 = arith.addi %parallel_loop3A_1359, %parallel_loop3A_1248 : i32
      %parallel_loop3A_1361 = arith.constant 2 : i32
      %parallel_loop3A_1362 = arith.muli %parallel_loop3A_1361, %parallel_loop3A_1360 : i32
      %parallel_loop3A_1363 = arith.constant 0 : i32
      %parallel_loop3A_1364 = arith.addi %parallel_loop3A_1362, %parallel_loop3A_1363 : i32
      %parallel_loop3A_1365 = arith.index_cast %parallel_loop3A_1364 : i32 to index
      %parallel_loop3A_1366 = arith.constant 96 : index
      %parallel_loop3A_1367 = tpu.vector_load %arg11[%parallel_loop3A_1365, %parallel_loop3A_1366] {strides = array<i32>} : memref<256x128xi32, #tpu.memory_space<vmem>>, vector<16xi32>,
      %parallel_loop3A_1368 = arith.constant 7 : i32
      %parallel_loop3A_1369 = vector.broadcast %parallel_loop3A_1368 : i32 to vector<16xi32>
      %parallel_loop3A_1370 = arith.shrsi %parallel_loop3A_1367, %parallel_loop3A_1369 : vector<16xi32>
      %parallel_loop3A_1371 = arith.addi %parallel_loop3A_1251, %parallel_loop3A_1370 : vector<16xi32>
      %parallel_loop3A_1372 = arith.constant 127 : i32
      %parallel_loop3A_1373 = vector.broadcast %parallel_loop3A_1372 : i32 to vector<16xi32>
      %parallel_loop3A_1374 = arith.andi %parallel_loop3A_1367, %parallel_loop3A_1373 : vector<16xi32>
      %parallel_loop3A_1375 = tpu.vector_load_idx %arg10[%parallel_loop3A_1371, %parallel_loop3A_1374] : memref<256x128xf32, #tpu.memory_space<vmem>>[vector<16xi32>, vector<16xi32>], vector<16xf32>,
      %parallel_loop3A_1376 = arith.mulf %parallel_loop3A_1358, %parallel_loop3A_1375 : vector<16xf32>
      %parallel_loop3A_1377 = arith.constant 96 : i32
      %parallel_loop3A_1378 = arith.addi %parallel_loop3A_1377, %parallel_loop3A_1248 : i32
      %parallel_loop3A_1379 = arith.constant 2 : i32
      %parallel_loop3A_1380 = arith.muli %parallel_loop3A_1379, %parallel_loop3A_1378 : i32
      %parallel_loop3A_1381 = arith.constant 0 : i32
      %parallel_loop3A_1382 = arith.addi %parallel_loop3A_1380, %parallel_loop3A_1381 : i32
      %parallel_loop3A_1383 = arith.index_cast %parallel_loop3A_1382 : i32 to index
      %parallel_loop3A_1384 = arith.constant 112 : index
      %parallel_loop3A_1385 = tpu.vector_load %arg11[%parallel_loop3A_1383, %parallel_loop3A_1384] {strides = array<i32>} : memref<256x128xi32, #tpu.memory_space<vmem>>, vector<16xi32>,
      %parallel_loop3A_1386 = arith.constant 7 : i32
      %parallel_loop3A_1387 = vector.broadcast %parallel_loop3A_1386 : i32 to vector<16xi32>
      %parallel_loop3A_1388 = arith.shrsi %parallel_loop3A_1385, %parallel_loop3A_1387 : vector<16xi32>
      %parallel_loop3A_1389 = arith.addi %parallel_loop3A_1251, %parallel_loop3A_1388 : vector<16xi32>
      %parallel_loop3A_1390 = arith.constant 127 : i32
      %parallel_loop3A_1391 = vector.broadcast %parallel_loop3A_1390 : i32 to vector<16xi32>
      %parallel_loop3A_1392 = arith.andi %parallel_loop3A_1385, %parallel_loop3A_1391 : vector<16xi32>
      %parallel_loop3A_1393 = tpu.vector_load_idx %arg10[%parallel_loop3A_1389, %parallel_loop3A_1392] : memref<256x128xf32, #tpu.memory_space<vmem>>[vector<16xi32>, vector<16xi32>], vector<16xf32>,
      %parallel_loop3A_1394 = arith.mulf %parallel_loop3A_1376, %parallel_loop3A_1393 : vector<16xf32>
      %parallel_loop3A_1395 = arith.constant 96 : i32
      %parallel_loop3A_1396 = arith.addi %parallel_loop3A_1395, %parallel_loop3A_1248 : i32
      %parallel_loop3A_1397 = arith.constant 2 : i32
      %parallel_loop3A_1398 = arith.muli %parallel_loop3A_1397, %parallel_loop3A_1396 : i32
      %parallel_loop3A_1399 = arith.constant 1 : i32
      %parallel_loop3A_1400 = arith.addi %parallel_loop3A_1398, %parallel_loop3A_1399 : i32
      %parallel_loop3A_1401 = arith.index_cast %parallel_loop3A_1400 : i32 to index
      %parallel_loop3A_1402 = arith.constant 0 : index
      %parallel_loop3A_1403 = tpu.vector_load %arg11[%parallel_loop3A_1401, %parallel_loop3A_1402] {strides = array<i32>} : memref<256x128xi32, #tpu.memory_space<vmem>>, vector<16xi32>,
      %parallel_loop3A_1404 = arith.constant 7 : i32
      %parallel_loop3A_1405 = vector.broadcast %parallel_loop3A_1404 : i32 to vector<16xi32>
      %parallel_loop3A_1406 = arith.shrsi %parallel_loop3A_1403, %parallel_loop3A_1405 : vector<16xi32>
      %parallel_loop3A_1407 = arith.addi %parallel_loop3A_1251, %parallel_loop3A_1406 : vector<16xi32>
      %parallel_loop3A_1408 = arith.constant 127 : i32
      %parallel_loop3A_1409 = vector.broadcast %parallel_loop3A_1408 : i32 to vector<16xi32>
      %parallel_loop3A_1410 = arith.andi %parallel_loop3A_1403, %parallel_loop3A_1409 : vector<16xi32>
      %parallel_loop3A_1411 = tpu.vector_load_idx %arg10[%parallel_loop3A_1407, %parallel_loop3A_1410] : memref<256x128xf32, #tpu.memory_space<vmem>>[vector<16xi32>, vector<16xi32>], vector<16xf32>,
      %parallel_loop3A_1412 = arith.mulf %parallel_loop3A_1394, %parallel_loop3A_1411 : vector<16xf32>
      %parallel_loop3A_1413 = arith.constant 96 : i32
      %parallel_loop3A_1414 = arith.addi %parallel_loop3A_1413, %parallel_loop3A_1248 : i32
      %parallel_loop3A_1415 = arith.constant 2 : i32
      %parallel_loop3A_1416 = arith.muli %parallel_loop3A_1415, %parallel_loop3A_1414 : i32
      %parallel_loop3A_1417 = arith.constant 1 : i32
      %parallel_loop3A_1418 = arith.addi %parallel_loop3A_1416, %parallel_loop3A_1417 : i32
      %parallel_loop3A_1419 = arith.index_cast %parallel_loop3A_1418 : i32 to index
      %parallel_loop3A_1420 = arith.constant 16 : index
      %parallel_loop3A_1421 = tpu.vector_load %arg11[%parallel_loop3A_1419, %parallel_loop3A_1420] {strides = array<i32>} : memref<256x128xi32, #tpu.memory_space<vmem>>, vector<16xi32>,
      %parallel_loop3A_1422 = arith.constant 7 : i32
      %parallel_loop3A_1423 = vector.broadcast %parallel_loop3A_1422 : i32 to vector<16xi32>
      %parallel_loop3A_1424 = arith.shrsi %parallel_loop3A_1421, %parallel_loop3A_1423 : vector<16xi32>
      %parallel_loop3A_1425 = arith.addi %parallel_loop3A_1251, %parallel_loop3A_1424 : vector<16xi32>
      %parallel_loop3A_1426 = arith.constant 127 : i32
      %parallel_loop3A_1427 = vector.broadcast %parallel_loop3A_1426 : i32 to vector<16xi32>
      %parallel_loop3A_1428 = arith.andi %parallel_loop3A_1421, %parallel_loop3A_1427 : vector<16xi32>
      %parallel_loop3A_1429 = tpu.vector_load_idx %arg10[%parallel_loop3A_1425, %parallel_loop3A_1428] : memref<256x128xf32, #tpu.memory_space<vmem>>[vector<16xi32>, vector<16xi32>], vector<16xf32>,
      %parallel_loop3A_1430 = arith.mulf %parallel_loop3A_1412, %parallel_loop3A_1429 : vector<16xf32>
      %parallel_loop3A_1431 = arith.constant 96 : i32
      %parallel_loop3A_1432 = arith.addi %parallel_loop3A_1431, %parallel_loop3A_1248 : i32
      %parallel_loop3A_1433 = arith.constant 2 : i32
      %parallel_loop3A_1434 = arith.muli %parallel_loop3A_1433, %parallel_loop3A_1432 : i32
      %parallel_loop3A_1435 = arith.constant 1 : i32
      %parallel_loop3A_1436 = arith.addi %parallel_loop3A_1434, %parallel_loop3A_1435 : i32
      %parallel_loop3A_1437 = arith.index_cast %parallel_loop3A_1436 : i32 to index
      %parallel_loop3A_1438 = arith.constant 32 : index
      %parallel_loop3A_1439 = tpu.vector_load %arg11[%parallel_loop3A_1437, %parallel_loop3A_1438] {strides = array<i32>} : memref<256x128xi32, #tpu.memory_space<vmem>>, vector<16xi32>,
      %parallel_loop3A_1440 = arith.constant 7 : i32
      %parallel_loop3A_1441 = vector.broadcast %parallel_loop3A_1440 : i32 to vector<16xi32>
      %parallel_loop3A_1442 = arith.shrsi %parallel_loop3A_1439, %parallel_loop3A_1441 : vector<16xi32>
      %parallel_loop3A_1443 = arith.addi %parallel_loop3A_1251, %parallel_loop3A_1442 : vector<16xi32>
      %parallel_loop3A_1444 = arith.constant 127 : i32
      %parallel_loop3A_1445 = vector.broadcast %parallel_loop3A_1444 : i32 to vector<16xi32>
      %parallel_loop3A_1446 = arith.andi %parallel_loop3A_1439, %parallel_loop3A_1445 : vector<16xi32>
      %parallel_loop3A_1447 = tpu.vector_load_idx %arg10[%parallel_loop3A_1443, %parallel_loop3A_1446] : memref<256x128xf32, #tpu.memory_space<vmem>>[vector<16xi32>, vector<16xi32>], vector<16xf32>,
      %parallel_loop3A_1448 = arith.mulf %parallel_loop3A_1430, %parallel_loop3A_1447 : vector<16xf32>
      %parallel_loop3A_1449 = arith.constant 96 : i32
      %parallel_loop3A_1450 = arith.addi %parallel_loop3A_1449, %parallel_loop3A_1248 : i32
      %parallel_loop3A_1451 = arith.constant 2 : i32
      %parallel_loop3A_1452 = arith.muli %parallel_loop3A_1451, %parallel_loop3A_1450 : i32
      %parallel_loop3A_1453 = arith.constant 1 : i32
      %parallel_loop3A_1454 = arith.addi %parallel_loop3A_1452, %parallel_loop3A_1453 : i32
      %parallel_loop3A_1455 = arith.index_cast %parallel_loop3A_1454 : i32 to index
      %parallel_loop3A_1456 = arith.constant 48 : index
      %parallel_loop3A_1457 = tpu.vector_load %arg11[%parallel_loop3A_1455, %parallel_loop3A_1456] {strides = array<i32>} : memref<256x128xi32, #tpu.memory_space<vmem>>, vector<16xi32>,
      %parallel_loop3A_1458 = arith.constant 7 : i32
      %parallel_loop3A_1459 = vector.broadcast %parallel_loop3A_1458 : i32 to vector<16xi32>
      %parallel_loop3A_1460 = arith.shrsi %parallel_loop3A_1457, %parallel_loop3A_1459 : vector<16xi32>
      %parallel_loop3A_1461 = arith.addi %parallel_loop3A_1251, %parallel_loop3A_1460 : vector<16xi32>
      %parallel_loop3A_1462 = arith.constant 127 : i32
      %parallel_loop3A_1463 = vector.broadcast %parallel_loop3A_1462 : i32 to vector<16xi32>
      %parallel_loop3A_1464 = arith.andi %parallel_loop3A_1457, %parallel_loop3A_1463 : vector<16xi32>
      %parallel_loop3A_1465 = tpu.vector_load_idx %arg10[%parallel_loop3A_1461, %parallel_loop3A_1464] : memref<256x128xf32, #tpu.memory_space<vmem>>[vector<16xi32>, vector<16xi32>], vector<16xf32>,
      %parallel_loop3A_1466 = arith.mulf %parallel_loop3A_1448, %parallel_loop3A_1465 : vector<16xf32>
      %parallel_loop3A_1467 = arith.constant 96 : i32
      %parallel_loop3A_1468 = arith.addi %parallel_loop3A_1467, %parallel_loop3A_1248 : i32
      %parallel_loop3A_1469 = arith.constant 2 : i32
      %parallel_loop3A_1470 = arith.muli %parallel_loop3A_1469, %parallel_loop3A_1468 : i32
      %parallel_loop3A_1471 = arith.constant 1 : i32
      %parallel_loop3A_1472 = arith.addi %parallel_loop3A_1470, %parallel_loop3A_1471 : i32
      %parallel_loop3A_1473 = arith.index_cast %parallel_loop3A_1472 : i32 to index
      %parallel_loop3A_1474 = arith.constant 64 : index
      %parallel_loop3A_1475 = tpu.vector_load %arg11[%parallel_loop3A_1473, %parallel_loop3A_1474] {strides = array<i32>} : memref<256x128xi32, #tpu.memory_space<vmem>>, vector<16xi32>,
      %parallel_loop3A_1476 = arith.constant 7 : i32
      %parallel_loop3A_1477 = vector.broadcast %parallel_loop3A_1476 : i32 to vector<16xi32>
      %parallel_loop3A_1478 = arith.shrsi %parallel_loop3A_1475, %parallel_loop3A_1477 : vector<16xi32>
      %parallel_loop3A_1479 = arith.addi %parallel_loop3A_1251, %parallel_loop3A_1478 : vector<16xi32>
      %parallel_loop3A_1480 = arith.constant 127 : i32
      %parallel_loop3A_1481 = vector.broadcast %parallel_loop3A_1480 : i32 to vector<16xi32>
      %parallel_loop3A_1482 = arith.andi %parallel_loop3A_1475, %parallel_loop3A_1481 : vector<16xi32>
      %parallel_loop3A_1483 = tpu.vector_load_idx %arg10[%parallel_loop3A_1479, %parallel_loop3A_1482] : memref<256x128xf32, #tpu.memory_space<vmem>>[vector<16xi32>, vector<16xi32>], vector<16xf32>,
      %parallel_loop3A_1484 = arith.mulf %parallel_loop3A_1466, %parallel_loop3A_1483 : vector<16xf32>
      %parallel_loop3A_1485 = arith.constant 96 : i32
      %parallel_loop3A_1486 = arith.addi %parallel_loop3A_1485, %parallel_loop3A_1248 : i32
      %parallel_loop3A_1487 = arith.constant 2 : i32
      %parallel_loop3A_1488 = arith.muli %parallel_loop3A_1487, %parallel_loop3A_1486 : i32
      %parallel_loop3A_1489 = arith.constant 1 : i32
      %parallel_loop3A_1490 = arith.addi %parallel_loop3A_1488, %parallel_loop3A_1489 : i32
      %parallel_loop3A_1491 = arith.index_cast %parallel_loop3A_1490 : i32 to index
      %parallel_loop3A_1492 = arith.constant 80 : index
      %parallel_loop3A_1493 = tpu.vector_load %arg11[%parallel_loop3A_1491, %parallel_loop3A_1492] {strides = array<i32>} : memref<256x128xi32, #tpu.memory_space<vmem>>, vector<16xi32>,
      %parallel_loop3A_1494 = arith.constant 7 : i32
      %parallel_loop3A_1495 = vector.broadcast %parallel_loop3A_1494 : i32 to vector<16xi32>
      %parallel_loop3A_1496 = arith.shrsi %parallel_loop3A_1493, %parallel_loop3A_1495 : vector<16xi32>
      %parallel_loop3A_1497 = arith.addi %parallel_loop3A_1251, %parallel_loop3A_1496 : vector<16xi32>
      %parallel_loop3A_1498 = arith.constant 127 : i32
      %parallel_loop3A_1499 = vector.broadcast %parallel_loop3A_1498 : i32 to vector<16xi32>
      %parallel_loop3A_1500 = arith.andi %parallel_loop3A_1493, %parallel_loop3A_1499 : vector<16xi32>
      %parallel_loop3A_1501 = tpu.vector_load_idx %arg10[%parallel_loop3A_1497, %parallel_loop3A_1500] : memref<256x128xf32, #tpu.memory_space<vmem>>[vector<16xi32>, vector<16xi32>], vector<16xf32>,
      %parallel_loop3A_1502 = arith.constant 96 : i32
      %parallel_loop3A_1503 = arith.addi %parallel_loop3A_1502, %parallel_loop3A_1248 : i32
      %parallel_loop3A_1504 = arith.constant 32 : i32
      %parallel_loop3A_1505 = arith.muli %parallel_loop3A_1503, %parallel_loop3A_1504 : i32
      %parallel_loop3A_1506 = arith.index_cast %parallel_loop3A_1505 : i32 to index
      %parallel_loop3A_1507 = tpu.vector_load %arg12[%parallel_loop3A_1506] {strides = array<i32>} : memref<4096xf32, #tpu.memory_space<vmem>>, vector<16xf32>,
      tpu.vector_store %arg12[%parallel_loop3A_1506], %parallel_loop3A_1484 {strides = array<i32>} : memref<4096xf32, #tpu.memory_space<vmem>>, vector<16xf32>,
      %parallel_loop3A_1508 = arith.constant 96 : i32
      %parallel_loop3A_1509 = arith.addi %parallel_loop3A_1508, %parallel_loop3A_1248 : i32
      %parallel_loop3A_1510 = arith.constant 32 : i32
      %parallel_loop3A_1511 = arith.muli %parallel_loop3A_1509, %parallel_loop3A_1510 : i32
      %parallel_loop3A_1512 = arith.constant 16 : i32
      %parallel_loop3A_1513 = arith.addi %parallel_loop3A_1511, %parallel_loop3A_1512 : i32
      %parallel_loop3A_1514 = arith.index_cast %parallel_loop3A_1513 : i32 to index
      %parallel_loop3A_1515 = tpu.vector_load %arg12[%parallel_loop3A_1514] {strides = array<i32>} : memref<4096xf32, #tpu.memory_space<vmem>>, vector<16xf32>,
      tpu.vector_store %arg12[%parallel_loop3A_1514], %parallel_loop3A_1501 {strides = array<i32>} : memref<4096xf32, #tpu.memory_space<vmem>>, vector<16xf32>,
    } {sc.loop_unroll_factor = 4 : i64, sc.parallel_access}
    %mul3A_1242 = arith.constant 32 : i32
    %mul3A_1243 = arith.muli %mul3A_2, %mul3A_1242 : i32
    %dma_start3A_1244 = tpu.memref_slice %arg5[%mul3A_1243] : memref<131072xf32, #tpu.memory_space<hbm>> -> memref<4096xf32, #tpu.memory_space<hbm>>
    %dma_start3A_1245 = tpu.memref_slice %arg5[%mul3A_1243] : memref<131072xf32, #tpu.memory_space<hbm>> -> memref<4096xf32, #tpu.memory_space<hbm>>
    tpu.enqueue_dma source(%arg12 : memref<4096xf32, #tpu.memory_space<vmem>>) target(%dma_start3A_1245 : memref<4096xf32, #tpu.memory_space<hbm>>) target_semaphore(%arg16 : memref<!tpu.dma_semaphore, #tpu.memory_space<semaphore_mem>>)
    %dma_wait3A_1246 = tpu.memref_slice %arg5[%mul3A_1243] : memref<131072xf32, #tpu.memory_space<hbm>> -> memref<4096xf32, #tpu.memory_space<hbm>>
    %dma_wait3A_1247 = tpu.memref_slice %arg5[%mul3A_1243] : memref<131072xf32, #tpu.memory_space<hbm>> -> memref<4096xf32, #tpu.memory_space<hbm>>
    tpu.wait_dma2 semaphore(%arg16 : memref<!tpu.dma_semaphore, #tpu.memory_space<semaphore_mem>>) src(%arg12 : memref<4096xf32, #tpu.memory_space<vmem>>) dst(%dma_wait3A_1247 : memref<4096xf32, #tpu.memory_space<hbm>>)
    return
  }
}

module attributes {stable_mosaic.version = 14 : i64} {
  func.func @_g_body(%arg0: memref<64x1000xf32, #tpu.memory_space<vmem>>, %arg1: memref<64x64xf32, #tpu.memory_space<vmem>>, %arg2: memref<1x1000xf32, #tpu.memory_space<vmem>>, %arg3: memref<125x8x8x128xf32, #tpu.memory_space<vmem>>) attributes {dimension_semantics = [], scalar_prefetch = 0 : i64, scratch_operands = 0 : i64, tpu.core_type = #tpu.core_type<tc>} {
    %get3A = arith.constant 0 : index
    %get3A_0 = arith.constant 0 : index
    %get3A_1 = vector.load %arg0[%get3A, %get3A_0] : memref<64x1000xf32, #tpu.memory_space<vmem>>, vector<64x1000xf32>
    %get3A_2 = arith.constant 0 : index
    %get3A_3 = arith.constant 0 : index
    %get3A_4 = vector.load %arg1[%get3A_2, %get3A_3] : memref<64x64xf32, #tpu.memory_space<vmem>>, vector<64x64xf32>
    %dot_general3A = arith.constant dense<0.000000e+00> : vector<64x1000xf32>
    %dot_general3A_5 = tpu.matmul %get3A_4, %get3A_1, %dot_general3A {dimension_numbers = #tpu.dot_dimension_numbers<[1], [0], [0], [1], [0, 0, 1, 1], [], []>, precision = #tpu.contract_precision<fp32>, transpose_lhs_hint = false} : vector<64x64xf32>, vector<64x1000xf32>, vector<64x1000xf32> -> vector<64x1000xf32>
    %dot_general3A_6 = arith.constant dense<0.000000e+00> : vector<1000x1000xf32>
    %dot_general3A_7 = tpu.matmul %dot_general3A_5, %get3A_1, %dot_general3A_6 {dimension_numbers = #tpu.dot_dimension_numbers<[0], [0], [1], [1], [0, 1, 1, 1], [], []>, precision = #tpu.contract_precision<fp32>, transpose_lhs_hint = false} : vector<64x1000xf32>, vector<64x1000xf32>, vector<1000x1000xf32> -> vector<1000x1000xf32>
    %get3A_8 = arith.constant 0 : index
    %get3A_9 = arith.constant 0 : index
    %get3A_10 = vector.load %arg2[%get3A_8, %get3A_9] : memref<1x1000xf32, #tpu.memory_space<vmem>>, vector<1x1000xf32>
    %transpose3A = tpu.transpose %get3A_10, [1, 0] : vector<1x1000xf32> -> vector<1000x1xf32>
    %add3A = vector.broadcast %transpose3A : vector<1000x1xf32> to vector<1000x1000xf32>
    %add3A_11 = arith.addf %dot_general3A_7, %add3A : vector<1000x1000xf32>
    %broadcast_in_dim3A = vector.shape_cast %transpose3A : vector<1000x1xf32> to vector<1000x1xf32>
    %broadcast_in_dim3A_12 = vector.broadcast %broadcast_in_dim3A : vector<1000x1xf32> to vector<1000x24xf32>
    %concatenate3A = tpu.concatenate %add3A_11, %broadcast_in_dim3A_12 in 1 : vector<1000x1000xf32>, vector<1000x24xf32> -> vector<1000x1024xf32>
    %reshape3A = vector.shape_cast %concatenate3A : vector<1000x1024xf32> to vector<125x8x8x128xf32>
    %transpose3A_13 = tpu.transpose %reshape3A, [0, 2, 1, 3] : vector<125x8x8x128xf32> -> vector<125x8x8x128xf32>
    %swap3A = arith.constant 0 : index
    %swap3A_14 = arith.constant 0 : index
    %swap3A_15 = arith.constant 0 : index
    %swap3A_16 = arith.constant 0 : index
    %swap3A_17 = vector.load %arg3[%swap3A, %swap3A_14, %swap3A_15, %swap3A_16] : memref<125x8x8x128xf32, #tpu.memory_space<vmem>>, vector<125x8x8x128xf32>
    tpu.vector_store %arg3[%swap3A, %swap3A_14, %swap3A_15, %swap3A_16], %transpose3A_13 {strides = array<i32>} : memref<125x8x8x128xf32, #tpu.memory_space<vmem>>, vector<125x8x8x128xf32>,
    return
  }
}

module attributes {stable_mosaic.version = 14 : i64} {
  func.func @_reduce_body(%arg0: memref<1024x128xf32, #tpu.memory_space<vmem>>, %arg1: memref<1024x4xf32, #tpu.memory_space<vmem>>) attributes {dimension_semantics = [], scalar_prefetch = 0 : i64, scratch_operands = 0 : i64, tpu.core_type = #tpu.core_type<tc>} {
    %get3A = arith.constant 0 : index
    %get3A_0 = arith.constant 0 : index
    %get3A_1 = vector.load %arg0[%get3A, %get3A_0] : memref<1024x128xf32, #tpu.memory_space<vmem>>, vector<1024x128xf32>
    %log3A = math.log %get3A_1 : vector<1024x128xf32>
    %iota3A = tpu.iota {dimensions = array<i32: 0>} : vector<128x8xi32>
    %iota3A_2 = tpu.iota {dimensions = array<i32: 1>} : vector<128x8xi32>
    %jit3A = arith.constant 32 : i32
    %div3A = vector.broadcast %jit3A : i32 to vector<128x8xi32>
    %div3A_3 = arith.divsi %iota3A, %div3A : vector<128x8xi32>
    %sign3A = arith.constant 0 : i32
    %sign3A_4 = vector.broadcast %sign3A : i32 to vector<128x8xi32>
    %sign3A_5 = arith.cmpi sgt, %iota3A, %sign3A_4 : vector<128x8xi32>
    %sign3A_6 = arith.extui %sign3A_5 : vector<128x8xi1> to vector<128x8xi32>
    %sign3A_7 = arith.constant 0 : i32
    %sign3A_8 = vector.broadcast %sign3A_7 : i32 to vector<128x8xi32>
    %sign3A_9 = arith.cmpi slt, %iota3A, %sign3A_8 : vector<128x8xi32>
    %sign3A_10 = arith.extui %sign3A_9 : vector<128x8xi1> to vector<128x8xi32>
    %sign3A_11 = arith.subi %sign3A_6, %sign3A_10 : vector<128x8xi32>
    %sign3A_12 = arith.constant 0 : i32
    %sign3A_13 = arith.cmpi sgt, %jit3A, %sign3A_12 : i32
    %sign3A_14 = arith.extui %sign3A_13 : i1 to i32
    %sign3A_15 = arith.constant 0 : i32
    %sign3A_16 = arith.cmpi slt, %jit3A, %sign3A_15 : i32
    %sign3A_17 = arith.extui %sign3A_16 : i1 to i32
    %sign3A_18 = arith.subi %sign3A_14, %sign3A_17 : i32
    %ne3A = vector.broadcast %sign3A_18 : i32 to vector<128x8xi32>
    %ne3A_19 = arith.cmpi ne, %sign3A_11, %ne3A : vector<128x8xi32>
    %rem3A = vector.broadcast %jit3A : i32 to vector<128x8xi32>
    %rem3A_20 = arith.remsi %iota3A, %rem3A : vector<128x8xi32>
    %ne3A_21 = arith.constant 0 : i32
    %ne3A_22 = vector.broadcast %ne3A_21 : i32 to vector<128x8xi32>
    %ne3A_23 = arith.cmpi ne, %rem3A_20, %ne3A_22 : vector<128x8xi32>
    %and3A = arith.andi %ne3A_19, %ne3A_23 : vector<128x8xi1>
    %sub3A = arith.constant 1 : i32
    %sub3A_24 = vector.broadcast %sub3A : i32 to vector<128x8xi32>
    %sub3A_25 = arith.subi %div3A_3, %sub3A_24 : vector<128x8xi32>
    %select_n3A = arith.select %and3A, %sub3A_25, %div3A_3 : vector<128x8xi1>, vector<128x8xi32>
    %jit3A_26 = arith.constant 32 : i32
    %eq3A = arith.constant 0 : i32
    %eq3A_27 = arith.cmpi eq, %jit3A_26, %eq3A : i32
    %jit3A_28 = arith.constant 1 : i32
    %select_n3A_29 = arith.select %eq3A_27, %jit3A_28, %jit3A_26 : i32
    %rem3A_30 = vector.broadcast %select_n3A_29 : i32 to vector<128x8xi32>
    %rem3A_31 = arith.remsi %iota3A, %rem3A_30 : vector<128x8xi32>
    %ne3A_32 = arith.constant 0 : i32
    %ne3A_33 = vector.broadcast %ne3A_32 : i32 to vector<128x8xi32>
    %ne3A_34 = arith.cmpi ne, %rem3A_31, %ne3A_33 : vector<128x8xi32>
    %lt3A = arith.constant 0 : i32
    %lt3A_35 = vector.broadcast %lt3A : i32 to vector<128x8xi32>
    %lt3A_36 = arith.cmpi slt, %rem3A_31, %lt3A_35 : vector<128x8xi32>
    %lt3A_37 = arith.constant 0 : i32
    %lt3A_38 = arith.cmpi slt, %select_n3A_29, %lt3A_37 : i32
    %ne3A_39 = vector.broadcast %lt3A_38 : i1 to vector<128x8xi1>
    %ne3A_40 = vector.broadcast %ne3A_39 : vector<128x8xi1> to vector<128x8xi1>
    %ne3A_41 = arith.xori %lt3A_36, %ne3A_40 : vector<128x8xi1>
    %and3A_42 = arith.andi %ne3A_41, %ne3A_34 : vector<128x8xi1>
    %add3A = vector.broadcast %select_n3A_29 : i32 to vector<128x8xi32>
    %add3A_43 = arith.addi %rem3A_31, %add3A : vector<128x8xi32>
    %select_n3A_44 = arith.select %and3A_42, %add3A_43, %rem3A_31 : vector<128x8xi1>, vector<128x8xi32>
    %eq3A_45 = arith.cmpi eq, %iota3A_2, %select_n3A : vector<128x8xi32>
    %lt3A_46 = arith.constant 16 : i32
    %lt3A_47 = vector.broadcast %lt3A_46 : i32 to vector<128x8xi32>
    %lt3A_48 = arith.cmpi slt, %select_n3A_44, %lt3A_47 : vector<128x8xi32>
    %and3A_49 = arith.andi %eq3A_45, %lt3A_48 : vector<128x8xi1>
    %jit3A_50 = arith.constant 1.000000e+00 : f32
    %jit3A_51 = arith.constant 0.000000e+00 : f32
    %broadcast_in_dim3A = vector.broadcast %jit3A_50 : f32 to vector<128x8xf32>
    %broadcast_in_dim3A_52 = vector.broadcast %jit3A_51 : f32 to vector<128x8xf32>
    %select_n3A_53 = arith.select %and3A_49, %broadcast_in_dim3A, %broadcast_in_dim3A_52 : vector<128x8xi1>, vector<128x8xf32>
    %sub3A_54 = arith.constant 4 : i32
    %sub3A_55 = vector.broadcast %sub3A_54 : i32 to vector<128x8xi32>
    %sub3A_56 = arith.subi %iota3A_2, %sub3A_55 : vector<128x8xi32>
    %eq3A_57 = arith.cmpi eq, %sub3A_56, %select_n3A : vector<128x8xi32>
    %eq3A_58 = arith.constant 16 : i32
    %eq3A_59 = vector.broadcast %eq3A_58 : i32 to vector<128x8xi32>
    %eq3A_60 = arith.cmpi eq, %select_n3A_44, %eq3A_59 : vector<128x8xi32>
    %and3A_61 = arith.andi %eq3A_57, %eq3A_60 : vector<128x8xi1>
    %jit3A_62 = arith.constant 1.000000e+00 : f32
    %jit3A_63 = arith.constant 0.000000e+00 : f32
    %broadcast_in_dim3A_64 = vector.broadcast %jit3A_62 : f32 to vector<128x8xf32>
    %broadcast_in_dim3A_65 = vector.broadcast %jit3A_63 : f32 to vector<128x8xf32>
    %select_n3A_66 = arith.select %and3A_61, %broadcast_in_dim3A_64, %broadcast_in_dim3A_65 : vector<128x8xi1>, vector<128x8xf32>
    %add3A_67 = arith.addf %select_n3A_53, %select_n3A_66 : vector<128x8xf32>
    %dot_general3A = arith.constant dense<0.000000e+00> : vector<1024x8xf32>
    %dot_general3A_68 = tpu.matmul %log3A, %add3A_67, %dot_general3A {dimension_numbers = #tpu.dot_dimension_numbers<[1], [0], [0], [1], [0, 0, 1, 1], [], []>, precision = #tpu.contract_precision<fp32>, transpose_lhs_hint = false} : vector<1024x128xf32>, vector<128x8xf32>, vector<1024x8xf32> -> vector<1024x8xf32>
    %slice3A = vector.extract_strided_slice %dot_general3A_68 {offsets = [0, 0], sizes = [1024, 4], strides = [1, 1]} : vector<1024x8xf32> to vector<1024x4xf32>
    %slice3A_69 = vector.extract_strided_slice %dot_general3A_68 {offsets = [0, 4], sizes = [1024, 4], strides = [1, 1]} : vector<1024x8xf32> to vector<1024x4xf32>
    %mul3A = arith.constant 2.070000e+02 : f32
    %mul3A_70 = vector.broadcast %mul3A : f32 to vector<1024x4xf32>
    %mul3A_71 = arith.mulf %mul3A_70, %slice3A_69 : vector<1024x4xf32>
    %sub3A_72 = arith.subf %slice3A, %mul3A_71 : vector<1024x4xf32>
    %exp3A = math.exp %sub3A_72 : vector<1024x4xf32>
    %swap3A = arith.constant 0 : index
    %swap3A_73 = arith.constant 0 : index
    %swap3A_74 = vector.load %arg1[%swap3A, %swap3A_73] : memref<1024x4xf32, #tpu.memory_space<vmem>>, vector<1024x4xf32>
    tpu.vector_store %arg1[%swap3A, %swap3A_73], %exp3A {strides = array<i32>} : memref<1024x4xf32, #tpu.memory_space<vmem>>, vector<1024x4xf32>,
    return
  }
}

</mosaic_0001>

<sc_bundles>
// kernel: kernel.5.cloned.1.call-start
scs
__scs_entry_jumppad:
0x0: {  	(pc) =	sbr.rel $0x88, $3  }
0x1: {  	(tag) =	ssettag $0x0;
	lr =	simm.s32 $0x1  }
0x2: {  	[smem:$0x3F9C] =	sst lr;
	_ =	strace $0xD0000000  }
0x3: {  	_ = 	snop  }
0x4: {  	_ = 	snop  }
0x5: {  	_ = 	snop  }
0x6: {  	_ = 	snop  }
0x7: {  	_ = 	snop  }
__scs_overlays_trampoline_lowered:
0x8: {  	[smem:$0x3FAB] =	sst s0  }
0x9: {  	[smem:$0x3FAC] =	sst s1  }
0xa: {  	[smem:$0x3FAD] =	sst s2  }
0xb: {  	[smem:$0x3FAE] =	sst s3  }
0xc: {  	[smem:$0x3FAF] =	sst s4  }
0xd: {  	[smem:$0x3FB0] =	sst s5  }
0xe: {  	[smem:$0x3FB1] =	sst s6  }
0xf: {  	[smem:$0x3FB2] =	sst s7  }
0x10: {  	[smem:$0x3FB3] =	sst s8  }
0x11: {  	[smem:$0x3FB4] =	sst s9;
	s0 =	simm.s32 @!p0 $0x0  }
0x12: {  	s1 =	sld [smem:$0x3F9A];
	s0 =	simm.s32 @p0 $0x1  }
0x13: {  	[smem:$0x3FB5] =	sst s0;
	s0 =	simm.s32 @!p1 $0x0  }
0x14: {  	s2 =	sld [smem:$0x3F99];
	s0 =	simm.s32 @p1 $0x1  }
0x15: {  	[smem:$0x3FB6] =	sst s0;
	s0 =	simm.s32 @!p2 $0x0  }
0x16: {  	s3 =	sld [smem:$0x3FDB];
	s0 =	simm.s32 @p2 $0x1  }
0x17: {  	s4 =	simm.s32 $0x1BF5;
	[smem:$0x3FB8] =	sst s0  }
0x18: {  	s0 =	sld [smem:$0x3F9B];
	_ =	swait.ge [sflag:s4], $0x0  }
0x19: {  	s7 =	sld [smem:$0x3F9C]  }
0x1a: {  	s8 =	sadd.s32 $0xFFFFE003, lr  }
0x1b: {  	s9 =	sadd.s32 $0xFFFFFEF7, lr;
	s5 =	simm.s32 $0xFFFFFFFF;
	p2 =	slt.u32 s8, $0xFFFFF086  }
0x1c: {  	p1 =	slt.u32 s9, $0xF7A;
	s5 =	simm.s32 @!p2 $0x0  }
0x1d: {  	s5 =	simm.s32 @p1 $0x1;
	p0 =	seq.s32 s7, s2  }
0x1e: {  	s7 =	smul.u32 @!p0 $0xF7A, s2;
	p2 =	seq.s32 @!p0 s5, $0x0  }
0x1f: {  	s9 =	smul.u32 $0xF7A, s1;
	s8 =	simm.s32 @!p0 $0x1BF5;
	p2 =	por !p2, p0  }
0x20: {  	[sflag:s8] =	ssyncset.s32 @!p0 $0xFFFFF086;
	s6 =	sadd.s32 @!p0 s3, s7;
	s7 =	simm.s32 @!p0 $0x108  }
0x21: {  	s3 =	sadd.s32 s3, s9;
	s6 =	sadd.s32 @!p0 $0x88, s6;
	s7 =	simm.s32 @p2 $0x1082  }
0x22: {  	[simem:s7], [sflag:s8] =	dma.local @!p0 [hbm:s6], $0xF7A  }
0x23: {  	s9 =	sor.u32 $0xD0000000, s2;
	s6 =	simm.s32 $0x108;
	_ =	swait.ge @!p0 [sflag:s8], $0x0  }
0x24: {  	s3 =	sadd.s32 $0x88, s3;
	s6 =	simm.s32 @!p1 $0x1082;
	[sflag:s4] =	ssyncset.s32 $0xFFFFF086  }
0x25: {  	[simem:s6], [sflag:s4] =	dma.local [hbm:s3], $0xF7A  }
0x26: {  	[smem:$0x3F9C] =	sst s1;
	(tag) =	ssettag s2;
	_ =	strace s9  }
0x27: {  	s1 =	sld [smem:$0x3FAC]  }
0x28: {  	s2 =	sld [smem:$0x3FAD]  }
0x29: {  	s4 =	sld [smem:$0x3FAF]  }
0x2a: {  	p0 =	seq.s32 s5, $0x0;
	s5 =	sld [smem:$0x3FB0]  }
0x2b: {  	s6 =	sld [smem:$0x3FB1]  }
0x2c: {  	s7 =	sld [smem:$0x3FB2]  }
0x2d: {  	s3 =	simm.s32 $0x108;
	s8 =	sld [smem:$0x3FB3]  }
0x2e: {  	s3 =	simm.s32 @!p0 $0x1082;
	s9 =	sld [smem:$0x3FB4]  }
0x2f: {  	lr =	sadd.s32 s0, s3;
	s0 =	sld [smem:$0x3FAB]  }
0x30: {  	s3 =	sld [smem:$0x3FAE]  }
0x31: {  	[smem:$0x3FB7] =	sst s10  }
0x32: {  	s10 =	sld [smem:$0x3FB5];
	_ =	sdelay $0x3  }
0x33: {  	p0 =	seq.s32 s10, $0x1;
	s10 =	sld [smem:$0x3FB7];
	_ =	sdelay $0x3  }
0x34: {  	[smem:$0x3FB7] =	sst s10  }
0x35: {  	s10 =	sld [smem:$0x3FB6];
	_ =	sdelay $0x3  }
0x36: {  	p1 =	seq.s32 s10, $0x1;
	s10 =	sld [smem:$0x3FB7];
	_ =	sdelay $0x3  }
0x37: {  	[smem:$0x3FB7] =	sst s10  }
0x38: {  	s10 =	sld [smem:$0x3FB8]  }
0x39: {  	_ = 	snop;
	(pc) =	sbr.ind lr, $3  }
0x3a: {  	_ = 	snop  }
0x3b: {  	_ = 	snop  }
0x3c: {  	p2 =	seq.s32 s10, $0x1;
	s10 =	sld [smem:$0x3FB7]  }
0x3d: {  	_ =	shalt  }
0x3e: {  	_ =	shalt  }
0x3f: {  	_ =	shalt  }
0x40: {  	_ =	shalt  }
0x41: {  	_ =	shalt  }
0x42: {  	_ =	shalt  }
0x43: {  	_ =	shalt  }
0x44: {  	_ =	shalt  }
0x45: {  	_ =	shalt  }
0x46: {  	_ =	shalt  }
0x47: {  	_ =	shalt  }
0x48: {  	_ =	shalt  }
0x49: {  	_ =	shalt  }
0x4a: {  	_ =	shalt  }
0x4b: {  	_ =	shalt  }
0x4c: {  	_ =	shalt  }
0x4d: {  	_ =	shalt  }
0x4e: {  	_ =	shalt  }
0x4f: {  	_ =	shalt  }
0x50: {  	_ =	shalt  }
0x51: {  	_ =	shalt  }
0x52: {  	_ =	shalt  }
0x53: {  	_ =	shalt  }
0x54: {  	_ =	shalt  }
0x55: {  	_ =	shalt  }
0x56: {  	_ =	shalt  }
0x57: {  	_ =	shalt  }
0x58: {  	_ =	shalt  }
0x59: {  	_ =	shalt  }
0x5a: {  	_ =	shalt  }
0x5b: {  	_ =	shalt  }
0x5c: {  	_ =	shalt  }
0x5d: {  	_ =	shalt  }
0x5e: {  	_ =	shalt  }
0x5f: {  	_ =	shalt  }
0x60: {  	_ =	shalt  }
0x61: {  	_ =	shalt  }
0x62: {  	_ =	shalt  }
0x63: {  	_ =	shalt  }
0x64: {  	_ =	shalt  }
0x65: {  	_ =	shalt  }
0x66: {  	_ =	shalt  }
0x67: {  	_ =	shalt  }
0x68: {  	_ =	shalt  }
0x69: {  	_ =	shalt  }
0x6a: {  	_ =	shalt  }
0x6b: {  	_ =	shalt  }
0x6c: {  	_ =	shalt  }
0x6d: {  	_ =	shalt  }
0x6e: {  	_ =	shalt  }
0x6f: {  	_ =	shalt  }
0x70: {  	_ =	shalt  }
0x71: {  	_ =	shalt  }
0x72: {  	_ =	shalt  }
0x73: {  	_ =	shalt  }
0x74: {  	_ =	shalt  }
0x75: {  	_ =	shalt  }
0x76: {  	_ =	shalt  }
0x77: {  	_ =	shalt  }
0x78: {  	_ =	shalt  }
0x79: {  	_ =	shalt  }
0x7a: {  	_ =	shalt  }
0x7b: {  	_ =	shalt  }
0x7c: {  	_ =	shalt  }
0x7d: {  	_ =	shalt  }
0x7e: {  	_ =	shalt  }
0x7f: {  	_ =	shalt  }
0x80: {  	_ =	shalt  }
0x81: {  	_ =	shalt  }
0x82: {  	_ =	shalt  }
0x83: {  	_ =	shalt  }
0x84: {  	_ =	shalt  }
0x85: {  	_ =	shalt  }
0x86: {  	_ =	shalt  }
0x87: {  	_ =	shalt  }
.Lfunc_end0:
.L_simem_size_0:
called_computation_lowered:
.L_overlay_start_0:
0x88: {  	s2 =	sld [smem:$0x3FD9]  }
0x89: {  	s3 =	sld [smem:$0x3FFE];
	_ =	sdelay $0x1  }
0x8a: {  	s1 =	srdreg.scid  }
0x8b: {  	s0 =	sand.u32 $0x1, s1  }
0x8c: {  	s17 =	sshll.u32 s0, $0xA;
	s2 =	sadd.s32 s3, s2  }
0x8d: {  	s2 =	sadd.s32 s2, s17  }
0x8e: {  	[smem:$0x3FC3] =	sst s2  }
0x8f: {  	_ = 	snop  }
0x90: {  	s2 =	sld [smem:$0x3FC8];
	(tm) =	ssettm $0x1  }
0x91: {  	s18 =	sld [smem:$0x3FFB];
	_ =	sdelay $0x3  }
0x92: {  	_ =	strace s18  }
0x93: {  	s3 =	sld [smem:$0x3FFC];
	_ =	sdelay $0x3  }
0x94: {  	_ =	strace s3  }
0x95: {  	s3 =	sld [smem:$0x3FFD];
	_ =	sdelay $0x3  }
0x96: {  	_ =	strace s3  }
0x97: {  	_ =	strace $0x8FFFFFFF  }
0x98: {  	s19 =	sld [smem:$0x3FDB];
	_ =	sdelay $0x1  }
0x99: {  	s4 =	simm.s32 $_scs_section_size  }
0x9a: {  	s5 =	simm.s32 $_size__tile_overlayer_lowered;
	s6 =	simm.s32 $_tile_overlayer_lowered  }
0x9b: {  	s22 =	simm.s32 $0x1BFF;
	s21 =	sshll.u32 s6, $0x1;
	s3 =	sadd.s32 s4, s19  }
0x9c: {  	s7 =	simm.s32 $0x0;
	s20 =	sshll.u32 s5, $0x1;
	s5 =	sadd.s32 s21, s3  }
0x9d: {  	[timem:s7], [sflag:s22] =	dma.local [hbm:s5], s20  }
0x9e: {  	_ =	swait.ge [sflag:s22], s20  }
0x9f: {  	s4 =	ssub.s32 $0x0, s20;
	[sflag:s22] =	ssyncset.done $0x0  }
0xa0: {  	[sflag:s22] =	ssyncadd.s32 s4;
	_ =	sdelay $0x1  }
0xa1: {  	s23 =	simm.s32 $0x1B8B  }
0xa2: {  	_ =	swait.ge [sflag:s23], $0x1  }
0xa3: {  	[sflag:s23] =	ssyncset.done $0x0  }
0xa4: {  	s25 =	simm.s32 $0x1B8E;
	s24 =	sld [smem:$0x3FFE];
	[sflag:s23] =	ssyncadd.s32 $0xFFFFFFFF  }
0xa5: {  	s26 =	simm.s32 $execute0_lowered;
	[smem:$0x3FD2] =	sst s25  }
0xa6: {  	s5 =	sshll.u32 s26, $0x1;
	_ =	strace $0x80000046;
	[dreg:$0x1] =	wrdreg $0xFFFFFFFF  }
0xa7: {  	s28 =	simm.s32 $_size_execute0_lowered;
	s3 =	sadd.s32 s3, s5;
	[dreg:$0x0] =	wrdreg $0x0  }
0xa8: {  	s5 =	sshll.u32 s28, $0x1;
	[dreg:$0x2] =	wrdreg s3  }
0xa9: {  	[dreg:$0x3] =	wrdreg s5  }
0xaa: {  	[dreg:$0x4] =	wrdreg $0xC0  }
0xab: {  	_ =	task [dreg:s7], $0x5FFFF  }
0xac: {  	[dreg:$0x1] =	wrdreg $0xFFFFFFFF  }
0xad: {  	[dreg:$0x0] =	wrdreg $0x60  }
0xae: {  	[dreg:$0x2] =	wrdreg s24  }
0xaf: {  	[dreg:$0x3] =	wrdreg s2  }
0xb0: {  	[dreg:$0x4] =	wrdreg $0x9  }
0xb1: {  	_ =	task.clear_ibuf [dreg:s7], $0x5FFFF;
	_ =	strace $0x90000046  }
0xb2: {  	s29 =	simm.s32 $0x9;
	_ =	strace $0x80000048  }
0xb3: {  	_ =	swait.ge [sflag:s29], $0x1  }
0xb4: {  	[sflag:s29] =	ssyncadd.s32 $0xFFFFFFFF  }
0xb5: {  	_ =	strace $0x90000048  }
0xb6: {  	_ =	sfence  }
0xb7: {  	s30 =	sld [smem:$0x0];
	_ =	sdelay $0x2  }
0xb8: {  	s31 =	sshll.u32 s1, $0xD;
	s1 =	sshrl.u32 s1, $0x2  }
0xb9: {  	s3 =	sand.u32 $0x4000, s31;
	s1 =	sadd.s32 s1, s30  }
0xba: {  	s0 =	sor.u32 s3, s0;
	s1 =	sshll.u32 s1, $0x11  }
0xbb: {  	s0 =	sor.u32 s1, s0  }
0xbc: {  	s0 =	sadd.s32 $0x8F2B, s0  }
0xbd: {  	[sflag:s0] =	ssyncadd.remote.s32 $0x1  }
0xbe: {  	_ =	sfence.sel $0xFFFF  }
0xbf: {  	[dreg:$0x0] =	wrdreg $0xFFFFFFFF;
	(pc) =	sbr.abs _section_cstart, $3  }
0xc0: {  	[dreg:$0x1] =	wrdreg $0xFFFFFFFF  }
0xc1: {  	_ =	task.clear_ibuf [dreg:s7], $0x2FFFF;
	_ =	strace $0x9FFFFFFF  }
0xc2: {  	(tm) =	ssettm $0x7FFFFFFF  }
0xc3: {  	_ =	shalt  }
tec
execute0_lowered:
.L_overlay_start_1:
0x0: {  	(tag) =	ssettag $0x1  }
0x1: {  	v0 =	vlaneseq.u32  }
0x2: {  	v1 =	vshrl.u32 v0, $0x3;
	v0 =	vand.u32 $0x7, v0  }
0x3: {  	v0 =	vmul.u32 $0x8, v0;
	_ =	sdelay $0x1  }
0x4: {  	[tilespmem:$0x1FCA0] =	vst v0;
	v0 =	vor.u32 $0x2, v1  }
0x5: {  	[tilespmem:$0x1FCB0] =	vst v0;
	v0 =	vor.u32 $0x4, v1  }
0x6: {  	[tilespmem:$0x1FCC0] =	vst v0;
	v0 =	vor.u32 $0x6, v1  }
0x7: {  	[tilespmem:$0x1FCD0] =	vst v0;
	v0 =	vor.u32 $0x8, v1  }
0x8: {  	[tilespmem:$0x1FCE0] =	vst v0;
	v0 =	vor.u32 $0xA, v1  }
0x9: {  	[tilespmem:$0x1FCF0] =	vst v0;
	v0 =	vor.u32 $0xC, v1  }
0xa: {  	[tilespmem:$0x1FD00] =	vst v0;
	v0 =	vor.u32 $0xE, v1  }
0xb: {  	[tilespmem:$0x1FD10] =	vst v0;
	v0 =	vor.u32 $0x10, v1  }
0xc: {  	[tilespmem:$0x1FD20] =	vst v0;
	v0 =	vor.u32 $0x12, v1  }
0xd: {  	[tilespmem:$0x1FD30] =	vst v0;
	v0 =	vor.u32 $0x14, v1  }
0xe: {  	[tilespmem:$0x1FD40] =	vst v0;
	v0 =	vor.u32 $0x16, v1  }
0xf: {  	[tilespmem:$0x1FD50] =	vst v0;
	v0 =	vor.u32 $0x18, v1  }
0x10: {  	[tilespmem:$0x1FD60] =	vst v0;
	v0 =	vor.u32 $0x1A, v1  }
0x11: {  	[tilespmem:$0x1FD70] =	vst v0;
	v0 =	vor.u32 $0x1C, v1  }
0x12: {  	[tilespmem:$0x1FD80] =	vst v0;
	v0 =	vor.u32 $0x1E, v1  }
0x13: {  	[tilespmem:$0x1FD90] =	vst v0;
	v0 =	vor.u32 $0x20, v1  }
0x14: {  	[tilespmem:$0x1FDA0] =	vst v0;
	v0 =	vor.u32 $0x22, v1  }
0x15: {  	[tilespmem:$0x1FDB0] =	vst v0;
	v0 =	vor.u32 $0x24, v1  }
0x16: {  	s4 =	rddreg [dreg:$0x0];
	s2 =	simm.s32 $0x0;
	[tilespmem:$0x1FDC0] =	vst v0;
	v0 =	vor.u32 $0x26, v1  }
0x17: {  	[smem:$0x7FF] =	sst s2;
	[tilespmem:$0x1FDD0] =	vst v0;
	v0 =	vor.u32 $0x28, v1  }
0x18: {  	s5 =	rddreg [dreg:$0x1];
	_ =	strace $0x80000047;
	[tilespmem:$0x1FDE0] =	vst v0  }
0x19: {  	v0 =	vor.u32 $0x2A, v1;
	[tilespmem:$0x1FFF0] =	vst v1  }
0x1a: {  	[tilespmem:$0x1FDF0] =	vst v0;
	v0 =	vor.u32 $0x2C, v1  }
0x1b: {  	[tilespmem:$0x1FE00] =	vst v0;
	v0 =	vor.u32 $0x2E, v1  }
0x1c: {  	[tilespmem:$0x1FE10] =	vst v0;
	v0 =	vor.u32 $0x30, v1  }
0x1d: {  	[tilespmem:$0x1FE20] =	vst v0;
	v0 =	vor.u32 $0x32, v1  }
0x1e: {  	[tilespmem:$0x1FE30] =	vst v0;
	v0 =	vor.u32 $0x34, v1  }
0x1f: {  	[tilespmem:$0x1FE40] =	vst v0;
	v0 =	vor.u32 $0x36, v1  }
0x20: {  	[tilespmem:$0x1FE50] =	vst v0;
	v0 =	vor.u32 $0x38, v1  }
0x21: {  	[tilespmem:$0x1FE60] =	vst v0;
	v0 =	vor.u32 $0x3A, v1  }
0x22: {  	[tilespmem:$0x1FE70] =	vst v0;
	v0 =	vor.u32 $0x3C, v1  }
0x23: {  	[tilespmem:$0x1FE80] =	vst v0;
	v0 =	vor.u32 $0x3E, v1  }
0x24: {  	[tilespmem:$0x1FE90] =	vst v0;
	v0 =	vor.u32 $0x40, v1  }
0x25: {  	[tilespmem:$0x1FEA0] =	vst v0;
	v0 =	vor.u32 $0x42, v1  }
0x26: {  	[tilespmem:$0x1FEB0] =	vst v0;
	v0 =	vor.u32 $0x44, v1  }
0x27: {  	[tilespmem:$0x1FEC0] =	vst v0;
	v0 =	vor.u32 $0x46, v1  }
0x28: {  	[tilespmem:$0x1FED0] =	vst v0;
	v0 =	vor.u32 $0x48, v1  }
0x29: {  	[tilespmem:$0x1FEE0] =	vst v0;
	v0 =	vor.u32 $0x4A, v1  }
0x2a: {  	[tilespmem:$0x1FEF0] =	vst v0;
	v0 =	vor.u32 $0x4C, v1  }
0x2b: {  	[tilespmem:$0x1FF00] =	vst v0;
	v0 =	vor.u32 $0x4E, v1  }
0x2c: {  	[tilespmem:$0x1FF10] =	vst v0;
	v0 =	vor.u32 $0x50, v1  }
0x2d: {  	[tilespmem:$0x1FF20] =	vst v0;
	v0 =	vor.u32 $0x52, v1  }
0x2e: {  	s3 =	srdreg.scid;
	[tilespmem:$0x1FF30] =	vst v0;
	v0 =	vor.u32 $0x54, v1  }
0x2f: {  	s1 =	stileid.u32;
	s11 =	simm.s32 $0x280;
	s12 =	simm.s32 $0x100;
	[tilespmem:$0x1FF40] =	vst v0;
	v0 =	vor.u32 $0x56, v1  }
0x30: {  	s13 =	simm.s32 $0x4280;
	s14 =	simm.s32 $0x3;
	s15 =	simm.s32 $0x180;
	[tilespmem:$0x1FF50] =	vst v0;
	v0 =	vor.u32 $0x58, v1  }
0x31: {  	s16 =	simm.s32 $0x8280;
	s17 =	simm.s32 $0x200;
	s18 =	simm.s32 $0xC280;
	[tilespmem:$0x1FF60] =	vst v0;
	v0 =	vor.u32 $0x5A, v1  }
0x32: {  	s19 =	simm.s32 $0x1;
	s20 =	simm.s32 $0x2;
	s21 =	simm.s32 $0x18280;
	[tilespmem:$0x1FF70] =	vst v0;
	v0 =	vor.u32 $0x5C, v1  }
0x33: {  	s22 =	simm.s32 $0x4;
	s6 =	sand.u32 $0x1, s3;
	s30 =	sshll.u32 s1, $0x1;
	[tilespmem:$0x1FF80] =	vst v0;
	v0 =	vor.u32 $0x5E, v1  }
0x34: {  	s23 =	simm.s32 $0x0;
	s3 =	sadd.s32 $0x20E00, s4;
	s7 =	sor.u32 s6, s30;
	[tilespmem:$0x1FF90] =	vst v0;
	v0 =	vor.u32 $0x60, v1  }
0x35: {  	s6 =	ssub.s32 $0x2, s6;
	s8 =	sshll.u32 s7, $0xC;
	s9 =	sshll.u32 s7, $0x9;
	[tilespmem:$0x1FFA0] =	vst v0;
	v0 =	vor.u32 $0x62, v1  }
0x36: {  	s31 =	sshrl.u32 s6, $0x1;
	s7 =	sshll.u32 s7, $0x4;
	s8 =	sadd.s32 s8, s4;
	[tilespmem:$0x1FFB0] =	vst v0;
	v0 =	vor.u32 $0x64, v1  }
0x37: {  	s9 =	sadd.s32 s9, s4;
	s10 =	ssub.s32 s6, s31;
	s4 =	sadd.s32 s5, s7;
	[tilespmem:$0x1FFC0] =	vst v0;
	v0 =	vor.u32 $0x66, v1  }
0x38: {  	s5 =	sadd.s32 $0xE00, s8;
	s6 =	sadd.s32 $0x40200, s9;
	s7 =	smax.u32 s10, $0x1;
	[tilespmem:$0x1FFD0] =	vst v0;
	v0 =	vor.u32 $0x68, v1  }
0x39: {  	s8 =	simm.s32 $0x5;
	s9 =	simm.s32 $0x10280;
	s10 =	simm.s32 $0x80;
	[tilespmem:$0x1FFE0] =	vst v0  }
.LBB2_1:
0x3a: {  	[tilespmem:s2], [sflag:$0x5] =	stream.linear.gather [hbm4b:s4+s2], $0x80, $0x38;
	[tilespmem:$0x19280] =	vst v63  }
0x3b: {  	_ =	swait.ge [sflag:s8], $0x80  }
0x3c: {  	[sflag:s8] =	ssyncset.done $0x0  }
0x3d: {  	[sflag:s8] =	ssyncadd.s32 $0xFFFFFF80  }
0x3e: {  	[tilespmem:s9], [sflag:$0x3] =	stream.linear.gather [hbm4b:s5+s2], $0x8000, $0x38;
	[tilespmem:$0x19280] =	vst v63  }
0x3f: {  	v0 =	vld.idx.msk [tilespmem:v1+s2+$0x0], $0xffff;
	_ =	sdelay $0x2  }
0x40: {  	v1 =	vld [tilespmem:$0x1FCA0];
	_ =	sdelay $0x1  }
0x41: {  	v2 =	vshll.u32 v0, $0x3  }
0x42: {  	v0 =	vand.u32 $0x7, v0;
	v2 =	vand.u32 $0xFFFFFFC0, v2  }
0x43: {  	v0 =	vor.u32 v2, v0  }
0x44: {  	v0 =	vor.u32 v1, v0  }
0x45: {  	[tilespmem:$0x80] =	vst v0;
	v0 =	vld [tilespmem:$0x1FCB0];
	_ =	sdelay $0x7  }
0x46: {  	v0 =	vld.idx.msk [tilespmem:v0+s2+$0x0], $0xffff;
	_ =	sdelay $0x4  }
0x47: {  	v2 =	vshll.u32 v0, $0x3  }
0x48: {  	v0 =	vand.u32 $0x7, v0;
	v2 =	vand.u32 $0xFFFFFFC0, v2  }
0x49: {  	v0 =	vor.u32 v2, v0  }
0x4a: {  	v0 =	vor.u32 v1, v0  }
0x4b: {  	[tilespmem:$0x90] =	vst v0;
	v0 =	vld [tilespmem:$0x1FCC0];
	_ =	sdelay $0x7  }
0x4c: {  	v0 =	vld.idx.msk [tilespmem:v0+s2+$0x0], $0xffff;
	_ =	sdelay $0x4  }
0x4d: {  	v2 =	vshll.u32 v0, $0x3  }
0x4e: {  	v0 =	vand.u32 $0x7, v0;
	v2 =	vand.u32 $0xFFFFFFC0, v2  }
0x4f: {  	v0 =	vor.u32 v2, v0  }
0x50: {  	v0 =	vor.u32 v1, v0  }
0x51: {  	[tilespmem:$0xA0] =	vst v0;
	v0 =	vld [tilespmem:$0x1FCD0];
	_ =	sdelay $0x7  }
0x52: {  	v0 =	vld.idx.msk [tilespmem:v0+s2+$0x0], $0xffff;
	_ =	sdelay $0x4  }
0x53: {  	v2 =	vshll.u32 v0, $0x3  }
0x54: {  	v0 =	vand.u32 $0x7, v0;
	v2 =	vand.u32 $0xFFFFFFC0, v2  }
0x55: {  	v0 =	vor.u32 v2, v0  }
0x56: {  	v0 =	vor.u32 v1, v0  }
0x57: {  	[tilespmem:$0xB0] =	vst v0;
	v0 =	vld [tilespmem:$0x1FCE0];
	_ =	sdelay $0x7  }
0x58: {  	v0 =	vld.idx.msk [tilespmem:v0+s2+$0x0], $0xffff;
	_ =	sdelay $0x4  }
0x59: {  	v2 =	vshll.u32 v0, $0x3  }
0x5a: {  	v0 =	vand.u32 $0x7, v0;
	v2 =	vand.u32 $0xFFFFFFC0, v2  }
0x5b: {  	v0 =	vor.u32 v2, v0  }
0x5c: {  	v0 =	vor.u32 v1, v0  }
0x5d: {  	[tilespmem:$0xC0] =	vst v0;
	v0 =	vld [tilespmem:$0x1FCF0];
	_ =	sdelay $0x7  }
0x5e: {  	v0 =	vld.idx.msk [tilespmem:v0+s2+$0x0], $0xffff;
	_ =	sdelay $0x4  }
0x5f: {  	v2 =	vshll.u32 v0, $0x3  }
0x60: {  	v0 =	vand.u32 $0x7, v0;
	v2 =	vand.u32 $0xFFFFFFC0, v2  }
0x61: {  	v0 =	vor.u32 v2, v0  }
0x62: {  	v0 =	vor.u32 v1, v0  }
0x63: {  	[tilespmem:$0xD0] =	vst v0;
	v0 =	vld [tilespmem:$0x1FD00];
	_ =	sdelay $0x7  }
0x64: {  	v0 =	vld.idx.msk [tilespmem:v0+s2+$0x0], $0xffff;
	_ =	sdelay $0x4  }
0x65: {  	v2 =	vshll.u32 v0, $0x3  }
0x66: {  	v0 =	vand.u32 $0x7, v0;
	v2 =	vand.u32 $0xFFFFFFC0, v2  }
0x67: {  	v0 =	vor.u32 v2, v0  }
0x68: {  	v0 =	vor.u32 v1, v0  }
0x69: {  	[tilespmem:$0xE0] =	vst v0;
	v0 =	vld [tilespmem:$0x1FD10];
	_ =	sdelay $0x7  }
0x6a: {  	v0 =	vld.idx.msk [tilespmem:v0+s2+$0x0], $0xffff;
	_ =	sdelay $0x4  }
0x6b: {  	v2 =	vshll.u32 v0, $0x3  }
0x6c: {  	v0 =	vand.u32 $0x7, v0;
	v2 =	vand.u32 $0xFFFFFFC0, v2  }
0x6d: {  	v0 =	vor.u32 v2, v0  }
0x6e: {  	v0 =	vor.u32 v1, v0  }
0x6f: {  	[tilespmem:$0xF0] =	vst v0;
	v0 =	vld [tilespmem:$0x1FD20];
	_ =	sdelay $0x7  }
0x70: {  	v0 =	vld.idx.msk [tilespmem:v0+s2+$0x0], $0xffff;
	_ =	sdelay $0x4  }
0x71: {  	v2 =	vshll.u32 v0, $0x3  }
0x72: {  	v0 =	vand.u32 $0x7, v0;
	v2 =	vand.u32 $0xFFFFFFC0, v2  }
0x73: {  	v0 =	vor.u32 v2, v0  }
0x74: {  	v0 =	vor.u32 v1, v0  }
0x75: {  	[tilespmem:$0x100] =	vst v0;
	v0 =	vld [tilespmem:$0x1FD30];
	_ =	sdelay $0x7  }
0x76: {  	v0 =	vld.idx.msk [tilespmem:v0+s2+$0x0], $0xffff;
	_ =	sdelay $0x4  }
0x77: {  	v2 =	vshll.u32 v0, $0x3  }
0x78: {  	v0 =	vand.u32 $0x7, v0;
	v2 =	vand.u32 $0xFFFFFFC0, v2  }
0x79: {  	v0 =	vor.u32 v2, v0  }
0x7a: {  	v0 =	vor.u32 v1, v0  }
0x7b: {  	[tilespmem:$0x110] =	vst v0;
	v0 =	vld [tilespmem:$0x1FD40];
	_ =	sdelay $0x7  }
0x7c: {  	v0 =	vld.idx.msk [tilespmem:v0+s2+$0x0], $0xffff;
	_ =	sdelay $0x4  }
0x7d: {  	v2 =	vshll.u32 v0, $0x3  }
0x7e: {  	v0 =	vand.u32 $0x7, v0;
	v2 =	vand.u32 $0xFFFFFFC0, v2  }
0x7f: {  	v0 =	vor.u32 v2, v0  }
0x80: {  	v0 =	vor.u32 v1, v0  }
0x81: {  	[tilespmem:$0x120] =	vst v0;
	v0 =	vld [tilespmem:$0x1FD50];
	_ =	sdelay $0x7  }
0x82: {  	v0 =	vld.idx.msk [tilespmem:v0+s2+$0x0], $0xffff;
	_ =	sdelay $0x4  }
0x83: {  	v2 =	vshll.u32 v0, $0x3  }
0x84: {  	v0 =	vand.u32 $0x7, v0;
	v2 =	vand.u32 $0xFFFFFFC0, v2  }
0x85: {  	v0 =	vor.u32 v2, v0  }
0x86: {  	v0 =	vor.u32 v1, v0  }
0x87: {  	[tilespmem:$0x130] =	vst v0;
	v0 =	vld [tilespmem:$0x1FD60];
	_ =	sdelay $0x7  }
0x88: {  	v0 =	vld.idx.msk [tilespmem:v0+s2+$0x0], $0xffff;
	_ =	sdelay $0x4  }
0x89: {  	v2 =	vshll.u32 v0, $0x3  }
0x8a: {  	v0 =	vand.u32 $0x7, v0;
	v2 =	vand.u32 $0xFFFFFFC0, v2  }
0x8b: {  	v0 =	vor.u32 v2, v0  }
0x8c: {  	v0 =	vor.u32 v1, v0  }
0x8d: {  	[tilespmem:$0x140] =	vst v0;
	v0 =	vld [tilespmem:$0x1FD70];
	_ =	sdelay $0x7  }
0x8e: {  	v0 =	vld.idx.msk [tilespmem:v0+s2+$0x0], $0xffff;
	_ =	sdelay $0x4  }
0x8f: {  	v2 =	vshll.u32 v0, $0x3  }
0x90: {  	v0 =	vand.u32 $0x7, v0;
	v2 =	vand.u32 $0xFFFFFFC0, v2  }
0x91: {  	v0 =	vor.u32 v2, v0  }
0x92: {  	v0 =	vor.u32 v1, v0  }
0x93: {  	[tilespmem:$0x150] =	vst v0;
	v0 =	vld [tilespmem:$0x1FD80];
	_ =	sdelay $0x7  }
0x94: {  	v0 =	vld.idx.msk [tilespmem:v0+s2+$0x0], $0xffff;
	_ =	sdelay $0x4  }
0x95: {  	v2 =	vshll.u32 v0, $0x3  }
0x96: {  	v0 =	vand.u32 $0x7, v0;
	v2 =	vand.u32 $0xFFFFFFC0, v2  }
0x97: {  	v0 =	vor.u32 v2, v0  }
0x98: {  	v0 =	vor.u32 v1, v0  }
0x99: {  	[tilespmem:$0x160] =	vst v0;
	v0 =	vld [tilespmem:$0x1FD90];
	_ =	sdelay $0x7  }
0x9a: {  	v0 =	vld.idx.msk [tilespmem:v0+s2+$0x0], $0xffff;
	_ =	sdelay $0x4  }
0x9b: {  	v2 =	vshll.u32 v0, $0x3  }
0x9c: {  	v0 =	vand.u32 $0x7, v0;
	v2 =	vand.u32 $0xFFFFFFC0, v2  }
0x9d: {  	v0 =	vor.u32 v2, v0  }
0x9e: {  	v0 =	vor.u32 v1, v0  }
0x9f: {  	[tilespmem:$0x170] =	vst v0  }
0xa0: {  	[tilespmem:s11], [sflag:$0x1] =	stream.indirect.gather [hbm4b:s3+s10], $0x80, s10, s10, $0xb8;
	[tilespmem:$0x19280] =	vst v63  }
0xa1: {  	_ = 	snop  }
0xa2: {  	[tilespmem:s13], [sflag:$0x1] =	stream.indirect.gather [hbm4b:s3+s10], $0x80, s12, s10, $0xb8;
	[tilespmem:$0x19280] =	vst v63  }
0xa3: {  	_ =	swait.ge [sflag:s14], $0x8000  }
0xa4: {  	v0 =	vld [tilespmem:$0x1FDA0];
	_ =	sdelay $0x5  }
0xa5: {  	[sflag:s14] =	ssyncset.done $0x0  }
0xa6: {  	[sflag:s14] =	ssyncadd.s32 $0xFFFF8000  }
0xa7: {  	v0 =	vld.idx.msk [tilespmem:v0+s2+$0x0], $0xffff;
	_ =	sdelay $0x4  }
0xa8: {  	v2 =	vshll.u32 v0, $0x3  }
0xa9: {  	v0 =	vand.u32 $0x7, v0;
	v2 =	vand.u32 $0xFFFFFFC0, v2  }
0xaa: {  	v0 =	vor.u32 v2, v0  }
0xab: {  	v0 =	vor.u32 v1, v0  }
0xac: {  	[tilespmem:$0x180] =	vst v0;
	v0 =	vld [tilespmem:$0x1FDB0];
	_ =	sdelay $0x7  }
0xad: {  	v0 =	vld.idx.msk [tilespmem:v0+s2+$0x0], $0xffff;
	_ =	sdelay $0x4  }
0xae: {  	v2 =	vshll.u32 v0, $0x3  }
0xaf: {  	v0 =	vand.u32 $0x7, v0;
	v2 =	vand.u32 $0xFFFFFFC0, v2  }
0xb0: {  	v0 =	vor.u32 v2, v0  }
0xb1: {  	v0 =	vor.u32 v1, v0  }
0xb2: {  	[tilespmem:$0x190] =	vst v0;
	v0 =	vld [tilespmem:$0x1FDC0];
	_ =	sdelay $0x7  }
0xb3: {  	v0 =	vld.idx.msk [tilespmem:v0+s2+$0x0], $0xffff;
	_ =	sdelay $0x4  }
0xb4: {  	v2 =	vshll.u32 v0, $0x3  }
0xb5: {  	v0 =	vand.u32 $0x7, v0;
	v2 =	vand.u32 $0xFFFFFFC0, v2  }
0xb6: {  	v0 =	vor.u32 v2, v0  }
0xb7: {  	v0 =	vor.u32 v1, v0  }
0xb8: {  	[tilespmem:$0x1A0] =	vst v0;
	v0 =	vld [tilespmem:$0x1FDD0];
	_ =	sdelay $0x7  }
0xb9: {  	v0 =	vld.idx.msk [tilespmem:v0+s2+$0x0], $0xffff;
	_ =	sdelay $0x4  }
0xba: {  	v2 =	vshll.u32 v0, $0x3  }
0xbb: {  	v0 =	vand.u32 $0x7, v0;
	v2 =	vand.u32 $0xFFFFFFC0, v2  }
0xbc: {  	v0 =	vor.u32 v2, v0  }
0xbd: {  	v0 =	vor.u32 v1, v0  }
0xbe: {  	[tilespmem:$0x1B0] =	vst v0;
	v0 =	vld [tilespmem:$0x1FDE0];
	_ =	sdelay $0x7  }
0xbf: {  	v0 =	vld.idx.msk [tilespmem:v0+s2+$0x0], $0xffff;
	_ =	sdelay $0x4  }
0xc0: {  	v2 =	vshll.u32 v0, $0x3  }
0xc1: {  	v0 =	vand.u32 $0x7, v0;
	v2 =	vand.u32 $0xFFFFFFC0, v2  }
0xc2: {  	v0 =	vor.u32 v2, v0  }
0xc3: {  	v0 =	vor.u32 v1, v0  }
0xc4: {  	[tilespmem:$0x1C0] =	vst v0;
	v0 =	vld [tilespmem:$0x1FDF0];
	_ =	sdelay $0x7  }
0xc5: {  	v0 =	vld.idx.msk [tilespmem:v0+s2+$0x0], $0xffff;
	_ =	sdelay $0x4  }
0xc6: {  	v2 =	vshll.u32 v0, $0x3  }
0xc7: {  	v0 =	vand.u32 $0x7, v0;
	v2 =	vand.u32 $0xFFFFFFC0, v2  }
0xc8: {  	v0 =	vor.u32 v2, v0  }
0xc9: {  	v0 =	vor.u32 v1, v0  }
0xca: {  	[tilespmem:$0x1D0] =	vst v0;
	v0 =	vld [tilespmem:$0x1FE00];
	_ =	sdelay $0x7  }
0xcb: {  	v0 =	vld.idx.msk [tilespmem:v0+s2+$0x0], $0xffff;
	_ =	sdelay $0x4  }
0xcc: {  	v2 =	vshll.u32 v0, $0x3  }
0xcd: {  	v0 =	vand.u32 $0x7, v0;
	v2 =	vand.u32 $0xFFFFFFC0, v2  }
0xce: {  	v0 =	vor.u32 v2, v0  }
0xcf: {  	v0 =	vor.u32 v1, v0  }
0xd0: {  	[tilespmem:$0x1E0] =	vst v0;
	v0 =	vld [tilespmem:$0x1FE10];
	_ =	sdelay $0x7  }
0xd1: {  	v0 =	vld.idx.msk [tilespmem:v0+s2+$0x0], $0xffff;
	_ =	sdelay $0x4  }
0xd2: {  	v2 =	vshll.u32 v0, $0x3  }
0xd3: {  	v0 =	vand.u32 $0x7, v0;
	v2 =	vand.u32 $0xFFFFFFC0, v2  }
0xd4: {  	v0 =	vor.u32 v2, v0  }
0xd5: {  	v0 =	vor.u32 v1, v0  }
0xd6: {  	[tilespmem:$0x1F0] =	vst v0;
	v0 =	vld [tilespmem:$0x1FE20];
	_ =	sdelay $0x7  }
0xd7: {  	v0 =	vld.idx.msk [tilespmem:v0+s2+$0x0], $0xffff;
	_ =	sdelay $0x4  }
0xd8: {  	v2 =	vshll.u32 v0, $0x3  }
0xd9: {  	v0 =	vand.u32 $0x7, v0;
	v2 =	vand.u32 $0xFFFFFFC0, v2  }
0xda: {  	v0 =	vor.u32 v2, v0  }
0xdb: {  	v0 =	vor.u32 v1, v0  }
0xdc: {  	[tilespmem:$0x200] =	vst v0;
	v0 =	vld [tilespmem:$0x1FE30];
	_ =	sdelay $0x7  }
0xdd: {  	v0 =	vld.idx.msk [tilespmem:v0+s2+$0x0], $0xffff;
	_ =	sdelay $0x4  }
0xde: {  	v2 =	vshll.u32 v0, $0x3  }
0xdf: {  	v0 =	vand.u32 $0x7, v0;
	v2 =	vand.u32 $0xFFFFFFC0, v2  }
0xe0: {  	v0 =	vor.u32 v2, v0  }
0xe1: {  	v0 =	vor.u32 v1, v0  }
0xe2: {  	[tilespmem:$0x210] =	vst v0;
	v0 =	vld [tilespmem:$0x1FE40];
	_ =	sdelay $0x7  }
0xe3: {  	v0 =	vld.idx.msk [tilespmem:v0+s2+$0x0], $0xffff;
	_ =	sdelay $0x4  }
0xe4: {  	v2 =	vshll.u32 v0, $0x3  }
0xe5: {  	v0 =	vand.u32 $0x7, v0;
	v2 =	vand.u32 $0xFFFFFFC0, v2  }
0xe6: {  	v0 =	vor.u32 v2, v0  }
0xe7: {  	v0 =	vor.u32 v1, v0  }
0xe8: {  	[tilespmem:$0x220] =	vst v0;
	v0 =	vld [tilespmem:$0x1FE50];
	_ =	sdelay $0x7  }
0xe9: {  	v0 =	vld.idx.msk [tilespmem:v0+s2+$0x0], $0xffff;
	_ =	sdelay $0x4  }
0xea: {  	v2 =	vshll.u32 v0, $0x3  }
0xeb: {  	v0 =	vand.u32 $0x7, v0;
	v2 =	vand.u32 $0xFFFFFFC0, v2  }
0xec: {  	v0 =	vor.u32 v2, v0  }
0xed: {  	v0 =	vor.u32 v1, v0  }
0xee: {  	[tilespmem:$0x230] =	vst v0;
	v0 =	vld [tilespmem:$0x1FE60];
	_ =	sdelay $0x7  }
0xef: {  	v0 =	vld.idx.msk [tilespmem:v0+s2+$0x0], $0xffff;
	_ =	sdelay $0x4  }
0xf0: {  	v2 =	vshll.u32 v0, $0x3  }
0xf1: {  	v0 =	vand.u32 $0x7, v0;
	v2 =	vand.u32 $0xFFFFFFC0, v2  }
0xf2: {  	v0 =	vor.u32 v2, v0  }
0xf3: {  	v0 =	vor.u32 v1, v0  }
0xf4: {  	[tilespmem:$0x240] =	vst v0;
	v0 =	vld [tilespmem:$0x1FE70];
	_ =	sdelay $0x7  }
0xf5: {  	v0 =	vld.idx.msk [tilespmem:v0+s2+$0x0], $0xffff;
	_ =	sdelay $0x4  }
0xf6: {  	v2 =	vshll.u32 v0, $0x3  }
0xf7: {  	v0 =	vand.u32 $0x7, v0;
	v2 =	vand.u32 $0xFFFFFFC0, v2  }
0xf8: {  	v0 =	vor.u32 v2, v0  }
0xf9: {  	v0 =	vor.u32 v1, v0  }
0xfa: {  	[tilespmem:$0x250] =	vst v0;
	v0 =	vld [tilespmem:$0x1FE80];
	_ =	sdelay $0x7  }
0xfb: {  	v0 =	vld.idx.msk [tilespmem:v0+s2+$0x0], $0xffff;
	_ =	sdelay $0x4  }
0xfc: {  	v2 =	vshll.u32 v0, $0x3  }
0xfd: {  	v0 =	vand.u32 $0x7, v0;
	v2 =	vand.u32 $0xFFFFFFC0, v2  }
0xfe: {  	v0 =	vor.u32 v2, v0  }
0xff: {  	v0 =	vor.u32 v1, v0  }
0x100: {  	[tilespmem:$0x260] =	vst v0;
	v0 =	vld [tilespmem:$0x1FE90];
	_ =	sdelay $0x7  }
0x101: {  	v0 =	vld.idx.msk [tilespmem:v0+s2+$0x0], $0xffff;
	_ =	sdelay $0x4  }
0x102: {  	v2 =	vshll.u32 v0, $0x3  }
0x103: {  	v0 =	vand.u32 $0x7, v0;
	v2 =	vand.u32 $0xFFFFFFC0, v2  }
0x104: {  	v0 =	vor.u32 v2, v0  }
0x105: {  	v0 =	vor.u32 v1, v0  }
0x106: {  	[tilespmem:$0x270] =	vst v0  }
0x107: {  	[tilespmem:s16], [sflag:$0x2] =	stream.indirect.gather [hbm4b:s3+s10], $0x80, s15, s10, $0xb8;
	[tilespmem:$0x19280] =	vst v63  }
0x108: {  	_ = 	snop  }
0x109: {  	[tilespmem:s18], [sflag:$0x2] =	stream.indirect.gather [hbm4b:s3+s10], $0x80, s17, s10, $0xb8;
	[tilespmem:$0x19280] =	vst v63  }
0x10a: {  	_ =	swait.ge [sflag:s19], $0x4000  }
0x10b: {  	[sflag:s19] =	ssyncset.done $0x0  }
0x10c: {  	[sflag:s19] =	ssyncadd.s32 $0xFFFFC000  }
0x10d: {  	_ =	swait.ge [sflag:s19], $0x4000  }
0x10e: {  	[sflag:s19] =	ssyncset.done $0x0  }
0x10f: {  	s24 =	simm.s32 $0x10480;
	[sflag:s19] =	ssyncadd.s32 $0xFFFFC000  }
0x110: {  	s25 =	simm.s32 $0x18;
	v0 =	vld [tilespmem:s24+$0x100]  }
0x111: {  	v2 =	vmov s25  }
0x112: {  	v2 =	vshll.u32 v2, $0x7  }
0x113: {  	v2 =	vbroadcast v2, $0x0  }
0x114: {  	v3 =	vld [tilespmem:s24+$0x110]  }
0x115: {  	v7 =	vld [tilespmem:s24+$0x130];
	v0 =	vadd.s32 v2, v0;
	_ =	sdelay $0x1  }
0x116: {  	v4 =	vld [tilespmem:s24+$0xFFFFFE00]  }
0x117: {  	v5 =	vld [tilespmem:s24+$0x120]  }
0x118: {  	v10 =	vld [tilespmem:s24+$0x160];
	v3 =	vadd.s32 v2, v3  }
0x119: {  	v21 =	vld.idx.msk [tilespmem:v0+s11+$0x0], $0xffff;
	v0 =	vadd.s32 v2, v7  }
0x11a: {  	v9 =	vld [tilespmem:s24+$0x140]  }
0x11b: {  	v6 =	vld [tilespmem:s24+$0xFFFFFE10]  }
0x11c: {  	v11 =	vld [tilespmem:s24+$0x150];
	v5 =	vadd.s32 v2, v5  }
0x11d: {  	v26 =	vld.idx.msk [tilespmem:v3+s11+$0x0], $0xffff  }
0x11e: {  	v30 =	vld.idx.msk [tilespmem:v0+s11+$0x0], $0xffff;
	v0 =	vadd.s32 v2, v10  }
0x11f: {  	v3 =	vadd.s32 v2, v9;
	v7 =	vld [tilespmem:s24+$0x170]  }
0x120: {  	v8 =	vld [tilespmem:s24+$0xFFFFFF00]  }
0x121: {  	v29 =	vld.idx.msk [tilespmem:v5+s11+$0x0], $0xffff  }
0x122: {  	v5 =	vadd.s32 v2, v11;
	v9 =	vld [tilespmem:s24+$0x180]  }
0x123: {  	v0 =	vld.idx.msk [tilespmem:v0+s11+$0x0], $0xffff  }
0x124: {  	v35 =	vld.idx.msk [tilespmem:v3+s11+$0x0], $0xffff;
	v3 =	vadd.s32 v2, v7  }
0x125: {  	v10 =	vld [tilespmem:s24+$0x190]  }
0x126: {  	v7 =	vld [tilespmem:s24+$0x1A0]  }
0x127: {  	v37 =	vld.idx.msk [tilespmem:v5+s11+$0x0], $0xffff  }
0x128: {  	v5 =	vadd.s32 v2, v9;
	v9 =	vld [tilespmem:s24+$0x1B0];
	[tilespmem:$0x1FAD0] =	vst v0  }
0x129: {  	v1 =	vld.idx.msk [tilespmem:v3+s11+$0x0], $0xffff;
	_ =	sdelay $0x4  }
0x12a: {  	v0 =	vadd.s32 v2, v10;
	v10 =	vld [tilespmem:s24+$0x1C0];
	[tilespmem:$0x1FB10] =	vst v1  }
0x12b: {  	v1 =	vld.idx.msk [tilespmem:v5+s11+$0x0], $0xffff;
	_ =	sdelay $0x4  }
0x12c: {  	v3 =	vld [tilespmem:s24+$0xFFFFFF10];
	[tilespmem:$0x1FB50] =	vst v1  }
0x12d: {  	v0 =	vld.idx.msk [tilespmem:v0+s11+$0x0], $0xffff  }
0x12e: {  	v7 =	vadd.s32 v2, v7;
	_ =	sdelay $0x3  }
0x12f: {  	v5 =	vld [tilespmem:s24+$0x0];
	[tilespmem:$0x1FB90] =	vst v0  }
0x130: {  	v1 =	vld.idx.msk [tilespmem:v7+s11+$0x0], $0xffff  }
0x131: {  	v10 =	vadd.s32 v2, v10;
	_ =	sdelay $0x1  }
0x132: {  	v7 =	vmov s2  }
0x133: {  	v7 =	vshll.u32 v7, $0x7  }
0x134: {  	v9 =	vadd.s32 v2, v9;
	v0 =	vld [tilespmem:s24+$0x10];
	v7 =	vbroadcast v7, $0x0;
	[tilespmem:$0x1FBD0] =	vst v1  }
0x135: {  	v1 =	vld.idx.msk [tilespmem:v10+s11+$0x0], $0xffff  }
0x136: {  	v4 =	vadd.s32 v7, v4;
	_ =	sdelay $0x1  }
0x137: {  	v11 =	vld [tilespmem:s24+$0x1D0]  }
0x138: {  	v39 =	vld.idx.msk [tilespmem:v9+s11+$0x0], $0xffff  }
0x139: {  	v9 =	vld [tilespmem:s24+$0xFFFFFE20];
	[tilespmem:$0x1FC30] =	vst v1  }
0x13a: {  	v1 =	vld.idx.msk [tilespmem:v4+s11+$0x0], $0xffff  }
0x13b: {  	v6 =	vadd.s32 v7, v6;
	v62 =	vld [tilespmem:s24+$0xFFFFFF20]  }
0x13c: {  	v14 =	vld [tilespmem:s24+$0x20]  }
0x13d: {  	v15 =	vld [tilespmem:s24+$0xFFFFFE30]  }
0x13e: {  	v2 =	vadd.s32 v2, v11;
	v11 =	vld [tilespmem:s24+$0xFFFFFF30]  }
0x13f: {  	v63 =	vld [tilespmem:s24+$0x30];
	[tilespmem:$0x1FA50] =	vst v1  }
0x140: {  	v1 =	vld.idx.msk [tilespmem:v6+s11+$0x0], $0xffff;
	_ =	sdelay $0x1  }
0x141: {  	s30 =	simm.s32 $0x8  }
0x142: {  	v12 =	vmov s30  }
0x143: {  	v10 =	vshll.u32 v12, $0x7  }
0x144: {  	v10 =	vbroadcast v10, $0x0;
	[tilespmem:$0x1FA60] =	vst v1  }
0x145: {  	v1 =	vld.idx.msk [tilespmem:v2+s11+$0x0], $0xffff  }
0x146: {  	v8 =	vadd.s32 v10, v8;
	_ =	sdelay $0x3  }
0x147: {  	[tilespmem:$0x1FC60] =	vst v1  }
0x148: {  	v1 =	vld.idx.msk [tilespmem:v8+s11+$0x0], $0xffff  }
0x149: {  	v3 =	vadd.s32 v10, v3  }
0x14a: {  	s31 =	simm.s32 $0x10  }
0x14b: {  	v13 =	vmov s31  }
0x14c: {  	v13 =	vshll.u32 v13, $0x7  }
0x14d: {  	v55 =	vbroadcast v13, $0x0;
	[tilespmem:$0x1FA70] =	vst v1  }
0x14e: {  	v1 =	vld.idx.msk [tilespmem:v3+s11+$0x0], $0xffff  }
0x14f: {  	v5 =	vadd.s32 v55, v5;
	_ =	sdelay $0x3  }
0x150: {  	[tilespmem:$0x1FA80] =	vst v1  }
0x151: {  	v1 =	vld.idx.msk [tilespmem:v5+s11+$0x0], $0xffff  }
0x152: {  	v0 =	vadd.s32 v55, v0;
	_ =	sdelay $0x3  }
0x153: {  	[tilespmem:$0x1FA90] =	vst v1  }
0x154: {  	v0 =	vld.idx.msk [tilespmem:v0+s11+$0x0], $0xffff  }
0x155: {  	v2 =	vadd.s32 v7, v9;
	_ =	sdelay $0x3  }
0x156: {  	[tilespmem:$0x1FAA0] =	vst v0  }
0x157: {  	v1 =	vld.idx.msk [tilespmem:v2+s11+$0x0], $0xffff  }
0x158: {  	v3 =	vadd.s32 v10, v62;
	_ =	sdelay $0x1  }
0x159: {  	v4 =	vld [tilespmem:s24+$0xFFFFFE40]  }
0x15a: {  	v5 =	vld [tilespmem:s24+$0xFFFFFF40]  }
0x15b: {  	v6 =	vld [tilespmem:s24+$0x40];
	[tilespmem:$0x1FAB0] =	vst v1  }
0x15c: {  	v1 =	vld.idx.msk [tilespmem:v3+s11+$0x0], $0xffff  }
0x15d: {  	v0 =	vadd.s32 v55, v14;
	_ =	sdelay $0x3  }
0x15e: {  	[tilespmem:$0x1FAC0] =	vst v1  }
0x15f: {  	v0 =	vld.idx.msk [tilespmem:v0+s11+$0x0], $0xffff  }
0x160: {  	v2 =	vadd.s32 v7, v15;
	_ =	sdelay $0x3  }
0x161: {  	[tilespmem:$0x1FAE0] =	vst v0  }
0x162: {  	v1 =	vld.idx.msk [tilespmem:v2+s11+$0x0], $0xffff  }
0x163: {  	v3 =	vadd.s32 v10, v11;
	_ =	sdelay $0x1  }
0x164: {  	v8 =	vld [tilespmem:s24+$0xFFFFFE50]  }
0x165: {  	v9 =	vld [tilespmem:s24+$0xFFFFFF50]  }
0x166: {  	v11 =	vld [tilespmem:s24+$0x50];
	[tilespmem:$0x1FAF0] =	vst v1  }
0x167: {  	v1 =	vld.idx.msk [tilespmem:v3+s11+$0x0], $0xffff  }
0x168: {  	v0 =	vadd.s32 v55, v63;
	_ =	sdelay $0x3  }
0x169: {  	[tilespmem:$0x1FB00] =	vst v1  }
0x16a: {  	v0 =	vld.idx.msk [tilespmem:v0+s11+$0x0], $0xffff  }
0x16b: {  	v2 =	vadd.s32 v7, v4;
	_ =	sdelay $0x3  }
0x16c: {  	[tilespmem:$0x1FB20] =	vst v0  }
0x16d: {  	v1 =	vld.idx.msk [tilespmem:v2+s11+$0x0], $0xffff  }
0x16e: {  	v3 =	vadd.s32 v10, v5;
	_ =	sdelay $0x1  }
0x16f: {  	v4 =	vld [tilespmem:s24+$0xFFFFFE60]  }
0x170: {  	v5 =	vld [tilespmem:s24+$0xFFFFFF60]  }
0x171: {  	v0 =	vadd.s32 v55, v6;
	v6 =	vld [tilespmem:s24+$0x60];
	[tilespmem:$0x1FB30] =	vst v1  }
0x172: {  	v1 =	vld.idx.msk [tilespmem:v3+s11+$0x0], $0xffff;
	_ =	sdelay $0x4  }
0x173: {  	[tilespmem:$0x1FB40] =	vst v1  }
0x174: {  	v0 =	vld.idx.msk [tilespmem:v0+s11+$0x0], $0xffff  }
0x175: {  	v2 =	vadd.s32 v7, v8;
	_ =	sdelay $0x3  }
0x176: {  	[tilespmem:$0x1FB60] =	vst v0  }
0x177: {  	v1 =	vld.idx.msk [tilespmem:v2+s11+$0x0], $0xffff  }
0x178: {  	v3 =	vadd.s32 v10, v9;
	_ =	sdelay $0x1  }
0x179: {  	v8 =	vld [tilespmem:s24+$0xFFFFFE70]  }
0x17a: {  	v9 =	vld [tilespmem:s24+$0xFFFFFF70]  }
0x17b: {  	v0 =	vadd.s32 v55, v11;
	v11 =	vld [tilespmem:s24+$0x70];
	[tilespmem:$0x1FB70] =	vst v1  }
0x17c: {  	v1 =	vld.idx.msk [tilespmem:v3+s11+$0x0], $0xffff;
	_ =	sdelay $0x4  }
0x17d: {  	[tilespmem:$0x1FB80] =	vst v1  }
0x17e: {  	v0 =	vld.idx.msk [tilespmem:v0+s11+$0x0], $0xffff  }
0x17f: {  	v2 =	vadd.s32 v7, v4;
	_ =	sdelay $0x3  }
0x180: {  	[tilespmem:$0x1FBA0] =	vst v0  }
0x181: {  	v1 =	vld.idx.msk [tilespmem:v2+s11+$0x0], $0xffff  }
0x182: {  	v3 =	vadd.s32 v10, v5;
	_ =	sdelay $0x1  }
0x183: {  	v4 =	vld [tilespmem:s24+$0xFFFFFE80]  }
0x184: {  	v5 =	vld [tilespmem:s24+$0xFFFFFF80]  }
0x185: {  	v0 =	vadd.s32 v55, v6;
	v6 =	vld [tilespmem:s24+$0x80];
	[tilespmem:$0x1FBB0] =	vst v1  }
0x186: {  	v1 =	vld.idx.msk [tilespmem:v3+s11+$0x0], $0xffff;
	_ =	sdelay $0x4  }
0x187: {  	[tilespmem:$0x1FBC0] =	vst v1  }
0x188: {  	v0 =	vld.idx.msk [tilespmem:v0+s11+$0x0], $0xffff  }
0x189: {  	v2 =	vadd.s32 v7, v8;
	_ =	sdelay $0x3  }
0x18a: {  	[tilespmem:$0x1FBE0] =	vst v0  }
0x18b: {  	v1 =	vld.idx.msk [tilespmem:v2+s11+$0x0], $0xffff  }
0x18c: {  	v3 =	vadd.s32 v10, v9;
	_ =	sdelay $0x1  }
0x18d: {  	v8 =	vld [tilespmem:s24+$0xFFFFFE90]  }
0x18e: {  	v9 =	vld [tilespmem:s24+$0xFFFFFF90]  }
0x18f: {  	v0 =	vadd.s32 v55, v11;
	v11 =	vld [tilespmem:s24+$0x90];
	[tilespmem:$0x1FBF0] =	vst v1  }
0x190: {  	v1 =	vld.idx.msk [tilespmem:v3+s11+$0x0], $0xffff;
	_ =	sdelay $0x4  }
0x191: {  	[tilespmem:$0x1FC00] =	vst v1  }
0x192: {  	v0 =	vld.idx.msk [tilespmem:v0+s11+$0x0], $0xffff  }
0x193: {  	v2 =	vadd.s32 v7, v4;
	_ =	sdelay $0x3  }
0x194: {  	[tilespmem:$0x1FC10] =	vst v0  }
0x195: {  	v1 =	vld.idx.msk [tilespmem:v2+s11+$0x0], $0xffff  }
0x196: {  	v0 =	vadd.s32 v55, v6;
	_ =	sdelay $0x1  }
0x197: {  	v4 =	vld [tilespmem:s24+$0xFFFFFEA0]  }
0x198: {  	v3 =	vadd.s32 v10, v5;
	v5 =	vld [tilespmem:s24+$0xFFFFFFA0]  }
0x199: {  	v6 =	vld [tilespmem:s24+$0xA0];
	[tilespmem:$0x1FC20] =	vst v1  }
0x19a: {  	v0 =	vld.idx.msk [tilespmem:v0+s11+$0x0], $0xffff  }
0x19b: {  	v2 =	vadd.s32 v7, v8;
	_ =	sdelay $0x3  }
0x19c: {  	v57 =	vld.idx.msk [tilespmem:v3+s11+$0x0], $0xffff;
	[tilespmem:$0x1FC40] =	vst v0  }
0x19d: {  	v1 =	vld.idx.msk [tilespmem:v2+s11+$0x0], $0xffff  }
0x19e: {  	v0 =	vadd.s32 v55, v11;
	_ =	sdelay $0x1  }
0x19f: {  	v8 =	vld [tilespmem:s24+$0xFFFFFEB0]  }
0x1a0: {  	v3 =	vadd.s32 v10, v9;
	v9 =	vld [tilespmem:s24+$0xFFFFFFB0]  }
0x1a1: {  	v11 =	vld [tilespmem:s24+$0xB0];
	[tilespmem:$0x1FC50] =	vst v1  }
0x1a2: {  	v56 =	vld.idx.msk [tilespmem:v0+s11+$0x0], $0xffff  }
0x1a3: {  	v0 =	vld [tilespmem:s24+$0xFFFFFEC0]  }
0x1a4: {  	v2 =	vadd.s32 v7, v4;
	v4 =	vadd.s32 v55, v6;
	v6 =	vld [tilespmem:s24+$0xC0];
	_ =	sdelay $0x2  }
0x1a5: {  	v58 =	vld.idx.msk [tilespmem:v3+s11+$0x0], $0xffff;
	v3 =	vadd.s32 v10, v5  }
0x1a6: {  	v5 =	vld [tilespmem:s24+$0xFFFFFFC0];
	v0 =	vadd.s32 v7, v0  }
0x1a7: {  	v46 =	vld.idx.msk [tilespmem:v2+s11+$0x0], $0xffff;
	v6 =	vadd.s32 v55, v6  }
0x1a8: {  	v2 =	vadd.s32 v10, v9;
	v9 =	vld [tilespmem:s24+$0xFFFFFED0]  }
0x1a9: {  	v8 =	vadd.s32 v7, v8;
	v42 =	vld.idx.msk [tilespmem:v4+s11+$0x0], $0xffff  }
0x1aa: {  	v44 =	vld.idx.msk [tilespmem:v3+s11+$0x0], $0xffff  }
0x1ab: {  	v3 =	vadd.s32 v55, v11;
	v54 =	vld.idx.msk [tilespmem:v0+s11+$0x0], $0xffff  }
0x1ac: {  	v4 =	vadd.s32 v10, v5;
	v0 =	vld.idx.msk [tilespmem:v6+s11+$0x0], $0xffff  }
0x1ad: {  	v50 =	vld.idx.msk [tilespmem:v2+s11+$0x0], $0xffff;
	v2 =	vadd.s32 v7, v9  }
0x1ae: {  	v49 =	vld.idx.msk [tilespmem:v8+s11+$0x0], $0xffff  }
0x1af: {  	v5 =	vld [tilespmem:s24+$0xFFFFFFD0]  }
0x1b0: {  	v47 =	vld.idx.msk [tilespmem:v3+s11+$0x0], $0xffff  }
0x1b1: {  	v45 =	vld.idx.msk [tilespmem:v4+s11+$0x0], $0xffff;
	[tilespmem:$0x1FC90] =	vst v0  }
0x1b2: {  	v1 =	vld.idx.msk [tilespmem:v2+s11+$0x0], $0xffff;
	_ =	sdelay $0x2  }
0x1b3: {  	s25 =	simm.s32 $0x10880;
	v5 =	vadd.s32 v10, v5  }
0x1b4: {  	s26 =	simm.s32 $0x38;
	v0 =	vld [tilespmem:s25+$0x100]  }
0x1b5: {  	v2 =	vmov s26;
	[tilespmem:$0x1FC70] =	vst v1  }
0x1b6: {  	v2 =	vshll.u32 v2, $0x7;
	v3 =	vld [tilespmem:s25+$0x110]  }
0x1b7: {  	v2 =	vbroadcast v2, $0x0;
	v4 =	vld [tilespmem:s25+$0x120]  }
0x1b8: {  	v1 =	vld.idx.msk [tilespmem:v5+s11+$0x0], $0xffff  }
0x1b9: {  	v0 =	vadd.s32 v2, v0;
	v6 =	vld [tilespmem:s25+$0x130]  }
0x1ba: {  	v8 =	vld [tilespmem:s25+$0x140]  }
0x1bb: {  	v9 =	vld [tilespmem:s25+$0x150]  }
0x1bc: {  	v10 =	vld [tilespmem:s25+$0x160]  }
0x1bd: {  	v11 =	vld [tilespmem:s25+$0x170];
	[tilespmem:$0x1FC80] =	vst v1  }
0x1be: {  	v23 =	vld.idx.msk [tilespmem:v0+s11+$0x0], $0xffff  }
0x1bf: {  	v0 =	vadd.s32 v2, v8;
	v17 =	vld [tilespmem:s25+$0x180];
	_ =	sdelay $0x1  }
0x1c0: {  	v3 =	vadd.s32 v2, v3;
	_ =	sdelay $0x2  }
0x1c1: {  	v27 =	vld.idx.msk [tilespmem:v0+s11+$0x0], $0xffff;
	v0 =	vadd.s32 v2, v17;
	_ =	sdelay $0x1  }
0x1c2: {  	v20 =	vld.idx.msk [tilespmem:v3+s11+$0x0], $0xffff;
	v3 =	vadd.s32 v2, v10;
	_ =	sdelay $0x2  }
0x1c3: {  	v53 =	vld.idx.msk [tilespmem:v0+s11+$0x0], $0xffff  }
0x1c4: {  	v0 =	vld [tilespmem:s25+$0x1B0]  }
0x1c5: {  	v38 =	vld.idx.msk [tilespmem:v3+s11+$0x0], $0xffff  }
0x1c6: {  	v3 =	vld [tilespmem:s25+$0x190];
	_ =	sdelay $0x2  }
0x1c7: {  	v0 =	vadd.s32 v2, v0;
	_ =	sdelay $0x1  }
0x1c8: {  	s0 =	simm.s32 $0x20;
	v28 =	vld [tilespmem:s25+$0xFFFFFE10];
	v3 =	vadd.s32 v2, v3  }
0x1c9: {  	v36 =	vmov s0  }
0x1ca: {  	s31 =	simm.s32 $0x30;
	v15 =	vshll.u32 v36, $0x7;
	v43 =	vld [tilespmem:s25+$0x0]  }
0x1cb: {  	v25 =	vbroadcast v15, $0x0;
	v51 =	vld.idx.msk [tilespmem:v0+s11+$0x0], $0xffff;
	v0 =	vmov s31  }
0x1cc: {  	v0 =	vshll.u32 v0, $0x7  }
0x1cd: {  	v32 =	vld.idx.msk [tilespmem:v3+s11+$0x0], $0xffff;
	v3 =	vadd.s32 v25, v28;
	v28 =	vbroadcast v0, $0x0;
	_ =	sdelay $0x1  }
0x1ce: {  	v0 =	vadd.s32 v28, v43;
	_ =	sdelay $0x1  }
0x1cf: {  	s30 =	simm.s32 $0x28  }
0x1d0: {  	v41 =	vmov s30  }
0x1d1: {  	v15 =	vshll.u32 v41, $0x7;
	v1 =	vld [tilespmem:s25+$0xFFFFFF10]  }
0x1d2: {  	v33 =	vbroadcast v15, $0x0;
	v15 =	vld.idx.msk [tilespmem:v0+s11+$0x0], $0xffff  }
0x1d3: {  	v4 =	vadd.s32 v2, v4;
	v0 =	vld [tilespmem:s25+$0x20]  }
0x1d4: {  	v5 =	vadd.s32 v2, v6  }
0x1d5: {  	v16 =	vadd.s32 v2, v9  }
0x1d6: {  	v1 =	vadd.s32 v33, v1  }
0x1d7: {  	v34 =	vld [tilespmem:s25+$0x1D0]  }
0x1d8: {  	v22 =	vld.idx.msk [tilespmem:v4+s11+$0x0], $0xffff;
	v0 =	vadd.s32 v28, v0  }
0x1d9: {  	v24 =	vld.idx.msk [tilespmem:v5+s11+$0x0], $0xffff  }
0x1da: {  	v31 =	vld.idx.msk [tilespmem:v16+s11+$0x0], $0xffff  }
0x1db: {  	v4 =	vadd.s32 v2, v11;
	v16 =	vld.idx.msk [tilespmem:v1+s11+$0x0], $0xffff  }
0x1dc: {  	v1 =	vld [tilespmem:s25+$0x10]  }
0x1dd: {  	v12 =	vld.idx.msk [tilespmem:v0+s11+$0x0], $0xffff  }
0x1de: {  	v0 =	vld [tilespmem:s25+$0xFFFFFE50]  }
0x1df: {  	v5 =	vld [tilespmem:s25+$0x1C0]  }
0x1e0: {  	v40 =	vld.idx.msk [tilespmem:v4+s11+$0x0], $0xffff  }
0x1e1: {  	v4 =	vld [tilespmem:s25+$0x1A0];
	v1 =	vadd.s32 v28, v1;
	_ =	sdelay $0x1  }
0x1e2: {  	v0 =	vadd.s32 v25, v0;
	_ =	sdelay $0x1  }
0x1e3: {  	v6 =	vld [tilespmem:$0x1FA60]  }
0x1e4: {  	v5 =	vadd.s32 v2, v5;
	v4 =	vadd.s32 v2, v4;
	v2 =	vadd.s32 v2, v34;
	v11 =	vld.idx.msk [tilespmem:v1+s11+$0x0], $0xffff  }
0x1e5: {  	v1 =	vld [tilespmem:s25+$0xFFFFFF50]  }
0x1e6: {  	v10 =	vld.idx.msk [tilespmem:v0+s11+$0x0], $0xffff  }
0x1e7: {  	v0 =	vld [tilespmem:$0x1FA50];
	_ =	sdelay $0x1  }
0x1e8: {  	v34 =	vld.idx.msk [tilespmem:v2+s11+$0x0], $0xffff  }
0x1e9: {  	v2 =	vld [tilespmem:s25+$0xFFFFFE40];
	v1 =	vadd.s32 v33, v1  }
0x1ea: {  	v21 =	vmul.f32 v26, v21;
	v7 =	vld [tilespmem:$0x1FA80]  }
0x1eb: {  	v0 =	vmul.f32 v6, v0;
	v6 =	vld [tilespmem:$0x1FA70]  }
0x1ec: {  	v21 =	vmul.f32 v29, v21;
	_ =	sdelay $0x1  }
0x1ed: {  	v21 =	vmul.f32 v30, v21;
	v2 =	vadd.s32 v25, v2;
	v9 =	vld.idx.msk [tilespmem:v1+s11+$0x0], $0xffff  }
0x1ee: {  	v1 =	vld [tilespmem:$0x1FA90]  }
0x1ef: {  	v21 =	vmul.f32 v35, v21;
	v35 =	vmul.f32 v7, v6;
	v6 =	vld [tilespmem:$0x1FAA0];
	_ =	sdelay $0x2  }
0x1f0: {  	v13 =	vld.idx.msk [tilespmem:v2+s11+$0x0], $0xffff  }
0x1f1: {  	v2 =	vld [tilespmem:s25+$0x50]  }
0x1f2: {  	v1 =	vmul.f32 v6, v1;
	v6 =	vld [tilespmem:$0x1FAB0];
	_ =	sdelay $0x4  }
0x1f3: {  	v2 =	vadd.s32 v28, v2;
	v0 =	vmul.f32 v6, v0;
	v6 =	vld [tilespmem:$0x1FAC0];
	_ =	sdelay $0x4  }
0x1f4: {  	v35 =	vmul.f32 v6, v35;
	v6 =	vld.idx.msk [tilespmem:v2+s11+$0x0], $0xffff  }
0x1f5: {  	v2 =	vld [tilespmem:$0x1FAD0];
	_ =	sdelay $0x2  }
0x1f6: {  	v21 =	vmul.f32 v37, v21;
	_ =	sdelay $0x1  }
0x1f7: {  	v21 =	vmul.f32 v2, v21;
	v2 =	vld [tilespmem:$0x1FAE0];
	_ =	sdelay $0x4  }
0x1f8: {  	v1 =	vmul.f32 v2, v1;
	v2 =	vld [tilespmem:$0x1FAF0];
	_ =	sdelay $0x4  }
0x1f9: {  	v0 =	vmul.f32 v2, v0;
	v2 =	vld [tilespmem:$0x1FB00];
	_ =	sdelay $0x4  }
0x1fa: {  	v35 =	vmul.f32 v2, v35;
	v2 =	vld [tilespmem:$0x1FB10];
	_ =	sdelay $0x2  }
0x1fb: {  	v19 =	vld [tilespmem:s25+$0xFFFFFE00]  }
0x1fc: {  	v52 =	vld [tilespmem:s25+$0xFFFFFF00]  }
0x1fd: {  	v21 =	vmul.f32 v2, v21;
	v2 =	vld [tilespmem:$0x1FB20]  }
0x1fe: {  	v59 =	vld [tilespmem:s25+$0xFFFFFE20]  }
0x1ff: {  	v36 =	vld [tilespmem:s25+$0xFFFFFF20]  }
0x200: {  	v62 =	vld [tilespmem:s25+$0xFFFFFE30]  }
0x201: {  	v61 =	vld [tilespmem:s25+$0xFFFFFF30];
	v63 =	vadd.s32 v25, v19  }
0x202: {  	v1 =	vmul.f32 v2, v1;
	v2 =	vld [tilespmem:$0x1FB30]  }
0x203: {  	v60 =	vld [tilespmem:s25+$0x30];
	v52 =	vadd.s32 v33, v52  }
0x204: {  	v30 =	vld [tilespmem:s25+$0x70]  }
0x205: {  	v20 =	vmul.f32 v20, v23;
	v23 =	vld [tilespmem:s25+$0xFFFFFFA0]  }
0x206: {  	v19 =	vld.idx.msk [tilespmem:v63+s11+$0x0], $0xffff  }
0x207: {  	v0 =	vmul.f32 v2, v0;
	v2 =	vld [tilespmem:$0x1FB40]  }
0x208: {  	v62 =	vadd.s32 v25, v62;
	v17 =	vld.idx.msk [tilespmem:v52+s11+$0x0], $0xffff  }
0x209: {  	v61 =	vadd.s32 v33, v61;
	v18 =	vld.idx.msk [tilespmem:v3+s11+$0x0], $0xffff  }
0x20a: {  	v3 =	vld [tilespmem:s25+$0xFFFFFF40]  }
0x20b: {  	v52 =	vadd.s32 v25, v59;
	v59 =	vld [tilespmem:s25+$0x40]  }
0x20c: {  	v35 =	vmul.f32 v2, v35;
	v2 =	vld [tilespmem:$0x1FB50]  }
0x20d: {  	v62 =	vld.idx.msk [tilespmem:v62+s11+$0x0], $0xffff  }
0x20e: {  	v61 =	vld.idx.msk [tilespmem:v61+s11+$0x0], $0xffff  }
0x20f: {  	v48 =	vld.idx.msk [tilespmem:v5+s11+$0x0], $0xffff;
	v3 =	vadd.s32 v33, v3  }
0x210: {  	v5 =	vld [tilespmem:s25+$0xFFFFFF70]  }
0x211: {  	v21 =	vmul.f32 v2, v21;
	v2 =	vld [tilespmem:$0x1FB60]  }
0x212: {  	v41 =	vld.idx.msk [tilespmem:v4+s11+$0x0], $0xffff  }
0x213: {  	v4 =	vld [tilespmem:s25+$0xFFFFFE70]  }
0x214: {  	v63 =	vadd.s32 v33, v36;
	v14 =	vld.idx.msk [tilespmem:v3+s11+$0x0], $0xffff  }
0x215: {  	v3 =	vld [tilespmem:s25+$0xFFFFFE60]  }
0x216: {  	v1 =	vmul.f32 v2, v1;
	v2 =	vld [tilespmem:$0x1FB70]  }
0x217: {  	v36 =	vld [tilespmem:s25+$0x60];
	v5 =	vadd.s32 v33, v5  }
0x218: {  	v52 =	vld.idx.msk [tilespmem:v52+s11+$0x0], $0xffff  }
0x219: {  	v63 =	vld.idx.msk [tilespmem:v63+s11+$0x0], $0xffff;
	v4 =	vadd.s32 v25, v4  }
0x21a: {  	v43 =	vld [tilespmem:s25+$0xFFFFFF60];
	v3 =	vadd.s32 v25, v3  }
0x21b: {  	v0 =	vmul.f32 v2, v0;
	v2 =	vld [tilespmem:$0x1FB80]  }
0x21c: {  	v5 =	vld.idx.msk [tilespmem:v5+s11+$0x0], $0xffff  }
0x21d: {  	v29 =	vadd.s32 v28, v36;
	v36 =	vld [tilespmem:$0x1FC30]  }
0x21e: {  	v60 =	vadd.s32 v28, v60;
	v8 =	vld.idx.msk [tilespmem:v4+s11+$0x0], $0xffff  }
0x21f: {  	v59 =	vadd.s32 v28, v59;
	v7 =	vld.idx.msk [tilespmem:v3+s11+$0x0], $0xffff  }
0x220: {  	v35 =	vmul.f32 v2, v35;
	v2 =	vld [tilespmem:$0x1FB90]  }
0x221: {  	v3 =	vld [tilespmem:$0x1FBB0]  }
0x222: {  	v4 =	vld [tilespmem:$0x1FBD0]  }
0x223: {  	v60 =	vld.idx.msk [tilespmem:v60+s11+$0x0], $0xffff  }
0x224: {  	v59 =	vld.idx.msk [tilespmem:v59+s11+$0x0], $0xffff  }
0x225: {  	v30 =	vadd.s32 v28, v30;
	v21 =	vmul.f32 v2, v21;
	v2 =	vld [tilespmem:$0x1FBA0]  }
0x226: {  	v0 =	vmul.f32 v3, v0;
	v3 =	vld [tilespmem:$0x1FBC0]  }
0x227: {  	v21 =	vmul.f32 v4, v21;
	v4 =	vld [tilespmem:$0x1FBE0]  }
0x228: {  	v26 =	vadd.s32 v33, v43;
	v43 =	vld [tilespmem:s25+$0xFFFFFE80]  }
0x229: {  	v29 =	vld.idx.msk [tilespmem:v29+s11+$0x0], $0xffff  }
0x22a: {  	v30 =	vld.idx.msk [tilespmem:v30+s11+$0x0], $0xffff;
	v1 =	vmul.f32 v2, v1  }
0x22b: {  	v35 =	vmul.f32 v3, v35;
	v3 =	vld [tilespmem:s25+$0x80]  }
0x22c: {  	v1 =	vmul.f32 v4, v1;
	v4 =	vld [tilespmem:$0x1FBF0]  }
0x22d: {  	v37 =	vadd.s32 v25, v43;
	v43 =	vld [tilespmem:$0x1FC10];
	v21 =	vmul.f32 v39, v21  }
0x22e: {  	v26 =	vld.idx.msk [tilespmem:v26+s11+$0x0], $0xffff  }
0x22f: {  	v21 =	vmul.f32 v36, v21;
	v36 =	vld [tilespmem:$0x1FC40]  }
0x230: {  	v39 =	vld [tilespmem:s25+$0xFFFFFE90]  }
0x231: {  	v3 =	vadd.s32 v28, v3;
	v0 =	vmul.f32 v4, v0;
	v4 =	vld [tilespmem:$0x1FC00]  }
0x232: {  	v1 =	vmul.f32 v43, v1;
	v43 =	vld [tilespmem:$0x1FC20]  }
0x233: {  	v20 =	vmul.f32 v22, v20;
	v2 =	vld [tilespmem:s25+$0xFFFFFF80]  }
0x234: {  	v18 =	vmul.f32 v18, v19;
	v1 =	vmul.f32 v36, v1;
	v36 =	vld [tilespmem:$0x1FC50]  }
0x235: {  	v20 =	vmul.f32 v24, v20;
	v37 =	vld.idx.msk [tilespmem:v37+s11+$0x0], $0xffff  }
0x236: {  	v18 =	vmul.f32 v52, v18;
	v3 =	vld.idx.msk [tilespmem:v3+s11+$0x0], $0xffff;
	v22 =	vadd.s32 v25, v39;
	v35 =	vmul.f32 v4, v35  }
0x237: {  	v39 =	vadd.s32 v33, v23;
	v1 =	vmul.f32 v56, v1;
	v56 =	vld [tilespmem:s25+$0xB0];
	v0 =	vmul.f32 v43, v0  }
0x238: {  	v18 =	vmul.f32 v62, v18;
	v2 =	vadd.s32 v33, v2;
	v35 =	vmul.f32 v57, v35;
	v57 =	vld [tilespmem:s25+$0xFFFFFF90]  }
0x239: {  	v20 =	vmul.f32 v27, v20;
	v43 =	vld [tilespmem:s25+$0x90];
	v0 =	vmul.f32 v36, v0  }
0x23a: {  	v11 =	vmul.f32 v11, v15;
	v13 =	vmul.f32 v13, v18;
	v4 =	vld [tilespmem:s24+$0xD0]  }
0x23b: {  	v16 =	vmul.f32 v16, v17;
	v15 =	vld.idx.msk [tilespmem:v22+s11+$0x0], $0xffff;
	v0 =	vmul.f32 v46, v0  }
0x23c: {  	v11 =	vmul.f32 v12, v11;
	v10 =	vmul.f32 v10, v13;
	v12 =	vld.idx.msk [tilespmem:v39+s11+$0x0], $0xffff  }
0x23d: {  	v2 =	vld.idx.msk [tilespmem:v2+s11+$0x0], $0xffff;
	s24 =	simm.s32 $0x182C0;
	v0 =	vmul.f32 v49, v0;
	v49 =	vadd.s32 v33, v57;
	v57 =	vmul.f32 v31, v20  }
0x23e: {  	v7 =	vmul.f32 v7, v10;
	v1 =	vmul.f32 v42, v1;
	v46 =	vld [tilespmem:s25+$0xA0];
	[tilespmem:s24+$0x20] =	vst v21  }
0x23f: {  	v10 =	vadd.s32 v28, v56;
	v4 =	vadd.s32 v55, v4;
	v55 =	vld [tilespmem:$0x1FC60];
	v17 =	vmul.f32 v38, v57  }
0x240: {  	v1 =	vmul.f32 v47, v1;
	v47 =	vld [tilespmem:s25+$0xFFFFFFC0];
	v35 =	vmul.f32 v58, v35  }
0x241: {  	v58 =	vld [tilespmem:s25+$0xFFFFFEA0];
	v0 =	vmul.f32 v54, v0;
	v17 =	vmul.f32 v40, v17  }
0x242: {  	v16 =	vmul.f32 v63, v16;
	v11 =	vmul.f32 v60, v11;
	v54 =	vld [tilespmem:s25+$0xFFFFFFB0]  }
0x243: {  	v35 =	vmul.f32 v44, v35;
	v44 =	vadd.s32 v28, v46;
	v46 =	vld [tilespmem:s25+$0xFFFFFEC0];
	[tilespmem:s24+$0xFFFFFFC0] =	vst v0;
	v17 =	vmul.f32 v53, v17  }
0x244: {  	v16 =	vmul.f32 v61, v16;
	v10 =	vld.idx.msk [tilespmem:v10+s11+$0x0], $0xffff;
	[tilespmem:s24+$0x30] =	vst v55  }
0x245: {  	v11 =	vmul.f32 v59, v11;
	v59 =	vld [tilespmem:$0x1FC70];
	v17 =	vmul.f32 v32, v17  }
0x246: {  	v35 =	vmul.f32 v50, v35;
	v50 =	vadd.s32 v28, v43;
	v43 =	vld [tilespmem:s25+$0xFFFFFEB0]  }
0x247: {  	v14 =	vmul.f32 v14, v16;
	v57 =	vld [tilespmem:s25+$0xFFFFFFD0];
	v0 =	vmul.f32 v41, v17  }
0x248: {  	v6 =	vmul.f32 v6, v11;
	v11 =	vadd.s32 v33, v54;
	v54 =	vld [tilespmem:s25+$0xFFFFFED0]  }
0x249: {  	v9 =	vmul.f32 v9, v14;
	v58 =	vadd.s32 v25, v58;
	v36 =	vld.idx.msk [tilespmem:v49+s11+$0x0], $0xffff;
	v0 =	vmul.f32 v51, v0  }
0x24a: {  	v49 =	vld [tilespmem:s25+$0xC0];
	[tilespmem:s24+$0xFFFFFFD0] =	vst v59  }
0x24b: {  	v9 =	vmul.f32 v26, v9;
	v60 =	vmul.f32 v48, v0;
	v0 =	vld [tilespmem:$0x1FC80]  }
0x24c: {  	v6 =	vmul.f32 v29, v6;
	v42 =	vld.idx.msk [tilespmem:v50+s11+$0x0], $0xffff  }
0x24d: {  	v5 =	vmul.f32 v5, v9;
	v52 =	vadd.s32 v25, v43;
	v53 =	vld.idx.msk [tilespmem:v44+s11+$0x0], $0xffff  }
0x24e: {  	v6 =	vmul.f32 v30, v6;
	v56 =	vadd.s32 v25, v46;
	v50 =	vld.idx.msk [tilespmem:v58+s11+$0x0], $0xffff  }
0x24f: {  	v7 =	vmul.f32 v8, v7;
	v2 =	vmul.f32 v2, v5;
	v58 =	vld [tilespmem:s25+$0xD0]  }
0x250: {  	v5 =	vmul.f32 v3, v6;
	v11 =	vld.idx.msk [tilespmem:v11+s11+$0x0], $0xffff;
	v6 =	vadd.s32 v25, v54;
	[tilespmem:s24+$0xFFFFFFF0] =	vst v0  }
0x251: {  	v7 =	vmul.f32 v37, v7;
	v8 =	vadd.s32 v33, v47;
	v62 =	vmul.f32 v36, v2;
	v2 =	vld [tilespmem:$0x1FC90]  }
0x252: {  	v9 =	vadd.s32 v28, v49;
	v13 =	vld.idx.msk [tilespmem:v52+s11+$0x0], $0xffff;
	v5 =	vmul.f32 v42, v5  }
0x253: {  	v7 =	vmul.f32 v15, v7;
	v35 =	vmul.f32 v45, v35;
	v61 =	vadd.s32 v33, v57;
	v3 =	vld.idx.msk [tilespmem:v56+s11+$0x0], $0xffff  }
0x254: {  	v63 =	vmul.f32 v53, v5;
	v5 =	vld.idx.msk [tilespmem:v4+s11+$0x0], $0xffff  }
0x255: {  	s25 =	simm.s32 $0x18340;
	v7 =	vmul.f32 v50, v7;
	v6 =	vld.idx.msk [tilespmem:v6+s11+$0x0], $0xffff;
	[tilespmem:s24+$0xFFFFFFE0] =	vst v35  }
0x256: {  	v0 =	vld.idx.msk [tilespmem:v8+s11+$0x0], $0xffff;
	v8 =	vmul.f32 v12, v62;
	[tilespmem:s25+$0x20] =	vst v60;
	v1 =	vmul.f32 v2, v1  }
0x257: {  	v54 =	vadd.s32 v28, v58;
	[tilespmem:s25+$0x30] =	vst v34;
	v2 =	vld.idx.msk [tilespmem:v9+s11+$0x0], $0xffff;
	v9 =	vmul.f32 v13, v7  }
0x258: {  	s28 =	simm.s32 $0x40;
	s29 =	simm.s32 $0x10C80;
	s26 =	simm.s32 $0x4;
	v4 =	vmul.f32 v11, v8;
	v8 =	vmul.f32 v10, v63;
	v7 =	vld.idx.msk [tilespmem:v61+s11+$0x0], $0xffff;
	[tilespmem:s24+$0x0] =	vst v1  }
.LBB2_2:
0x259: {  	v1 =	vmov s28;
	s30 =	sadd.s32 $0x8, s28;
	s31 =	sadd.s32 $0x10, s28;
	s0 =	sadd.s32 $0x18, s28;
	v10 =	vld [tilespmem:s29+$0x100];
	v3 =	vmul.f32 v3, v9  }
0x25a: {  	s26 =	sadd.s32 $0x4, s26;
	v9 =	vmov s30;
	v11 =	vmov s31;
	v12 =	vmov s0;
	v13 =	vld [tilespmem:s29+$0x110]  }
0x25b: {  	p0 =	slt.u32 s26, $0x1C;
	v14 =	vld [tilespmem:s29+$0xFFFFFE00];
	v9 =	vshll.u32 v9, $0x7;
	v11 =	vshll.u32 v11, $0x7;
	v12 =	vshll.u32 v12, $0x7;
	[tilespmem:s25+$0xFFFFFFC0] =	vst v3  }
0x25c: {  	v1 =	vshll.u32 v1, $0x7;
	v55 =	vbroadcast v9, $0x0;
	v3 =	vbroadcast v12, $0x0;
	v9 =	vld [tilespmem:s29+$0x120];
	[tilespmem:s24+$0x10] =	vst v5;
	s24 =	smov.u32 s25  }
0x25d: {  	v58 =	vbroadcast v1, $0x0;
	v56 =	vbroadcast v11, $0x0;
	v1 =	vld [tilespmem:s29+$0xFFFFFE10];
	[tilespmem:s25+$0xFFFFFFD0] =	vst v6  }
0x25e: {  	v0 =	vmul.f32 v0, v4;
	v57 =	vmul.f32 v2, v8;
	v5 =	vadd.s32 v3, v10;
	v6 =	vld [tilespmem:s29+$0x130];
	[tilespmem:s25+$0xFFFFFFF0] =	vst v7  }
0x25f: {  	v2 =	vld [tilespmem:s29+$0xFFFFFF00];
	v4 =	vadd.s32 v3, v13  }
0x260: {  	v7 =	vadd.s32 v58, v14;
	v8 =	vld [tilespmem:s29+$0x140];
	[tilespmem:s25+$0xFFFFFFE0] =	vst v0  }
0x261: {  	v0 =	vadd.s32 v3, v9;
	v9 =	vld [tilespmem:s29+$0x160]  }
0x262: {  	v1 =	vadd.s32 v58, v1;
	v10 =	vld [tilespmem:s29+$0x150]  }
0x263: {  	v5 =	vld.idx.msk [tilespmem:v5+s11+$0x0], $0xffff;
	v6 =	vadd.s32 v3, v6  }
0x264: {  	v2 =	vadd.s32 v55, v2;
	v4 =	vld.idx.msk [tilespmem:v4+s11+$0x0], $0xffff  }
0x265: {  	v8 =	vadd.s32 v3, v8;
	v11 =	vld [tilespmem:s29+$0x170]  }
0x266: {  	v0 =	vld.idx.msk [tilespmem:v0+s11+$0x0], $0xffff  }
0x267: {  	v10 =	vadd.s32 v3, v10;
	v12 =	vld [tilespmem:s29+$0x180]  }
0x268: {  	v6 =	vld.idx.msk [tilespmem:v6+s11+$0x0], $0xffff  }
0x269: {  	v9 =	vadd.s32 v3, v9;
	v13 =	vld [tilespmem:s29+$0x190]  }
0x26a: {  	v4 =	vmul.f32 v4, v5;
	v5 =	vld.idx.msk [tilespmem:v8+s11+$0x0], $0xffff  }
0x26b: {  	v8 =	vadd.s32 v3, v11;
	v11 =	vld [tilespmem:s29+$0x1A0]  }
0x26c: {  	v0 =	vmul.f32 v0, v4;
	v4 =	vld.idx.msk [tilespmem:v10+s11+$0x0], $0xffff  }
0x26d: {  	v10 =	vadd.s32 v3, v12;
	v12 =	vld [tilespmem:s29+$0x1B0]  }
0x26e: {  	v0 =	vmul.f32 v6, v0;
	v6 =	vld.idx.msk [tilespmem:v9+s11+$0x0], $0xffff  }
0x26f: {  	v9 =	vadd.s32 v3, v13;
	v13 =	vld [tilespmem:s29+$0x1C0]  }
0x270: {  	v0 =	vmul.f32 v5, v0;
	v5 =	vld.idx.msk [tilespmem:v8+s11+$0x0], $0xffff  }
0x271: {  	v11 =	vadd.s32 v3, v11;
	v8 =	vld [tilespmem:s29+$0xFFFFFF10]  }
0x272: {  	v0 =	vmul.f32 v4, v0;
	v4 =	vld.idx.msk [tilespmem:v10+s11+$0x0], $0xffff  }
0x273: {  	v12 =	vadd.s32 v3, v12;
	v10 =	vld [tilespmem:s29+$0x0]  }
0x274: {  	v0 =	vmul.f32 v6, v0;
	v6 =	vld.idx.msk [tilespmem:v9+s11+$0x0], $0xffff  }
0x275: {  	v13 =	vadd.s32 v3, v13;
	v9 =	vld [tilespmem:s29+$0x10]  }
0x276: {  	v0 =	vmul.f32 v5, v0;
	v8 =	vadd.s32 v55, v8;
	v5 =	vld.idx.msk [tilespmem:v11+s11+$0x0], $0xffff  }
0x277: {  	v11 =	vld [tilespmem:s29+$0x1D0]  }
0x278: {  	v0 =	vmul.f32 v4, v0;
	v10 =	vadd.s32 v56, v10;
	v4 =	vld.idx.msk [tilespmem:v12+s11+$0x0], $0xffff  }
0x279: {  	v12 =	vld [tilespmem:s29+$0xFFFFFE20]  }
0x27a: {  	v0 =	vmul.f32 v6, v0;
	v9 =	vadd.s32 v56, v9;
	v6 =	vld.idx.msk [tilespmem:v13+s11+$0x0], $0xffff  }
0x27b: {  	v13 =	vld [tilespmem:s29+$0xFFFFFF20]  }
0x27c: {  	v0 =	vmul.f32 v5, v0;
	v14 =	vld [tilespmem:s29+$0x20]  }
0x27d: {  	v3 =	vadd.s32 v3, v11;
	v5 =	vld [tilespmem:s29+$0xFFFFFE30]  }
0x27e: {  	v0 =	vmul.f32 v4, v0;
	v11 =	vadd.s32 v58, v12;
	v12 =	vld [tilespmem:s29+$0xFFFFFF30]  }
0x27f: {  	v4 =	vld [tilespmem:s29+$0x30]  }
0x280: {  	v0 =	vmul.f32 v6, v0;
	v7 =	vld.idx.msk [tilespmem:v7+s11+$0x0], $0xffff;
	v13 =	vadd.s32 v55, v13  }
0x281: {  	s25 =	sadd.s32 $0x80, s25;
	v1 =	vld.idx.msk [tilespmem:v1+s11+$0x0], $0xffff;
	v6 =	vadd.s32 v56, v14  }
0x282: {  	v5 =	vadd.s32 v58, v5;
	v3 =	vld.idx.msk [tilespmem:v3+s11+$0x0], $0xffff;
	[tilespmem:s25+$0x20] =	vst v0  }
0x283: {  	v0 =	vld.idx.msk [tilespmem:v2+s11+$0x0], $0xffff;
	v2 =	vadd.s32 v55, v12  }
0x284: {  	v8 =	vld.idx.msk [tilespmem:v8+s11+$0x0], $0xffff;
	v4 =	vadd.s32 v56, v4  }
0x285: {  	v10 =	vld.idx.msk [tilespmem:v10+s11+$0x0], $0xffff  }
0x286: {  	v9 =	vld.idx.msk [tilespmem:v9+s11+$0x0], $0xffff  }
0x287: {  	v1 =	vmul.f32 v1, v7;
	v7 =	vld [tilespmem:s29+$0xFFFFFE40]  }
0x288: {  	v12 =	vld [tilespmem:s29+$0xFFFFFF40];
	[tilespmem:s25+$0x30] =	vst v3  }
0x289: {  	v3 =	vld [tilespmem:s29+$0x40]  }
0x28a: {  	v0 =	vmul.f32 v8, v0;
	v11 =	vld.idx.msk [tilespmem:v11+s11+$0x0], $0xffff  }
0x28b: {  	v8 =	vld.idx.msk [tilespmem:v13+s11+$0x0], $0xffff  }
0x28c: {  	v9 =	vmul.f32 v9, v10;
	v7 =	vadd.s32 v58, v7;
	v6 =	vld.idx.msk [tilespmem:v6+s11+$0x0], $0xffff  }
0x28d: {  	v10 =	vld [tilespmem:s29+$0xFFFFFE50];
	v12 =	vadd.s32 v55, v12  }
0x28e: {  	v13 =	vld [tilespmem:s29+$0xFFFFFF50];
	v3 =	vadd.s32 v56, v3  }
0x28f: {  	v14 =	vld [tilespmem:s29+$0x50]  }
0x290: {  	v1 =	vmul.f32 v11, v1;
	v5 =	vld.idx.msk [tilespmem:v5+s11+$0x0], $0xffff  }
0x291: {  	v0 =	vmul.f32 v8, v0;
	v2 =	vld.idx.msk [tilespmem:v2+s11+$0x0], $0xffff  }
0x292: {  	v6 =	vmul.f32 v6, v9;
	v8 =	vadd.s32 v58, v10;
	v4 =	vld.idx.msk [tilespmem:v4+s11+$0x0], $0xffff  }
0x293: {  	v9 =	vld [tilespmem:s29+$0xFFFFFE60];
	v10 =	vadd.s32 v55, v13  }
0x294: {  	v11 =	vld [tilespmem:s29+$0xFFFFFF60];
	v13 =	vadd.s32 v56, v14  }
0x295: {  	v14 =	vld [tilespmem:s29+$0x60]  }
0x296: {  	v1 =	vmul.f32 v5, v1;
	v5 =	vld.idx.msk [tilespmem:v7+s11+$0x0], $0xffff  }
0x297: {  	v0 =	vmul.f32 v2, v0;
	v2 =	vld.idx.msk [tilespmem:v12+s11+$0x0], $0xffff  }
0x298: {  	v4 =	vmul.f32 v4, v6;
	v7 =	vadd.s32 v58, v9;
	v3 =	vld.idx.msk [tilespmem:v3+s11+$0x0], $0xffff  }
0x299: {  	v6 =	vld [tilespmem:s29+$0xFFFFFE70];
	v9 =	vadd.s32 v55, v11  }
0x29a: {  	v11 =	vld [tilespmem:s29+$0xFFFFFF70];
	v12 =	vadd.s32 v56, v14  }
0x29b: {  	v14 =	vld [tilespmem:s29+$0x70]  }
0x29c: {  	v1 =	vmul.f32 v5, v1;
	v5 =	vld.idx.msk [tilespmem:v8+s11+$0x0], $0xffff  }
0x29d: {  	v0 =	vmul.f32 v2, v0;
	v2 =	vld.idx.msk [tilespmem:v10+s11+$0x0], $0xffff  }
0x29e: {  	v3 =	vmul.f32 v3, v4;
	v6 =	vadd.s32 v58, v6;
	v4 =	vld.idx.msk [tilespmem:v13+s11+$0x0], $0xffff  }
0x29f: {  	v8 =	vld [tilespmem:s29+$0xFFFFFE80];
	v10 =	vadd.s32 v55, v11  }
0x2a0: {  	v11 =	vld [tilespmem:s29+$0xFFFFFF80];
	v13 =	vadd.s32 v56, v14  }
0x2a1: {  	v14 =	vld [tilespmem:s29+$0x80]  }
0x2a2: {  	v1 =	vmul.f32 v5, v1;
	v5 =	vld.idx.msk [tilespmem:v7+s11+$0x0], $0xffff  }
0x2a3: {  	v0 =	vmul.f32 v2, v0;
	v2 =	vld.idx.msk [tilespmem:v9+s11+$0x0], $0xffff  }
0x2a4: {  	v3 =	vmul.f32 v4, v3;
	v7 =	vadd.s32 v58, v8;
	v4 =	vld.idx.msk [tilespmem:v12+s11+$0x0], $0xffff  }
0x2a5: {  	v8 =	vld [tilespmem:s29+$0xFFFFFE90];
	v9 =	vadd.s32 v55, v11  }
0x2a6: {  	v11 =	vld [tilespmem:s29+$0xFFFFFF90];
	v12 =	vadd.s32 v56, v14  }
0x2a7: {  	v14 =	vld [tilespmem:s29+$0x90]  }
0x2a8: {  	v1 =	vmul.f32 v5, v1;
	v5 =	vld.idx.msk [tilespmem:v6+s11+$0x0], $0xffff  }
0x2a9: {  	v0 =	vmul.f32 v2, v0;
	v2 =	vld.idx.msk [tilespmem:v10+s11+$0x0], $0xffff  }
0x2aa: {  	v3 =	vmul.f32 v4, v3;
	v6 =	vadd.s32 v58, v8;
	v4 =	vld.idx.msk [tilespmem:v13+s11+$0x0], $0xffff  }
0x2ab: {  	v8 =	vld [tilespmem:s29+$0xFFFFFEA0];
	v10 =	vadd.s32 v55, v11  }
0x2ac: {  	v11 =	vld [tilespmem:s29+$0xFFFFFFA0];
	v13 =	vadd.s32 v56, v14  }
0x2ad: {  	v14 =	vld [tilespmem:s29+$0xA0]  }
0x2ae: {  	v1 =	vmul.f32 v5, v1;
	v5 =	vld.idx.msk [tilespmem:v7+s11+$0x0], $0xffff  }
0x2af: {  	v0 =	vmul.f32 v2, v0;
	v2 =	vld.idx.msk [tilespmem:v9+s11+$0x0], $0xffff  }
0x2b0: {  	v3 =	vmul.f32 v4, v3;
	v7 =	vadd.s32 v58, v8;
	v4 =	vld.idx.msk [tilespmem:v12+s11+$0x0], $0xffff  }
0x2b1: {  	v8 =	vld [tilespmem:s29+$0xFFFFFEB0];
	v9 =	vadd.s32 v55, v11  }
0x2b2: {  	v11 =	vld [tilespmem:s29+$0xFFFFFFB0];
	v12 =	vadd.s32 v56, v14  }
0x2b3: {  	v14 =	vld [tilespmem:s29+$0xB0]  }
0x2b4: {  	v1 =	vmul.f32 v5, v1;
	v5 =	vld.idx.msk [tilespmem:v6+s11+$0x0], $0xffff  }
0x2b5: {  	v0 =	vmul.f32 v2, v0;
	v2 =	vld.idx.msk [tilespmem:v10+s11+$0x0], $0xffff  }
0x2b6: {  	v3 =	vmul.f32 v4, v3;
	v6 =	vadd.s32 v58, v8;
	v4 =	vld.idx.msk [tilespmem:v13+s11+$0x0], $0xffff  }
0x2b7: {  	v8 =	vld [tilespmem:s29+$0xFFFFFEC0];
	v10 =	vadd.s32 v55, v11  }
0x2b8: {  	v11 =	vld [tilespmem:s29+$0xFFFFFFC0];
	v13 =	vadd.s32 v56, v14  }
0x2b9: {  	v14 =	vld [tilespmem:s29+$0xC0]  }
0x2ba: {  	v1 =	vmul.f32 v5, v1;
	v5 =	vld.idx.msk [tilespmem:v7+s11+$0x0], $0xffff  }
0x2bb: {  	v0 =	vmul.f32 v2, v0;
	v2 =	vld.idx.msk [tilespmem:v9+s11+$0x0], $0xffff  }
0x2bc: {  	v3 =	vmul.f32 v4, v3;
	v7 =	vadd.s32 v58, v8;
	v4 =	vld.idx.msk [tilespmem:v12+s11+$0x0], $0xffff  }
0x2bd: {  	v8 =	vld [tilespmem:s29+$0xFFFFFED0];
	v9 =	vadd.s32 v55, v11  }
0x2be: {  	v11 =	vld [tilespmem:s29+$0xFFFFFFD0];
	v12 =	vadd.s32 v56, v14  }
0x2bf: {  	v14 =	vld [tilespmem:s29+$0xD0]  }
0x2c0: {  	v1 =	vmul.f32 v5, v1;
	v5 =	vld.idx.msk [tilespmem:v6+s11+$0x0], $0xffff  }
0x2c1: {  	v15 =	vmul.f32 v2, v0;
	v10 =	vld.idx.msk [tilespmem:v10+s11+$0x0], $0xffff  }
0x2c2: {  	v6 =	vadd.s32 v58, v8;
	v8 =	vmul.f32 v4, v3;
	v13 =	vld.idx.msk [tilespmem:v13+s11+$0x0], $0xffff  }
0x2c3: {  	v3 =	vld.idx.msk [tilespmem:v7+s11+$0x0], $0xffff;
	v7 =	vadd.s32 v55, v11  }
.Ltmp0:
0x2c4: {  	v0 =	vld.idx.msk [tilespmem:v9+s11+$0x0], $0xffff;
	v4 =	vadd.s32 v56, v14;
	(pc) =	sbr.rel @p0 .LBB2_2-.Ltmp0, $4  }
0x2c5: {  	v2 =	vld.idx.msk [tilespmem:v12+s11+$0x0], $0xffff  }
0x2c6: {  	v9 =	vmul.f32 v5, v1;
	v5 =	vld.idx.msk [tilespmem:v54+s11+$0x0], $0xffff;
	[tilespmem:s24+$0x0] =	vst v57;
	v54 =	vmov v4  }
0x2c7: {  	v4 =	vmul.f32 v10, v15;
	v6 =	vld.idx.msk [tilespmem:v6+s11+$0x0], $0xffff  }
0x2c8: {  	s28 =	sadd.s32 $0x20, s28;
	s29 =	sadd.s32 $0x400, s29;
	v8 =	vmul.f32 v13, v8;
	v7 =	vld.idx.msk [tilespmem:v7+s11+$0x0], $0xffff  }
0x2c9: {  	_ = 	snop  }
0x2ca: {  	v1 =	vmul.f32 v3, v9;
	_ =	sdelay $0x1  }
0x2cb: {  	v0 =	vmul.f32 v0, v4;
	[tilespmem:s25+$0xFFFFFFC0] =	vst v1  }
0x2cc: {  	[tilespmem:s24+$0x10] =	vst v5;
	v1 =	vld.idx.msk [tilespmem:v54+s11+$0x0], $0xffff  }
0x2cd: {  	v2 =	vmul.f32 v2, v8;
	[tilespmem:s25+$0xFFFFFFE0] =	vst v0  }
0x2ce: {  	[tilespmem:s25+$0xFFFFFFD0] =	vst v6  }
0x2cf: {  	[tilespmem:s25+$0x0] =	vst v2  }
0x2d0: {  	[tilespmem:s25+$0xFFFFFFF0] =	vst v7  }
0x2d1: {  	[tilespmem:s25+$0x10] =	vst v1  }
0x2d2: {  	v0 =	vld [tilespmem:$0x1FEA0];
	_ =	sdelay $0x7  }
0x2d3: {  	v0 =	vld.idx.msk [tilespmem:v0+s2+$0x0], $0xffff;
	_ =	sdelay $0x2  }
0x2d4: {  	v2 =	vld [tilespmem:$0x1FCA0];
	_ =	sdelay $0x1  }
0x2d5: {  	v1 =	vshll.u32 v0, $0x3  }
0x2d6: {  	v0 =	vand.u32 $0x7, v0;
	v1 =	vand.u32 $0xFFFFFFC0, v1  }
0x2d7: {  	v0 =	vor.u32 v1, v0  }
0x2d8: {  	v0 =	vor.u32 v2, v0  }
0x2d9: {  	[tilespmem:$0x80] =	vst v0;
	v0 =	vld [tilespmem:$0x1FEB0];
	_ =	sdelay $0x7  }
0x2da: {  	v0 =	vld.idx.msk [tilespmem:v0+s2+$0x0], $0xffff;
	_ =	sdelay $0x4  }
0x2db: {  	v1 =	vshll.u32 v0, $0x3  }
0x2dc: {  	v0 =	vand.u32 $0x7, v0;
	v1 =	vand.u32 $0xFFFFFFC0, v1  }
0x2dd: {  	v0 =	vor.u32 v1, v0  }
0x2de: {  	v0 =	vor.u32 v2, v0  }
0x2df: {  	[tilespmem:$0x90] =	vst v0;
	v0 =	vld [tilespmem:$0x1FEC0];
	_ =	sdelay $0x7  }
0x2e0: {  	v0 =	vld.idx.msk [tilespmem:v0+s2+$0x0], $0xffff;
	_ =	sdelay $0x4  }
0x2e1: {  	v1 =	vshll.u32 v0, $0x3  }
0x2e2: {  	v0 =	vand.u32 $0x7, v0;
	v1 =	vand.u32 $0xFFFFFFC0, v1  }
0x2e3: {  	v0 =	vor.u32 v1, v0  }
0x2e4: {  	v0 =	vor.u32 v2, v0  }
0x2e5: {  	[tilespmem:$0xA0] =	vst v0;
	v0 =	vld [tilespmem:$0x1FED0];
	_ =	sdelay $0x7  }
0x2e6: {  	v0 =	vld.idx.msk [tilespmem:v0+s2+$0x0], $0xffff;
	_ =	sdelay $0x4  }
0x2e7: {  	v1 =	vshll.u32 v0, $0x3  }
0x2e8: {  	v0 =	vand.u32 $0x7, v0;
	v1 =	vand.u32 $0xFFFFFFC0, v1  }
0x2e9: {  	v0 =	vor.u32 v1, v0  }
0x2ea: {  	v0 =	vor.u32 v2, v0  }
0x2eb: {  	[tilespmem:$0xB0] =	vst v0;
	v0 =	vld [tilespmem:$0x1FEE0];
	_ =	sdelay $0x7  }
0x2ec: {  	v0 =	vld.idx.msk [tilespmem:v0+s2+$0x0], $0xffff;
	_ =	sdelay $0x4  }
0x2ed: {  	v1 =	vshll.u32 v0, $0x3  }
0x2ee: {  	v0 =	vand.u32 $0x7, v0;
	v1 =	vand.u32 $0xFFFFFFC0, v1  }
0x2ef: {  	v0 =	vor.u32 v1, v0  }
0x2f0: {  	v0 =	vor.u32 v2, v0  }
0x2f1: {  	[tilespmem:$0xC0] =	vst v0;
	v0 =	vld [tilespmem:$0x1FEF0];
	_ =	sdelay $0x7  }
0x2f2: {  	v0 =	vld.idx.msk [tilespmem:v0+s2+$0x0], $0xffff;
	_ =	sdelay $0x4  }
0x2f3: {  	v1 =	vshll.u32 v0, $0x3  }
0x2f4: {  	v0 =	vand.u32 $0x7, v0;
	v1 =	vand.u32 $0xFFFFFFC0, v1  }
0x2f5: {  	v0 =	vor.u32 v1, v0  }
0x2f6: {  	v0 =	vor.u32 v2, v0  }
0x2f7: {  	[tilespmem:$0xD0] =	vst v0;
	v0 =	vld [tilespmem:$0x1FF00];
	_ =	sdelay $0x7  }
0x2f8: {  	v0 =	vld.idx.msk [tilespmem:v0+s2+$0x0], $0xffff;
	_ =	sdelay $0x4  }
0x2f9: {  	v1 =	vshll.u32 v0, $0x3  }
0x2fa: {  	v0 =	vand.u32 $0x7, v0;
	v1 =	vand.u32 $0xFFFFFFC0, v1  }
0x2fb: {  	v0 =	vor.u32 v1, v0  }
0x2fc: {  	v0 =	vor.u32 v2, v0  }
0x2fd: {  	[tilespmem:$0xE0] =	vst v0;
	v0 =	vld [tilespmem:$0x1FF10];
	_ =	sdelay $0x7  }
0x2fe: {  	v0 =	vld.idx.msk [tilespmem:v0+s2+$0x0], $0xffff;
	_ =	sdelay $0x4  }
0x2ff: {  	v1 =	vshll.u32 v0, $0x3  }
0x300: {  	v0 =	vand.u32 $0x7, v0;
	v1 =	vand.u32 $0xFFFFFFC0, v1  }
0x301: {  	v0 =	vor.u32 v1, v0  }
0x302: {  	v0 =	vor.u32 v2, v0  }
0x303: {  	[tilespmem:$0xF0] =	vst v0;
	v0 =	vld [tilespmem:$0x1FF20];
	_ =	sdelay $0x7  }
0x304: {  	v0 =	vld.idx.msk [tilespmem:v0+s2+$0x0], $0xffff;
	_ =	sdelay $0x4  }
0x305: {  	v1 =	vshll.u32 v0, $0x3  }
0x306: {  	v0 =	vand.u32 $0x7, v0;
	v1 =	vand.u32 $0xFFFFFFC0, v1  }
0x307: {  	v0 =	vor.u32 v1, v0  }
0x308: {  	v0 =	vor.u32 v2, v0  }
0x309: {  	[tilespmem:$0x100] =	vst v0;
	v0 =	vld [tilespmem:$0x1FF30];
	_ =	sdelay $0x7  }
0x30a: {  	v0 =	vld.idx.msk [tilespmem:v0+s2+$0x0], $0xffff;
	_ =	sdelay $0x4  }
0x30b: {  	v1 =	vshll.u32 v0, $0x3  }
0x30c: {  	v0 =	vand.u32 $0x7, v0;
	v1 =	vand.u32 $0xFFFFFFC0, v1  }
0x30d: {  	v0 =	vor.u32 v1, v0  }
0x30e: {  	v0 =	vor.u32 v2, v0  }
0x30f: {  	[tilespmem:$0x110] =	vst v0;
	v0 =	vld [tilespmem:$0x1FF40];
	_ =	sdelay $0x7  }
0x310: {  	v0 =	vld.idx.msk [tilespmem:v0+s2+$0x0], $0xffff;
	_ =	sdelay $0x4  }
0x311: {  	v1 =	vshll.u32 v0, $0x3  }
0x312: {  	v0 =	vand.u32 $0x7, v0;
	v1 =	vand.u32 $0xFFFFFFC0, v1  }
0x313: {  	v0 =	vor.u32 v1, v0  }
0x314: {  	v0 =	vor.u32 v2, v0  }
0x315: {  	[tilespmem:$0x120] =	vst v0;
	v0 =	vld [tilespmem:$0x1FF50];
	_ =	sdelay $0x7  }
0x316: {  	v0 =	vld.idx.msk [tilespmem:v0+s2+$0x0], $0xffff;
	_ =	sdelay $0x4  }
0x317: {  	v1 =	vshll.u32 v0, $0x3  }
0x318: {  	v0 =	vand.u32 $0x7, v0;
	v1 =	vand.u32 $0xFFFFFFC0, v1  }
0x319: {  	v0 =	vor.u32 v1, v0  }
0x31a: {  	v0 =	vor.u32 v2, v0  }
0x31b: {  	[tilespmem:$0x130] =	vst v0;
	v0 =	vld [tilespmem:$0x1FF60];
	_ =	sdelay $0x7  }
0x31c: {  	v0 =	vld.idx.msk [tilespmem:v0+s2+$0x0], $0xffff;
	_ =	sdelay $0x4  }
0x31d: {  	v1 =	vshll.u32 v0, $0x3  }
0x31e: {  	v0 =	vand.u32 $0x7, v0;
	v1 =	vand.u32 $0xFFFFFFC0, v1  }
0x31f: {  	v0 =	vor.u32 v1, v0  }
0x320: {  	v0 =	vor.u32 v2, v0  }
0x321: {  	[tilespmem:$0x140] =	vst v0;
	v0 =	vld [tilespmem:$0x1FF70];
	_ =	sdelay $0x7  }
0x322: {  	v0 =	vld.idx.msk [tilespmem:v0+s2+$0x0], $0xffff;
	_ =	sdelay $0x4  }
0x323: {  	v1 =	vshll.u32 v0, $0x3  }
0x324: {  	v0 =	vand.u32 $0x7, v0;
	v1 =	vand.u32 $0xFFFFFFC0, v1  }
0x325: {  	v0 =	vor.u32 v1, v0  }
0x326: {  	v0 =	vor.u32 v2, v0  }
0x327: {  	[tilespmem:$0x150] =	vst v0;
	v0 =	vld [tilespmem:$0x1FF80];
	_ =	sdelay $0x7  }
0x328: {  	v0 =	vld.idx.msk [tilespmem:v0+s2+$0x0], $0xffff;
	_ =	sdelay $0x4  }
0x329: {  	v1 =	vshll.u32 v0, $0x3  }
0x32a: {  	v0 =	vand.u32 $0x7, v0;
	v1 =	vand.u32 $0xFFFFFFC0, v1  }
0x32b: {  	v0 =	vor.u32 v1, v0  }
0x32c: {  	v0 =	vor.u32 v2, v0  }
0x32d: {  	[tilespmem:$0x160] =	vst v0;
	v0 =	vld [tilespmem:$0x1FF90];
	_ =	sdelay $0x7  }
0x32e: {  	v0 =	vld.idx.msk [tilespmem:v0+s2+$0x0], $0xffff;
	_ =	sdelay $0x4  }
0x32f: {  	v1 =	vshll.u32 v0, $0x3  }
0x330: {  	v0 =	vand.u32 $0x7, v0;
	v1 =	vand.u32 $0xFFFFFFC0, v1  }
0x331: {  	v0 =	vor.u32 v1, v0  }
0x332: {  	v0 =	vor.u32 v2, v0  }
0x333: {  	[tilespmem:$0x170] =	vst v0  }
0x334: {  	[tilespmem:s11], [sflag:$0x1] =	stream.indirect.gather [hbm4b:s3+s10], $0x80, s10, s10, $0xb8;
	[tilespmem:$0x19280] =	vst v63  }
0x335: {  	_ = 	snop  }
0x336: {  	[tilespmem:s13], [sflag:$0x1] =	stream.indirect.gather [hbm4b:s3+s10], $0x80, s12, s10, $0xb8;
	[tilespmem:$0x19280] =	vst v63  }
0x337: {  	_ =	swait.ge [sflag:s20], $0x4000  }
0x338: {  	[sflag:s20] =	ssyncset.done $0x0  }
0x339: {  	[sflag:s20] =	ssyncadd.s32 $0xFFFFC000  }
0x33a: {  	_ =	swait.ge [sflag:s20], $0x4000  }
0x33b: {  	[sflag:s20] =	ssyncset.done $0x0  }
0x33c: {  	s25 =	simm.s32 $0x12650;
	[sflag:s20] =	ssyncadd.s32 $0xFFFFC000  }
0x33d: {  	s0 =	simm.s32 $0x18;
	v0 =	vld [tilespmem:s25+$0xFFFFFF30]  }
0x33e: {  	v1 =	vmov s0  }
0x33f: {  	v1 =	vshll.u32 v1, $0x7  }
0x340: {  	v4 =	vbroadcast v1, $0x0  }
0x341: {  	v2 =	vld [tilespmem:s25+$0xFFFFFF40]  }
0x342: {  	v6 =	vld [tilespmem:s25+$0xFFFFFF60];
	v0 =	vadd.s32 v4, v0;
	_ =	sdelay $0x1  }
0x343: {  	v3 =	vld [tilespmem:s25+$0xFFFFFC30]  }
0x344: {  	v1 =	vld [tilespmem:s25+$0xFFFFFF50]  }
0x345: {  	v10 =	vld [tilespmem:s25+$0xFFFFFF90];
	v2 =	vadd.s32 v4, v2  }
0x346: {  	v42 =	vld.idx.msk [tilespmem:v0+s16+$0x0], $0xffff;
	v0 =	vadd.s32 v4, v6  }
0x347: {  	v8 =	vld [tilespmem:s25+$0xFFFFFF70]  }
0x348: {  	v5 =	vld [tilespmem:s25+$0xFFFFFC40]  }
0x349: {  	v11 =	vld [tilespmem:s25+$0xFFFFFF80];
	v9 =	vadd.s32 v4, v1  }
0x34a: {  	v49 =	vld.idx.msk [tilespmem:v2+s16+$0x0], $0xffff  }
0x34b: {  	v51 =	vld.idx.msk [tilespmem:v0+s16+$0x0], $0xffff;
	v0 =	vadd.s32 v4, v10  }
0x34c: {  	v2 =	vadd.s32 v4, v8;
	v6 =	vld [tilespmem:s25+$0xFFFFFFA0]  }
0x34d: {  	v7 =	vld [tilespmem:s25+$0xFFFFFD30]  }
0x34e: {  	v50 =	vld.idx.msk [tilespmem:v9+s16+$0x0], $0xffff  }
0x34f: {  	v8 =	vadd.s32 v4, v11;
	v9 =	vld [tilespmem:s25+$0xFFFFFFB0]  }
0x350: {  	v0 =	vld.idx.msk [tilespmem:v0+s16+$0x0], $0xffff  }
0x351: {  	v53 =	vld.idx.msk [tilespmem:v2+s16+$0x0], $0xffff;
	v2 =	vadd.s32 v4, v6  }
0x352: {  	v10 =	vld [tilespmem:s25+$0xFFFFFFC0]  }
0x353: {  	v6 =	vld [tilespmem:s25+$0xFFFFFFD0]  }
0x354: {  	v41 =	vld.idx.msk [tilespmem:v8+s16+$0x0], $0xffff  }
0x355: {  	v8 =	vadd.s32 v4, v9;
	v9 =	vld [tilespmem:s25+$0xFFFFFFE0];
	[tilespmem:$0x1F890] =	vst v0  }
0x356: {  	v1 =	vld.idx.msk [tilespmem:v2+s16+$0x0], $0xffff;
	_ =	sdelay $0x4  }
0x357: {  	v0 =	vadd.s32 v4, v10;
	v10 =	vld [tilespmem:s25+$0xFFFFFFF0];
	[tilespmem:$0x1F8D0] =	vst v1  }
0x358: {  	v1 =	vld.idx.msk [tilespmem:v8+s16+$0x0], $0xffff;
	_ =	sdelay $0x4  }
0x359: {  	v2 =	vld [tilespmem:s25+$0xFFFFFD40];
	[tilespmem:$0x1F910] =	vst v1  }
0x35a: {  	v0 =	vld.idx.msk [tilespmem:v0+s16+$0x0], $0xffff  }
0x35b: {  	v6 =	vadd.s32 v4, v6;
	_ =	sdelay $0x3  }
0x35c: {  	v8 =	vld [tilespmem:s25+$0xFFFFFE30];
	[tilespmem:$0x1F950] =	vst v0  }
0x35d: {  	v1 =	vld.idx.msk [tilespmem:v6+s16+$0x0], $0xffff  }
0x35e: {  	v10 =	vadd.s32 v4, v10  }
0x35f: {  	s24 =	simm.s32 $0x0  }
0x360: {  	v6 =	vmov s24  }
0x361: {  	v6 =	vshll.u32 v6, $0x7  }
0x362: {  	v9 =	vadd.s32 v4, v9;
	v0 =	vld [tilespmem:s25+$0xFFFFFE40];
	v6 =	vbroadcast v6, $0x0;
	[tilespmem:$0x1F990] =	vst v1  }
0x363: {  	v1 =	vld.idx.msk [tilespmem:v10+s16+$0x0], $0xffff  }
0x364: {  	v3 =	vadd.s32 v6, v3;
	_ =	sdelay $0x1  }
0x365: {  	v11 =	vld [tilespmem:s25+$0x0]  }
0x366: {  	v40 =	vld.idx.msk [tilespmem:v9+s16+$0x0], $0xffff  }
0x367: {  	v9 =	vld [tilespmem:s25+$0xFFFFFC50];
	[tilespmem:$0x1F9F0] =	vst v1  }
0x368: {  	v1 =	vld.idx.msk [tilespmem:v3+s16+$0x0], $0xffff  }
0x369: {  	v5 =	vadd.s32 v6, v5;
	v33 =	vld [tilespmem:s25+$0xFFFFFD50]  }
0x36a: {  	v14 =	vld [tilespmem:s25+$0xFFFFFE50]  }
0x36b: {  	v15 =	vld [tilespmem:s25+$0xFFFFFC60]  }
0x36c: {  	v4 =	vadd.s32 v4, v11;
	v11 =	vld [tilespmem:s25+$0xFFFFFD60]  }
0x36d: {  	v34 =	vld [tilespmem:s25+$0xFFFFFE60];
	[tilespmem:$0x1F810] =	vst v1  }
0x36e: {  	v1 =	vld.idx.msk [tilespmem:v5+s16+$0x0], $0xffff;
	_ =	sdelay $0x1  }
0x36f: {  	s26 =	simm.s32 $0x8  }
0x370: {  	v12 =	vmov s26  }
0x371: {  	v10 =	vshll.u32 v12, $0x7  }
0x372: {  	v10 =	vbroadcast v10, $0x0;
	[tilespmem:$0x1F820] =	vst v1  }
0x373: {  	v1 =	vld.idx.msk [tilespmem:v4+s16+$0x0], $0xffff  }
0x374: {  	v7 =	vadd.s32 v10, v7;
	_ =	sdelay $0x3  }
0x375: {  	[tilespmem:$0x1FA10] =	vst v1  }
0x376: {  	v1 =	vld.idx.msk [tilespmem:v7+s16+$0x0], $0xffff  }
0x377: {  	v2 =	vadd.s32 v10, v2  }
0x378: {  	s30 =	simm.s32 $0x10  }
0x379: {  	v13 =	vmov s30  }
0x37a: {  	v13 =	vshll.u32 v13, $0x7  }
0x37b: {  	v55 =	vbroadcast v13, $0x0;
	[tilespmem:$0x1F830] =	vst v1  }
0x37c: {  	v1 =	vld.idx.msk [tilespmem:v2+s16+$0x0], $0xffff  }
0x37d: {  	v8 =	vadd.s32 v55, v8;
	_ =	sdelay $0x3  }
0x37e: {  	[tilespmem:$0x1F840] =	vst v1  }
0x37f: {  	v1 =	vld.idx.msk [tilespmem:v8+s16+$0x0], $0xffff  }
0x380: {  	v0 =	vadd.s32 v55, v0;
	_ =	sdelay $0x3  }
0x381: {  	[tilespmem:$0x1F850] =	vst v1  }
0x382: {  	v0 =	vld.idx.msk [tilespmem:v0+s16+$0x0], $0xffff  }
0x383: {  	v2 =	vadd.s32 v6, v9;
	_ =	sdelay $0x3  }
0x384: {  	[tilespmem:$0x1F860] =	vst v0  }
0x385: {  	v1 =	vld.idx.msk [tilespmem:v2+s16+$0x0], $0xffff  }
0x386: {  	v3 =	vadd.s32 v10, v33;
	_ =	sdelay $0x1  }
0x387: {  	v4 =	vld [tilespmem:s25+$0xFFFFFC70]  }
0x388: {  	v5 =	vld [tilespmem:s25+$0xFFFFFD70]  }
0x389: {  	v7 =	vld [tilespmem:s25+$0xFFFFFE70];
	[tilespmem:$0x1F870] =	vst v1  }
0x38a: {  	v1 =	vld.idx.msk [tilespmem:v3+s16+$0x0], $0xffff  }
0x38b: {  	v0 =	vadd.s32 v55, v14;
	_ =	sdelay $0x3  }
0x38c: {  	[tilespmem:$0x1F880] =	vst v1  }
0x38d: {  	v0 =	vld.idx.msk [tilespmem:v0+s16+$0x0], $0xffff  }
0x38e: {  	v2 =	vadd.s32 v6, v15;
	_ =	sdelay $0x3  }
0x38f: {  	[tilespmem:$0x1F8A0] =	vst v0  }
0x390: {  	v1 =	vld.idx.msk [tilespmem:v2+s16+$0x0], $0xffff  }
0x391: {  	v3 =	vadd.s32 v10, v11;
	_ =	sdelay $0x1  }
0x392: {  	v8 =	vld [tilespmem:s25+$0xFFFFFC80]  }
0x393: {  	v9 =	vld [tilespmem:s25+$0xFFFFFD80]  }
0x394: {  	v11 =	vld [tilespmem:s25+$0xFFFFFE80];
	[tilespmem:$0x1F8B0] =	vst v1  }
0x395: {  	v1 =	vld.idx.msk [tilespmem:v3+s16+$0x0], $0xffff  }
0x396: {  	v0 =	vadd.s32 v55, v34;
	_ =	sdelay $0x3  }
0x397: {  	[tilespmem:$0x1F8C0] =	vst v1  }
0x398: {  	v0 =	vld.idx.msk [tilespmem:v0+s16+$0x0], $0xffff  }
0x399: {  	v2 =	vadd.s32 v6, v4;
	_ =	sdelay $0x3  }
0x39a: {  	[tilespmem:$0x1F8E0] =	vst v0  }
0x39b: {  	v1 =	vld.idx.msk [tilespmem:v2+s16+$0x0], $0xffff  }
0x39c: {  	v3 =	vadd.s32 v10, v5;
	_ =	sdelay $0x1  }
0x39d: {  	v4 =	vld [tilespmem:s25+$0xFFFFFC90]  }
0x39e: {  	v5 =	vld [tilespmem:s25+$0xFFFFFD90]  }
0x39f: {  	v0 =	vadd.s32 v55, v7;
	v7 =	vld [tilespmem:s25+$0xFFFFFE90];
	[tilespmem:$0x1F8F0] =	vst v1  }
0x3a0: {  	v1 =	vld.idx.msk [tilespmem:v3+s16+$0x0], $0xffff;
	_ =	sdelay $0x4  }
0x3a1: {  	[tilespmem:$0x1F900] =	vst v1  }
0x3a2: {  	v0 =	vld.idx.msk [tilespmem:v0+s16+$0x0], $0xffff  }
0x3a3: {  	v2 =	vadd.s32 v6, v8;
	_ =	sdelay $0x3  }
0x3a4: {  	[tilespmem:$0x1F920] =	vst v0  }
0x3a5: {  	v1 =	vld.idx.msk [tilespmem:v2+s16+$0x0], $0xffff  }
0x3a6: {  	v3 =	vadd.s32 v10, v9;
	_ =	sdelay $0x1  }
0x3a7: {  	v8 =	vld [tilespmem:s25+$0xFFFFFCA0]  }
0x3a8: {  	v9 =	vld [tilespmem:s25+$0xFFFFFDA0]  }
0x3a9: {  	v0 =	vadd.s32 v55, v11;
	v11 =	vld [tilespmem:s25+$0xFFFFFEA0];
	[tilespmem:$0x1F930] =	vst v1  }
0x3aa: {  	v1 =	vld.idx.msk [tilespmem:v3+s16+$0x0], $0xffff;
	_ =	sdelay $0x4  }
0x3ab: {  	[tilespmem:$0x1F940] =	vst v1  }
0x3ac: {  	v0 =	vld.idx.msk [tilespmem:v0+s16+$0x0], $0xffff  }
0x3ad: {  	v2 =	vadd.s32 v6, v4;
	_ =	sdelay $0x3  }
0x3ae: {  	[tilespmem:$0x1F960] =	vst v0  }
0x3af: {  	v1 =	vld.idx.msk [tilespmem:v2+s16+$0x0], $0xffff  }
0x3b0: {  	v3 =	vadd.s32 v10, v5;
	_ =	sdelay $0x1  }
0x3b1: {  	v4 =	vld [tilespmem:s25+$0xFFFFFCB0]  }
0x3b2: {  	v5 =	vld [tilespmem:s25+$0xFFFFFDB0]  }
0x3b3: {  	v0 =	vadd.s32 v55, v7;
	v7 =	vld [tilespmem:s25+$0xFFFFFEB0];
	[tilespmem:$0x1F970] =	vst v1  }
0x3b4: {  	v1 =	vld.idx.msk [tilespmem:v3+s16+$0x0], $0xffff;
	_ =	sdelay $0x4  }
0x3b5: {  	[tilespmem:$0x1F980] =	vst v1  }
0x3b6: {  	v0 =	vld.idx.msk [tilespmem:v0+s16+$0x0], $0xffff  }
0x3b7: {  	v2 =	vadd.s32 v6, v8;
	_ =	sdelay $0x3  }
0x3b8: {  	[tilespmem:$0x1F9A0] =	vst v0  }
0x3b9: {  	v1 =	vld.idx.msk [tilespmem:v2+s16+$0x0], $0xffff  }
0x3ba: {  	v3 =	vadd.s32 v10, v9;
	_ =	sdelay $0x1  }
0x3bb: {  	v8 =	vld [tilespmem:s25+$0xFFFFFCC0]  }
0x3bc: {  	v9 =	vld [tilespmem:s25+$0xFFFFFDC0]  }
0x3bd: {  	v0 =	vadd.s32 v55, v11;
	v11 =	vld [tilespmem:s25+$0xFFFFFEC0];
	[tilespmem:$0x1F9B0] =	vst v1  }
0x3be: {  	v1 =	vld.idx.msk [tilespmem:v3+s16+$0x0], $0xffff;
	_ =	sdelay $0x4  }
0x3bf: {  	[tilespmem:$0x1F9C0] =	vst v1  }
0x3c0: {  	v0 =	vld.idx.msk [tilespmem:v0+s16+$0x0], $0xffff  }
0x3c1: {  	v2 =	vadd.s32 v6, v4;
	_ =	sdelay $0x3  }
0x3c2: {  	[tilespmem:$0x1F9D0] =	vst v0  }
0x3c3: {  	v1 =	vld.idx.msk [tilespmem:v2+s16+$0x0], $0xffff  }
0x3c4: {  	v0 =	vadd.s32 v55, v7;
	_ =	sdelay $0x1  }
0x3c5: {  	v4 =	vld [tilespmem:s25+$0xFFFFFCD0]  }
0x3c6: {  	v3 =	vadd.s32 v10, v5;
	v5 =	vld [tilespmem:s25+$0xFFFFFDD0]  }
0x3c7: {  	v7 =	vld [tilespmem:s25+$0xFFFFFED0];
	[tilespmem:$0x1F9E0] =	vst v1  }
0x3c8: {  	v0 =	vld.idx.msk [tilespmem:v0+s16+$0x0], $0xffff;
	_ =	sdelay $0x3  }
0x3c9: {  	v2 =	vadd.s32 v6, v8  }
0x3ca: {  	v63 =	vld.idx.msk [tilespmem:v3+s16+$0x0], $0xffff;
	[tilespmem:$0x1FA00] =	vst v0;
	v0 =	vadd.s32 v55, v11;
	_ =	sdelay $0x2  }
0x3cb: {  	v8 =	vld [tilespmem:s25+$0xFFFFFCE0]  }
0x3cc: {  	v3 =	vadd.s32 v10, v9;
	v36 =	vld.idx.msk [tilespmem:v2+s16+$0x0], $0xffff  }
0x3cd: {  	v61 =	vld.idx.msk [tilespmem:v0+s16+$0x0], $0xffff  }
0x3ce: {  	v0 =	vld [tilespmem:s25+$0xFFFFFCF0]  }
0x3cf: {  	v2 =	vadd.s32 v6, v4;
	v4 =	vadd.s32 v55, v7;
	v7 =	vld [tilespmem:s25+$0xFFFFFEF0]  }
0x3d0: {  	v9 =	vld [tilespmem:s25+$0xFFFFFDE0]  }
0x3d1: {  	v62 =	vld.idx.msk [tilespmem:v3+s16+$0x0], $0xffff;
	v3 =	vadd.s32 v10, v5  }
0x3d2: {  	v11 =	vld [tilespmem:s25+$0xFFFFFEE0]  }
0x3d3: {  	v5 =	vld [tilespmem:s25+$0xFFFFFDF0];
	v0 =	vadd.s32 v6, v0  }
0x3d4: {  	v58 =	vld.idx.msk [tilespmem:v2+s16+$0x0], $0xffff;
	v7 =	vadd.s32 v55, v7  }
0x3d5: {  	v2 =	vadd.s32 v10, v9;
	v9 =	vld [tilespmem:s25+$0xFFFFFD00]  }
0x3d6: {  	v57 =	vld.idx.msk [tilespmem:v3+s16+$0x0], $0xffff  }
0x3d7: {  	v8 =	vadd.s32 v6, v8;
	v54 =	vld.idx.msk [tilespmem:v4+s16+$0x0], $0xffff  }
0x3d8: {  	v3 =	vadd.s32 v55, v11;
	v59 =	vld.idx.msk [tilespmem:v0+s16+$0x0], $0xffff  }
0x3d9: {  	v4 =	vadd.s32 v10, v5;
	v0 =	vld.idx.msk [tilespmem:v7+s16+$0x0], $0xffff  }
0x3da: {  	v46 =	vld.idx.msk [tilespmem:v2+s16+$0x0], $0xffff;
	v2 =	vadd.s32 v6, v9  }
0x3db: {  	v5 =	vld [tilespmem:s25+$0xFFFFFE00]  }
0x3dc: {  	v45 =	vld.idx.msk [tilespmem:v8+s16+$0x0], $0xffff  }
0x3dd: {  	v56 =	vld.idx.msk [tilespmem:v3+s16+$0x0], $0xffff  }
0x3de: {  	v60 =	vld.idx.msk [tilespmem:v4+s16+$0x0], $0xffff;
	[tilespmem:$0x1FA40] =	vst v0  }
0x3df: {  	v1 =	vld.idx.msk [tilespmem:v2+s16+$0x0], $0xffff;
	_ =	sdelay $0x2  }
0x3e0: {  	s26 =	simm.s32 $0x12A50;
	v5 =	vadd.s32 v10, v5  }
0x3e1: {  	s24 =	simm.s32 $0x38;
	v0 =	vld [tilespmem:s26+$0xFFFFFF30]  }
0x3e2: {  	v2 =	vmov s24;
	[tilespmem:$0x1FA20] =	vst v1  }
0x3e3: {  	v2 =	vshll.u32 v2, $0x7;
	v3 =	vld [tilespmem:s26+$0xFFFFFF40]  }
0x3e4: {  	v2 =	vbroadcast v2, $0x0;
	v4 =	vld [tilespmem:s26+$0xFFFFFF50]  }
0x3e5: {  	v1 =	vld.idx.msk [tilespmem:v5+s16+$0x0], $0xffff  }
0x3e6: {  	v0 =	vadd.s32 v2, v0;
	v6 =	vld [tilespmem:s26+$0xFFFFFF60]  }
0x3e7: {  	v8 =	vld [tilespmem:s26+$0xFFFFFF70]  }
0x3e8: {  	v9 =	vld [tilespmem:s26+$0xFFFFFF80]  }
0x3e9: {  	v10 =	vld [tilespmem:s26+$0xFFFFFF90]  }
0x3ea: {  	v11 =	vld [tilespmem:s26+$0xFFFFFFA0];
	[tilespmem:$0x1FA30] =	vst v1  }
0x3eb: {  	v24 =	vld.idx.msk [tilespmem:v0+s16+$0x0], $0xffff  }
0x3ec: {  	v0 =	vadd.s32 v2, v8;
	v37 =	vld [tilespmem:s26+$0xFFFFFFB0];
	_ =	sdelay $0x1  }
0x3ed: {  	v3 =	vadd.s32 v2, v3;
	_ =	sdelay $0x1  }
0x3ee: {  	v35 =	vadd.s32 v2, v9  }
0x3ef: {  	v29 =	vld.idx.msk [tilespmem:v0+s16+$0x0], $0xffff;
	v0 =	vadd.s32 v2, v37;
	_ =	sdelay $0x1  }
0x3f0: {  	v23 =	vld.idx.msk [tilespmem:v3+s16+$0x0], $0xffff;
	v3 =	vadd.s32 v2, v10;
	_ =	sdelay $0x1  }
0x3f1: {  	v30 =	vld.idx.msk [tilespmem:v35+s16+$0x0], $0xffff  }
0x3f2: {  	v39 =	vld.idx.msk [tilespmem:v0+s16+$0x0], $0xffff  }
0x3f3: {  	v0 =	vld [tilespmem:s26+$0xFFFFFFE0]  }
0x3f4: {  	v35 =	vld.idx.msk [tilespmem:v3+s16+$0x0], $0xffff  }
0x3f5: {  	v3 =	vld [tilespmem:s26+$0xFFFFFFC0];
	_ =	sdelay $0x2  }
0x3f6: {  	v0 =	vadd.s32 v2, v0;
	_ =	sdelay $0x1  }
0x3f7: {  	s31 =	simm.s32 $0x20;
	v28 =	vld [tilespmem:s26+$0xFFFFFC40];
	v3 =	vadd.s32 v2, v3  }
0x3f8: {  	v47 =	vmov s31  }
0x3f9: {  	s31 =	simm.s32 $0x30;
	v15 =	vshll.u32 v47, $0x7;
	v14 =	vld [tilespmem:s26+$0xFFFFFE30]  }
0x3fa: {  	v25 =	vbroadcast v15, $0x0;
	v43 =	vld.idx.msk [tilespmem:v0+s16+$0x0], $0xffff;
	v0 =	vmov s31  }
0x3fb: {  	v0 =	vshll.u32 v0, $0x7  }
0x3fc: {  	v31 =	vld.idx.msk [tilespmem:v3+s16+$0x0], $0xffff;
	v3 =	vadd.s32 v25, v28;
	v28 =	vbroadcast v0, $0x0;
	_ =	sdelay $0x1  }
0x3fd: {  	v0 =	vadd.s32 v28, v14;
	_ =	sdelay $0x3  }
0x3fe: {  	v38 =	vld [tilespmem:s26+$0xFFFFFC30]  }
0x3ff: {  	v18 =	vld.idx.msk [tilespmem:v0+s16+$0x0], $0xffff  }
0x400: {  	s30 =	simm.s32 $0x28;
	v0 =	vld [tilespmem:s26+$0xFFFFFD50]  }
0x401: {  	v48 =	vmov s30;
	v4 =	vadd.s32 v2, v4  }
0x402: {  	v15 =	vshll.u32 v48, $0x7;
	v5 =	vadd.s32 v2, v6  }
0x403: {  	v33 =	vbroadcast v15, $0x0;
	v1 =	vadd.s32 v25, v38  }
0x404: {  	v34 =	vld [tilespmem:s26+$0x0]  }
0x405: {  	v6 =	vld [tilespmem:s26+$0xFFFFFD70];
	v0 =	vadd.s32 v33, v0  }
0x406: {  	v26 =	vld.idx.msk [tilespmem:v4+s16+$0x0], $0xffff  }
0x407: {  	v27 =	vld.idx.msk [tilespmem:v5+s16+$0x0], $0xffff  }
0x408: {  	v4 =	vadd.s32 v2, v11;
	v22 =	vld.idx.msk [tilespmem:v1+s16+$0x0], $0xffff  }
0x409: {  	v1 =	vld [tilespmem:s26+$0xFFFFFE50]  }
0x40a: {  	v13 =	vld.idx.msk [tilespmem:v0+s16+$0x0], $0xffff  }
0x40b: {  	v0 =	vld [tilespmem:s26+$0xFFFFFC80]  }
0x40c: {  	v5 =	vld [tilespmem:s26+$0xFFFFFFF0];
	v6 =	vadd.s32 v33, v6  }
0x40d: {  	v32 =	vld.idx.msk [tilespmem:v4+s16+$0x0], $0xffff  }
0x40e: {  	v4 =	vld [tilespmem:s26+$0xFFFFFFD0];
	v1 =	vadd.s32 v28, v1;
	_ =	sdelay $0x1  }
0x40f: {  	v0 =	vadd.s32 v25, v0  }
0x410: {  	v17 =	vld.idx.msk [tilespmem:v6+s16+$0x0], $0xffff  }
0x411: {  	v6 =	vld [tilespmem:$0x1F820]  }
0x412: {  	v5 =	vadd.s32 v2, v5;
	v4 =	vadd.s32 v2, v4;
	v2 =	vadd.s32 v2, v34;
	v11 =	vld.idx.msk [tilespmem:v1+s16+$0x0], $0xffff  }
0x413: {  	v1 =	vld [tilespmem:s26+$0xFFFFFD80]  }
0x414: {  	v10 =	vld.idx.msk [tilespmem:v0+s16+$0x0], $0xffff  }
0x415: {  	v0 =	vld [tilespmem:$0x1F810];
	_ =	sdelay $0x1  }
0x416: {  	v34 =	vld.idx.msk [tilespmem:v2+s16+$0x0], $0xffff  }
0x417: {  	v2 =	vld [tilespmem:s26+$0xFFFFFC60];
	v1 =	vadd.s32 v33, v1  }
0x418: {  	v42 =	vmul.f32 v49, v42;
	v7 =	vld [tilespmem:$0x1F840]  }
0x419: {  	v0 =	vmul.f32 v6, v0;
	v6 =	vld [tilespmem:$0x1F830]  }
0x41a: {  	v42 =	vmul.f32 v50, v42;
	_ =	sdelay $0x1  }
0x41b: {  	v42 =	vmul.f32 v51, v42;
	v2 =	vadd.s32 v25, v2;
	v9 =	vld.idx.msk [tilespmem:v1+s16+$0x0], $0xffff  }
0x41c: {  	v1 =	vld [tilespmem:$0x1F850]  }
0x41d: {  	v42 =	vmul.f32 v53, v42;
	v53 =	vmul.f32 v7, v6;
	v6 =	vld [tilespmem:$0x1F860];
	_ =	sdelay $0x2  }
0x41e: {  	v14 =	vld.idx.msk [tilespmem:v2+s16+$0x0], $0xffff  }
0x41f: {  	v2 =	vld [tilespmem:s26+$0xFFFFFE80]  }
0x420: {  	v1 =	vmul.f32 v6, v1;
	v6 =	vld [tilespmem:$0x1F870];
	_ =	sdelay $0x4  }
0x421: {  	v2 =	vadd.s32 v28, v2;
	v0 =	vmul.f32 v6, v0;
	v6 =	vld [tilespmem:$0x1F880];
	_ =	sdelay $0x4  }
0x422: {  	v53 =	vmul.f32 v6, v53;
	v6 =	vld.idx.msk [tilespmem:v2+s16+$0x0], $0xffff  }
0x423: {  	v2 =	vld [tilespmem:$0x1F890];
	_ =	sdelay $0x2  }
0x424: {  	v42 =	vmul.f32 v41, v42;
	_ =	sdelay $0x1  }
0x425: {  	v42 =	vmul.f32 v2, v42;
	v2 =	vld [tilespmem:$0x1F8A0];
	_ =	sdelay $0x4  }
0x426: {  	v1 =	vmul.f32 v2, v1;
	v2 =	vld [tilespmem:$0x1F8B0];
	_ =	sdelay $0x4  }
0x427: {  	v0 =	vmul.f32 v2, v0;
	v2 =	vld [tilespmem:$0x1F8C0];
	_ =	sdelay $0x4  }
0x428: {  	v53 =	vmul.f32 v2, v53;
	v2 =	vld [tilespmem:$0x1F8D0];
	_ =	sdelay $0x4  }
0x429: {  	v42 =	vmul.f32 v2, v42;
	v2 =	vld [tilespmem:$0x1F8E0]  }
0x42a: {  	v52 =	vld [tilespmem:s26+$0xFFFFFD30]  }
0x42b: {  	v44 =	vld [tilespmem:s26+$0xFFFFFD40]  }
0x42c: {  	v15 =	vld [tilespmem:s26+$0xFFFFFC50]  }
0x42d: {  	v47 =	vld [tilespmem:s26+$0xFFFFFE60]  }
0x42e: {  	v1 =	vmul.f32 v2, v1;
	v2 =	vld [tilespmem:$0x1F8F0]  }
0x42f: {  	v48 =	vld [tilespmem:s26+$0xFFFFFE70]  }
0x430: {  	v49 =	vld [tilespmem:s26+$0xFFFFFD90]  }
0x431: {  	v37 =	vld.idx.msk [tilespmem:v4+s16+$0x0], $0xffff;
	v4 =	vadd.s32 v33, v44  }
0x432: {  	v51 =	vld [tilespmem:s26+$0xFFFFFEA0]  }
0x433: {  	v0 =	vmul.f32 v2, v0;
	v2 =	vld [tilespmem:$0x1F900]  }
0x434: {  	v38 =	vld [tilespmem:s26+$0xFFFFFE90]  }
0x435: {  	v23 =	vmul.f32 v23, v24;
	v24 =	vld [tilespmem:s26+$0xFFFFFDD0]  }
0x436: {  	v52 =	vadd.s32 v33, v52;
	v19 =	vld.idx.msk [tilespmem:v4+s16+$0x0], $0xffff  }
0x437: {  	v49 =	vadd.s32 v33, v49;
	v4 =	vld [tilespmem:s26+$0xFFFFFE40]  }
0x438: {  	v53 =	vmul.f32 v2, v53;
	v2 =	vld [tilespmem:$0x1F910]  }
0x439: {  	v21 =	vld.idx.msk [tilespmem:v3+s16+$0x0], $0xffff  }
0x43a: {  	v3 =	vld [tilespmem:s26+$0xFFFFFD60]  }
0x43b: {  	v20 =	vld.idx.msk [tilespmem:v52+s16+$0x0], $0xffff;
	v52 =	vadd.s32 v25, v15  }
0x43c: {  	v49 =	vld.idx.msk [tilespmem:v49+s16+$0x0], $0xffff;
	v4 =	vadd.s32 v28, v4  }
0x43d: {  	v42 =	vmul.f32 v2, v42;
	v2 =	vld [tilespmem:$0x1F920]  }
0x43e: {  	v44 =	vld.idx.msk [tilespmem:v5+s16+$0x0], $0xffff  }
0x43f: {  	v5 =	vld [tilespmem:s26+$0xFFFFFC70];
	v3 =	vadd.s32 v33, v3  }
0x440: {  	v52 =	vld.idx.msk [tilespmem:v52+s16+$0x0], $0xffff  }
0x441: {  	v12 =	vld.idx.msk [tilespmem:v4+s16+$0x0], $0xffff  }
0x442: {  	v1 =	vmul.f32 v2, v1;
	v2 =	vld [tilespmem:$0x1F930]  }
0x443: {  	v47 =	vadd.s32 v28, v47;
	v4 =	vld [tilespmem:s26+$0xFFFFFCA0]  }
0x444: {  	v5 =	vadd.s32 v25, v5;
	v15 =	vld.idx.msk [tilespmem:v3+s16+$0x0], $0xffff  }
0x445: {  	v48 =	vadd.s32 v28, v48;
	v3 =	vld [tilespmem:s26+$0xFFFFFC90]  }
0x446: {  	v50 =	vadd.s32 v28, v38;
	v38 =	vld [tilespmem:s26+$0xFFFFFCB0]  }
0x447: {  	v0 =	vmul.f32 v2, v0;
	v2 =	vld [tilespmem:$0x1F940]  }
0x448: {  	v47 =	vld.idx.msk [tilespmem:v47+s16+$0x0], $0xffff;
	v4 =	vadd.s32 v25, v4  }
0x449: {  	v16 =	vld.idx.msk [tilespmem:v5+s16+$0x0], $0xffff  }
0x44a: {  	v48 =	vld.idx.msk [tilespmem:v48+s16+$0x0], $0xffff;
	v3 =	vadd.s32 v25, v3  }
0x44b: {  	v5 =	vld [tilespmem:s26+$0xFFFFFDA0]  }
0x44c: {  	v53 =	vmul.f32 v2, v53;
	v2 =	vld [tilespmem:$0x1F950]  }
0x44d: {  	v8 =	vld.idx.msk [tilespmem:v4+s16+$0x0], $0xffff  }
0x44e: {  	v4 =	vld [tilespmem:$0x1F990]  }
0x44f: {  	v51 =	vadd.s32 v28, v51;
	v7 =	vld.idx.msk [tilespmem:v3+s16+$0x0], $0xffff  }
0x450: {  	v3 =	vld [tilespmem:$0x1F970]  }
0x451: {  	v42 =	vmul.f32 v2, v42;
	v2 =	vld [tilespmem:$0x1F960]  }
0x452: {  	v50 =	vld.idx.msk [tilespmem:v50+s16+$0x0], $0xffff  }
0x453: {  	v42 =	vmul.f32 v4, v42;
	v4 =	vld [tilespmem:$0x1F9A0]  }
0x454: {  	v41 =	vadd.s32 v25, v38;
	v51 =	vld.idx.msk [tilespmem:v51+s16+$0x0], $0xffff  }
0x455: {  	v38 =	vld [tilespmem:$0x1F9D0];
	v21 =	vmul.f32 v21, v22  }
0x456: {  	v0 =	vmul.f32 v3, v0;
	v3 =	vld [tilespmem:$0x1F980];
	v1 =	vmul.f32 v2, v1  }
0x457: {  	v23 =	vmul.f32 v26, v23;
	v21 =	vmul.f32 v52, v21;
	v52 =	vld [tilespmem:s26+$0xFFFFFDF0]  }
0x458: {  	v1 =	vmul.f32 v4, v1;
	v4 =	vld [tilespmem:$0x1F9B0]  }
0x459: {  	v23 =	vmul.f32 v27, v23;
	v5 =	vadd.s32 v33, v5;
	v41 =	vld.idx.msk [tilespmem:v41+s16+$0x0], $0xffff  }
0x45a: {  	v1 =	vmul.f32 v38, v1;
	v38 =	vld [tilespmem:$0x1F9E0]  }
0x45b: {  	v23 =	vmul.f32 v29, v23;
	v29 =	vadd.s32 v33, v24;
	v53 =	vmul.f32 v3, v53;
	v3 =	vld [tilespmem:s26+$0xFFFFFEB0]  }
0x45c: {  	v2 =	vld [tilespmem:s26+$0xFFFFFDB0]  }
0x45d: {  	v0 =	vmul.f32 v4, v0;
	v4 =	vld [tilespmem:$0x1F9C0]  }
0x45e: {  	v5 =	vld.idx.msk [tilespmem:v5+s16+$0x0], $0xffff;
	v12 =	vmul.f32 v12, v18  }
0x45f: {  	v0 =	vmul.f32 v38, v0;
	v38 =	vld [tilespmem:$0x1F9F0]  }
0x460: {  	v11 =	vmul.f32 v11, v12;
	v12 =	vld.idx.msk [tilespmem:v29+s16+$0x0], $0xffff;
	v3 =	vadd.s32 v28, v3  }
0x461: {  	v42 =	vmul.f32 v40, v42;
	v40 =	vld [tilespmem:s26+$0xFFFFFCC0];
	v2 =	vadd.s32 v33, v2;
	v0 =	vmul.f32 v36, v0  }
0x462: {  	v14 =	vmul.f32 v14, v21;
	v53 =	vmul.f32 v4, v53;
	v4 =	vld [tilespmem:s25+$0xFFFFFF00]  }
0x463: {  	v11 =	vmul.f32 v47, v11;
	v0 =	vmul.f32 v58, v0;
	v58 =	vld [tilespmem:s26+$0xFFFFFCE0]  }
0x464: {  	v53 =	vmul.f32 v63, v53;
	v42 =	vmul.f32 v38, v42;
	v38 =	vld [tilespmem:$0x1FA00]  }
0x465: {  	v14 =	vmul.f32 v16, v14;
	v3 =	vld.idx.msk [tilespmem:v3+s16+$0x0], $0xffff  }
0x466: {  	v11 =	vmul.f32 v48, v11;
	v2 =	vld.idx.msk [tilespmem:v2+s16+$0x0], $0xffff;
	s25 =	simm.s32 $0x186F0;
	v53 =	vmul.f32 v62, v53  }
0x467: {  	v10 =	vmul.f32 v10, v14;
	v63 =	vld [tilespmem:s26+$0xFFFFFDC0];
	v0 =	vmul.f32 v45, v0;
	[tilespmem:s25+$0xFFFFFFF0] =	vst v42  }
0x468: {  	v4 =	vadd.s32 v55, v4;
	v53 =	vmul.f32 v57, v53;
	v55 =	vadd.s32 v25, v58;
	v58 =	vld [tilespmem:$0x1FA10]  }
0x469: {  	v6 =	vmul.f32 v6, v11;
	v45 =	vld [tilespmem:s26+$0xFFFFFCF0];
	v1 =	vmul.f32 v38, v1  }
0x46a: {  	v62 =	vld [tilespmem:s26+$0xFFFFFCD0];
	v0 =	vmul.f32 v59, v0;
	v53 =	vmul.f32 v46, v53  }
0x46b: {  	v6 =	vmul.f32 v50, v6;
	v59 =	vld [tilespmem:s26+$0xFFFFFDE0];
	v1 =	vmul.f32 v61, v1;
	v61 =	vadd.s32 v25, v40  }
0x46c: {  	v57 =	vld [tilespmem:s26+$0xFFFFFED0];
	[tilespmem:s25+$0xFFFFFF90] =	vst v0;
	v40 =	vmul.f32 v60, v53  }
0x46d: {  	v7 =	vmul.f32 v7, v10;
	v6 =	vmul.f32 v51, v6;
	v38 =	vld [tilespmem:s26+$0xFFFFFEC0];
	[tilespmem:s25+$0x0] =	vst v58  }
0x46e: {  	v19 =	vmul.f32 v19, v20;
	v60 =	vld [tilespmem:s26+$0xFFFFFEE0];
	[tilespmem:s25+$0xFFFFFFB0] =	vst v40  }
0x46f: {  	v7 =	vmul.f32 v8, v7;
	v8 =	vadd.s32 v33, v52;
	v3 =	vmul.f32 v3, v6;
	v6 =	vld [tilespmem:$0x1FA20]  }
0x470: {  	v18 =	vld.idx.msk [tilespmem:v61+s16+$0x0], $0xffff;
	v61 =	vmul.f32 v30, v23  }
0x471: {  	v13 =	vmul.f32 v13, v19;
	v53 =	vld [tilespmem:s26+$0xFFFFFEF0];
	v1 =	vmul.f32 v54, v1  }
0x472: {  	v54 =	vadd.s32 v33, v63;
	v36 =	vadd.s32 v28, v57;
	v57 =	vld [tilespmem:s26+$0xFFFFFD00];
	v20 =	vmul.f32 v35, v61  }
0x473: {  	v13 =	vmul.f32 v15, v13;
	v14 =	vld.idx.msk [tilespmem:v55+s16+$0x0], $0xffff;
	v1 =	vmul.f32 v56, v1;
	v56 =	vadd.s32 v28, v38  }
0x474: {  	v63 =	vadd.s32 v25, v62;
	v20 =	vmul.f32 v32, v20;
	[tilespmem:s25+$0xFFFFFFA0] =	vst v6;
	v6 =	vld.idx.msk [tilespmem:v8+s16+$0x0], $0xffff  }
0x475: {  	v13 =	vmul.f32 v17, v13;
	v8 =	vld [tilespmem:$0x1FA30]  }
0x476: {  	v10 =	vadd.s32 v28, v60;
	v60 =	vld [tilespmem:s26+$0xFFFFFE00];
	v20 =	vmul.f32 v39, v20  }
0x477: {  	v9 =	vmul.f32 v9, v13;
	v11 =	vadd.s32 v33, v59;
	v26 =	vld.idx.msk [tilespmem:v54+s16+$0x0], $0xffff  }
0x478: {  	v30 =	vld.idx.msk [tilespmem:v56+s16+$0x0], $0xffff;
	v20 =	vmul.f32 v31, v20  }
0x479: {  	v9 =	vmul.f32 v49, v9;
	v54 =	vld.idx.msk [tilespmem:v63+s16+$0x0], $0xffff  }
0x47a: {  	v59 =	vadd.s32 v25, v45;
	v56 =	vld.idx.msk [tilespmem:v36+s16+$0x0], $0xffff;
	v0 =	vmul.f32 v37, v20;
	[tilespmem:s25+$0xFFFFFFC0] =	vst v8  }
0x47b: {  	v5 =	vmul.f32 v5, v9;
	v9 =	vadd.s32 v28, v53;
	v8 =	vld [tilespmem:$0x1FA40]  }
0x47c: {  	v7 =	vmul.f32 v41, v7;
	v11 =	vld.idx.msk [tilespmem:v11+s16+$0x0], $0xffff;
	v0 =	vmul.f32 v43, v0  }
0x47d: {  	v2 =	vmul.f32 v2, v5;
	v5 =	vadd.s32 v25, v57;
	v10 =	vld.idx.msk [tilespmem:v10+s16+$0x0], $0xffff;
	v3 =	vmul.f32 v30, v3  }
0x47e: {  	v61 =	vld [tilespmem:s26+$0xFFFFFF00];
	v63 =	vadd.s32 v33, v60;
	v62 =	vmul.f32 v44, v0;
	v0 =	vmul.f32 v18, v7  }
0x47f: {  	v2 =	vmul.f32 v26, v2;
	v3 =	vmul.f32 v56, v3;
	v7 =	vld.idx.msk [tilespmem:v59+s16+$0x0], $0xffff  }
0x480: {  	s26 =	simm.s32 $0x18770;
	v1 =	vmul.f32 v8, v1;
	v8 =	vmul.f32 v54, v0;
	v0 =	vld.idx.msk [tilespmem:v9+s16+$0x0], $0xffff  }
0x481: {  	[tilespmem:s26+$0x0] =	vst v34;
	v9 =	vmul.f32 v12, v2;
	v2 =	vld.idx.msk [tilespmem:v4+s16+$0x0], $0xffff  }
0x482: {  	v3 =	vmul.f32 v10, v3;
	[tilespmem:s26+$0xFFFFFFF0] =	vst v62;
	v4 =	vld.idx.msk [tilespmem:v5+s16+$0x0], $0xffff;
	v8 =	vmul.f32 v14, v8  }
0x483: {  	s28 =	simm.s32 $0x4;
	s29 =	simm.s32 $0x12E50;
	v54 =	vadd.s32 v28, v61;
	v5 =	vld.idx.msk [tilespmem:v63+s16+$0x0], $0xffff;
	[tilespmem:s25+$0xFFFFFFD0] =	vst v1;
	v9 =	vmul.f32 v11, v9  }
.LBB2_4:
0x484: {  	v1 =	vld [tilespmem:s29+$0xFFFFFF30];
	v7 =	vmul.f32 v7, v8;
	s24 =	sadd.s32 $0x20, s24  }
0x485: {  	s28 =	sadd.s32 $0x4, s28;
	v6 =	vmul.f32 v6, v9;
	s0 =	sadd.s32 $0xFFFFFFF0, s24;
	s30 =	sadd.s32 $0xFFFFFFF8, s24;
	v8 =	vmov s24;
	v10 =	vld [tilespmem:s29+$0xFFFFFF40]  }
0x486: {  	s31 =	sadd.s32 $0xFFFFFFE8, s24;
	p0 =	slt.u32 s28, $0x1C;
	v9 =	vld [tilespmem:s29+$0xFFFFFC30];
	v11 =	vmov s0;
	v12 =	vmov s30;
	v8 =	vshll.u32 v8, $0x7;
	[tilespmem:s26+$0xFFFFFF90] =	vst v7  }
0x487: {  	v7 =	vmov s31;
	v11 =	vshll.u32 v11, $0x7;
	v8 =	vbroadcast v8, $0x0;
	v13 =	vld [tilespmem:s29+$0xFFFFFF50];
	[tilespmem:s26+$0xFFFFFFB0] =	vst v6  }
0x488: {  	v6 =	vshll.u32 v7, $0x7;
	v7 =	vld [tilespmem:s29+$0xFFFFFC40];
	v55 =	vbroadcast v11, $0x0;
	v11 =	vshll.u32 v12, $0x7;
	[tilespmem:s26+$0xFFFFFFA0] =	vst v4  }
0x489: {  	v58 =	vbroadcast v6, $0x0;
	v56 =	vbroadcast v11, $0x0;
	v1 =	vadd.s32 v8, v1;
	v4 =	vld [tilespmem:s29+$0xFFFFFF60];
	[tilespmem:s26+$0xFFFFFFC0] =	vst v5  }
0x48a: {  	v57 =	vmul.f32 v0, v3;
	v5 =	vld [tilespmem:s29+$0xFFFFFD30];
	v6 =	vadd.s32 v8, v10;
	[tilespmem:s25+$0xFFFFFFE0] =	vst v2;
	s25 =	smov.u32 s26  }
0x48b: {  	v0 =	vadd.s32 v58, v9;
	v2 =	vld [tilespmem:s29+$0xFFFFFF70]  }
0x48c: {  	v3 =	vadd.s32 v8, v13;
	v9 =	vld [tilespmem:s29+$0xFFFFFF90]  }
0x48d: {  	v7 =	vadd.s32 v58, v7;
	v10 =	vld [tilespmem:s29+$0xFFFFFF80]  }
0x48e: {  	v1 =	vld.idx.msk [tilespmem:v1+s16+$0x0], $0xffff;
	v4 =	vadd.s32 v8, v4  }
0x48f: {  	v5 =	vadd.s32 v55, v5;
	v6 =	vld.idx.msk [tilespmem:v6+s16+$0x0], $0xffff  }
0x490: {  	v2 =	vadd.s32 v8, v2;
	v11 =	vld [tilespmem:s29+$0xFFFFFFA0]  }
0x491: {  	v3 =	vld.idx.msk [tilespmem:v3+s16+$0x0], $0xffff  }
0x492: {  	v10 =	vadd.s32 v8, v10;
	v12 =	vld [tilespmem:s29+$0xFFFFFFB0]  }
0x493: {  	v4 =	vld.idx.msk [tilespmem:v4+s16+$0x0], $0xffff  }
0x494: {  	v9 =	vadd.s32 v8, v9;
	v13 =	vld [tilespmem:s29+$0xFFFFFFC0]  }
0x495: {  	v1 =	vmul.f32 v6, v1;
	v2 =	vld.idx.msk [tilespmem:v2+s16+$0x0], $0xffff  }
0x496: {  	v6 =	vadd.s32 v8, v11;
	v11 =	vld [tilespmem:s29+$0xFFFFFFD0]  }
0x497: {  	v1 =	vmul.f32 v3, v1;
	v3 =	vld.idx.msk [tilespmem:v10+s16+$0x0], $0xffff  }
0x498: {  	v10 =	vadd.s32 v8, v12;
	v12 =	vld [tilespmem:s29+$0xFFFFFFE0]  }
0x499: {  	v1 =	vmul.f32 v4, v1;
	v4 =	vld.idx.msk [tilespmem:v9+s16+$0x0], $0xffff  }
0x49a: {  	v9 =	vadd.s32 v8, v13;
	v13 =	vld [tilespmem:s29+$0xFFFFFFF0]  }
0x49b: {  	v1 =	vmul.f32 v2, v1;
	v2 =	vld.idx.msk [tilespmem:v6+s16+$0x0], $0xffff  }
0x49c: {  	v11 =	vadd.s32 v8, v11;
	v6 =	vld [tilespmem:s29+$0xFFFFFD40]  }
0x49d: {  	v1 =	vmul.f32 v3, v1;
	v3 =	vld.idx.msk [tilespmem:v10+s16+$0x0], $0xffff  }
0x49e: {  	v12 =	vadd.s32 v8, v12;
	v10 =	vld [tilespmem:s29+$0xFFFFFE30]  }
0x49f: {  	v1 =	vmul.f32 v4, v1;
	v4 =	vld.idx.msk [tilespmem:v9+s16+$0x0], $0xffff  }
0x4a0: {  	v13 =	vadd.s32 v8, v13;
	v9 =	vld [tilespmem:s29+$0xFFFFFE40]  }
0x4a1: {  	v1 =	vmul.f32 v2, v1;
	v6 =	vadd.s32 v55, v6;
	v2 =	vld.idx.msk [tilespmem:v11+s16+$0x0], $0xffff  }
0x4a2: {  	v11 =	vld [tilespmem:s29+$0x0]  }
0x4a3: {  	v1 =	vmul.f32 v3, v1;
	v10 =	vadd.s32 v56, v10;
	v3 =	vld.idx.msk [tilespmem:v12+s16+$0x0], $0xffff  }
0x4a4: {  	v12 =	vld [tilespmem:s29+$0xFFFFFC50]  }
0x4a5: {  	v1 =	vmul.f32 v4, v1;
	v9 =	vadd.s32 v56, v9;
	v4 =	vld.idx.msk [tilespmem:v13+s16+$0x0], $0xffff  }
0x4a6: {  	v13 =	vld [tilespmem:s29+$0xFFFFFD50]  }
0x4a7: {  	v1 =	vmul.f32 v2, v1;
	v14 =	vld [tilespmem:s29+$0xFFFFFE50]  }
0x4a8: {  	v8 =	vadd.s32 v8, v11;
	v2 =	vld [tilespmem:s29+$0xFFFFFC60]  }
0x4a9: {  	v1 =	vmul.f32 v3, v1;
	v11 =	vadd.s32 v58, v12;
	v12 =	vld [tilespmem:s29+$0xFFFFFD60]  }
0x4aa: {  	v3 =	vld [tilespmem:s29+$0xFFFFFE60]  }
0x4ab: {  	v1 =	vmul.f32 v4, v1;
	v0 =	vld.idx.msk [tilespmem:v0+s16+$0x0], $0xffff;
	v13 =	vadd.s32 v55, v13  }
0x4ac: {  	s26 =	sadd.s32 $0x80, s26;
	v4 =	vld.idx.msk [tilespmem:v7+s16+$0x0], $0xffff;
	v7 =	vadd.s32 v56, v14  }
0x4ad: {  	v2 =	vadd.s32 v58, v2;
	v8 =	vld.idx.msk [tilespmem:v8+s16+$0x0], $0xffff;
	[tilespmem:s26+$0xFFFFFFF0] =	vst v1  }
0x4ae: {  	v1 =	vld.idx.msk [tilespmem:v5+s16+$0x0], $0xffff;
	v5 =	vadd.s32 v55, v12  }
0x4af: {  	v6 =	vld.idx.msk [tilespmem:v6+s16+$0x0], $0xffff;
	v3 =	vadd.s32 v56, v3  }
0x4b0: {  	v10 =	vld.idx.msk [tilespmem:v10+s16+$0x0], $0xffff  }
0x4b1: {  	v9 =	vld.idx.msk [tilespmem:v9+s16+$0x0], $0xffff  }
0x4b2: {  	v0 =	vmul.f32 v4, v0;
	v4 =	vld [tilespmem:s29+$0xFFFFFC70]  }
0x4b3: {  	v12 =	vld [tilespmem:s29+$0xFFFFFD70];
	[tilespmem:s26+$0x0] =	vst v8  }
0x4b4: {  	v8 =	vld [tilespmem:s29+$0xFFFFFE70]  }
0x4b5: {  	v1 =	vmul.f32 v6, v1;
	v11 =	vld.idx.msk [tilespmem:v11+s16+$0x0], $0xffff  }
0x4b6: {  	v6 =	vld.idx.msk [tilespmem:v13+s16+$0x0], $0xffff  }
0x4b7: {  	v9 =	vmul.f32 v9, v10;
	v4 =	vadd.s32 v58, v4;
	v7 =	vld.idx.msk [tilespmem:v7+s16+$0x0], $0xffff  }
0x4b8: {  	v10 =	vld [tilespmem:s29+$0xFFFFFC80];
	v12 =	vadd.s32 v55, v12  }
0x4b9: {  	v13 =	vld [tilespmem:s29+$0xFFFFFD80];
	v8 =	vadd.s32 v56, v8  }
0x4ba: {  	v14 =	vld [tilespmem:s29+$0xFFFFFE80]  }
0x4bb: {  	v0 =	vmul.f32 v11, v0;
	v2 =	vld.idx.msk [tilespmem:v2+s16+$0x0], $0xffff  }
0x4bc: {  	v1 =	vmul.f32 v6, v1;
	v5 =	vld.idx.msk [tilespmem:v5+s16+$0x0], $0xffff  }
0x4bd: {  	v7 =	vmul.f32 v7, v9;
	v6 =	vadd.s32 v58, v10;
	v3 =	vld.idx.msk [tilespmem:v3+s16+$0x0], $0xffff  }
0x4be: {  	v9 =	vld [tilespmem:s29+$0xFFFFFC90];
	v10 =	vadd.s32 v55, v13  }
0x4bf: {  	v11 =	vld [tilespmem:s29+$0xFFFFFD90];
	v13 =	vadd.s32 v56, v14  }
0x4c0: {  	v14 =	vld [tilespmem:s29+$0xFFFFFE90]  }
0x4c1: {  	v0 =	vmul.f32 v2, v0;
	v2 =	vld.idx.msk [tilespmem:v4+s16+$0x0], $0xffff  }
0x4c2: {  	v1 =	vmul.f32 v5, v1;
	v4 =	vld.idx.msk [tilespmem:v12+s16+$0x0], $0xffff  }
0x4c3: {  	v3 =	vmul.f32 v3, v7;
	v5 =	vadd.s32 v58, v9;
	v7 =	vld.idx.msk [tilespmem:v8+s16+$0x0], $0xffff  }
0x4c4: {  	v8 =	vld [tilespmem:s29+$0xFFFFFCA0];
	v9 =	vadd.s32 v55, v11  }
0x4c5: {  	v11 =	vld [tilespmem:s29+$0xFFFFFDA0];
	v12 =	vadd.s32 v56, v14  }
0x4c6: {  	v14 =	vld [tilespmem:s29+$0xFFFFFEA0]  }
0x4c7: {  	v0 =	vmul.f32 v2, v0;
	v2 =	vld.idx.msk [tilespmem:v6+s16+$0x0], $0xffff  }
0x4c8: {  	v1 =	vmul.f32 v4, v1;
	v4 =	vld.idx.msk [tilespmem:v10+s16+$0x0], $0xffff  }
0x4c9: {  	v3 =	vmul.f32 v7, v3;
	v6 =	vadd.s32 v58, v8;
	v7 =	vld.idx.msk [tilespmem:v13+s16+$0x0], $0xffff  }
0x4ca: {  	v8 =	vld [tilespmem:s29+$0xFFFFFCB0];
	v10 =	vadd.s32 v55, v11  }
0x4cb: {  	v11 =	vld [tilespmem:s29+$0xFFFFFDB0];
	v13 =	vadd.s32 v56, v14  }
0x4cc: {  	v14 =	vld [tilespmem:s29+$0xFFFFFEB0]  }
0x4cd: {  	v0 =	vmul.f32 v2, v0;
	v2 =	vld.idx.msk [tilespmem:v5+s16+$0x0], $0xffff  }
0x4ce: {  	v1 =	vmul.f32 v4, v1;
	v4 =	vld.idx.msk [tilespmem:v9+s16+$0x0], $0xffff  }
0x4cf: {  	v3 =	vmul.f32 v7, v3;
	v5 =	vadd.s32 v58, v8;
	v7 =	vld.idx.msk [tilespmem:v12+s16+$0x0], $0xffff  }
0x4d0: {  	v8 =	vld [tilespmem:s29+$0xFFFFFCC0];
	v9 =	vadd.s32 v55, v11  }
0x4d1: {  	v11 =	vld [tilespmem:s29+$0xFFFFFDC0];
	v12 =	vadd.s32 v56, v14  }
0x4d2: {  	v14 =	vld [tilespmem:s29+$0xFFFFFEC0]  }
0x4d3: {  	v0 =	vmul.f32 v2, v0;
	v2 =	vld.idx.msk [tilespmem:v6+s16+$0x0], $0xffff  }
0x4d4: {  	v1 =	vmul.f32 v4, v1;
	v4 =	vld.idx.msk [tilespmem:v10+s16+$0x0], $0xffff  }
0x4d5: {  	v3 =	vmul.f32 v7, v3;
	v6 =	vadd.s32 v58, v8;
	v7 =	vld.idx.msk [tilespmem:v13+s16+$0x0], $0xffff  }
0x4d6: {  	v8 =	vld [tilespmem:s29+$0xFFFFFCD0];
	v10 =	vadd.s32 v55, v11  }
0x4d7: {  	v11 =	vld [tilespmem:s29+$0xFFFFFDD0];
	v13 =	vadd.s32 v56, v14  }
0x4d8: {  	v14 =	vld [tilespmem:s29+$0xFFFFFED0]  }
0x4d9: {  	v0 =	vmul.f32 v2, v0;
	v2 =	vld.idx.msk [tilespmem:v5+s16+$0x0], $0xffff  }
0x4da: {  	v1 =	vmul.f32 v4, v1;
	v4 =	vld.idx.msk [tilespmem:v9+s16+$0x0], $0xffff  }
0x4db: {  	v3 =	vmul.f32 v7, v3;
	v5 =	vadd.s32 v58, v8;
	v7 =	vld.idx.msk [tilespmem:v12+s16+$0x0], $0xffff  }
0x4dc: {  	v8 =	vld [tilespmem:s29+$0xFFFFFCE0];
	v9 =	vadd.s32 v55, v11  }
0x4dd: {  	v11 =	vld [tilespmem:s29+$0xFFFFFDE0];
	v12 =	vadd.s32 v56, v14  }
0x4de: {  	v14 =	vld [tilespmem:s29+$0xFFFFFEE0]  }
0x4df: {  	v0 =	vmul.f32 v2, v0;
	v2 =	vld.idx.msk [tilespmem:v6+s16+$0x0], $0xffff  }
0x4e0: {  	v1 =	vmul.f32 v4, v1;
	v4 =	vld.idx.msk [tilespmem:v10+s16+$0x0], $0xffff  }
0x4e1: {  	v3 =	vmul.f32 v7, v3;
	v6 =	vadd.s32 v58, v8;
	v7 =	vld.idx.msk [tilespmem:v13+s16+$0x0], $0xffff  }
0x4e2: {  	v8 =	vld [tilespmem:s29+$0xFFFFFCF0];
	v10 =	vadd.s32 v55, v11  }
0x4e3: {  	v11 =	vld [tilespmem:s29+$0xFFFFFDF0];
	v13 =	vadd.s32 v56, v14  }
0x4e4: {  	v14 =	vld [tilespmem:s29+$0xFFFFFEF0]  }
0x4e5: {  	v0 =	vmul.f32 v2, v0;
	v2 =	vld.idx.msk [tilespmem:v5+s16+$0x0], $0xffff  }
0x4e6: {  	v1 =	vmul.f32 v4, v1;
	v4 =	vld.idx.msk [tilespmem:v9+s16+$0x0], $0xffff  }
0x4e7: {  	v3 =	vmul.f32 v7, v3;
	v5 =	vadd.s32 v58, v8;
	v7 =	vld.idx.msk [tilespmem:v12+s16+$0x0], $0xffff  }
0x4e8: {  	v8 =	vld [tilespmem:s29+$0xFFFFFD00];
	v9 =	vadd.s32 v55, v11  }
0x4e9: {  	v11 =	vld [tilespmem:s29+$0xFFFFFE00];
	v12 =	vadd.s32 v56, v14  }
0x4ea: {  	v14 =	vld [tilespmem:s29+$0xFFFFFF00]  }
0x4eb: {  	v2 =	vmul.f32 v2, v0;
	v15 =	vld.idx.msk [tilespmem:v6+s16+$0x0], $0xffff  }
0x4ec: {  	v1 =	vmul.f32 v4, v1;
	v10 =	vld.idx.msk [tilespmem:v10+s16+$0x0], $0xffff  }
0x4ed: {  	v3 =	vmul.f32 v7, v3;
	v4 =	vadd.s32 v58, v8;
	v13 =	vld.idx.msk [tilespmem:v13+s16+$0x0], $0xffff  }
0x4ee: {  	v7 =	vld.idx.msk [tilespmem:v5+s16+$0x0], $0xffff;
	v5 =	vadd.s32 v55, v11  }
.Ltmp1:
0x4ef: {  	v6 =	vld.idx.msk [tilespmem:v9+s16+$0x0], $0xffff;
	v9 =	vadd.s32 v56, v14;
	(pc) =	sbr.rel @p0 .LBB2_4-.Ltmp1, $4  }
0x4f0: {  	v0 =	vld.idx.msk [tilespmem:v12+s16+$0x0], $0xffff  }
0x4f1: {  	v8 =	vmul.f32 v15, v2;
	v2 =	vld.idx.msk [tilespmem:v54+s16+$0x0], $0xffff;
	[tilespmem:s25+$0xFFFFFFD0] =	vst v57;
	v54 =	vmov v9  }
0x4f2: {  	v9 =	vmul.f32 v10, v1;
	v4 =	vld.idx.msk [tilespmem:v4+s16+$0x0], $0xffff  }
0x4f3: {  	s29 =	sadd.s32 $0x400, s29;
	v3 =	vmul.f32 v13, v3;
	v5 =	vld.idx.msk [tilespmem:v5+s16+$0x0], $0xffff  }
0x4f4: {  	_ = 	snop  }
0x4f5: {  	v1 =	vmul.f32 v7, v8  }
0x4f6: {  	v6 =	vmul.f32 v6, v9  }
0x4f7: {  	[tilespmem:s26+$0xFFFFFF90] =	vst v1  }
0x4f8: {  	[tilespmem:s26+$0xFFFFFFB0] =	vst v6;
	v1 =	vld.idx.msk [tilespmem:v54+s16+$0x0], $0xffff  }
0x4f9: {  	v0 =	vmul.f32 v0, v3;
	[tilespmem:s25+$0xFFFFFFE0] =	vst v2  }
0x4fa: {  	[tilespmem:s26+$0xFFFFFFA0] =	vst v4  }
0x4fb: {  	[tilespmem:s26+$0xFFFFFFD0] =	vst v0  }
0x4fc: {  	[tilespmem:s26+$0xFFFFFFC0] =	vst v5  }
0x4fd: {  	[tilespmem:s26+$0xFFFFFFE0] =	vst v1  }
0x4fe: {  	v0 =	vld [tilespmem:$0x1FFA0];
	_ =	sdelay $0x7  }
0x4ff: {  	v0 =	vld.idx.msk [tilespmem:v0+s2+$0x0], $0xffff;
	_ =	sdelay $0x2  }
0x500: {  	v3 =	vld [tilespmem:$0x1FCA0];
	_ =	sdelay $0x1  }
0x501: {  	v1 =	vshll.u32 v0, $0x3  }
0x502: {  	v0 =	vand.u32 $0x7, v0;
	v1 =	vand.u32 $0xFFFFFFC0, v1  }
0x503: {  	v0 =	vor.u32 v1, v0  }
0x504: {  	v0 =	vor.u32 v3, v0  }
0x505: {  	[tilespmem:$0x180] =	vst v0;
	v0 =	vld [tilespmem:$0x1FFB0];
	_ =	sdelay $0x7  }
0x506: {  	v0 =	vld.idx.msk [tilespmem:v0+s2+$0x0], $0xffff;
	_ =	sdelay $0x4  }
0x507: {  	v1 =	vshll.u32 v0, $0x3  }
0x508: {  	v0 =	vand.u32 $0x7, v0;
	v1 =	vand.u32 $0xFFFFFFC0, v1  }
0x509: {  	v0 =	vor.u32 v1, v0  }
0x50a: {  	v0 =	vor.u32 v3, v0  }
0x50b: {  	[tilespmem:$0x190] =	vst v0;
	v0 =	vld [tilespmem:$0x1FFC0];
	_ =	sdelay $0x7  }
0x50c: {  	v0 =	vld.idx.msk [tilespmem:v0+s2+$0x0], $0xffff;
	_ =	sdelay $0x4  }
0x50d: {  	v1 =	vshll.u32 v0, $0x3  }
0x50e: {  	v0 =	vand.u32 $0x7, v0;
	v1 =	vand.u32 $0xFFFFFFC0, v1  }
0x50f: {  	v0 =	vor.u32 v1, v0  }
0x510: {  	v0 =	vor.u32 v3, v0  }
0x511: {  	[tilespmem:$0x1A0] =	vst v0;
	v0 =	vld [tilespmem:$0x1FFD0];
	_ =	sdelay $0x7  }
0x512: {  	v0 =	vld.idx.msk [tilespmem:v0+s2+$0x0], $0xffff;
	_ =	sdelay $0x4  }
0x513: {  	v1 =	vshll.u32 v0, $0x3  }
0x514: {  	v0 =	vand.u32 $0x7, v0;
	v1 =	vand.u32 $0xFFFFFFC0, v1  }
0x515: {  	v0 =	vor.u32 v1, v0  }
0x516: {  	v0 =	vor.u32 v3, v0  }
0x517: {  	[tilespmem:$0x1B0] =	vst v0;
	v0 =	vld [tilespmem:$0x1FFE0];
	_ =	sdelay $0x6  }
0x518: {  	v4 =	vld [tilespmem:$0x1FFF0]  }
0x519: {  	v0 =	vld.idx.msk [tilespmem:v0+s2+$0x0], $0xffff;
	_ =	sdelay $0x4  }
0x51a: {  	v2 =	vor.u32 $0x6A, v4;
	v1 =	vshll.u32 v0, $0x3  }
0x51b: {  	v0 =	vand.u32 $0x7, v0;
	v1 =	vand.u32 $0xFFFFFFC0, v1  }
0x51c: {  	v0 =	vor.u32 v1, v0  }
0x51d: {  	v0 =	vor.u32 v3, v0  }
0x51e: {  	[tilespmem:$0x1C0] =	vst v0  }
0x51f: {  	v0 =	vld.idx.msk [tilespmem:v2+s2+$0x0], $0xffff;
	_ =	sdelay $0x4  }
0x520: {  	v2 =	vor.u32 $0x6C, v4;
	v1 =	vshll.u32 v0, $0x3  }
0x521: {  	v0 =	vand.u32 $0x7, v0;
	v1 =	vand.u32 $0xFFFFFFC0, v1  }
0x522: {  	v0 =	vor.u32 v1, v0  }
0x523: {  	v0 =	vor.u32 v3, v0  }
0x524: {  	[tilespmem:$0x1D0] =	vst v0  }
0x525: {  	v0 =	vld.idx.msk [tilespmem:v2+s2+$0x0], $0xffff;
	_ =	sdelay $0x4  }
0x526: {  	v2 =	vor.u32 $0x6E, v4;
	v1 =	vshll.u32 v0, $0x3  }
0x527: {  	v0 =	vand.u32 $0x7, v0;
	v1 =	vand.u32 $0xFFFFFFC0, v1  }
0x528: {  	v0 =	vor.u32 v1, v0  }
0x529: {  	v0 =	vor.u32 v3, v0  }
0x52a: {  	[tilespmem:$0x1E0] =	vst v0  }
0x52b: {  	v0 =	vld.idx.msk [tilespmem:v2+s2+$0x0], $0xffff;
	_ =	sdelay $0x4  }
0x52c: {  	v2 =	vor.u32 $0x70, v4;
	v1 =	vshll.u32 v0, $0x3  }
0x52d: {  	v0 =	vand.u32 $0x7, v0;
	v1 =	vand.u32 $0xFFFFFFC0, v1  }
0x52e: {  	v0 =	vor.u32 v1, v0  }
0x52f: {  	v0 =	vor.u32 v3, v0  }
0x530: {  	[tilespmem:$0x1F0] =	vst v0  }
0x531: {  	v0 =	vld.idx.msk [tilespmem:v2+s2+$0x0], $0xffff;
	_ =	sdelay $0x4  }
0x532: {  	v2 =	vor.u32 $0x72, v4;
	v1 =	vshll.u32 v0, $0x3  }
0x533: {  	v0 =	vand.u32 $0x7, v0;
	v1 =	vand.u32 $0xFFFFFFC0, v1  }
0x534: {  	v0 =	vor.u32 v1, v0  }
0x535: {  	v0 =	vor.u32 v3, v0  }
0x536: {  	[tilespmem:$0x200] =	vst v0  }
0x537: {  	v0 =	vld.idx.msk [tilespmem:v2+s2+$0x0], $0xffff;
	_ =	sdelay $0x4  }
0x538: {  	v2 =	vor.u32 $0x74, v4;
	v1 =	vshll.u32 v0, $0x3  }
0x539: {  	v0 =	vand.u32 $0x7, v0;
	v1 =	vand.u32 $0xFFFFFFC0, v1  }
0x53a: {  	v0 =	vor.u32 v1, v0  }
0x53b: {  	v0 =	vor.u32 v3, v0  }
0x53c: {  	[tilespmem:$0x210] =	vst v0  }
0x53d: {  	v0 =	vld.idx.msk [tilespmem:v2+s2+$0x0], $0xffff;
	_ =	sdelay $0x4  }
0x53e: {  	v2 =	vor.u32 $0x76, v4;
	v1 =	vshll.u32 v0, $0x3  }
0x53f: {  	v0 =	vand.u32 $0x7, v0;
	v1 =	vand.u32 $0xFFFFFFC0, v1  }
0x540: {  	v0 =	vor.u32 v1, v0  }
0x541: {  	v0 =	vor.u32 v3, v0  }
0x542: {  	[tilespmem:$0x220] =	vst v0  }
0x543: {  	v0 =	vld.idx.msk [tilespmem:v2+s2+$0x0], $0xffff;
	_ =	sdelay $0x4  }
0x544: {  	v2 =	vor.u32 $0x78, v4;
	v1 =	vshll.u32 v0, $0x3  }
0x545: {  	v0 =	vand.u32 $0x7, v0;
	v1 =	vand.u32 $0xFFFFFFC0, v1  }
0x546: {  	v0 =	vor.u32 v1, v0  }
0x547: {  	v0 =	vor.u32 v3, v0  }
0x548: {  	[tilespmem:$0x230] =	vst v0  }
0x549: {  	v0 =	vld.idx.msk [tilespmem:v2+s2+$0x0], $0xffff;
	_ =	sdelay $0x4  }
0x54a: {  	v2 =	vor.u32 $0x7A, v4;
	v1 =	vshll.u32 v0, $0x3  }
0x54b: {  	v0 =	vand.u32 $0x7, v0;
	v1 =	vand.u32 $0xFFFFFFC0, v1  }
0x54c: {  	v0 =	vor.u32 v1, v0  }
0x54d: {  	v0 =	vor.u32 v3, v0  }
0x54e: {  	[tilespmem:$0x240] =	vst v0  }
0x54f: {  	v0 =	vld.idx.msk [tilespmem:v2+s2+$0x0], $0xffff;
	_ =	sdelay $0x4  }
0x550: {  	v2 =	vor.u32 $0x7C, v4;
	v1 =	vshll.u32 v0, $0x3  }
0x551: {  	v0 =	vand.u32 $0x7, v0;
	v1 =	vand.u32 $0xFFFFFFC0, v1  }
0x552: {  	v0 =	vor.u32 v1, v0  }
0x553: {  	v0 =	vor.u32 v3, v0  }
0x554: {  	[tilespmem:$0x250] =	vst v0  }
0x555: {  	v0 =	vld.idx.msk [tilespmem:v2+s2+$0x0], $0xffff;
	_ =	sdelay $0x4  }
0x556: {  	v2 =	vor.u32 $0x7E, v4;
	v1 =	vshll.u32 v0, $0x3  }
0x557: {  	v0 =	vand.u32 $0x7, v0;
	v1 =	vand.u32 $0xFFFFFFC0, v1  }
0x558: {  	v0 =	vor.u32 v1, v0  }
0x559: {  	v0 =	vor.u32 v3, v0  }
0x55a: {  	[tilespmem:$0x260] =	vst v0  }
0x55b: {  	v0 =	vld.idx.msk [tilespmem:v2+s2+$0x0], $0xffff;
	_ =	sdelay $0x4  }
0x55c: {  	v1 =	vshll.u32 v0, $0x3  }
0x55d: {  	v0 =	vand.u32 $0x7, v0;
	v1 =	vand.u32 $0xFFFFFFC0, v1  }
0x55e: {  	v0 =	vor.u32 v1, v0  }
0x55f: {  	v0 =	vor.u32 v3, v0  }
0x560: {  	[tilespmem:$0x270] =	vst v0  }
0x561: {  	[tilespmem:s16], [sflag:$0x2] =	stream.indirect.gather [hbm4b:s3+s10], $0x80, s15, s10, $0xb8;
	[tilespmem:$0x19280] =	vst v63  }
0x562: {  	_ = 	snop  }
0x563: {  	[tilespmem:s18], [sflag:$0x2] =	stream.indirect.gather [hbm4b:s3+s10], $0x80, s17, s10, $0xb8;
	[tilespmem:$0x19280] =	vst v63  }
0x564: {  	_ =	swait.ge [sflag:s19], $0x4000  }
0x565: {  	[sflag:s19] =	ssyncset.done $0x0  }
0x566: {  	[sflag:s19] =	ssyncadd.s32 $0xFFFFC000  }
0x567: {  	_ =	swait.ge [sflag:s19], $0x4000  }
0x568: {  	[sflag:s19] =	ssyncset.done $0x0  }
0x569: {  	s25 =	simm.s32 $0x14280;
	[sflag:s19] =	ssyncadd.s32 $0xFFFFC000  }
0x56a: {  	s0 =	simm.s32 $0x18;
	v0 =	vld [tilespmem:s25+$0x300]  }
0x56b: {  	v1 =	vmov s0  }
0x56c: {  	v1 =	vshll.u32 v1, $0x7  }
0x56d: {  	v4 =	vbroadcast v1, $0x0;
	_ =	sdelay $0x1  }
0x56e: {  	v0 =	vadd.s32 v4, v0  }
0x56f: {  	v2 =	vld [tilespmem:s25+$0x310]  }
0x570: {  	v3 =	vld [tilespmem:s25+$0x0]  }
0x571: {  	v1 =	vld [tilespmem:s25+$0x320]  }
0x572: {  	v5 =	vld [tilespmem:s25+$0x10]  }
0x573: {  	v0 =	vld.idx.msk [tilespmem:v0+s11+$0x0], $0xffff  }
0x574: {  	v6 =	vld [tilespmem:s25+$0x330];
	v2 =	vadd.s32 v4, v2  }
0x575: {  	v7 =	vld [tilespmem:s25+$0x100]  }
0x576: {  	v8 =	vld [tilespmem:s25+$0x340]  }
0x577: {  	v10 =	vld [tilespmem:s25+$0x360]  }
0x578: {  	v11 =	vld [tilespmem:s25+$0x350];
	[tilespmem:$0x1F5A0] =	vst v0  }
0x579: {  	v9 =	vadd.s32 v4, v1;
	v1 =	vld.idx.msk [tilespmem:v2+s11+$0x0], $0xffff;
	_ =	sdelay $0x4  }
0x57a: {  	[tilespmem:$0x1F5B0] =	vst v1  }
0x57b: {  	v1 =	vld.idx.msk [tilespmem:v9+s11+$0x0], $0xffff  }
0x57c: {  	v0 =	vadd.s32 v4, v6;
	_ =	sdelay $0x3  }
0x57d: {  	v6 =	vld [tilespmem:s25+$0x370];
	[tilespmem:$0x1F5C0] =	vst v1  }
0x57e: {  	v0 =	vld.idx.msk [tilespmem:v0+s11+$0x0], $0xffff  }
0x57f: {  	v2 =	vadd.s32 v4, v8;
	v8 =	vadd.s32 v4, v11;
	_ =	sdelay $0x3  }
0x580: {  	v9 =	vld [tilespmem:s25+$0x380];
	[tilespmem:$0x1F5D0] =	vst v0  }
0x581: {  	v1 =	vld.idx.msk [tilespmem:v8+s11+$0x0], $0xffff  }
0x582: {  	v0 =	vadd.s32 v4, v10;
	_ =	sdelay $0x1  }
0x583: {  	v10 =	vld [tilespmem:s25+$0x390]  }
0x584: {  	v16 =	vld.idx.msk [tilespmem:v2+s11+$0x0], $0xffff  }
0x585: {  	v2 =	vadd.s32 v4, v6;
	v6 =	vld [tilespmem:s25+$0x3A0];
	[tilespmem:$0x1F620] =	vst v1  }
0x586: {  	v0 =	vld.idx.msk [tilespmem:v0+s11+$0x0], $0xffff;
	_ =	sdelay $0x4  }
0x587: {  	v8 =	vadd.s32 v4, v9;
	v9 =	vld [tilespmem:s25+$0x3B0];
	[tilespmem:$0x1F670] =	vst v0  }
0x588: {  	v1 =	vld.idx.msk [tilespmem:v2+s11+$0x0], $0xffff;
	_ =	sdelay $0x4  }
0x589: {  	v0 =	vadd.s32 v4, v10;
	v10 =	vld [tilespmem:s25+$0x3C0];
	[tilespmem:$0x1F6A0] =	vst v1  }
0x58a: {  	v1 =	vld.idx.msk [tilespmem:v8+s11+$0x0], $0xffff;
	_ =	sdelay $0x4  }
0x58b: {  	v2 =	vld [tilespmem:s25+$0x110];
	[tilespmem:$0x1F6E0] =	vst v1  }
0x58c: {  	v0 =	vld.idx.msk [tilespmem:v0+s11+$0x0], $0xffff  }
0x58d: {  	v6 =	vadd.s32 v4, v6;
	_ =	sdelay $0x3  }
0x58e: {  	v8 =	vld [tilespmem:s25+$0x200];
	[tilespmem:$0x1F720] =	vst v0  }
0x58f: {  	v1 =	vld.idx.msk [tilespmem:v6+s11+$0x0], $0xffff  }
0x590: {  	v9 =	vadd.s32 v4, v9;
	_ =	sdelay $0x3  }
0x591: {  	v0 =	vld [tilespmem:s25+$0x210];
	[tilespmem:$0x1F760] =	vst v1  }
0x592: {  	v1 =	vld.idx.msk [tilespmem:v9+s11+$0x0], $0xffff  }
0x593: {  	v10 =	vadd.s32 v4, v10  }
0x594: {  	s24 =	simm.s32 $0x0  }
0x595: {  	v6 =	vmov s24  }
0x596: {  	v6 =	vshll.u32 v6, $0x7  }
0x597: {  	v6 =	vbroadcast v6, $0x0;
	v11 =	vld [tilespmem:s25+$0x3D0];
	[tilespmem:$0x1F790] =	vst v1  }
0x598: {  	v1 =	vld.idx.msk [tilespmem:v10+s11+$0x0], $0xffff  }
0x599: {  	v3 =	vadd.s32 v6, v3;
	_ =	sdelay $0x3  }
0x59a: {  	v9 =	vld [tilespmem:s25+$0x20];
	[tilespmem:$0x1F7B0] =	vst v1  }
0x59b: {  	v1 =	vld.idx.msk [tilespmem:v3+s11+$0x0], $0xffff  }
0x59c: {  	v5 =	vadd.s32 v6, v5;
	v18 =	vld [tilespmem:s25+$0x120]  }
0x59d: {  	v14 =	vld [tilespmem:s25+$0x220]  }
0x59e: {  	v15 =	vld [tilespmem:s25+$0x30]  }
0x59f: {  	v4 =	vadd.s32 v4, v11;
	v11 =	vld [tilespmem:s25+$0x130]  }
0x5a0: {  	v19 =	vld [tilespmem:s25+$0x230];
	[tilespmem:$0x1F5E0] =	vst v1  }
0x5a1: {  	v1 =	vld.idx.msk [tilespmem:v5+s11+$0x0], $0xffff;
	_ =	sdelay $0x1  }
0x5a2: {  	s26 =	simm.s32 $0x8  }
0x5a3: {  	v12 =	vmov s26  }
0x5a4: {  	v10 =	vshll.u32 v12, $0x7  }
0x5a5: {  	v10 =	vbroadcast v10, $0x0;
	[tilespmem:$0x1F5F0] =	vst v1  }
0x5a6: {  	v1 =	vld.idx.msk [tilespmem:v4+s11+$0x0], $0xffff  }
0x5a7: {  	v7 =	vadd.s32 v10, v7;
	_ =	sdelay $0x3  }
0x5a8: {  	[tilespmem:$0x1F7D0] =	vst v1  }
0x5a9: {  	v1 =	vld.idx.msk [tilespmem:v7+s11+$0x0], $0xffff  }
0x5aa: {  	v2 =	vadd.s32 v10, v2  }
0x5ab: {  	s30 =	simm.s32 $0x10  }
0x5ac: {  	v13 =	vmov s30  }
0x5ad: {  	v13 =	vshll.u32 v13, $0x7  }
0x5ae: {  	v55 =	vbroadcast v13, $0x0;
	[tilespmem:$0x1F600] =	vst v1  }
0x5af: {  	v1 =	vld.idx.msk [tilespmem:v2+s11+$0x0], $0xffff  }
0x5b0: {  	v8 =	vadd.s32 v55, v8;
	_ =	sdelay $0x3  }
0x5b1: {  	[tilespmem:$0x1F610] =	vst v1  }
0x5b2: {  	v1 =	vld.idx.msk [tilespmem:v8+s11+$0x0], $0xffff  }
0x5b3: {  	v0 =	vadd.s32 v55, v0;
	_ =	sdelay $0x3  }
0x5b4: {  	[tilespmem:$0x1F630] =	vst v1  }
0x5b5: {  	v0 =	vld.idx.msk [tilespmem:v0+s11+$0x0], $0xffff  }
0x5b6: {  	v2 =	vadd.s32 v6, v9;
	_ =	sdelay $0x3  }
0x5b7: {  	[tilespmem:$0x1F640] =	vst v0  }
0x5b8: {  	v1 =	vld.idx.msk [tilespmem:v2+s11+$0x0], $0xffff  }
0x5b9: {  	v3 =	vadd.s32 v10, v18;
	_ =	sdelay $0x1  }
0x5ba: {  	v4 =	vld [tilespmem:s25+$0x40]  }
0x5bb: {  	v5 =	vld [tilespmem:s25+$0x140]  }
0x5bc: {  	v7 =	vld [tilespmem:s25+$0x240];
	[tilespmem:$0x1F650] =	vst v1  }
0x5bd: {  	v1 =	vld.idx.msk [tilespmem:v3+s11+$0x0], $0xffff  }
0x5be: {  	v2 =	vadd.s32 v6, v15;
	_ =	sdelay $0x1  }
0x5bf: {  	v0 =	vadd.s32 v55, v14;
	_ =	sdelay $0x1  }
0x5c0: {  	[tilespmem:$0x1F660] =	vst v1  }
0x5c1: {  	v1 =	vld.idx.msk [tilespmem:v2+s11+$0x0], $0xffff  }
0x5c2: {  	v3 =	vadd.s32 v10, v11  }
0x5c3: {  	v14 =	vld.idx.msk [tilespmem:v0+s11+$0x0], $0xffff  }
0x5c4: {  	v8 =	vld [tilespmem:s25+$0x50]  }
0x5c5: {  	v9 =	vld [tilespmem:s25+$0x150]  }
0x5c6: {  	v11 =	vld [tilespmem:s25+$0x250];
	[tilespmem:$0x1F680] =	vst v1  }
0x5c7: {  	v1 =	vld.idx.msk [tilespmem:v3+s11+$0x0], $0xffff  }
0x5c8: {  	v0 =	vadd.s32 v55, v19;
	_ =	sdelay $0x3  }
0x5c9: {  	[tilespmem:$0x1F690] =	vst v1  }
0x5ca: {  	v0 =	vld.idx.msk [tilespmem:v0+s11+$0x0], $0xffff  }
0x5cb: {  	v2 =	vadd.s32 v6, v4;
	_ =	sdelay $0x3  }
0x5cc: {  	[tilespmem:$0x1F6B0] =	vst v0  }
0x5cd: {  	v1 =	vld.idx.msk [tilespmem:v2+s11+$0x0], $0xffff  }
0x5ce: {  	v3 =	vadd.s32 v10, v5;
	_ =	sdelay $0x1  }
0x5cf: {  	v4 =	vld [tilespmem:s25+$0x60]  }
0x5d0: {  	v5 =	vld [tilespmem:s25+$0x160]  }
0x5d1: {  	v0 =	vadd.s32 v55, v7;
	v7 =	vld [tilespmem:s25+$0x260];
	[tilespmem:$0x1F6C0] =	vst v1  }
0x5d2: {  	v1 =	vld.idx.msk [tilespmem:v3+s11+$0x0], $0xffff;
	_ =	sdelay $0x4  }
0x5d3: {  	[tilespmem:$0x1F6D0] =	vst v1  }
0x5d4: {  	v0 =	vld.idx.msk [tilespmem:v0+s11+$0x0], $0xffff  }
0x5d5: {  	v2 =	vadd.s32 v6, v8;
	_ =	sdelay $0x3  }
0x5d6: {  	[tilespmem:$0x1F6F0] =	vst v0  }
0x5d7: {  	v1 =	vld.idx.msk [tilespmem:v2+s11+$0x0], $0xffff  }
0x5d8: {  	v3 =	vadd.s32 v10, v9;
	_ =	sdelay $0x1  }
0x5d9: {  	v8 =	vld [tilespmem:s25+$0x70]  }
0x5da: {  	v9 =	vld [tilespmem:s25+$0x170]  }
0x5db: {  	v0 =	vadd.s32 v55, v11;
	v11 =	vld [tilespmem:s25+$0x270];
	[tilespmem:$0x1F700] =	vst v1  }
0x5dc: {  	v1 =	vld.idx.msk [tilespmem:v3+s11+$0x0], $0xffff;
	_ =	sdelay $0x4  }
0x5dd: {  	[tilespmem:$0x1F710] =	vst v1  }
0x5de: {  	v0 =	vld.idx.msk [tilespmem:v0+s11+$0x0], $0xffff  }
0x5df: {  	v2 =	vadd.s32 v6, v4;
	_ =	sdelay $0x3  }
0x5e0: {  	[tilespmem:$0x1F730] =	vst v0  }
0x5e1: {  	v1 =	vld.idx.msk [tilespmem:v2+s11+$0x0], $0xffff  }
0x5e2: {  	v3 =	vadd.s32 v10, v5;
	_ =	sdelay $0x1  }
0x5e3: {  	v4 =	vld [tilespmem:s25+$0x80]  }
0x5e4: {  	v5 =	vld [tilespmem:s25+$0x180]  }
0x5e5: {  	v0 =	vadd.s32 v55, v7;
	v7 =	vld [tilespmem:s25+$0x280];
	[tilespmem:$0x1F740] =	vst v1  }
0x5e6: {  	v1 =	vld.idx.msk [tilespmem:v3+s11+$0x0], $0xffff;
	_ =	sdelay $0x4  }
0x5e7: {  	[tilespmem:$0x1F750] =	vst v1  }
0x5e8: {  	v0 =	vld.idx.msk [tilespmem:v0+s11+$0x0], $0xffff  }
0x5e9: {  	v2 =	vadd.s32 v6, v8;
	_ =	sdelay $0x3  }
0x5ea: {  	[tilespmem:$0x1F770] =	vst v0  }
0x5eb: {  	v1 =	vld.idx.msk [tilespmem:v2+s11+$0x0], $0xffff  }
0x5ec: {  	v0 =	vadd.s32 v55, v11;
	_ =	sdelay $0x1  }
0x5ed: {  	v8 =	vld [tilespmem:s25+$0x90]  }
0x5ee: {  	v3 =	vadd.s32 v10, v9;
	v9 =	vld [tilespmem:s25+$0x190]  }
0x5ef: {  	v11 =	vld [tilespmem:s25+$0x290];
	[tilespmem:$0x1F780] =	vst v1  }
0x5f0: {  	v0 =	vld.idx.msk [tilespmem:v0+s11+$0x0], $0xffff;
	_ =	sdelay $0x4  }
0x5f1: {  	v63 =	vld.idx.msk [tilespmem:v3+s11+$0x0], $0xffff;
	[tilespmem:$0x1F7A0] =	vst v0;
	v0 =	vadd.s32 v55, v7;
	_ =	sdelay $0x3  }
0x5f2: {  	v2 =	vadd.s32 v6, v4  }
0x5f3: {  	v3 =	vadd.s32 v10, v5;
	v0 =	vld.idx.msk [tilespmem:v0+s11+$0x0], $0xffff  }
0x5f4: {  	v4 =	vld [tilespmem:s25+$0xA0]  }
0x5f5: {  	v5 =	vld [tilespmem:s25+$0x1A0]  }
0x5f6: {  	v7 =	vld [tilespmem:s25+$0x2A0]  }
0x5f7: {  	v62 =	vld.idx.msk [tilespmem:v2+s11+$0x0], $0xffff;
	v2 =	vadd.s32 v6, v8  }
0x5f8: {  	v61 =	vld.idx.msk [tilespmem:v3+s11+$0x0], $0xffff;
	[tilespmem:$0x1F7C0] =	vst v0;
	v0 =	vadd.s32 v55, v11;
	_ =	sdelay $0x2  }
0x5f9: {  	v8 =	vld [tilespmem:s25+$0xB0]  }
0x5fa: {  	v3 =	vadd.s32 v10, v9;
	v60 =	vld.idx.msk [tilespmem:v2+s11+$0x0], $0xffff  }
0x5fb: {  	v58 =	vld.idx.msk [tilespmem:v0+s11+$0x0], $0xffff  }
0x5fc: {  	v0 =	vld [tilespmem:s25+$0xC0]  }
0x5fd: {  	v2 =	vadd.s32 v6, v4;
	v4 =	vadd.s32 v55, v7;
	v7 =	vld [tilespmem:s25+$0x2C0]  }
0x5fe: {  	v9 =	vld [tilespmem:s25+$0x1B0]  }
0x5ff: {  	v59 =	vld.idx.msk [tilespmem:v3+s11+$0x0], $0xffff;
	v3 =	vadd.s32 v10, v5  }
0x600: {  	v11 =	vld [tilespmem:s25+$0x2B0]  }
0x601: {  	v5 =	vld [tilespmem:s25+$0x1C0];
	v0 =	vadd.s32 v6, v0  }
0x602: {  	v54 =	vld.idx.msk [tilespmem:v2+s11+$0x0], $0xffff;
	v7 =	vadd.s32 v55, v7  }
0x603: {  	v2 =	vadd.s32 v10, v9;
	v9 =	vld [tilespmem:s25+$0xD0]  }
0x604: {  	v53 =	vld.idx.msk [tilespmem:v3+s11+$0x0], $0xffff  }
0x605: {  	v8 =	vadd.s32 v6, v8;
	v47 =	vld.idx.msk [tilespmem:v4+s11+$0x0], $0xffff  }
0x606: {  	v3 =	vadd.s32 v55, v11;
	v57 =	vld.idx.msk [tilespmem:v0+s11+$0x0], $0xffff  }
0x607: {  	v4 =	vadd.s32 v10, v5;
	v0 =	vld.idx.msk [tilespmem:v7+s11+$0x0], $0xffff  }
0x608: {  	v50 =	vld.idx.msk [tilespmem:v2+s11+$0x0], $0xffff;
	v2 =	vadd.s32 v6, v9  }
0x609: {  	v5 =	vld [tilespmem:s25+$0x1D0]  }
0x60a: {  	v49 =	vld.idx.msk [tilespmem:v8+s11+$0x0], $0xffff  }
0x60b: {  	v48 =	vld.idx.msk [tilespmem:v3+s11+$0x0], $0xffff  }
0x60c: {  	v56 =	vld.idx.msk [tilespmem:v4+s11+$0x0], $0xffff;
	[tilespmem:$0x1F800] =	vst v0  }
0x60d: {  	v1 =	vld.idx.msk [tilespmem:v2+s11+$0x0], $0xffff;
	_ =	sdelay $0x2  }
0x60e: {  	s26 =	simm.s32 $0x14680;
	v5 =	vadd.s32 v10, v5  }
0x60f: {  	s24 =	simm.s32 $0x38;
	v0 =	vld [tilespmem:s26+$0x300]  }
0x610: {  	v2 =	vmov s24;
	[tilespmem:$0x1F7E0] =	vst v1  }
0x611: {  	v2 =	vshll.u32 v2, $0x7;
	v3 =	vld [tilespmem:s26+$0x310]  }
0x612: {  	v2 =	vbroadcast v2, $0x0;
	v4 =	vld [tilespmem:s26+$0x320]  }
0x613: {  	v1 =	vld.idx.msk [tilespmem:v5+s11+$0x0], $0xffff  }
0x614: {  	v0 =	vadd.s32 v2, v0;
	v6 =	vld [tilespmem:s26+$0x330]  }
0x615: {  	v8 =	vld [tilespmem:s26+$0x340]  }
0x616: {  	v9 =	vld [tilespmem:s26+$0x350]  }
0x617: {  	v10 =	vld [tilespmem:s26+$0x360]  }
0x618: {  	v11 =	vld [tilespmem:s26+$0x370];
	v4 =	vadd.s32 v2, v4;
	[tilespmem:$0x1F7F0] =	vst v1  }
0x619: {  	v38 =	vld.idx.msk [tilespmem:v0+s11+$0x0], $0xffff  }
0x61a: {  	v0 =	vadd.s32 v2, v8;
	v21 =	vld [tilespmem:s26+$0x380];
	_ =	sdelay $0x1  }
0x61b: {  	v3 =	vadd.s32 v2, v3  }
0x61c: {  	v37 =	vld.idx.msk [tilespmem:v4+s11+$0x0], $0xffff;
	v4 =	vadd.s32 v2, v11  }
0x61d: {  	v22 =	vld [tilespmem:s26+$0x0]  }
0x61e: {  	v40 =	vld.idx.msk [tilespmem:v0+s11+$0x0], $0xffff;
	v0 =	vadd.s32 v2, v21  }
0x61f: {  	v28 =	vld [tilespmem:s26+$0x10]  }
0x620: {  	v35 =	vld.idx.msk [tilespmem:v3+s11+$0x0], $0xffff;
	v3 =	vadd.s32 v2, v10  }
0x621: {  	v44 =	vld.idx.msk [tilespmem:v4+s11+$0x0], $0xffff  }
0x622: {  	v4 =	vld [tilespmem:s26+$0x3A0]  }
0x623: {  	v46 =	vld.idx.msk [tilespmem:v0+s11+$0x0], $0xffff  }
0x624: {  	v5 =	vadd.s32 v2, v6;
	v0 =	vld [tilespmem:s26+$0x3B0]  }
0x625: {  	v42 =	vld.idx.msk [tilespmem:v3+s11+$0x0], $0xffff  }
0x626: {  	v3 =	vld [tilespmem:s26+$0x390]  }
0x627: {  	v34 =	vld [tilespmem:s26+$0x3D0]  }
0x628: {  	s31 =	simm.s32 $0x20;
	v51 =	vld [tilespmem:s26+$0x100];
	v4 =	vadd.s32 v2, v4  }
0x629: {  	v23 =	vmov s31;
	s30 =	simm.s32 $0x28;
	v39 =	vld.idx.msk [tilespmem:v5+s11+$0x0], $0xffff;
	v0 =	vadd.s32 v2, v0  }
0x62a: {  	v24 =	vmov s30;
	v15 =	vshll.u32 v23, $0x7;
	v5 =	vld [tilespmem:s26+$0x3C0]  }
0x62b: {  	v25 =	vbroadcast v15, $0x0;
	v15 =	vshll.u32 v24, $0x7;
	v52 =	vld [tilespmem:s26+$0x110];
	v3 =	vadd.s32 v2, v3  }
0x62c: {  	v33 =	vbroadcast v15, $0x0;
	v20 =	vadd.s32 v2, v9;
	v26 =	vld [tilespmem:s26+$0x200]  }
0x62d: {  	s31 =	simm.s32 $0x30;
	v1 =	vadd.s32 v25, v22;
	v45 =	vld.idx.msk [tilespmem:v4+s11+$0x0], $0xffff  }
0x62e: {  	v4 =	vadd.s32 v33, v51;
	v51 =	vld.idx.msk [tilespmem:v0+s11+$0x0], $0xffff;
	v0 =	vmov s31  }
0x62f: {  	v6 =	vld [tilespmem:s26+$0x140];
	v5 =	vadd.s32 v2, v5;
	v0 =	vshll.u32 v0, $0x7  }
0x630: {  	v43 =	vld.idx.msk [tilespmem:v3+s11+$0x0], $0xffff;
	v3 =	vadd.s32 v25, v28;
	v28 =	vbroadcast v0, $0x0  }
0x631: {  	v41 =	vld.idx.msk [tilespmem:v20+s11+$0x0], $0xffff;
	v2 =	vadd.s32 v2, v34  }
0x632: {  	v31 =	vld.idx.msk [tilespmem:v1+s11+$0x0], $0xffff;
	v0 =	vadd.s32 v28, v26  }
0x633: {  	v1 =	vld [tilespmem:s26+$0x220]  }
0x634: {  	v32 =	vadd.s32 v33, v52;
	v52 =	vld.idx.msk [tilespmem:v5+s11+$0x0], $0xffff  }
0x635: {  	v5 =	vld [tilespmem:s26+$0x40]  }
0x636: {  	v34 =	vld.idx.msk [tilespmem:v2+s11+$0x0], $0xffff  }
0x637: {  	v6 =	vadd.s32 v33, v6;
	v26 =	vld.idx.msk [tilespmem:v0+s11+$0x0], $0xffff  }
0x638: {  	v0 =	vld [tilespmem:s26+$0x120]  }
0x639: {  	v2 =	vld [tilespmem:s26+$0x30]  }
0x63a: {  	v29 =	vld.idx.msk [tilespmem:v4+s11+$0x0], $0xffff  }
0x63b: {  	v5 =	vadd.s32 v25, v5;
	v4 =	vld [tilespmem:s26+$0x210]  }
0x63c: {  	v24 =	vld.idx.msk [tilespmem:v6+s11+$0x0], $0xffff;
	v1 =	vadd.s32 v28, v1  }
0x63d: {  	v7 =	vadd.s32 v33, v0;
	v0 =	vld [tilespmem:s26+$0x240]  }
0x63e: {  	v30 =	vld.idx.msk [tilespmem:v3+s11+$0x0], $0xffff;
	v2 =	vadd.s32 v25, v2  }
0x63f: {  	v3 =	vld [tilespmem:s26+$0x130]  }
0x640: {  	v22 =	vld.idx.msk [tilespmem:v5+s11+$0x0], $0xffff;
	v4 =	vadd.s32 v28, v4  }
0x641: {  	v17 =	vld.idx.msk [tilespmem:v1+s11+$0x0], $0xffff  }
0x642: {  	v1 =	vld [tilespmem:s26+$0x50];
	v0 =	vadd.s32 v28, v0  }
0x643: {  	v20 =	vld.idx.msk [tilespmem:v2+s11+$0x0], $0xffff  }
0x644: {  	v2 =	vld [tilespmem:s26+$0x150]  }
0x645: {  	v18 =	vld.idx.msk [tilespmem:v4+s11+$0x0], $0xffff  }
0x646: {  	v4 =	vld [tilespmem:$0x1F5B0]  }
0x647: {  	v23 =	vld.idx.msk [tilespmem:v0+s11+$0x0], $0xffff  }
0x648: {  	v0 =	vld [tilespmem:$0x1F5A0]  }
0x649: {  	v5 =	vld [tilespmem:$0x1F5C0];
	v3 =	vadd.s32 v33, v3  }
0x64a: {  	v6 =	vadd.s32 v25, v1;
	v1 =	vld [tilespmem:s26+$0x160]  }
0x64b: {  	v19 =	vld.idx.msk [tilespmem:v7+s11+$0x0], $0xffff  }
0x64c: {  	v7 =	vadd.s32 v33, v2;
	v2 =	vld [tilespmem:$0x1F5D0]  }
0x64d: {  	v0 =	vmul.f32 v4, v0  }
0x64e: {  	v21 =	vld.idx.msk [tilespmem:v3+s11+$0x0], $0xffff  }
0x64f: {  	v3 =	vld [tilespmem:s26+$0x250];
	v0 =	vmul.f32 v5, v0  }
0x650: {  	v12 =	vadd.s32 v33, v1;
	v1 =	vld [tilespmem:$0x1F5E0]  }
0x651: {  	v0 =	vmul.f32 v2, v0;
	v2 =	vld [tilespmem:$0x1F5F0];
	_ =	sdelay $0x2  }
0x652: {  	v10 =	vadd.s32 v28, v3;
	v3 =	vld [tilespmem:$0x1F610]  }
0x653: {  	v0 =	vmul.f32 v16, v0;
	v16 =	vld.idx.msk [tilespmem:v6+s11+$0x0], $0xffff  }
0x654: {  	v1 =	vmul.f32 v2, v1;
	v2 =	vld [tilespmem:$0x1F600]  }
0x655: {  	v6 =	vld [tilespmem:$0x1F650];
	_ =	sdelay $0x2  }
0x656: {  	v4 =	vld [tilespmem:s26+$0x60]  }
0x657: {  	v2 =	vmul.f32 v3, v2;
	v3 =	vld [tilespmem:$0x1F620]  }
0x658: {  	v1 =	vmul.f32 v6, v1;
	v6 =	vld [tilespmem:$0x1F660];
	_ =	sdelay $0x1  }
0x659: {  	v5 =	vld [tilespmem:s26+$0x260]  }
0x65a: {  	v13 =	vadd.s32 v25, v4;
	v4 =	vld [tilespmem:$0x1F640]  }
0x65b: {  	v0 =	vmul.f32 v3, v0;
	v3 =	vld [tilespmem:$0x1F630]  }
0x65c: {  	v2 =	vmul.f32 v6, v2;
	v6 =	vld [tilespmem:$0x1F670];
	_ =	sdelay $0x1  }
0x65d: {  	v5 =	vadd.s32 v28, v5;
	_ =	sdelay $0x1  }
0x65e: {  	v3 =	vmul.f32 v4, v3  }
0x65f: {  	v0 =	vmul.f32 v6, v0;
	v6 =	vld [tilespmem:$0x1F680]  }
0x660: {  	v3 =	vmul.f32 v14, v3;
	v14 =	vld.idx.msk [tilespmem:v12+s11+$0x0], $0xffff  }
0x661: {  	v12 =	vld.idx.msk [tilespmem:v5+s11+$0x0], $0xffff  }
0x662: {  	v5 =	vld [tilespmem:$0x1F6C0];
	_ =	sdelay $0x2  }
0x663: {  	v1 =	vmul.f32 v6, v1;
	v6 =	vld [tilespmem:$0x1F690]  }
0x664: {  	v4 =	vld [tilespmem:s26+$0x80]  }
0x665: {  	v1 =	vmul.f32 v5, v1;
	v5 =	vld [tilespmem:$0x1F6D0];
	_ =	sdelay $0x2  }
0x666: {  	v2 =	vmul.f32 v6, v2;
	v6 =	vld [tilespmem:$0x1F6A0];
	_ =	sdelay $0x1  }
0x667: {  	v2 =	vmul.f32 v5, v2;
	v5 =	vadd.s32 v25, v4;
	v4 =	vld [tilespmem:$0x1F6E0];
	_ =	sdelay $0x2  }
0x668: {  	v0 =	vmul.f32 v6, v0;
	v6 =	vld [tilespmem:$0x1F6B0];
	_ =	sdelay $0x1  }
0x669: {  	v0 =	vmul.f32 v4, v0;
	v4 =	vld [tilespmem:$0x1F6F0];
	_ =	sdelay $0x2  }
0x66a: {  	v3 =	vmul.f32 v6, v3;
	_ =	sdelay $0x1  }
0x66b: {  	v3 =	vmul.f32 v4, v3;
	v4 =	vld [tilespmem:$0x1F700];
	_ =	sdelay $0x4  }
0x66c: {  	v1 =	vmul.f32 v4, v1;
	v4 =	vld [tilespmem:$0x1F710];
	_ =	sdelay $0x4  }
0x66d: {  	v2 =	vmul.f32 v4, v2;
	v4 =	vld [tilespmem:$0x1F720]  }
0x66e: {  	v15 =	vld.idx.msk [tilespmem:v7+s11+$0x0], $0xffff  }
0x66f: {  	v7 =	vld [tilespmem:$0x1F760];
	_ =	sdelay $0x1  }
0x670: {  	v8 =	vld [tilespmem:s26+$0x70]  }
0x671: {  	v0 =	vmul.f32 v4, v0;
	v4 =	vld [tilespmem:$0x1F730]  }
0x672: {  	v9 =	vld [tilespmem:s26+$0x170]  }
0x673: {  	v0 =	vmul.f32 v7, v0;
	v7 =	vld [tilespmem:$0x1F770];
	_ =	sdelay $0x1  }
0x674: {  	v36 =	vld [tilespmem:s26+$0x20]  }
0x675: {  	v27 =	vld.idx.msk [tilespmem:v32+s11+$0x0], $0xffff;
	v3 =	vmul.f32 v4, v3  }
0x676: {  	v8 =	vadd.s32 v25, v8;
	v6 =	vld [tilespmem:$0x1F740]  }
0x677: {  	v9 =	vadd.s32 v33, v9;
	v3 =	vmul.f32 v7, v3;
	v7 =	vld.idx.msk [tilespmem:v5+s11+$0x0], $0xffff  }
0x678: {  	v5 =	vld [tilespmem:$0x1F780]  }
0x679: {  	v32 =	vadd.s32 v25, v36;
	v36 =	vld [tilespmem:s26+$0x230]  }
0x67a: {  	v11 =	vld [tilespmem:s26+$0x270]  }
0x67b: {  	v35 =	vmul.f32 v35, v38;
	v8 =	vld.idx.msk [tilespmem:v8+s11+$0x0], $0xffff;
	v1 =	vmul.f32 v6, v1  }
0x67c: {  	v9 =	vld.idx.msk [tilespmem:v9+s11+$0x0], $0xffff  }
0x67d: {  	v35 =	vmul.f32 v37, v35;
	v1 =	vmul.f32 v5, v1;
	v5 =	vld [tilespmem:$0x1F790]  }
0x67e: {  	v32 =	vld.idx.msk [tilespmem:v32+s11+$0x0], $0xffff;
	v36 =	vadd.s32 v28, v36  }
0x67f: {  	v35 =	vmul.f32 v39, v35;
	v1 =	vmul.f32 v62, v1;
	v62 =	vld [tilespmem:$0x1F7B0]  }
0x680: {  	v11 =	vadd.s32 v28, v11;
	v6 =	vld [tilespmem:$0x1F750]  }
0x681: {  	v35 =	vmul.f32 v40, v35;
	v40 =	vld [tilespmem:s26+$0x1C0]  }
0x682: {  	v0 =	vmul.f32 v5, v0;
	v5 =	vld [tilespmem:$0x1F7A0]  }
0x683: {  	v36 =	vld.idx.msk [tilespmem:v36+s11+$0x0], $0xffff  }
0x684: {  	v1 =	vmul.f32 v60, v1;
	v0 =	vmul.f32 v62, v0;
	v62 =	vld [tilespmem:$0x1F7C0]  }
0x685: {  	v11 =	vld.idx.msk [tilespmem:v11+s11+$0x0], $0xffff;
	v2 =	vmul.f32 v6, v2  }
0x686: {  	v6 =	vld [tilespmem:s26+$0x280];
	v1 =	vmul.f32 v54, v1  }
0x687: {  	v10 =	vld.idx.msk [tilespmem:v10+s11+$0x0], $0xffff;
	v2 =	vmul.f32 v63, v2;
	v3 =	vmul.f32 v5, v3  }
0x688: {  	v30 =	vmul.f32 v30, v31;
	v1 =	vmul.f32 v49, v1;
	v5 =	vld [tilespmem:s26+$0x90]  }
0x689: {  	v2 =	vmul.f32 v61, v2;
	v3 =	vmul.f32 v62, v3;
	v62 =	vld [tilespmem:s26+$0x290]  }
0x68a: {  	v13 =	vld.idx.msk [tilespmem:v13+s11+$0x0], $0xffff;
	v1 =	vmul.f32 v57, v1;
	v57 =	vmul.f32 v41, v35  }
0x68b: {  	v63 =	vld [tilespmem:s25+$0x2D0];
	v6 =	vadd.s32 v28, v6;
	v3 =	vmul.f32 v58, v3;
	v58 =	vmul.f32 v32, v30  }
0x68c: {  	v18 =	vmul.f32 v18, v26;
	v61 =	vld [tilespmem:s26+$0x190];
	v2 =	vmul.f32 v59, v2  }
0x68d: {  	v4 =	vld [tilespmem:s26+$0x180];
	v26 =	vmul.f32 v42, v57;
	v5 =	vadd.s32 v25, v5;
	v20 =	vmul.f32 v20, v58  }
0x68e: {  	v59 =	vld [tilespmem:s26+$0xA0];
	v2 =	vmul.f32 v53, v2;
	v62 =	vadd.s32 v28, v62  }
0x68f: {  	s25 =	simm.s32 $0x18AF0;
	v53 =	vld [tilespmem:s26+$0x2A0];
	v26 =	vmul.f32 v44, v26;
	v20 =	vmul.f32 v22, v20  }
0x690: {  	v27 =	vmul.f32 v27, v29;
	v6 =	vld.idx.msk [tilespmem:v6+s11+$0x0], $0xffff;
	[tilespmem:s25+$0xFFFFFFF0] =	vst v0  }
0x691: {  	v57 =	vld [tilespmem:$0x1F7D0];
	v49 =	vmul.f32 v46, v26;
	v16 =	vmul.f32 v16, v20  }
0x692: {  	v19 =	vmul.f32 v19, v27;
	v2 =	vmul.f32 v50, v2;
	v4 =	vadd.s32 v33, v4;
	v5 =	vld.idx.msk [tilespmem:v5+s11+$0x0], $0xffff  }
0x693: {  	v0 =	vmul.f32 v43, v49;
	v27 =	vld.idx.msk [tilespmem:v62+s11+$0x0], $0xffff;
	v13 =	vmul.f32 v13, v16  }
0x694: {  	v2 =	vmul.f32 v56, v2;
	v62 =	vld [tilespmem:s26+$0xC0]  }
0x695: {  	v56 =	vld [tilespmem:s26+$0x2B0];
	[tilespmem:s25+$0xFFFFFF90] =	vst v1;
	v0 =	vmul.f32 v45, v0;
	v1 =	vmul.f32 v8, v13  }
0x696: {  	v17 =	vmul.f32 v17, v18;
	v61 =	vadd.s32 v33, v61;
	v60 =	vld [tilespmem:s26+$0x1A0]  }
0x697: {  	v4 =	vld.idx.msk [tilespmem:v4+s11+$0x0], $0xffff;
	[tilespmem:s25+$0xFFFFFFB0] =	vst v2;
	v0 =	vmul.f32 v51, v0;
	v1 =	vmul.f32 v7, v1  }
0x698: {  	v17 =	vmul.f32 v36, v17;
	v19 =	vmul.f32 v21, v19;
	v59 =	vadd.s32 v25, v59;
	v54 =	vld [tilespmem:s26+$0x1B0];
	[tilespmem:s25+$0x0] =	vst v57  }
0x699: {  	v58 =	vadd.s32 v25, v62;
	v62 =	vmul.f32 v52, v0;
	v0 =	vmul.f32 v5, v1;
	v5 =	vld [tilespmem:$0x1F7E0]  }
0x69a: {  	v19 =	vmul.f32 v24, v19;
	v17 =	vmul.f32 v23, v17;
	v41 =	vld [tilespmem:s26+$0x2C0]  }
0x69b: {  	v60 =	vadd.s32 v33, v60;
	v42 =	vadd.s32 v55, v63;
	v55 =	vadd.s32 v28, v56;
	v56 =	vld [tilespmem:s26+$0xD0]  }
0x69c: {  	v15 =	vmul.f32 v15, v19;
	v32 =	vld.idx.msk [tilespmem:v61+s11+$0x0], $0xffff  }
0x69d: {  	v10 =	vmul.f32 v10, v17;
	v3 =	vmul.f32 v47, v3;
	v47 =	vld [tilespmem:s26+$0xB0]  }
0x69e: {  	v44 =	vld.idx.msk [tilespmem:v59+s11+$0x0], $0xffff;
	[tilespmem:s25+$0xFFFFFFA0] =	vst v5  }
0x69f: {  	v14 =	vmul.f32 v14, v15;
	v10 =	vmul.f32 v12, v10;
	v61 =	vadd.s32 v28, v53;
	v5 =	vld [tilespmem:$0x1F7F0]  }
0x6a0: {  	v18 =	vld.idx.msk [tilespmem:v60+s11+$0x0], $0xffff  }
0x6a1: {  	v9 =	vmul.f32 v9, v14;
	v10 =	vmul.f32 v11, v10;
	v53 =	vadd.s32 v33, v54;
	v59 =	vld [tilespmem:s26+$0x1D0]  }
0x6a2: {  	v60 =	vld [tilespmem:s26+$0x2D0];
	v50 =	vadd.s32 v25, v47  }
0x6a3: {  	v2 =	vmul.f32 v4, v9;
	v4 =	vmul.f32 v6, v10;
	v10 =	vld.idx.msk [tilespmem:v55+s11+$0x0], $0xffff;
	v8 =	vadd.s32 v33, v40  }
0x6a4: {  	v54 =	vld.idx.msk [tilespmem:v61+s11+$0x0], $0xffff;
	[tilespmem:s25+$0xFFFFFFC0] =	vst v5  }
0x6a5: {  	v9 =	vadd.s32 v25, v56;
	v5 =	vld [tilespmem:$0x1F800]  }
0x6a6: {  	v11 =	vadd.s32 v28, v41;
	v17 =	vld.idx.msk [tilespmem:v53+s11+$0x0], $0xffff  }
0x6a7: {  	v61 =	vld.idx.msk [tilespmem:v50+s11+$0x0], $0xffff;
	v4 =	vmul.f32 v27, v4  }
0x6a8: {  	v3 =	vmul.f32 v48, v3;
	v1 =	vadd.s32 v33, v59;
	v6 =	vld.idx.msk [tilespmem:v8+s11+$0x0], $0xffff  }
0x6a9: {  	v2 =	vmul.f32 v32, v2;
	v63 =	vmul.f32 v54, v4;
	v7 =	vld.idx.msk [tilespmem:v58+s11+$0x0], $0xffff  }
0x6aa: {  	s26 =	simm.s32 $0x18B70;
	v4 =	vld.idx.msk [tilespmem:v9+s11+$0x0], $0xffff;
	v3 =	vmul.f32 v5, v3;
	v5 =	vmul.f32 v44, v0  }
0x6ab: {  	[tilespmem:s26+$0xFFFFFFF0] =	vst v62;
	v0 =	vld.idx.msk [tilespmem:v11+s11+$0x0], $0xffff;
	v11 =	vmul.f32 v18, v2  }
0x6ac: {  	v54 =	vadd.s32 v28, v60;
	[tilespmem:s26+$0x0] =	vst v34;
	v2 =	vld.idx.msk [tilespmem:v42+s11+$0x0], $0xffff;
	v8 =	vmul.f32 v61, v5  }
0x6ad: {  	s28 =	simm.s32 $0x4;
	s29 =	simm.s32 $0x14A80;
	[tilespmem:s25+$0xFFFFFFD0] =	vst v3;
	v9 =	vmul.f32 v17, v11;
	v5 =	vld.idx.msk [tilespmem:v1+s11+$0x0], $0xffff;
	v3 =	vmul.f32 v10, v63  }
.LBB2_6:
0x6ae: {  	v1 =	vld [tilespmem:s29+$0x300];
	v7 =	vmul.f32 v7, v8;
	s24 =	sadd.s32 $0x20, s24  }
0x6af: {  	s28 =	sadd.s32 $0x4, s28;
	v6 =	vmul.f32 v6, v9;
	s0 =	sadd.s32 $0xFFFFFFF0, s24;
	s30 =	sadd.s32 $0xFFFFFFF8, s24;
	v8 =	vmov s24;
	v10 =	vld [tilespmem:s29+$0x310]  }
0x6b0: {  	s31 =	sadd.s32 $0xFFFFFFE8, s24;
	p0 =	slt.u32 s28, $0x1C;
	v9 =	vld [tilespmem:s29+$0x0];
	v11 =	vmov s0;
	v12 =	vmov s30;
	v8 =	vshll.u32 v8, $0x7;
	[tilespmem:s26+$0xFFFFFF90] =	vst v7  }
0x6b1: {  	v7 =	vmov s31;
	v11 =	vshll.u32 v11, $0x7;
	v8 =	vbroadcast v8, $0x0;
	v13 =	vld [tilespmem:s29+$0x320];
	[tilespmem:s26+$0xFFFFFFB0] =	vst v6  }
0x6b2: {  	v6 =	vshll.u32 v7, $0x7;
	v7 =	vld [tilespmem:s29+$0x10];
	v55 =	vbroadcast v11, $0x0;
	v11 =	vshll.u32 v12, $0x7;
	[tilespmem:s26+$0xFFFFFFA0] =	vst v4  }
0x6b3: {  	v58 =	vbroadcast v6, $0x0;
	v56 =	vbroadcast v11, $0x0;
	v1 =	vadd.s32 v8, v1;
	v4 =	vld [tilespmem:s29+$0x330];
	[tilespmem:s26+$0xFFFFFFC0] =	vst v5  }
0x6b4: {  	v57 =	vmul.f32 v0, v3;
	v5 =	vld [tilespmem:s29+$0x100];
	v6 =	vadd.s32 v8, v10;
	[tilespmem:s25+$0xFFFFFFE0] =	vst v2;
	s25 =	smov.u32 s26  }
0x6b5: {  	v0 =	vadd.s32 v58, v9;
	v2 =	vld [tilespmem:s29+$0x340]  }
0x6b6: {  	v3 =	vadd.s32 v8, v13;
	v9 =	vld [tilespmem:s29+$0x360]  }
0x6b7: {  	v7 =	vadd.s32 v58, v7;
	v10 =	vld [tilespmem:s29+$0x350]  }
0x6b8: {  	v1 =	vld.idx.msk [tilespmem:v1+s11+$0x0], $0xffff;
	v4 =	vadd.s32 v8, v4  }
0x6b9: {  	v5 =	vadd.s32 v55, v5;
	v6 =	vld.idx.msk [tilespmem:v6+s11+$0x0], $0xffff  }
0x6ba: {  	v2 =	vadd.s32 v8, v2;
	v11 =	vld [tilespmem:s29+$0x370]  }
0x6bb: {  	v3 =	vld.idx.msk [tilespmem:v3+s11+$0x0], $0xffff  }
0x6bc: {  	v10 =	vadd.s32 v8, v10;
	v12 =	vld [tilespmem:s29+$0x380]  }
0x6bd: {  	v4 =	vld.idx.msk [tilespmem:v4+s11+$0x0], $0xffff  }
0x6be: {  	v9 =	vadd.s32 v8, v9;
	v13 =	vld [tilespmem:s29+$0x390]  }
0x6bf: {  	v1 =	vmul.f32 v6, v1;
	v2 =	vld.idx.msk [tilespmem:v2+s11+$0x0], $0xffff  }
0x6c0: {  	v6 =	vadd.s32 v8, v11;
	v11 =	vld [tilespmem:s29+$0x3A0]  }
0x6c1: {  	v1 =	vmul.f32 v3, v1;
	v3 =	vld.idx.msk [tilespmem:v10+s11+$0x0], $0xffff  }
0x6c2: {  	v10 =	vadd.s32 v8, v12;
	v12 =	vld [tilespmem:s29+$0x3B0]  }
0x6c3: {  	v1 =	vmul.f32 v4, v1;
	v4 =	vld.idx.msk [tilespmem:v9+s11+$0x0], $0xffff  }
0x6c4: {  	v9 =	vadd.s32 v8, v13;
	v13 =	vld [tilespmem:s29+$0x3C0]  }
0x6c5: {  	v1 =	vmul.f32 v2, v1;
	v2 =	vld.idx.msk [tilespmem:v6+s11+$0x0], $0xffff  }
0x6c6: {  	v11 =	vadd.s32 v8, v11;
	v6 =	vld [tilespmem:s29+$0x110]  }
0x6c7: {  	v1 =	vmul.f32 v3, v1;
	v3 =	vld.idx.msk [tilespmem:v10+s11+$0x0], $0xffff  }
0x6c8: {  	v12 =	vadd.s32 v8, v12;
	v10 =	vld [tilespmem:s29+$0x200]  }
0x6c9: {  	v1 =	vmul.f32 v4, v1;
	v4 =	vld.idx.msk [tilespmem:v9+s11+$0x0], $0xffff  }
0x6ca: {  	v13 =	vadd.s32 v8, v13;
	v9 =	vld [tilespmem:s29+$0x210]  }
0x6cb: {  	v1 =	vmul.f32 v2, v1;
	v6 =	vadd.s32 v55, v6;
	v2 =	vld.idx.msk [tilespmem:v11+s11+$0x0], $0xffff  }
0x6cc: {  	v11 =	vld [tilespmem:s29+$0x3D0]  }
0x6cd: {  	v1 =	vmul.f32 v3, v1;
	v10 =	vadd.s32 v56, v10;
	v3 =	vld.idx.msk [tilespmem:v12+s11+$0x0], $0xffff  }
0x6ce: {  	v12 =	vld [tilespmem:s29+$0x20]  }
0x6cf: {  	v1 =	vmul.f32 v4, v1;
	v9 =	vadd.s32 v56, v9;
	v4 =	vld.idx.msk [tilespmem:v13+s11+$0x0], $0xffff  }
0x6d0: {  	v13 =	vld [tilespmem:s29+$0x120]  }
0x6d1: {  	v1 =	vmul.f32 v2, v1;
	v14 =	vld [tilespmem:s29+$0x220]  }
0x6d2: {  	v8 =	vadd.s32 v8, v11;
	v2 =	vld [tilespmem:s29+$0x30]  }
0x6d3: {  	v1 =	vmul.f32 v3, v1;
	v11 =	vadd.s32 v58, v12;
	v12 =	vld [tilespmem:s29+$0x130]  }
0x6d4: {  	v3 =	vld [tilespmem:s29+$0x230]  }
0x6d5: {  	v1 =	vmul.f32 v4, v1;
	v0 =	vld.idx.msk [tilespmem:v0+s11+$0x0], $0xffff;
	v13 =	vadd.s32 v55, v13  }
0x6d6: {  	s26 =	sadd.s32 $0x80, s26;
	v4 =	vld.idx.msk [tilespmem:v7+s11+$0x0], $0xffff;
	v7 =	vadd.s32 v56, v14  }
0x6d7: {  	v2 =	vadd.s32 v58, v2;
	v8 =	vld.idx.msk [tilespmem:v8+s11+$0x0], $0xffff;
	[tilespmem:s26+$0xFFFFFFF0] =	vst v1  }
0x6d8: {  	v1 =	vld.idx.msk [tilespmem:v5+s11+$0x0], $0xffff;
	v5 =	vadd.s32 v55, v12  }
0x6d9: {  	v6 =	vld.idx.msk [tilespmem:v6+s11+$0x0], $0xffff;
	v3 =	vadd.s32 v56, v3  }
0x6da: {  	v10 =	vld.idx.msk [tilespmem:v10+s11+$0x0], $0xffff  }
0x6db: {  	v9 =	vld.idx.msk [tilespmem:v9+s11+$0x0], $0xffff  }
0x6dc: {  	v0 =	vmul.f32 v4, v0;
	v4 =	vld [tilespmem:s29+$0x40]  }
0x6dd: {  	v12 =	vld [tilespmem:s29+$0x140];
	[tilespmem:s26+$0x0] =	vst v8  }
0x6de: {  	v8 =	vld [tilespmem:s29+$0x240]  }
0x6df: {  	v1 =	vmul.f32 v6, v1;
	v11 =	vld.idx.msk [tilespmem:v11+s11+$0x0], $0xffff  }
0x6e0: {  	v6 =	vld.idx.msk [tilespmem:v13+s11+$0x0], $0xffff  }
0x6e1: {  	v9 =	vmul.f32 v9, v10;
	v4 =	vadd.s32 v58, v4;
	v7 =	vld.idx.msk [tilespmem:v7+s11+$0x0], $0xffff  }
0x6e2: {  	v10 =	vld [tilespmem:s29+$0x50];
	v12 =	vadd.s32 v55, v12  }
0x6e3: {  	v13 =	vld [tilespmem:s29+$0x150];
	v8 =	vadd.s32 v56, v8  }
0x6e4: {  	v14 =	vld [tilespmem:s29+$0x250]  }
0x6e5: {  	v0 =	vmul.f32 v11, v0;
	v2 =	vld.idx.msk [tilespmem:v2+s11+$0x0], $0xffff  }
0x6e6: {  	v1 =	vmul.f32 v6, v1;
	v5 =	vld.idx.msk [tilespmem:v5+s11+$0x0], $0xffff  }
0x6e7: {  	v7 =	vmul.f32 v7, v9;
	v6 =	vadd.s32 v58, v10;
	v3 =	vld.idx.msk [tilespmem:v3+s11+$0x0], $0xffff  }
0x6e8: {  	v9 =	vld [tilespmem:s29+$0x60];
	v10 =	vadd.s32 v55, v13  }
0x6e9: {  	v11 =	vld [tilespmem:s29+$0x160];
	v13 =	vadd.s32 v56, v14  }
0x6ea: {  	v14 =	vld [tilespmem:s29+$0x260]  }
0x6eb: {  	v0 =	vmul.f32 v2, v0;
	v2 =	vld.idx.msk [tilespmem:v4+s11+$0x0], $0xffff  }
0x6ec: {  	v1 =	vmul.f32 v5, v1;
	v4 =	vld.idx.msk [tilespmem:v12+s11+$0x0], $0xffff  }
0x6ed: {  	v3 =	vmul.f32 v3, v7;
	v5 =	vadd.s32 v58, v9;
	v7 =	vld.idx.msk [tilespmem:v8+s11+$0x0], $0xffff  }
0x6ee: {  	v8 =	vld [tilespmem:s29+$0x70];
	v9 =	vadd.s32 v55, v11  }
0x6ef: {  	v11 =	vld [tilespmem:s29+$0x170];
	v12 =	vadd.s32 v56, v14  }
0x6f0: {  	v14 =	vld [tilespmem:s29+$0x270]  }
0x6f1: {  	v0 =	vmul.f32 v2, v0;
	v2 =	vld.idx.msk [tilespmem:v6+s11+$0x0], $0xffff  }
0x6f2: {  	v1 =	vmul.f32 v4, v1;
	v4 =	vld.idx.msk [tilespmem:v10+s11+$0x0], $0xffff  }
0x6f3: {  	v3 =	vmul.f32 v7, v3;
	v6 =	vadd.s32 v58, v8;
	v7 =	vld.idx.msk [tilespmem:v13+s11+$0x0], $0xffff  }
0x6f4: {  	v8 =	vld [tilespmem:s29+$0x80];
	v10 =	vadd.s32 v55, v11  }
0x6f5: {  	v11 =	vld [tilespmem:s29+$0x180];
	v13 =	vadd.s32 v56, v14  }
0x6f6: {  	v14 =	vld [tilespmem:s29+$0x280]  }
0x6f7: {  	v0 =	vmul.f32 v2, v0;
	v2 =	vld.idx.msk [tilespmem:v5+s11+$0x0], $0xffff  }
0x6f8: {  	v1 =	vmul.f32 v4, v1;
	v4 =	vld.idx.msk [tilespmem:v9+s11+$0x0], $0xffff  }
0x6f9: {  	v3 =	vmul.f32 v7, v3;
	v5 =	vadd.s32 v58, v8;
	v7 =	vld.idx.msk [tilespmem:v12+s11+$0x0], $0xffff  }
0x6fa: {  	v8 =	vld [tilespmem:s29+$0x90];
	v9 =	vadd.s32 v55, v11  }
0x6fb: {  	v11 =	vld [tilespmem:s29+$0x190];
	v12 =	vadd.s32 v56, v14  }
0x6fc: {  	v14 =	vld [tilespmem:s29+$0x290]  }
0x6fd: {  	v0 =	vmul.f32 v2, v0;
	v2 =	vld.idx.msk [tilespmem:v6+s11+$0x0], $0xffff  }
0x6fe: {  	v1 =	vmul.f32 v4, v1;
	v4 =	vld.idx.msk [tilespmem:v10+s11+$0x0], $0xffff  }
0x6ff: {  	v3 =	vmul.f32 v7, v3;
	v6 =	vadd.s32 v58, v8;
	v7 =	vld.idx.msk [tilespmem:v13+s11+$0x0], $0xffff  }
0x700: {  	v8 =	vld [tilespmem:s29+$0xA0];
	v10 =	vadd.s32 v55, v11  }
0x701: {  	v11 =	vld [tilespmem:s29+$0x1A0];
	v13 =	vadd.s32 v56, v14  }
0x702: {  	v14 =	vld [tilespmem:s29+$0x2A0]  }
0x703: {  	v0 =	vmul.f32 v2, v0;
	v2 =	vld.idx.msk [tilespmem:v5+s11+$0x0], $0xffff  }
0x704: {  	v1 =	vmul.f32 v4, v1;
	v4 =	vld.idx.msk [tilespmem:v9+s11+$0x0], $0xffff  }
0x705: {  	v3 =	vmul.f32 v7, v3;
	v5 =	vadd.s32 v58, v8;
	v7 =	vld.idx.msk [tilespmem:v12+s11+$0x0], $0xffff  }
0x706: {  	v8 =	vld [tilespmem:s29+$0xB0];
	v9 =	vadd.s32 v55, v11  }
0x707: {  	v11 =	vld [tilespmem:s29+$0x1B0];
	v12 =	vadd.s32 v56, v14  }
0x708: {  	v14 =	vld [tilespmem:s29+$0x2B0]  }
0x709: {  	v0 =	vmul.f32 v2, v0;
	v2 =	vld.idx.msk [tilespmem:v6+s11+$0x0], $0xffff  }
0x70a: {  	v1 =	vmul.f32 v4, v1;
	v4 =	vld.idx.msk [tilespmem:v10+s11+$0x0], $0xffff  }
0x70b: {  	v3 =	vmul.f32 v7, v3;
	v6 =	vadd.s32 v58, v8;
	v7 =	vld.idx.msk [tilespmem:v13+s11+$0x0], $0xffff  }
0x70c: {  	v8 =	vld [tilespmem:s29+$0xC0];
	v10 =	vadd.s32 v55, v11  }
0x70d: {  	v11 =	vld [tilespmem:s29+$0x1C0];
	v13 =	vadd.s32 v56, v14  }
0x70e: {  	v14 =	vld [tilespmem:s29+$0x2C0]  }
0x70f: {  	v0 =	vmul.f32 v2, v0;
	v2 =	vld.idx.msk [tilespmem:v5+s11+$0x0], $0xffff  }
0x710: {  	v1 =	vmul.f32 v4, v1;
	v4 =	vld.idx.msk [tilespmem:v9+s11+$0x0], $0xffff  }
0x711: {  	v3 =	vmul.f32 v7, v3;
	v5 =	vadd.s32 v58, v8;
	v7 =	vld.idx.msk [tilespmem:v12+s11+$0x0], $0xffff  }
0x712: {  	v8 =	vld [tilespmem:s29+$0xD0];
	v9 =	vadd.s32 v55, v11  }
0x713: {  	v11 =	vld [tilespmem:s29+$0x1D0];
	v12 =	vadd.s32 v56, v14  }
0x714: {  	v14 =	vld [tilespmem:s29+$0x2D0]  }
0x715: {  	v2 =	vmul.f32 v2, v0;
	v15 =	vld.idx.msk [tilespmem:v6+s11+$0x0], $0xffff  }
0x716: {  	v1 =	vmul.f32 v4, v1;
	v10 =	vld.idx.msk [tilespmem:v10+s11+$0x0], $0xffff  }
0x717: {  	v3 =	vmul.f32 v7, v3;
	v4 =	vadd.s32 v58, v8;
	v13 =	vld.idx.msk [tilespmem:v13+s11+$0x0], $0xffff  }
0x718: {  	v7 =	vld.idx.msk [tilespmem:v5+s11+$0x0], $0xffff;
	v5 =	vadd.s32 v55, v11  }
.Ltmp2:
0x719: {  	v6 =	vld.idx.msk [tilespmem:v9+s11+$0x0], $0xffff;
	v9 =	vadd.s32 v56, v14;
	(pc) =	sbr.rel @p0 .LBB2_6-.Ltmp2, $4  }
0x71a: {  	v0 =	vld.idx.msk [tilespmem:v12+s11+$0x0], $0xffff  }
0x71b: {  	v8 =	vmul.f32 v15, v2;
	v2 =	vld.idx.msk [tilespmem:v54+s11+$0x0], $0xffff;
	[tilespmem:s25+$0xFFFFFFD0] =	vst v57;
	v54 =	vmov v9  }
0x71c: {  	v9 =	vmul.f32 v10, v1;
	v4 =	vld.idx.msk [tilespmem:v4+s11+$0x0], $0xffff  }
0x71d: {  	s29 =	sadd.s32 $0x400, s29;
	v3 =	vmul.f32 v13, v3;
	v5 =	vld.idx.msk [tilespmem:v5+s11+$0x0], $0xffff  }
0x71e: {  	_ = 	snop  }
0x71f: {  	v1 =	vmul.f32 v7, v8  }
0x720: {  	v6 =	vmul.f32 v6, v9  }
0x721: {  	[tilespmem:s26+$0xFFFFFF90] =	vst v1  }
0x722: {  	[tilespmem:s26+$0xFFFFFFB0] =	vst v6;
	v1 =	vld.idx.msk [tilespmem:v54+s11+$0x0], $0xffff  }
0x723: {  	v0 =	vmul.f32 v0, v3;
	[tilespmem:s25+$0xFFFFFFE0] =	vst v2  }
0x724: {  	[tilespmem:s26+$0xFFFFFFA0] =	vst v4  }
0x725: {  	[tilespmem:s26+$0xFFFFFFD0] =	vst v0  }
0x726: {  	[tilespmem:s26+$0xFFFFFFC0] =	vst v5  }
0x727: {  	[tilespmem:s26+$0xFFFFFFE0] =	vst v1  }
0x728: {  	_ =	swait.ge [sflag:s20], $0x4000  }
0x729: {  	[sflag:s20] =	ssyncset.done $0x0  }
0x72a: {  	[sflag:s20] =	ssyncadd.s32 $0xFFFFC000  }
0x72b: {  	_ =	swait.ge [sflag:s20], $0x4000  }
0x72c: {  	[sflag:s20] =	ssyncset.done $0x0  }
0x72d: {  	s25 =	simm.s32 $0x16280;
	[sflag:s20] =	ssyncadd.s32 $0xFFFFC000  }
0x72e: {  	s0 =	simm.s32 $0x18;
	v0 =	vld [tilespmem:s25+$0x300]  }
0x72f: {  	v1 =	vmov s0  }
0x730: {  	v1 =	vshll.u32 v1, $0x7  }
0x731: {  	v4 =	vbroadcast v1, $0x0;
	_ =	sdelay $0x1  }
0x732: {  	v0 =	vadd.s32 v4, v0  }
0x733: {  	v2 =	vld [tilespmem:s25+$0x310]  }
0x734: {  	v3 =	vld [tilespmem:s25+$0x0]  }
0x735: {  	v1 =	vld [tilespmem:s25+$0x320]  }
0x736: {  	v5 =	vld [tilespmem:s25+$0x10]  }
0x737: {  	v0 =	vld.idx.msk [tilespmem:v0+s16+$0x0], $0xffff  }
0x738: {  	v6 =	vld [tilespmem:s25+$0x330];
	v2 =	vadd.s32 v4, v2  }
0x739: {  	v7 =	vld [tilespmem:s25+$0x100]  }
0x73a: {  	v8 =	vld [tilespmem:s25+$0x340]  }
0x73b: {  	v10 =	vld [tilespmem:s25+$0x360]  }
0x73c: {  	v11 =	vld [tilespmem:s25+$0x350];
	[tilespmem:$0x1F330] =	vst v0  }
0x73d: {  	v9 =	vadd.s32 v4, v1;
	v1 =	vld.idx.msk [tilespmem:v2+s16+$0x0], $0xffff;
	_ =	sdelay $0x4  }
0x73e: {  	[tilespmem:$0x1F340] =	vst v1  }
0x73f: {  	v1 =	vld.idx.msk [tilespmem:v9+s16+$0x0], $0xffff  }
0x740: {  	v0 =	vadd.s32 v4, v6;
	_ =	sdelay $0x3  }
0x741: {  	v6 =	vld [tilespmem:s25+$0x370];
	[tilespmem:$0x1F350] =	vst v1  }
0x742: {  	v0 =	vld.idx.msk [tilespmem:v0+s16+$0x0], $0xffff  }
0x743: {  	v2 =	vadd.s32 v4, v8;
	v8 =	vadd.s32 v4, v11;
	_ =	sdelay $0x3  }
0x744: {  	v9 =	vld [tilespmem:s25+$0x380];
	[tilespmem:$0x1F360] =	vst v0  }
0x745: {  	v1 =	vld.idx.msk [tilespmem:v8+s16+$0x0], $0xffff  }
0x746: {  	v0 =	vadd.s32 v4, v10;
	_ =	sdelay $0x1  }
0x747: {  	v10 =	vld [tilespmem:s25+$0x390]  }
0x748: {  	v16 =	vld.idx.msk [tilespmem:v2+s16+$0x0], $0xffff  }
0x749: {  	v2 =	vadd.s32 v4, v6;
	v6 =	vld [tilespmem:s25+$0x3A0];
	[tilespmem:$0x1F3B0] =	vst v1  }
0x74a: {  	v0 =	vld.idx.msk [tilespmem:v0+s16+$0x0], $0xffff;
	_ =	sdelay $0x4  }
0x74b: {  	v8 =	vadd.s32 v4, v9;
	v9 =	vld [tilespmem:s25+$0x3B0];
	[tilespmem:$0x1F400] =	vst v0  }
0x74c: {  	v1 =	vld.idx.msk [tilespmem:v2+s16+$0x0], $0xffff;
	_ =	sdelay $0x4  }
0x74d: {  	v0 =	vadd.s32 v4, v10;
	v10 =	vld [tilespmem:s25+$0x3C0];
	[tilespmem:$0x1F430] =	vst v1  }
0x74e: {  	v1 =	vld.idx.msk [tilespmem:v8+s16+$0x0], $0xffff;
	_ =	sdelay $0x4  }
0x74f: {  	v2 =	vld [tilespmem:s25+$0x110];
	[tilespmem:$0x1F470] =	vst v1  }
0x750: {  	v0 =	vld.idx.msk [tilespmem:v0+s16+$0x0], $0xffff  }
0x751: {  	v6 =	vadd.s32 v4, v6;
	_ =	sdelay $0x3  }
0x752: {  	v8 =	vld [tilespmem:s25+$0x200];
	[tilespmem:$0x1F4B0] =	vst v0  }
0x753: {  	v1 =	vld.idx.msk [tilespmem:v6+s16+$0x0], $0xffff  }
0x754: {  	v9 =	vadd.s32 v4, v9;
	_ =	sdelay $0x3  }
0x755: {  	v0 =	vld [tilespmem:s25+$0x210];
	[tilespmem:$0x1F4F0] =	vst v1  }
0x756: {  	v1 =	vld.idx.msk [tilespmem:v9+s16+$0x0], $0xffff  }
0x757: {  	v10 =	vadd.s32 v4, v10  }
0x758: {  	s24 =	simm.s32 $0x0  }
0x759: {  	v6 =	vmov s24  }
0x75a: {  	v6 =	vshll.u32 v6, $0x7  }
0x75b: {  	v6 =	vbroadcast v6, $0x0;
	v11 =	vld [tilespmem:s25+$0x3D0];
	[tilespmem:$0x1F520] =	vst v1  }
0x75c: {  	v1 =	vld.idx.msk [tilespmem:v10+s16+$0x0], $0xffff  }
0x75d: {  	v3 =	vadd.s32 v6, v3;
	_ =	sdelay $0x3  }
0x75e: {  	v9 =	vld [tilespmem:s25+$0x20];
	[tilespmem:$0x1F540] =	vst v1  }
0x75f: {  	v1 =	vld.idx.msk [tilespmem:v3+s16+$0x0], $0xffff  }
0x760: {  	v5 =	vadd.s32 v6, v5;
	v62 =	vld [tilespmem:s25+$0x120]  }
0x761: {  	v14 =	vld [tilespmem:s25+$0x220]  }
0x762: {  	v15 =	vld [tilespmem:s25+$0x30]  }
0x763: {  	v4 =	vadd.s32 v4, v11;
	v11 =	vld [tilespmem:s25+$0x130]  }
0x764: {  	v63 =	vld [tilespmem:s25+$0x230];
	[tilespmem:$0x1F370] =	vst v1  }
0x765: {  	v1 =	vld.idx.msk [tilespmem:v5+s16+$0x0], $0xffff;
	_ =	sdelay $0x1  }
0x766: {  	s26 =	simm.s32 $0x8  }
0x767: {  	v12 =	vmov s26  }
0x768: {  	v10 =	vshll.u32 v12, $0x7  }
0x769: {  	v10 =	vbroadcast v10, $0x0;
	[tilespmem:$0x1F380] =	vst v1  }
0x76a: {  	v1 =	vld.idx.msk [tilespmem:v4+s16+$0x0], $0xffff  }
0x76b: {  	v7 =	vadd.s32 v10, v7;
	_ =	sdelay $0x3  }
0x76c: {  	[tilespmem:$0x1F560] =	vst v1  }
0x76d: {  	v1 =	vld.idx.msk [tilespmem:v7+s16+$0x0], $0xffff  }
0x76e: {  	v2 =	vadd.s32 v10, v2  }
0x76f: {  	s30 =	simm.s32 $0x10  }
0x770: {  	v13 =	vmov s30  }
0x771: {  	v13 =	vshll.u32 v13, $0x7  }
0x772: {  	v55 =	vbroadcast v13, $0x0;
	[tilespmem:$0x1F390] =	vst v1  }
0x773: {  	v1 =	vld.idx.msk [tilespmem:v2+s16+$0x0], $0xffff  }
0x774: {  	v8 =	vadd.s32 v55, v8;
	_ =	sdelay $0x3  }
0x775: {  	[tilespmem:$0x1F3A0] =	vst v1  }
0x776: {  	v1 =	vld.idx.msk [tilespmem:v8+s16+$0x0], $0xffff  }
0x777: {  	v0 =	vadd.s32 v55, v0;
	_ =	sdelay $0x3  }
0x778: {  	[tilespmem:$0x1F3C0] =	vst v1  }
0x779: {  	v0 =	vld.idx.msk [tilespmem:v0+s16+$0x0], $0xffff  }
0x77a: {  	v2 =	vadd.s32 v6, v9;
	_ =	sdelay $0x3  }
0x77b: {  	[tilespmem:$0x1F3D0] =	vst v0  }
0x77c: {  	v1 =	vld.idx.msk [tilespmem:v2+s16+$0x0], $0xffff  }
0x77d: {  	v3 =	vadd.s32 v10, v62;
	_ =	sdelay $0x1  }
0x77e: {  	v4 =	vld [tilespmem:s25+$0x40]  }
0x77f: {  	v5 =	vld [tilespmem:s25+$0x140]  }
0x780: {  	v7 =	vld [tilespmem:s25+$0x240];
	[tilespmem:$0x1F3E0] =	vst v1  }
0x781: {  	v1 =	vld.idx.msk [tilespmem:v3+s16+$0x0], $0xffff  }
0x782: {  	v2 =	vadd.s32 v6, v15;
	_ =	sdelay $0x1  }
0x783: {  	v0 =	vadd.s32 v55, v14;
	_ =	sdelay $0x1  }
0x784: {  	[tilespmem:$0x1F3F0] =	vst v1  }
0x785: {  	v1 =	vld.idx.msk [tilespmem:v2+s16+$0x0], $0xffff  }
0x786: {  	v3 =	vadd.s32 v10, v11  }
0x787: {  	v14 =	vld.idx.msk [tilespmem:v0+s16+$0x0], $0xffff  }
0x788: {  	v8 =	vld [tilespmem:s25+$0x50]  }
0x789: {  	v9 =	vld [tilespmem:s25+$0x150]  }
0x78a: {  	v11 =	vld [tilespmem:s25+$0x250];
	[tilespmem:$0x1F410] =	vst v1  }
0x78b: {  	v1 =	vld.idx.msk [tilespmem:v3+s16+$0x0], $0xffff  }
0x78c: {  	v0 =	vadd.s32 v55, v63;
	_ =	sdelay $0x3  }
0x78d: {  	[tilespmem:$0x1F420] =	vst v1  }
0x78e: {  	v0 =	vld.idx.msk [tilespmem:v0+s16+$0x0], $0xffff  }
0x78f: {  	v2 =	vadd.s32 v6, v4;
	_ =	sdelay $0x3  }
0x790: {  	[tilespmem:$0x1F440] =	vst v0  }
0x791: {  	v1 =	vld.idx.msk [tilespmem:v2+s16+$0x0], $0xffff  }
0x792: {  	v3 =	vadd.s32 v10, v5;
	_ =	sdelay $0x1  }
0x793: {  	v4 =	vld [tilespmem:s25+$0x60]  }
0x794: {  	v5 =	vld [tilespmem:s25+$0x160]  }
0x795: {  	v0 =	vadd.s32 v55, v7;
	v7 =	vld [tilespmem:s25+$0x260];
	[tilespmem:$0x1F450] =	vst v1  }
0x796: {  	v1 =	vld.idx.msk [tilespmem:v3+s16+$0x0], $0xffff;
	_ =	sdelay $0x4  }
0x797: {  	[tilespmem:$0x1F460] =	vst v1  }
0x798: {  	v0 =	vld.idx.msk [tilespmem:v0+s16+$0x0], $0xffff  }
0x799: {  	v2 =	vadd.s32 v6, v8;
	_ =	sdelay $0x3  }
0x79a: {  	[tilespmem:$0x1F480] =	vst v0  }
0x79b: {  	v1 =	vld.idx.msk [tilespmem:v2+s16+$0x0], $0xffff  }
0x79c: {  	v3 =	vadd.s32 v10, v9;
	_ =	sdelay $0x1  }
0x79d: {  	v8 =	vld [tilespmem:s25+$0x70]  }
0x79e: {  	v9 =	vld [tilespmem:s25+$0x170]  }
0x79f: {  	v0 =	vadd.s32 v55, v11;
	v11 =	vld [tilespmem:s25+$0x270];
	[tilespmem:$0x1F490] =	vst v1  }
0x7a0: {  	v1 =	vld.idx.msk [tilespmem:v3+s16+$0x0], $0xffff;
	_ =	sdelay $0x4  }
0x7a1: {  	[tilespmem:$0x1F4A0] =	vst v1  }
0x7a2: {  	v0 =	vld.idx.msk [tilespmem:v0+s16+$0x0], $0xffff  }
0x7a3: {  	v2 =	vadd.s32 v6, v4;
	_ =	sdelay $0x3  }
0x7a4: {  	[tilespmem:$0x1F4C0] =	vst v0  }
0x7a5: {  	v1 =	vld.idx.msk [tilespmem:v2+s16+$0x0], $0xffff  }
0x7a6: {  	v3 =	vadd.s32 v10, v5;
	_ =	sdelay $0x1  }
0x7a7: {  	v4 =	vld [tilespmem:s25+$0x80]  }
0x7a8: {  	v5 =	vld [tilespmem:s25+$0x180]  }
0x7a9: {  	v0 =	vadd.s32 v55, v7;
	v7 =	vld [tilespmem:s25+$0x280];
	[tilespmem:$0x1F4D0] =	vst v1  }
0x7aa: {  	v1 =	vld.idx.msk [tilespmem:v3+s16+$0x0], $0xffff;
	_ =	sdelay $0x4  }
0x7ab: {  	[tilespmem:$0x1F4E0] =	vst v1  }
0x7ac: {  	v0 =	vld.idx.msk [tilespmem:v0+s16+$0x0], $0xffff  }
0x7ad: {  	v2 =	vadd.s32 v6, v8;
	_ =	sdelay $0x3  }
0x7ae: {  	[tilespmem:$0x1F500] =	vst v0  }
0x7af: {  	v1 =	vld.idx.msk [tilespmem:v2+s16+$0x0], $0xffff  }
0x7b0: {  	v0 =	vadd.s32 v55, v11;
	_ =	sdelay $0x1  }
0x7b1: {  	v8 =	vld [tilespmem:s25+$0x90]  }
0x7b2: {  	v3 =	vadd.s32 v10, v9;
	v9 =	vld [tilespmem:s25+$0x190]  }
0x7b3: {  	v11 =	vld [tilespmem:s25+$0x290];
	[tilespmem:$0x1F510] =	vst v1  }
0x7b4: {  	v0 =	vld.idx.msk [tilespmem:v0+s16+$0x0], $0xffff;
	_ =	sdelay $0x4  }
0x7b5: {  	v63 =	vld.idx.msk [tilespmem:v3+s16+$0x0], $0xffff;
	[tilespmem:$0x1F530] =	vst v0;
	v0 =	vadd.s32 v55, v7;
	_ =	sdelay $0x3  }
0x7b6: {  	v2 =	vadd.s32 v6, v4  }
0x7b7: {  	v3 =	vadd.s32 v10, v5;
	v0 =	vld.idx.msk [tilespmem:v0+s16+$0x0], $0xffff  }
0x7b8: {  	v4 =	vld [tilespmem:s25+$0xA0]  }
0x7b9: {  	v5 =	vld [tilespmem:s25+$0x1A0]  }
0x7ba: {  	v7 =	vld [tilespmem:s25+$0x2A0]  }
0x7bb: {  	v62 =	vld.idx.msk [tilespmem:v2+s16+$0x0], $0xffff;
	v2 =	vadd.s32 v6, v8  }
0x7bc: {  	v61 =	vld.idx.msk [tilespmem:v3+s16+$0x0], $0xffff;
	[tilespmem:$0x1F550] =	vst v0;
	v0 =	vadd.s32 v55, v11;
	_ =	sdelay $0x2  }
0x7bd: {  	v8 =	vld [tilespmem:s25+$0xB0]  }
0x7be: {  	v3 =	vadd.s32 v10, v9;
	v60 =	vld.idx.msk [tilespmem:v2+s16+$0x0], $0xffff  }
0x7bf: {  	v58 =	vld.idx.msk [tilespmem:v0+s16+$0x0], $0xffff  }
0x7c0: {  	v0 =	vld [tilespmem:s25+$0xC0]  }
0x7c1: {  	v2 =	vadd.s32 v6, v4;
	v4 =	vadd.s32 v55, v7;
	v7 =	vld [tilespmem:s25+$0x2C0]  }
0x7c2: {  	v9 =	vld [tilespmem:s25+$0x1B0]  }
0x7c3: {  	v59 =	vld.idx.msk [tilespmem:v3+s16+$0x0], $0xffff;
	v3 =	vadd.s32 v10, v5  }
0x7c4: {  	v11 =	vld [tilespmem:s25+$0x2B0]  }
0x7c5: {  	v5 =	vld [tilespmem:s25+$0x1C0];
	v0 =	vadd.s32 v6, v0  }
0x7c6: {  	v54 =	vld.idx.msk [tilespmem:v2+s16+$0x0], $0xffff;
	v7 =	vadd.s32 v55, v7  }
0x7c7: {  	v2 =	vadd.s32 v10, v9;
	v9 =	vld [tilespmem:s25+$0xD0]  }
0x7c8: {  	v53 =	vld.idx.msk [tilespmem:v3+s16+$0x0], $0xffff  }
0x7c9: {  	v8 =	vadd.s32 v6, v8;
	v47 =	vld.idx.msk [tilespmem:v4+s16+$0x0], $0xffff  }
0x7ca: {  	v3 =	vadd.s32 v55, v11;
	v57 =	vld.idx.msk [tilespmem:v0+s16+$0x0], $0xffff  }
0x7cb: {  	v4 =	vadd.s32 v10, v5;
	v0 =	vld.idx.msk [tilespmem:v7+s16+$0x0], $0xffff  }
0x7cc: {  	v50 =	vld.idx.msk [tilespmem:v2+s16+$0x0], $0xffff;
	v2 =	vadd.s32 v6, v9  }
0x7cd: {  	v5 =	vld [tilespmem:s25+$0x1D0]  }
0x7ce: {  	v49 =	vld.idx.msk [tilespmem:v8+s16+$0x0], $0xffff  }
0x7cf: {  	v48 =	vld.idx.msk [tilespmem:v3+s16+$0x0], $0xffff  }
0x7d0: {  	v56 =	vld.idx.msk [tilespmem:v4+s16+$0x0], $0xffff;
	[tilespmem:$0x1F590] =	vst v0  }
0x7d1: {  	v1 =	vld.idx.msk [tilespmem:v2+s16+$0x0], $0xffff;
	_ =	sdelay $0x2  }
0x7d2: {  	s26 =	simm.s32 $0x16680;
	v5 =	vadd.s32 v10, v5  }
0x7d3: {  	s24 =	simm.s32 $0x38;
	v0 =	vld [tilespmem:s26+$0x300]  }
0x7d4: {  	v2 =	vmov s24;
	[tilespmem:$0x1F570] =	vst v1  }
0x7d5: {  	v2 =	vshll.u32 v2, $0x7;
	v3 =	vld [tilespmem:s26+$0x310]  }
0x7d6: {  	v2 =	vbroadcast v2, $0x0;
	v4 =	vld [tilespmem:s26+$0x320]  }
0x7d7: {  	v1 =	vld.idx.msk [tilespmem:v5+s16+$0x0], $0xffff  }
0x7d8: {  	v0 =	vadd.s32 v2, v0;
	v6 =	vld [tilespmem:s26+$0x330]  }
0x7d9: {  	v8 =	vld [tilespmem:s26+$0x340]  }
0x7da: {  	v9 =	vld [tilespmem:s26+$0x350]  }
0x7db: {  	v10 =	vld [tilespmem:s26+$0x360]  }
0x7dc: {  	v11 =	vld [tilespmem:s26+$0x370];
	[tilespmem:$0x1F580] =	vst v1  }
0x7dd: {  	v3 =	vadd.s32 v2, v3;
	v37 =	vld.idx.msk [tilespmem:v0+s16+$0x0], $0xffff  }
0x7de: {  	v4 =	vadd.s32 v2, v4;
	v18 =	vld [tilespmem:s26+$0x380]  }
0x7df: {  	v0 =	vadd.s32 v2, v8;
	v19 =	vld [tilespmem:s26+$0x0]  }
0x7e0: {  	v28 =	vld [tilespmem:s26+$0x10]  }
0x7e1: {  	v34 =	vld [tilespmem:s26+$0x3D0]  }
0x7e2: {  	v35 =	vld.idx.msk [tilespmem:v3+s16+$0x0], $0xffff;
	v3 =	vadd.s32 v2, v10  }
0x7e3: {  	v38 =	vld.idx.msk [tilespmem:v4+s16+$0x0], $0xffff;
	v4 =	vadd.s32 v2, v11  }
0x7e4: {  	v40 =	vld.idx.msk [tilespmem:v0+s16+$0x0], $0xffff;
	v0 =	vadd.s32 v2, v18  }
0x7e5: {  	v36 =	vld [tilespmem:s26+$0x100]  }
0x7e6: {  	v52 =	vld [tilespmem:s26+$0x110]  }
0x7e7: {  	v43 =	vld.idx.msk [tilespmem:v3+s16+$0x0], $0xffff  }
0x7e8: {  	v44 =	vld.idx.msk [tilespmem:v4+s16+$0x0], $0xffff  }
0x7e9: {  	v46 =	vld.idx.msk [tilespmem:v0+s16+$0x0], $0xffff  }
0x7ea: {  	v5 =	vadd.s32 v2, v6;
	v0 =	vld [tilespmem:s26+$0x3B0]  }
0x7eb: {  	v3 =	vld [tilespmem:s26+$0x390]  }
0x7ec: {  	v4 =	vld [tilespmem:s26+$0x3A0]  }
0x7ed: {  	s31 =	simm.s32 $0x20;
	v22 =	vld [tilespmem:s26+$0x200]  }
0x7ee: {  	v20 =	vmov s31;
	s30 =	simm.s32 $0x28;
	v17 =	vadd.s32 v2, v9;
	v23 =	vld [tilespmem:s26+$0x20]  }
0x7ef: {  	v21 =	vmov s30;
	v15 =	vshll.u32 v20, $0x7;
	v39 =	vld.idx.msk [tilespmem:v5+s16+$0x0], $0xffff;
	v0 =	vadd.s32 v2, v0  }
0x7f0: {  	v25 =	vbroadcast v15, $0x0;
	v15 =	vshll.u32 v21, $0x7;
	v5 =	vld [tilespmem:s26+$0x3C0];
	v3 =	vadd.s32 v2, v3  }
0x7f1: {  	v33 =	vbroadcast v15, $0x0;
	v6 =	vld [tilespmem:s26+$0x40];
	v4 =	vadd.s32 v2, v4  }
0x7f2: {  	v7 =	vld [tilespmem:s26+$0x140];
	v1 =	vadd.s32 v25, v19  }
0x7f3: {  	s31 =	simm.s32 $0x30;
	v41 =	vld.idx.msk [tilespmem:v17+s16+$0x0], $0xffff;
	v36 =	vadd.s32 v33, v36  }
0x7f4: {  	v51 =	vld.idx.msk [tilespmem:v0+s16+$0x0], $0xffff;
	v0 =	vmov s31  }
0x7f5: {  	v5 =	vadd.s32 v2, v5;
	v2 =	vadd.s32 v2, v34;
	v42 =	vld.idx.msk [tilespmem:v3+s16+$0x0], $0xffff;
	v0 =	vshll.u32 v0, $0x7  }
0x7f6: {  	v3 =	vadd.s32 v25, v28;
	v45 =	vld.idx.msk [tilespmem:v4+s16+$0x0], $0xffff;
	v4 =	vadd.s32 v33, v52;
	v28 =	vbroadcast v0, $0x0  }
0x7f7: {  	v32 =	vld.idx.msk [tilespmem:v1+s16+$0x0], $0xffff  }
0x7f8: {  	v30 =	vld.idx.msk [tilespmem:v36+s16+$0x0], $0xffff;
	v0 =	vadd.s32 v28, v22  }
0x7f9: {  	v1 =	vld [tilespmem:s26+$0x220]  }
0x7fa: {  	v34 =	vld.idx.msk [tilespmem:v2+s16+$0x0], $0xffff  }
0x7fb: {  	v29 =	vld.idx.msk [tilespmem:v4+s16+$0x0], $0xffff  }
0x7fc: {  	v4 =	vld [tilespmem:s26+$0x210]  }
0x7fd: {  	v6 =	vadd.s32 v25, v6;
	v27 =	vld.idx.msk [tilespmem:v0+s16+$0x0], $0xffff  }
0x7fe: {  	v0 =	vld [tilespmem:s26+$0x120]  }
0x7ff: {  	v7 =	vadd.s32 v33, v7;
	v2 =	vld [tilespmem:s26+$0x30]  }
0x800: {  	v52 =	vld.idx.msk [tilespmem:v5+s16+$0x0], $0xffff  }
0x801: {  	v5 =	vadd.s32 v28, v4;
	v4 =	vld [tilespmem:s26+$0x230]  }
0x802: {  	v24 =	vld.idx.msk [tilespmem:v6+s16+$0x0], $0xffff;
	v1 =	vadd.s32 v28, v1  }
0x803: {  	v8 =	vadd.s32 v33, v0;
	v0 =	vld [tilespmem:s26+$0x240]  }
0x804: {  	v26 =	vld.idx.msk [tilespmem:v7+s16+$0x0], $0xffff;
	v2 =	vadd.s32 v25, v2  }
0x805: {  	v31 =	vld.idx.msk [tilespmem:v3+s16+$0x0], $0xffff  }
0x806: {  	v3 =	vld [tilespmem:s26+$0x130];
	v4 =	vadd.s32 v28, v4  }
0x807: {  	v18 =	vld.idx.msk [tilespmem:v1+s16+$0x0], $0xffff  }
0x808: {  	v1 =	vld [tilespmem:s26+$0x50];
	v0 =	vadd.s32 v28, v0  }
0x809: {  	v20 =	vld.idx.msk [tilespmem:v2+s16+$0x0], $0xffff  }
0x80a: {  	v2 =	vld [tilespmem:s26+$0x150]  }
0x80b: {  	v21 =	vld.idx.msk [tilespmem:v4+s16+$0x0], $0xffff  }
0x80c: {  	v4 =	vld [tilespmem:$0x1F340]  }
0x80d: {  	v36 =	vadd.s32 v25, v23;
	v23 =	vld.idx.msk [tilespmem:v0+s16+$0x0], $0xffff  }
0x80e: {  	v0 =	vld [tilespmem:$0x1F330]  }
0x80f: {  	v3 =	vadd.s32 v33, v3;
	v17 =	vld.idx.msk [tilespmem:v5+s16+$0x0], $0xffff  }
0x810: {  	v5 =	vld [tilespmem:$0x1F350]  }
0x811: {  	v6 =	vadd.s32 v25, v1;
	v1 =	vld [tilespmem:s26+$0x160]  }
0x812: {  	v7 =	vadd.s32 v33, v2;
	v2 =	vld [tilespmem:$0x1F360]  }
0x813: {  	v0 =	vmul.f32 v4, v0  }
0x814: {  	v22 =	vld.idx.msk [tilespmem:v3+s16+$0x0], $0xffff  }
0x815: {  	v3 =	vld [tilespmem:s26+$0x250];
	v0 =	vmul.f32 v5, v0  }
0x816: {  	v12 =	vadd.s32 v33, v1;
	v1 =	vld [tilespmem:$0x1F370]  }
0x817: {  	v0 =	vmul.f32 v2, v0;
	v2 =	vld [tilespmem:$0x1F380];
	_ =	sdelay $0x2  }
0x818: {  	v10 =	vadd.s32 v28, v3;
	v3 =	vld [tilespmem:$0x1F3A0]  }
0x819: {  	v0 =	vmul.f32 v16, v0;
	v16 =	vld.idx.msk [tilespmem:v6+s16+$0x0], $0xffff  }
0x81a: {  	v1 =	vmul.f32 v2, v1;
	v2 =	vld [tilespmem:$0x1F390]  }
0x81b: {  	v6 =	vld [tilespmem:$0x1F3E0];
	_ =	sdelay $0x2  }
0x81c: {  	v4 =	vld [tilespmem:s26+$0x60]  }
0x81d: {  	v2 =	vmul.f32 v3, v2;
	v3 =	vld [tilespmem:$0x1F3B0]  }
0x81e: {  	v1 =	vmul.f32 v6, v1;
	v6 =	vld [tilespmem:$0x1F3F0];
	_ =	sdelay $0x1  }
0x81f: {  	v5 =	vld [tilespmem:s26+$0x260]  }
0x820: {  	v13 =	vadd.s32 v25, v4;
	v4 =	vld [tilespmem:$0x1F3D0]  }
0x821: {  	v0 =	vmul.f32 v3, v0;
	v3 =	vld [tilespmem:$0x1F3C0]  }
0x822: {  	v2 =	vmul.f32 v6, v2;
	v6 =	vld [tilespmem:$0x1F400];
	_ =	sdelay $0x1  }
0x823: {  	v5 =	vadd.s32 v28, v5;
	_ =	sdelay $0x1  }
0x824: {  	v3 =	vmul.f32 v4, v3  }
0x825: {  	v0 =	vmul.f32 v6, v0;
	v6 =	vld [tilespmem:$0x1F410]  }
0x826: {  	v3 =	vmul.f32 v14, v3;
	v14 =	vld.idx.msk [tilespmem:v12+s16+$0x0], $0xffff  }
0x827: {  	v12 =	vld.idx.msk [tilespmem:v5+s16+$0x0], $0xffff  }
0x828: {  	v5 =	vld [tilespmem:$0x1F450];
	_ =	sdelay $0x2  }
0x829: {  	v1 =	vmul.f32 v6, v1;
	v6 =	vld [tilespmem:$0x1F420]  }
0x82a: {  	v4 =	vld [tilespmem:s26+$0x80]  }
0x82b: {  	v1 =	vmul.f32 v5, v1;
	v5 =	vld [tilespmem:$0x1F460];
	_ =	sdelay $0x2  }
0x82c: {  	v2 =	vmul.f32 v6, v2;
	v6 =	vld [tilespmem:$0x1F430];
	_ =	sdelay $0x1  }
0x82d: {  	v2 =	vmul.f32 v5, v2;
	v5 =	vadd.s32 v25, v4;
	v4 =	vld [tilespmem:$0x1F470];
	_ =	sdelay $0x2  }
0x82e: {  	v0 =	vmul.f32 v6, v0;
	v6 =	vld [tilespmem:$0x1F440];
	_ =	sdelay $0x1  }
0x82f: {  	v0 =	vmul.f32 v4, v0;
	v4 =	vld [tilespmem:$0x1F480];
	_ =	sdelay $0x2  }
0x830: {  	v3 =	vmul.f32 v6, v3;
	_ =	sdelay $0x1  }
0x831: {  	v3 =	vmul.f32 v4, v3;
	v4 =	vld [tilespmem:$0x1F490];
	_ =	sdelay $0x4  }
0x832: {  	v1 =	vmul.f32 v4, v1;
	v4 =	vld [tilespmem:$0x1F4A0];
	_ =	sdelay $0x4  }
0x833: {  	v2 =	vmul.f32 v4, v2;
	v4 =	vld [tilespmem:$0x1F4B0]  }
0x834: {  	v15 =	vld.idx.msk [tilespmem:v7+s16+$0x0], $0xffff  }
0x835: {  	v7 =	vld [tilespmem:$0x1F4F0];
	_ =	sdelay $0x1  }
0x836: {  	v9 =	vld [tilespmem:s26+$0x170]  }
0x837: {  	v0 =	vmul.f32 v4, v0;
	v4 =	vld [tilespmem:$0x1F4C0];
	_ =	sdelay $0x1  }
0x838: {  	v0 =	vmul.f32 v7, v0;
	v7 =	vld [tilespmem:$0x1F500];
	_ =	sdelay $0x2  }
0x839: {  	v9 =	vadd.s32 v33, v9;
	v3 =	vmul.f32 v4, v3  }
0x83a: {  	v6 =	vld [tilespmem:$0x1F4D0]  }
0x83b: {  	v3 =	vmul.f32 v7, v3;
	v7 =	vld.idx.msk [tilespmem:v5+s16+$0x0], $0xffff  }
0x83c: {  	v5 =	vld [tilespmem:$0x1F510]  }
0x83d: {  	v11 =	vld [tilespmem:s26+$0x270]  }
0x83e: {  	v9 =	vld.idx.msk [tilespmem:v9+s16+$0x0], $0xffff  }
0x83f: {  	v35 =	vmul.f32 v35, v37;
	v19 =	vld.idx.msk [tilespmem:v8+s16+$0x0], $0xffff;
	v1 =	vmul.f32 v6, v1  }
0x840: {  	v8 =	vld [tilespmem:s26+$0x70]  }
0x841: {  	v35 =	vmul.f32 v38, v35;
	v1 =	vmul.f32 v5, v1;
	v5 =	vld [tilespmem:$0x1F520]  }
0x842: {  	v36 =	vld.idx.msk [tilespmem:v36+s16+$0x0], $0xffff;
	v11 =	vadd.s32 v28, v11  }
0x843: {  	v35 =	vmul.f32 v39, v35;
	v1 =	vmul.f32 v62, v1;
	v62 =	vld [tilespmem:$0x1F540]  }
0x844: {  	v6 =	vld [tilespmem:$0x1F4E0]  }
0x845: {  	v35 =	vmul.f32 v40, v35;
	v40 =	vld [tilespmem:s26+$0x1C0]  }
0x846: {  	v8 =	vadd.s32 v25, v8;
	v0 =	vmul.f32 v5, v0;
	v5 =	vld [tilespmem:$0x1F530]  }
0x847: {  	v11 =	vld.idx.msk [tilespmem:v11+s16+$0x0], $0xffff  }
0x848: {  	v1 =	vmul.f32 v60, v1;
	v0 =	vmul.f32 v62, v0;
	v62 =	vld [tilespmem:$0x1F550]  }
0x849: {  	v10 =	vld.idx.msk [tilespmem:v10+s16+$0x0], $0xffff;
	v2 =	vmul.f32 v6, v2  }
0x84a: {  	v31 =	vmul.f32 v31, v32;
	v6 =	vld [tilespmem:s26+$0x280];
	v1 =	vmul.f32 v54, v1  }
0x84b: {  	v8 =	vld.idx.msk [tilespmem:v8+s16+$0x0], $0xffff;
	v2 =	vmul.f32 v63, v2;
	v3 =	vmul.f32 v5, v3  }
0x84c: {  	v29 =	vmul.f32 v29, v30;
	v1 =	vmul.f32 v49, v1;
	v5 =	vld [tilespmem:s26+$0x90]  }
0x84d: {  	v2 =	vmul.f32 v61, v2;
	v3 =	vmul.f32 v62, v3;
	v62 =	vld [tilespmem:s26+$0x290]  }
0x84e: {  	v13 =	vld.idx.msk [tilespmem:v13+s16+$0x0], $0xffff;
	v1 =	vmul.f32 v57, v1;
	v57 =	vmul.f32 v41, v35  }
0x84f: {  	v63 =	vld [tilespmem:s25+$0x2D0];
	v6 =	vadd.s32 v28, v6;
	v3 =	vmul.f32 v58, v3;
	v58 =	vmul.f32 v36, v31  }
0x850: {  	v17 =	vmul.f32 v17, v27;
	v2 =	vmul.f32 v59, v2;
	v4 =	vld [tilespmem:s26+$0x180]  }
0x851: {  	v61 =	vld [tilespmem:s26+$0x190];
	v27 =	vmul.f32 v43, v57;
	v5 =	vadd.s32 v25, v5;
	v20 =	vmul.f32 v20, v58  }
0x852: {  	v19 =	vmul.f32 v19, v29;
	v59 =	vld [tilespmem:s26+$0xA0];
	v2 =	vmul.f32 v53, v2;
	v62 =	vadd.s32 v28, v62  }
0x853: {  	s25 =	simm.s32 $0x18EF0;
	v53 =	vld [tilespmem:s26+$0x2A0];
	v41 =	vmul.f32 v44, v27;
	v20 =	vmul.f32 v24, v20  }
0x854: {  	v19 =	vmul.f32 v22, v19;
	v6 =	vld.idx.msk [tilespmem:v6+s16+$0x0], $0xffff;
	[tilespmem:s25+$0xFFFFFFF0] =	vst v0  }
0x855: {  	v4 =	vadd.s32 v33, v4;
	v57 =	vld [tilespmem:$0x1F560];
	v22 =	vmul.f32 v46, v41;
	v16 =	vmul.f32 v16, v20  }
0x856: {  	v2 =	vmul.f32 v50, v2;
	v5 =	vld.idx.msk [tilespmem:v5+s16+$0x0], $0xffff  }
0x857: {  	v0 =	vmul.f32 v42, v22;
	v29 =	vld.idx.msk [tilespmem:v62+s16+$0x0], $0xffff;
	v13 =	vmul.f32 v13, v16  }
0x858: {  	v2 =	vmul.f32 v56, v2;
	v62 =	vld [tilespmem:s26+$0xC0]  }
0x859: {  	v59 =	vadd.s32 v25, v59;
	v56 =	vld [tilespmem:s26+$0x2B0];
	[tilespmem:s25+$0xFFFFFF90] =	vst v1;
	v0 =	vmul.f32 v45, v0;
	v1 =	vmul.f32 v8, v13  }
0x85a: {  	v4 =	vld.idx.msk [tilespmem:v4+s16+$0x0], $0xffff  }
0x85b: {  	v61 =	vadd.s32 v33, v61;
	v60 =	vld [tilespmem:s26+$0x1A0];
	[tilespmem:s25+$0xFFFFFFB0] =	vst v2;
	v0 =	vmul.f32 v51, v0;
	v1 =	vmul.f32 v7, v1  }
0x85c: {  	v17 =	vmul.f32 v18, v17;
	v54 =	vld [tilespmem:s26+$0x1B0];
	[tilespmem:s25+$0x0] =	vst v57  }
0x85d: {  	v58 =	vadd.s32 v25, v62;
	v62 =	vmul.f32 v52, v0;
	v0 =	vmul.f32 v5, v1;
	v5 =	vld [tilespmem:$0x1F570]  }
0x85e: {  	v49 =	vld.idx.msk [tilespmem:v59+s16+$0x0], $0xffff  }
0x85f: {  	v17 =	vmul.f32 v21, v17;
	v59 =	vld [tilespmem:s26+$0x1D0]  }
0x860: {  	v19 =	vmul.f32 v26, v19;
	v60 =	vadd.s32 v33, v60;
	v35 =	vld.idx.msk [tilespmem:v61+s16+$0x0], $0xffff  }
0x861: {  	v17 =	vmul.f32 v23, v17;
	v3 =	vmul.f32 v47, v3;
	v47 =	vld [tilespmem:s26+$0xB0]  }
0x862: {  	v61 =	vadd.s32 v28, v53;
	v43 =	vld [tilespmem:s26+$0x2C0];
	[tilespmem:s25+$0xFFFFFFA0] =	vst v5  }
0x863: {  	v15 =	vmul.f32 v15, v19;
	v10 =	vmul.f32 v10, v17;
	v53 =	vadd.s32 v33, v54;
	v5 =	vld [tilespmem:$0x1F580]  }
0x864: {  	v44 =	vadd.s32 v55, v63;
	v55 =	vadd.s32 v28, v56;
	v56 =	vld [tilespmem:s26+$0xD0]  }
0x865: {  	v14 =	vmul.f32 v14, v15;
	v10 =	vmul.f32 v12, v10;
	v18 =	vld.idx.msk [tilespmem:v60+s16+$0x0], $0xffff  }
0x866: {  	v60 =	vld [tilespmem:s26+$0x2D0];
	v50 =	vadd.s32 v25, v47  }
0x867: {  	v9 =	vmul.f32 v9, v14;
	v10 =	vmul.f32 v11, v10;
	v54 =	vld.idx.msk [tilespmem:v61+s16+$0x0], $0xffff;
	v8 =	vadd.s32 v33, v40  }
0x868: {  	v17 =	vld.idx.msk [tilespmem:v53+s16+$0x0], $0xffff;
	[tilespmem:s25+$0xFFFFFFC0] =	vst v5  }
0x869: {  	v2 =	vmul.f32 v4, v9;
	v4 =	vmul.f32 v6, v10;
	v9 =	vadd.s32 v25, v56;
	v5 =	vld [tilespmem:$0x1F590]  }
0x86a: {  	v11 =	vadd.s32 v28, v43;
	v10 =	vld.idx.msk [tilespmem:v55+s16+$0x0], $0xffff  }
0x86b: {  	v61 =	vld.idx.msk [tilespmem:v50+s16+$0x0], $0xffff;
	v4 =	vmul.f32 v29, v4  }
0x86c: {  	v3 =	vmul.f32 v48, v3;
	v1 =	vadd.s32 v33, v59;
	v6 =	vld.idx.msk [tilespmem:v8+s16+$0x0], $0xffff  }
0x86d: {  	v2 =	vmul.f32 v35, v2;
	v63 =	vmul.f32 v54, v4;
	v7 =	vld.idx.msk [tilespmem:v58+s16+$0x0], $0xffff  }
0x86e: {  	s26 =	simm.s32 $0x18F70;
	v4 =	vld.idx.msk [tilespmem:v9+s16+$0x0], $0xffff;
	v3 =	vmul.f32 v5, v3;
	v5 =	vmul.f32 v49, v0  }
0x86f: {  	[tilespmem:s26+$0xFFFFFFF0] =	vst v62;
	v0 =	vld.idx.msk [tilespmem:v11+s16+$0x0], $0xffff;
	v11 =	vmul.f32 v18, v2  }
0x870: {  	v54 =	vadd.s32 v28, v60;
	[tilespmem:s26+$0x0] =	vst v34;
	v2 =	vld.idx.msk [tilespmem:v44+s16+$0x0], $0xffff;
	v8 =	vmul.f32 v61, v5  }
0x871: {  	s28 =	simm.s32 $0x4;
	s29 =	simm.s32 $0x16A80;
	[tilespmem:s25+$0xFFFFFFD0] =	vst v3;
	v9 =	vmul.f32 v17, v11;
	v5 =	vld.idx.msk [tilespmem:v1+s16+$0x0], $0xffff;
	v3 =	vmul.f32 v10, v63  }
.LBB2_8:
0x872: {  	v1 =	vld [tilespmem:s29+$0x300];
	v7 =	vmul.f32 v7, v8;
	s24 =	sadd.s32 $0x20, s24  }
0x873: {  	s28 =	sadd.s32 $0x4, s28;
	v6 =	vmul.f32 v6, v9;
	s0 =	sadd.s32 $0xFFFFFFF0, s24;
	s30 =	sadd.s32 $0xFFFFFFF8, s24;
	v8 =	vmov s24;
	v10 =	vld [tilespmem:s29+$0x310]  }
0x874: {  	s31 =	sadd.s32 $0xFFFFFFE8, s24;
	p0 =	slt.u32 s28, $0x1C;
	v9 =	vld [tilespmem:s29+$0x0];
	v11 =	vmov s0;
	v12 =	vmov s30;
	v8 =	vshll.u32 v8, $0x7;
	[tilespmem:s26+$0xFFFFFF90] =	vst v7  }
0x875: {  	v7 =	vmov s31;
	v11 =	vshll.u32 v11, $0x7;
	v8 =	vbroadcast v8, $0x0;
	v13 =	vld [tilespmem:s29+$0x320];
	[tilespmem:s26+$0xFFFFFFB0] =	vst v6  }
0x876: {  	v6 =	vshll.u32 v7, $0x7;
	v7 =	vld [tilespmem:s29+$0x10];
	v55 =	vbroadcast v11, $0x0;
	v11 =	vshll.u32 v12, $0x7;
	[tilespmem:s26+$0xFFFFFFA0] =	vst v4  }
0x877: {  	v58 =	vbroadcast v6, $0x0;
	v56 =	vbroadcast v11, $0x0;
	v1 =	vadd.s32 v8, v1;
	v4 =	vld [tilespmem:s29+$0x330];
	[tilespmem:s26+$0xFFFFFFC0] =	vst v5  }
0x878: {  	v57 =	vmul.f32 v0, v3;
	v5 =	vld [tilespmem:s29+$0x100];
	v6 =	vadd.s32 v8, v10;
	[tilespmem:s25+$0xFFFFFFE0] =	vst v2;
	s25 =	smov.u32 s26  }
0x879: {  	v0 =	vadd.s32 v58, v9;
	v2 =	vld [tilespmem:s29+$0x340]  }
0x87a: {  	v3 =	vadd.s32 v8, v13;
	v9 =	vld [tilespmem:s29+$0x360]  }
0x87b: {  	v7 =	vadd.s32 v58, v7;
	v10 =	vld [tilespmem:s29+$0x350]  }
0x87c: {  	v1 =	vld.idx.msk [tilespmem:v1+s16+$0x0], $0xffff;
	v4 =	vadd.s32 v8, v4  }
0x87d: {  	v5 =	vadd.s32 v55, v5;
	v6 =	vld.idx.msk [tilespmem:v6+s16+$0x0], $0xffff  }
0x87e: {  	v2 =	vadd.s32 v8, v2;
	v11 =	vld [tilespmem:s29+$0x370]  }
0x87f: {  	v3 =	vld.idx.msk [tilespmem:v3+s16+$0x0], $0xffff  }
0x880: {  	v10 =	vadd.s32 v8, v10;
	v12 =	vld [tilespmem:s29+$0x380]  }
0x881: {  	v4 =	vld.idx.msk [tilespmem:v4+s16+$0x0], $0xffff  }
0x882: {  	v9 =	vadd.s32 v8, v9;
	v13 =	vld [tilespmem:s29+$0x390]  }
0x883: {  	v1 =	vmul.f32 v6, v1;
	v2 =	vld.idx.msk [tilespmem:v2+s16+$0x0], $0xffff  }
0x884: {  	v6 =	vadd.s32 v8, v11;
	v11 =	vld [tilespmem:s29+$0x3A0]  }
0x885: {  	v1 =	vmul.f32 v3, v1;
	v3 =	vld.idx.msk [tilespmem:v10+s16+$0x0], $0xffff  }
0x886: {  	v10 =	vadd.s32 v8, v12;
	v12 =	vld [tilespmem:s29+$0x3B0]  }
0x887: {  	v1 =	vmul.f32 v4, v1;
	v4 =	vld.idx.msk [tilespmem:v9+s16+$0x0], $0xffff  }
0x888: {  	v9 =	vadd.s32 v8, v13;
	v13 =	vld [tilespmem:s29+$0x3C0]  }
0x889: {  	v1 =	vmul.f32 v2, v1;
	v2 =	vld.idx.msk [tilespmem:v6+s16+$0x0], $0xffff  }
0x88a: {  	v11 =	vadd.s32 v8, v11;
	v6 =	vld [tilespmem:s29+$0x110]  }
0x88b: {  	v1 =	vmul.f32 v3, v1;
	v3 =	vld.idx.msk [tilespmem:v10+s16+$0x0], $0xffff  }
0x88c: {  	v12 =	vadd.s32 v8, v12;
	v10 =	vld [tilespmem:s29+$0x200]  }
0x88d: {  	v1 =	vmul.f32 v4, v1;
	v4 =	vld.idx.msk [tilespmem:v9+s16+$0x0], $0xffff  }
0x88e: {  	v13 =	vadd.s32 v8, v13;
	v9 =	vld [tilespmem:s29+$0x210]  }
0x88f: {  	v1 =	vmul.f32 v2, v1;
	v6 =	vadd.s32 v55, v6;
	v2 =	vld.idx.msk [tilespmem:v11+s16+$0x0], $0xffff  }
0x890: {  	v11 =	vld [tilespmem:s29+$0x3D0]  }
0x891: {  	v1 =	vmul.f32 v3, v1;
	v10 =	vadd.s32 v56, v10;
	v3 =	vld.idx.msk [tilespmem:v12+s16+$0x0], $0xffff  }
0x892: {  	v12 =	vld [tilespmem:s29+$0x20]  }
0x893: {  	v1 =	vmul.f32 v4, v1;
	v9 =	vadd.s32 v56, v9;
	v4 =	vld.idx.msk [tilespmem:v13+s16+$0x0], $0xffff  }
0x894: {  	v13 =	vld [tilespmem:s29+$0x120]  }
0x895: {  	v1 =	vmul.f32 v2, v1;
	v14 =	vld [tilespmem:s29+$0x220]  }
0x896: {  	v8 =	vadd.s32 v8, v11;
	v2 =	vld [tilespmem:s29+$0x30]  }
0x897: {  	v1 =	vmul.f32 v3, v1;
	v11 =	vadd.s32 v58, v12;
	v12 =	vld [tilespmem:s29+$0x130]  }
0x898: {  	v3 =	vld [tilespmem:s29+$0x230]  }
0x899: {  	v1 =	vmul.f32 v4, v1;
	v0 =	vld.idx.msk [tilespmem:v0+s16+$0x0], $0xffff;
	v13 =	vadd.s32 v55, v13  }
0x89a: {  	s26 =	sadd.s32 $0x80, s26;
	v4 =	vld.idx.msk [tilespmem:v7+s16+$0x0], $0xffff;
	v7 =	vadd.s32 v56, v14  }
0x89b: {  	v2 =	vadd.s32 v58, v2;
	v8 =	vld.idx.msk [tilespmem:v8+s16+$0x0], $0xffff;
	[tilespmem:s26+$0xFFFFFFF0] =	vst v1  }
0x89c: {  	v1 =	vld.idx.msk [tilespmem:v5+s16+$0x0], $0xffff;
	v5 =	vadd.s32 v55, v12  }
0x89d: {  	v6 =	vld.idx.msk [tilespmem:v6+s16+$0x0], $0xffff;
	v3 =	vadd.s32 v56, v3  }
0x89e: {  	v10 =	vld.idx.msk [tilespmem:v10+s16+$0x0], $0xffff  }
0x89f: {  	v9 =	vld.idx.msk [tilespmem:v9+s16+$0x0], $0xffff  }
0x8a0: {  	v0 =	vmul.f32 v4, v0;
	v4 =	vld [tilespmem:s29+$0x40]  }
0x8a1: {  	v12 =	vld [tilespmem:s29+$0x140];
	[tilespmem:s26+$0x0] =	vst v8  }
0x8a2: {  	v8 =	vld [tilespmem:s29+$0x240]  }
0x8a3: {  	v1 =	vmul.f32 v6, v1;
	v11 =	vld.idx.msk [tilespmem:v11+s16+$0x0], $0xffff  }
0x8a4: {  	v6 =	vld.idx.msk [tilespmem:v13+s16+$0x0], $0xffff  }
0x8a5: {  	v9 =	vmul.f32 v9, v10;
	v4 =	vadd.s32 v58, v4;
	v7 =	vld.idx.msk [tilespmem:v7+s16+$0x0], $0xffff  }
0x8a6: {  	v10 =	vld [tilespmem:s29+$0x50];
	v12 =	vadd.s32 v55, v12  }
0x8a7: {  	v13 =	vld [tilespmem:s29+$0x150];
	v8 =	vadd.s32 v56, v8  }
0x8a8: {  	v14 =	vld [tilespmem:s29+$0x250]  }
0x8a9: {  	v0 =	vmul.f32 v11, v0;
	v2 =	vld.idx.msk [tilespmem:v2+s16+$0x0], $0xffff  }
0x8aa: {  	v1 =	vmul.f32 v6, v1;
	v5 =	vld.idx.msk [tilespmem:v5+s16+$0x0], $0xffff  }
0x8ab: {  	v7 =	vmul.f32 v7, v9;
	v6 =	vadd.s32 v58, v10;
	v3 =	vld.idx.msk [tilespmem:v3+s16+$0x0], $0xffff  }
0x8ac: {  	v9 =	vld [tilespmem:s29+$0x60];
	v10 =	vadd.s32 v55, v13  }
0x8ad: {  	v11 =	vld [tilespmem:s29+$0x160];
	v13 =	vadd.s32 v56, v14  }
0x8ae: {  	v14 =	vld [tilespmem:s29+$0x260]  }
0x8af: {  	v0 =	vmul.f32 v2, v0;
	v2 =	vld.idx.msk [tilespmem:v4+s16+$0x0], $0xffff  }
0x8b0: {  	v1 =	vmul.f32 v5, v1;
	v4 =	vld.idx.msk [tilespmem:v12+s16+$0x0], $0xffff  }
0x8b1: {  	v3 =	vmul.f32 v3, v7;
	v5 =	vadd.s32 v58, v9;
	v7 =	vld.idx.msk [tilespmem:v8+s16+$0x0], $0xffff  }
0x8b2: {  	v8 =	vld [tilespmem:s29+$0x70];
	v9 =	vadd.s32 v55, v11  }
0x8b3: {  	v11 =	vld [tilespmem:s29+$0x170];
	v12 =	vadd.s32 v56, v14  }
0x8b4: {  	v14 =	vld [tilespmem:s29+$0x270]  }
0x8b5: {  	v0 =	vmul.f32 v2, v0;
	v2 =	vld.idx.msk [tilespmem:v6+s16+$0x0], $0xffff  }
0x8b6: {  	v1 =	vmul.f32 v4, v1;
	v4 =	vld.idx.msk [tilespmem:v10+s16+$0x0], $0xffff  }
0x8b7: {  	v3 =	vmul.f32 v7, v3;
	v6 =	vadd.s32 v58, v8;
	v7 =	vld.idx.msk [tilespmem:v13+s16+$0x0], $0xffff  }
0x8b8: {  	v8 =	vld [tilespmem:s29+$0x80];
	v10 =	vadd.s32 v55, v11  }
0x8b9: {  	v11 =	vld [tilespmem:s29+$0x180];
	v13 =	vadd.s32 v56, v14  }
0x8ba: {  	v14 =	vld [tilespmem:s29+$0x280]  }
0x8bb: {  	v0 =	vmul.f32 v2, v0;
	v2 =	vld.idx.msk [tilespmem:v5+s16+$0x0], $0xffff  }
0x8bc: {  	v1 =	vmul.f32 v4, v1;
	v4 =	vld.idx.msk [tilespmem:v9+s16+$0x0], $0xffff  }
0x8bd: {  	v3 =	vmul.f32 v7, v3;
	v5 =	vadd.s32 v58, v8;
	v7 =	vld.idx.msk [tilespmem:v12+s16+$0x0], $0xffff  }
0x8be: {  	v8 =	vld [tilespmem:s29+$0x90];
	v9 =	vadd.s32 v55, v11  }
0x8bf: {  	v11 =	vld [tilespmem:s29+$0x190];
	v12 =	vadd.s32 v56, v14  }
0x8c0: {  	v14 =	vld [tilespmem:s29+$0x290]  }
0x8c1: {  	v0 =	vmul.f32 v2, v0;
	v2 =	vld.idx.msk [tilespmem:v6+s16+$0x0], $0xffff  }
0x8c2: {  	v1 =	vmul.f32 v4, v1;
	v4 =	vld.idx.msk [tilespmem:v10+s16+$0x0], $0xffff  }
0x8c3: {  	v3 =	vmul.f32 v7, v3;
	v6 =	vadd.s32 v58, v8;
	v7 =	vld.idx.msk [tilespmem:v13+s16+$0x0], $0xffff  }
0x8c4: {  	v8 =	vld [tilespmem:s29+$0xA0];
	v10 =	vadd.s32 v55, v11  }
0x8c5: {  	v11 =	vld [tilespmem:s29+$0x1A0];
	v13 =	vadd.s32 v56, v14  }
0x8c6: {  	v14 =	vld [tilespmem:s29+$0x2A0]  }
0x8c7: {  	v0 =	vmul.f32 v2, v0;
	v2 =	vld.idx.msk [tilespmem:v5+s16+$0x0], $0xffff  }
0x8c8: {  	v1 =	vmul.f32 v4, v1;
	v4 =	vld.idx.msk [tilespmem:v9+s16+$0x0], $0xffff  }
0x8c9: {  	v3 =	vmul.f32 v7, v3;
	v5 =	vadd.s32 v58, v8;
	v7 =	vld.idx.msk [tilespmem:v12+s16+$0x0], $0xffff  }
0x8ca: {  	v8 =	vld [tilespmem:s29+$0xB0];
	v9 =	vadd.s32 v55, v11  }
0x8cb: {  	v11 =	vld [tilespmem:s29+$0x1B0];
	v12 =	vadd.s32 v56, v14  }
0x8cc: {  	v14 =	vld [tilespmem:s29+$0x2B0]  }
0x8cd: {  	v0 =	vmul.f32 v2, v0;
	v2 =	vld.idx.msk [tilespmem:v6+s16+$0x0], $0xffff  }
0x8ce: {  	v1 =	vmul.f32 v4, v1;
	v4 =	vld.idx.msk [tilespmem:v10+s16+$0x0], $0xffff  }
0x8cf: {  	v3 =	vmul.f32 v7, v3;
	v6 =	vadd.s32 v58, v8;
	v7 =	vld.idx.msk [tilespmem:v13+s16+$0x0], $0xffff  }
0x8d0: {  	v8 =	vld [tilespmem:s29+$0xC0];
	v10 =	vadd.s32 v55, v11  }
0x8d1: {  	v11 =	vld [tilespmem:s29+$0x1C0];
	v13 =	vadd.s32 v56, v14  }
0x8d2: {  	v14 =	vld [tilespmem:s29+$0x2C0]  }
0x8d3: {  	v0 =	vmul.f32 v2, v0;
	v2 =	vld.idx.msk [tilespmem:v5+s16+$0x0], $0xffff  }
0x8d4: {  	v1 =	vmul.f32 v4, v1;
	v4 =	vld.idx.msk [tilespmem:v9+s16+$0x0], $0xffff  }
0x8d5: {  	v3 =	vmul.f32 v7, v3;
	v5 =	vadd.s32 v58, v8;
	v7 =	vld.idx.msk [tilespmem:v12+s16+$0x0], $0xffff  }
0x8d6: {  	v8 =	vld [tilespmem:s29+$0xD0];
	v9 =	vadd.s32 v55, v11  }
0x8d7: {  	v11 =	vld [tilespmem:s29+$0x1D0];
	v12 =	vadd.s32 v56, v14  }
0x8d8: {  	v14 =	vld [tilespmem:s29+$0x2D0]  }
0x8d9: {  	v2 =	vmul.f32 v2, v0;
	v15 =	vld.idx.msk [tilespmem:v6+s16+$0x0], $0xffff  }
0x8da: {  	v1 =	vmul.f32 v4, v1;
	v10 =	vld.idx.msk [tilespmem:v10+s16+$0x0], $0xffff  }
0x8db: {  	v3 =	vmul.f32 v7, v3;
	v4 =	vadd.s32 v58, v8;
	v13 =	vld.idx.msk [tilespmem:v13+s16+$0x0], $0xffff  }
0x8dc: {  	v7 =	vld.idx.msk [tilespmem:v5+s16+$0x0], $0xffff;
	v5 =	vadd.s32 v55, v11  }
.Ltmp3:
0x8dd: {  	v6 =	vld.idx.msk [tilespmem:v9+s16+$0x0], $0xffff;
	v9 =	vadd.s32 v56, v14;
	(pc) =	sbr.rel @p0 .LBB2_8-.Ltmp3, $4  }
0x8de: {  	v0 =	vld.idx.msk [tilespmem:v12+s16+$0x0], $0xffff  }
0x8df: {  	v8 =	vmul.f32 v15, v2;
	v2 =	vld.idx.msk [tilespmem:v54+s16+$0x0], $0xffff;
	[tilespmem:s25+$0xFFFFFFD0] =	vst v57;
	v54 =	vmov v9  }
0x8e0: {  	v9 =	vmul.f32 v10, v1;
	v4 =	vld.idx.msk [tilespmem:v4+s16+$0x0], $0xffff  }
0x8e1: {  	s29 =	sadd.s32 $0x400, s29;
	v3 =	vmul.f32 v13, v3;
	v5 =	vld.idx.msk [tilespmem:v5+s16+$0x0], $0xffff  }
0x8e2: {  	_ = 	snop  }
0x8e3: {  	v1 =	vmul.f32 v7, v8  }
0x8e4: {  	v6 =	vmul.f32 v6, v9  }
0x8e5: {  	[tilespmem:s26+$0xFFFFFF90] =	vst v1  }
0x8e6: {  	[tilespmem:s26+$0xFFFFFFB0] =	vst v6;
	v1 =	vld.idx.msk [tilespmem:v54+s16+$0x0], $0xffff  }
0x8e7: {  	v0 =	vmul.f32 v0, v3;
	[tilespmem:s25+$0xFFFFFFE0] =	vst v2  }
0x8e8: {  	[tilespmem:s26+$0xFFFFFFA0] =	vst v4  }
0x8e9: {  	[tilespmem:s26+$0xFFFFFFD0] =	vst v0  }
0x8ea: {  	s23 =	sadd.s32 $0x1, s23;
	[tilespmem:s26+$0xFFFFFFC0] =	vst v5  }
0x8eb: {  	p0 =	sne.s32 s23, s7;
	[tilespmem:s26+$0xFFFFFFE0] =	vst v1  }
0x8ec: {  	[hbm4b:s6+s2] =	stream.linear.scatter [tilespmem:s21], [sflag:$0x4], $0x1000, $0x38;
	[tilespmem:$0x19280] =	vst v63  }
.Ltmp4:
0x8ed: {  	_ = 	snop;
	(pc) =	sbr.rel @p0 .LBB2_1-.Ltmp4, $4  }
0x8ee: {  	_ =	swait.ge [sflag:s22], $0x1000  }
0x8ef: {  	v1 =	vld [tilespmem:$0x1FFF0]  }
0x8f0: {  	[sflag:s22] =	ssyncset.done $0x0  }
0x8f1: {  	[sflag:s22] =	ssyncadd.s32 $0xFFFFF000  }
0x8f2: {  	_ =	sfence.sel $0x180000  }
0x8f3: {  	[bflag:$0x0] =	sbarrier.arrive $0xFFFF  }
0x8f4: {  	_ =	strace $0x90000047  }
0x8f5: {  	[bflag:$0x2] =	sbarrier.arrive $0xFFFF  }
0x8f6: {  	p0 =	sne.s32 s1, $0x0;
	s0 =	rddreg [dreg:$0x2]  }
0x8f7: {  	s0 =	sadd.s32 @!p0 $0x100000, s0  }
0x8f8: {  	[sflag:s0] =	ssyncadd.tile.s32 @!p0 $0x1;
	_ =	shalt  }
.Lfunc_end2:
_tile_overlayer_lowered:
.L_overlay_start_2:
0x8f9: {  	(tag) =	ssettag $0x2  }
0x8fa: {  	s0 =	rddreg [dreg:$0x0];
	s2 =	stileid.u32  }
0x8fb: {  	s1 =	rddreg [dreg:$0x1];
	p0 =	sne.s32 s2, $0x0  }
0x8fc: {  	s3 =	rddreg [dreg:$0x2];
	[bflag:$0x3] =	sbarrier.arrive $0xFFFF;
	s2 =	simm.s32 @!p0 $0x1C05  }
0x8fd: {  	[timem:s3], [sflag:s2] =	dma.local @!p0 [hbm:s0], s1  }
0x8fe: {  	s0 =	simm.s32 @!p0 $0x5  }
0x8ff: {  	_ =	swait.ge @!p0 [sflag:s0], s1  }
0x900: {  	s1 =	ssub.s32 @!p0 $0x0, s1;
	[sflag:s0] =	ssyncset.done @!p0 $0x0  }
0x901: {  	[sflag:s0] =	ssyncadd.s32 @!p0 s1  }
0x902: {  	[bflag:$0x3] =	sbarrier.arrive $0xFFFF  }
0x903: {  	_ =	shalt  }

</sc_bundles>
